<compile_context>
chip_gen: v7x
topology: tpu7x:2x2x1
jax: 0.10.2.dev20260603
libtpu: 0.0.44.dev20260713+nightly
codegen_flags: <defaults>
</compile_context>

<pallas_src>
import functools

import jax
import jax.numpy as jnp
from jax import lax
from jax.experimental import pallas as pl
from jax.experimental.pallas import tpu as pltpu
from jax.experimental.pallas import tpu_sc as plsc

_L = 16


@functools.cache
def _build_sc_call(B, F, V, D):
    info = plsc.get_sparse_core_info()
    NC, NS = info.num_cores, info.num_subcores
    NW = NC * NS
    assert B % NW == 0 and D == _L
    b_per_w = B // NW
    OUT_D = D + F - 1
    TR = D // 8
    K = 16
    NB = b_per_w // K
    NP = b_per_w // _L

    mesh = plsc.VectorSubcoreMesh(core_axis_name="c", subcore_axis_name="s")

    @functools.partial(
        pl.kernel,
        mesh=mesh,
        compiler_params=pltpu.CompilerParams(
            use_tc_tiling_on_sc=True, needs_layout_passes=False),
        out_type=jax.ShapeDtypeStruct((OUT_D, B), jnp.float32),
        scratch_types=[
            pltpu.VMEM((F, b_per_w), jnp.float32),
            pltpu.VMEM((OUT_D, b_per_w), jnp.float32),
            pltpu.VMEM((2 * K, TR, 8, 128), jnp.float32),
            pltpu.VMEM((b_per_w,), jnp.int32),
            pltpu.SemaphoreType.DMA((2,)),
        ],
    )
    def sc_kernel(x_hbm, t_hbm, out_hbm, xv, outv, slots, idv, sems):
        wid = lax.axis_index("s") * NC + lax.axis_index("c")
        base = wid * b_per_w
        pltpu.sync_copy(x_hbm.at[:, pl.ds(base, b_per_w)], xv)

        lanes = lax.iota(jnp.int32, _L)
        arow = lanes >> 3
        brow = lanes & 7

        for t in range(NP):
            idv[pl.ds(t * _L, _L)] = xv[0, pl.ds(t * _L, _L)].astype(jnp.int32)

        def fire(bi, g):
            sids = idv[pl.ds(bi * K, K)]
            cols = (sids >> 7) * 128
            for k in range(K):
                col = pl.multiple_of(cols[k], 128)
                pltpu.async_copy(t_hbm.at[:, :, pl.ds(col, 128)],
                                 slots.at[g * K + k], sems.at[g])

        def drain_extract(bi, g):
            sids = idv[pl.ds(bi * K, K)]
            lns = sids & 127
            for k in range(K):
                pltpu.make_async_copy(t_hbm.at[:, :, pl.ds(0, 128)],
                                      slots.at[g * K + k], sems.at[g]).wait()
            for k in range(K):
                lane = jnp.full((_L,), lns[k], jnp.int32)
                vals = plsc.load_gather(slots.at[g * K + k], [arow, brow, lane])
                plsc.store_scatter(
                    outv, [lanes, jnp.full((_L,), bi * K + k, jnp.int32)], vals)

        def feat_row(r):
            for t in range(NP):
                outv[r + D - 1, pl.ds(t * _L, _L)] = xv[r, pl.ds(t * _L, _L)]

        fire(0, 0)

        def pair_body(h, _):
            b1 = 2 * h + 1
            fire(b1, 1)
            drain_extract(2 * h, 0)
            feat_row(b1)

            @pl.when(h < NB // 2 - 1)
            def _():
                fire(b1 + 1, 0)

            drain_extract(b1, 1)
            feat_row(b1 + 1)
            return 0

        lax.fori_loop(0, NB // 2, pair_body, 0)
        pltpu.sync_copy(outv, out_hbm.at[:, pl.ds(base, b_per_w)])

    return sc_kernel


def kernel(x, table):
    B, F = x.shape
    V, D = table.shape
    outT = _build_sc_call(B, F, V, D)(x.T, table.T.reshape(D // 8, 8, V))
    return outT.T

# --- scband reference (transcript-rebuilt; emitter-appended) ---
"""Pipeline reference for scband-embed-stations-52295521796226 (READ-ONLY COPY).

The authoritative reference and input builder live on the scoring server;
editing this copy changes nothing except your own understanding.
"""

import jax, jax.numpy as jnp
import numpy as np

NUM_STATIONS = 1000000
EMBED_DIM = 16
BATCH = 16384
N_FEAT = 33

def setup_inputs(seed: int = 0) -> dict:
    key = jax.random.key(seed)
    k1, k2 = jax.random.split(key)
    # x: first column holds station ids (stored as float), remaining columns are features
    x = jax.random.randint(k1, (BATCH, N_FEAT), 0, NUM_STATIONS).astype(jnp.float32)
    # learned embedding table (Embedding default init ~ N(0,1))
    table = jax.random.normal(k2, (NUM_STATIONS, EMBED_DIM), dtype=jnp.float32)
    return {"x": x, "table": table}

def reference(x, table):
    station_ids = x[:, 0].astype(jnp.int32)
    emb_station = jnp.take(table, station_ids, axis=0)
    out = jnp.concatenate((emb_station, x[:, 1:]), axis=1)
    return out

if __name__ == "__main__":
    import jax
    _d = setup_inputs()
    print(jax.jit(kernel)(*tuple(_d.values())))

</pallas_src>

<mosaic_0001>
#map = affine_map<(d0, d1) -> (0, 0)>
#map1 = affine_map<(d0, d1) -> (0, 0, 0)>
module attributes {stable_mosaic.version = 14 : i64} {
  func.func @sc_kernel(%arg0: i32, %arg1: i32, %arg2: memref<33x16384xf32, #tpu.memory_space<hbm>>, %arg3: memref<2x8x1000000xf32, #tpu.memory_space<hbm>>, %arg4: memref<48x16384xf32, #tpu.memory_space<hbm>>, %arg5: memref<33x512xf32, #tpu.memory_space<vmem>>, %arg6: memref<48x512xf32, #tpu.memory_space<vmem>>, %arg7: memref<32x2x8x128xf32, #tpu.memory_space<vmem>>, %arg8: memref<512xi32, #tpu.memory_space<vmem>>, %arg9: memref<2x!tpu.dma_semaphore, #tpu.memory_space<semaphore_mem>>) attributes {dimension_semantics = [#tpu.dimension_semantics<core_parallel>, #tpu.dimension_semantics<subcore_parallel>], iteration_bounds = array<i64: 2, 16>, scalar_prefetch = 0 : i64, scratch_operands = 5 : i64, tpu.core_type = #tpu.core_type<sc_vector_subcore>, window_params = [{transform_indices = #map}, {transform_indices = #map1}, {transform_indices = #map}]} {
    %mul3A = arith.constant 2 : i32
    %mul3A_0 = arith.muli %arg1, %mul3A : i32
    %add3A = arith.addi %mul3A_0, %arg0 : i32
    %mul3A_1 = arith.constant 512 : i32
    %mul3A_2 = arith.muli %add3A, %mul3A_1 : i32
    "tpu.region"() ({
      %run_scoped3A = tpu.sem_alloc : memref<!tpu.dma_semaphore, #tpu.memory_space<semaphore_mem>>
      %dma_start3A_606 = arith.constant 0 : i32
      %dma_start3A_607 = tpu.memref_slice %arg2[%dma_start3A_606, %mul3A_2] : memref<33x16384xf32, #tpu.memory_space<hbm>> -> memref<33x512xf32, #tpu.memory_space<hbm>>
      %dma_start3A_608 = arith.constant 0 : i32
      %dma_start3A_609 = tpu.memref_slice %arg2[%dma_start3A_608, %mul3A_2] : memref<33x16384xf32, #tpu.memory_space<hbm>> -> memref<33x512xf32, #tpu.memory_space<hbm>>
      tpu.enqueue_dma source(%dma_start3A_609 : memref<33x512xf32, #tpu.memory_space<hbm>>) target(%arg5 : memref<33x512xf32, #tpu.memory_space<vmem>>) target_semaphore(%run_scoped3A : memref<!tpu.dma_semaphore, #tpu.memory_space<semaphore_mem>>)
      %dma_wait3A = arith.constant 0 : i32
      %dma_wait3A_610 = tpu.memref_slice %arg2[%dma_wait3A, %mul3A_2] : memref<33x16384xf32, #tpu.memory_space<hbm>> -> memref<33x512xf32, #tpu.memory_space<hbm>>
      %dma_wait3A_611 = arith.constant 0 : i32
      %dma_wait3A_612 = tpu.memref_slice %arg2[%dma_wait3A_611, %mul3A_2] : memref<33x16384xf32, #tpu.memory_space<hbm>> -> memref<33x512xf32, #tpu.memory_space<hbm>>
      tpu.wait_dma2 semaphore(%run_scoped3A : memref<!tpu.dma_semaphore, #tpu.memory_space<semaphore_mem>>) src(%dma_wait3A_612 : memref<33x512xf32, #tpu.memory_space<hbm>>) dst(%arg5 : memref<33x512xf32, #tpu.memory_space<vmem>>)
      tpu.yield
    }) : () -> ()
    %iota3A = tpu.iota {dimensions = array<i32: 0>} : vector<16xi32>
    %shift_right_arithmetic3A = arith.constant 3 : i32
    %shift_right_arithmetic3A_3 = vector.broadcast %shift_right_arithmetic3A : i32 to vector<16xi32>
    %shift_right_arithmetic3A_4 = arith.shrsi %iota3A, %shift_right_arithmetic3A_3 : vector<16xi32>
    %and3A = arith.constant 7 : i32
    %and3A_5 = vector.broadcast %and3A : i32 to vector<16xi32>
    %and3A_6 = arith.andi %iota3A, %and3A_5 : vector<16xi32>
    %get3A = arith.constant 0 : i32
    %get3A_7 = arith.index_cast %get3A : i32 to index
    %get3A_8 = arith.constant 0 : index
    %get3A_9 = tpu.vector_load %arg5[%get3A_7, %get3A_8] {strides = array<i32>} : memref<33x512xf32, #tpu.memory_space<vmem>>, vector<16xf32>,
    %convert_element_type3A = arith.fptosi %get3A_9 : vector<16xf32> to vector<16xi32>
    %swap3A = arith.constant 0 : index
    %swap3A_10 = tpu.vector_load %arg8[%swap3A] {strides = array<i32>} : memref<512xi32, #tpu.memory_space<vmem>>, vector<16xi32>,
    tpu.vector_store %arg8[%swap3A], %convert_element_type3A {strides = array<i32>} : memref<512xi32, #tpu.memory_space<vmem>>, vector<16xi32>,
    %get3A_11 = arith.constant 0 : i32
    %get3A_12 = arith.index_cast %get3A_11 : i32 to index
    %get3A_13 = arith.constant 16 : index
    %get3A_14 = tpu.vector_load %arg5[%get3A_12, %get3A_13] {strides = array<i32>} : memref<33x512xf32, #tpu.memory_space<vmem>>, vector<16xf32>,
    %convert_element_type3A_15 = arith.fptosi %get3A_14 : vector<16xf32> to vector<16xi32>
    %swap3A_16 = arith.constant 16 : index
    %swap3A_17 = tpu.vector_load %arg8[%swap3A_16] {strides = array<i32>} : memref<512xi32, #tpu.memory_space<vmem>>, vector<16xi32>,
    tpu.vector_store %arg8[%swap3A_16], %convert_element_type3A_15 {strides = array<i32>} : memref<512xi32, #tpu.memory_space<vmem>>, vector<16xi32>,
    %get3A_18 = arith.constant 0 : i32
    %get3A_19 = arith.index_cast %get3A_18 : i32 to index
    %get3A_20 = arith.constant 32 : index
    %get3A_21 = tpu.vector_load %arg5[%get3A_19, %get3A_20] {strides = array<i32>} : memref<33x512xf32, #tpu.memory_space<vmem>>, vector<16xf32>,
    %convert_element_type3A_22 = arith.fptosi %get3A_21 : vector<16xf32> to vector<16xi32>
    %swap3A_23 = arith.constant 32 : index
    %swap3A_24 = tpu.vector_load %arg8[%swap3A_23] {strides = array<i32>} : memref<512xi32, #tpu.memory_space<vmem>>, vector<16xi32>,
    tpu.vector_store %arg8[%swap3A_23], %convert_element_type3A_22 {strides = array<i32>} : memref<512xi32, #tpu.memory_space<vmem>>, vector<16xi32>,
    %get3A_25 = arith.constant 0 : i32
    %get3A_26 = arith.index_cast %get3A_25 : i32 to index
    %get3A_27 = arith.constant 48 : index
    %get3A_28 = tpu.vector_load %arg5[%get3A_26, %get3A_27] {strides = array<i32>} : memref<33x512xf32, #tpu.memory_space<vmem>>, vector<16xf32>,
    %convert_element_type3A_29 = arith.fptosi %get3A_28 : vector<16xf32> to vector<16xi32>
    %swap3A_30 = arith.constant 48 : index
    %swap3A_31 = tpu.vector_load %arg8[%swap3A_30] {strides = array<i32>} : memref<512xi32, #tpu.memory_space<vmem>>, vector<16xi32>,
    tpu.vector_store %arg8[%swap3A_30], %convert_element_type3A_29 {strides = array<i32>} : memref<512xi32, #tpu.memory_space<vmem>>, vector<16xi32>,
    %get3A_32 = arith.constant 0 : i32
    %get3A_33 = arith.index_cast %get3A_32 : i32 to index
    %get3A_34 = arith.constant 64 : index
    %get3A_35 = tpu.vector_load %arg5[%get3A_33, %get3A_34] {strides = array<i32>} : memref<33x512xf32, #tpu.memory_space<vmem>>, vector<16xf32>,
    %convert_element_type3A_36 = arith.fptosi %get3A_35 : vector<16xf32> to vector<16xi32>
    %swap3A_37 = arith.constant 64 : index
    %swap3A_38 = tpu.vector_load %arg8[%swap3A_37] {strides = array<i32>} : memref<512xi32, #tpu.memory_space<vmem>>, vector<16xi32>,
    tpu.vector_store %arg8[%swap3A_37], %convert_element_type3A_36 {strides = array<i32>} : memref<512xi32, #tpu.memory_space<vmem>>, vector<16xi32>,
    %get3A_39 = arith.constant 0 : i32
    %get3A_40 = arith.index_cast %get3A_39 : i32 to index
    %get3A_41 = arith.constant 80 : index
    %get3A_42 = tpu.vector_load %arg5[%get3A_40, %get3A_41] {strides = array<i32>} : memref<33x512xf32, #tpu.memory_space<vmem>>, vector<16xf32>,
    %convert_element_type3A_43 = arith.fptosi %get3A_42 : vector<16xf32> to vector<16xi32>
    %swap3A_44 = arith.constant 80 : index
    %swap3A_45 = tpu.vector_load %arg8[%swap3A_44] {strides = array<i32>} : memref<512xi32, #tpu.memory_space<vmem>>, vector<16xi32>,
    tpu.vector_store %arg8[%swap3A_44], %convert_element_type3A_43 {strides = array<i32>} : memref<512xi32, #tpu.memory_space<vmem>>, vector<16xi32>,
    %get3A_46 = arith.constant 0 : i32
    %get3A_47 = arith.index_cast %get3A_46 : i32 to index
    %get3A_48 = arith.constant 96 : index
    %get3A_49 = tpu.vector_load %arg5[%get3A_47, %get3A_48] {strides = array<i32>} : memref<33x512xf32, #tpu.memory_space<vmem>>, vector<16xf32>,
    %convert_element_type3A_50 = arith.fptosi %get3A_49 : vector<16xf32> to vector<16xi32>
    %swap3A_51 = arith.constant 96 : index
    %swap3A_52 = tpu.vector_load %arg8[%swap3A_51] {strides = array<i32>} : memref<512xi32, #tpu.memory_space<vmem>>, vector<16xi32>,
    tpu.vector_store %arg8[%swap3A_51], %convert_element_type3A_50 {strides = array<i32>} : memref<512xi32, #tpu.memory_space<vmem>>, vector<16xi32>,
    %get3A_53 = arith.constant 0 : i32
    %get3A_54 = arith.index_cast %get3A_53 : i32 to index
    %get3A_55 = arith.constant 112 : index
    %get3A_56 = tpu.vector_load %arg5[%get3A_54, %get3A_55] {strides = array<i32>} : memref<33x512xf32, #tpu.memory_space<vmem>>, vector<16xf32>,
    %convert_element_type3A_57 = arith.fptosi %get3A_56 : vector<16xf32> to vector<16xi32>
    %swap3A_58 = arith.constant 112 : index
    %swap3A_59 = tpu.vector_load %arg8[%swap3A_58] {strides = array<i32>} : memref<512xi32, #tpu.memory_space<vmem>>, vector<16xi32>,
    tpu.vector_store %arg8[%swap3A_58], %convert_element_type3A_57 {strides = array<i32>} : memref<512xi32, #tpu.memory_space<vmem>>, vector<16xi32>,
    %get3A_60 = arith.constant 0 : i32
    %get3A_61 = arith.index_cast %get3A_60 : i32 to index
    %get3A_62 = arith.constant 128 : index
    %get3A_63 = tpu.vector_load %arg5[%get3A_61, %get3A_62] {strides = array<i32>} : memref<33x512xf32, #tpu.memory_space<vmem>>, vector<16xf32>,
    %convert_element_type3A_64 = arith.fptosi %get3A_63 : vector<16xf32> to vector<16xi32>
    %swap3A_65 = arith.constant 128 : index
    %swap3A_66 = tpu.vector_load %arg8[%swap3A_65] {strides = array<i32>} : memref<512xi32, #tpu.memory_space<vmem>>, vector<16xi32>,
    tpu.vector_store %arg8[%swap3A_65], %convert_element_type3A_64 {strides = array<i32>} : memref<512xi32, #tpu.memory_space<vmem>>, vector<16xi32>,
    %get3A_67 = arith.constant 0 : i32
    %get3A_68 = arith.index_cast %get3A_67 : i32 to index
    %get3A_69 = arith.constant 144 : index
    %get3A_70 = tpu.vector_load %arg5[%get3A_68, %get3A_69] {strides = array<i32>} : memref<33x512xf32, #tpu.memory_space<vmem>>, vector<16xf32>,
    %convert_element_type3A_71 = arith.fptosi %get3A_70 : vector<16xf32> to vector<16xi32>
    %swap3A_72 = arith.constant 144 : index
    %swap3A_73 = tpu.vector_load %arg8[%swap3A_72] {strides = array<i32>} : memref<512xi32, #tpu.memory_space<vmem>>, vector<16xi32>,
    tpu.vector_store %arg8[%swap3A_72], %convert_element_type3A_71 {strides = array<i32>} : memref<512xi32, #tpu.memory_space<vmem>>, vector<16xi32>,
    %get3A_74 = arith.constant 0 : i32
    %get3A_75 = arith.index_cast %get3A_74 : i32 to index
    %get3A_76 = arith.constant 160 : index
    %get3A_77 = tpu.vector_load %arg5[%get3A_75, %get3A_76] {strides = array<i32>} : memref<33x512xf32, #tpu.memory_space<vmem>>, vector<16xf32>,
    %convert_element_type3A_78 = arith.fptosi %get3A_77 : vector<16xf32> to vector<16xi32>
    %swap3A_79 = arith.constant 160 : index
    %swap3A_80 = tpu.vector_load %arg8[%swap3A_79] {strides = array<i32>} : memref<512xi32, #tpu.memory_space<vmem>>, vector<16xi32>,
    tpu.vector_store %arg8[%swap3A_79], %convert_element_type3A_78 {strides = array<i32>} : memref<512xi32, #tpu.memory_space<vmem>>, vector<16xi32>,
    %get3A_81 = arith.constant 0 : i32
    %get3A_82 = arith.index_cast %get3A_81 : i32 to index
    %get3A_83 = arith.constant 176 : index
    %get3A_84 = tpu.vector_load %arg5[%get3A_82, %get3A_83] {strides = array<i32>} : memref<33x512xf32, #tpu.memory_space<vmem>>, vector<16xf32>,
    %convert_element_type3A_85 = arith.fptosi %get3A_84 : vector<16xf32> to vector<16xi32>
    %swap3A_86 = arith.constant 176 : index
    %swap3A_87 = tpu.vector_load %arg8[%swap3A_86] {strides = array<i32>} : memref<512xi32, #tpu.memory_space<vmem>>, vector<16xi32>,
    tpu.vector_store %arg8[%swap3A_86], %convert_element_type3A_85 {strides = array<i32>} : memref<512xi32, #tpu.memory_space<vmem>>, vector<16xi32>,
    %get3A_88 = arith.constant 0 : i32
    %get3A_89 = arith.index_cast %get3A_88 : i32 to index
    %get3A_90 = arith.constant 192 : index
    %get3A_91 = tpu.vector_load %arg5[%get3A_89, %get3A_90] {strides = array<i32>} : memref<33x512xf32, #tpu.memory_space<vmem>>, vector<16xf32>,
    %convert_element_type3A_92 = arith.fptosi %get3A_91 : vector<16xf32> to vector<16xi32>
    %swap3A_93 = arith.constant 192 : index
    %swap3A_94 = tpu.vector_load %arg8[%swap3A_93] {strides = array<i32>} : memref<512xi32, #tpu.memory_space<vmem>>, vector<16xi32>,
    tpu.vector_store %arg8[%swap3A_93], %convert_element_type3A_92 {strides = array<i32>} : memref<512xi32, #tpu.memory_space<vmem>>, vector<16xi32>,
    %get3A_95 = arith.constant 0 : i32
    %get3A_96 = arith.index_cast %get3A_95 : i32 to index
    %get3A_97 = arith.constant 208 : index
    %get3A_98 = tpu.vector_load %arg5[%get3A_96, %get3A_97] {strides = array<i32>} : memref<33x512xf32, #tpu.memory_space<vmem>>, vector<16xf32>,
    %convert_element_type3A_99 = arith.fptosi %get3A_98 : vector<16xf32> to vector<16xi32>
    %swap3A_100 = arith.constant 208 : index
    %swap3A_101 = tpu.vector_load %arg8[%swap3A_100] {strides = array<i32>} : memref<512xi32, #tpu.memory_space<vmem>>, vector<16xi32>,
    tpu.vector_store %arg8[%swap3A_100], %convert_element_type3A_99 {strides = array<i32>} : memref<512xi32, #tpu.memory_space<vmem>>, vector<16xi32>,
    %get3A_102 = arith.constant 0 : i32
    %get3A_103 = arith.index_cast %get3A_102 : i32 to index
    %get3A_104 = arith.constant 224 : index
    %get3A_105 = tpu.vector_load %arg5[%get3A_103, %get3A_104] {strides = array<i32>} : memref<33x512xf32, #tpu.memory_space<vmem>>, vector<16xf32>,
    %convert_element_type3A_106 = arith.fptosi %get3A_105 : vector<16xf32> to vector<16xi32>
    %swap3A_107 = arith.constant 224 : index
    %swap3A_108 = tpu.vector_load %arg8[%swap3A_107] {strides = array<i32>} : memref<512xi32, #tpu.memory_space<vmem>>, vector<16xi32>,
    tpu.vector_store %arg8[%swap3A_107], %convert_element_type3A_106 {strides = array<i32>} : memref<512xi32, #tpu.memory_space<vmem>>, vector<16xi32>,
    %get3A_109 = arith.constant 0 : i32
    %get3A_110 = arith.index_cast %get3A_109 : i32 to index
    %get3A_111 = arith.constant 240 : index
    %get3A_112 = tpu.vector_load %arg5[%get3A_110, %get3A_111] {strides = array<i32>} : memref<33x512xf32, #tpu.memory_space<vmem>>, vector<16xf32>,
    %convert_element_type3A_113 = arith.fptosi %get3A_112 : vector<16xf32> to vector<16xi32>
    %swap3A_114 = arith.constant 240 : index
    %swap3A_115 = tpu.vector_load %arg8[%swap3A_114] {strides = array<i32>} : memref<512xi32, #tpu.memory_space<vmem>>, vector<16xi32>,
    tpu.vector_store %arg8[%swap3A_114], %convert_element_type3A_113 {strides = array<i32>} : memref<512xi32, #tpu.memory_space<vmem>>, vector<16xi32>,
    %get3A_116 = arith.constant 0 : i32
    %get3A_117 = arith.index_cast %get3A_116 : i32 to index
    %get3A_118 = arith.constant 256 : index
    %get3A_119 = tpu.vector_load %arg5[%get3A_117, %get3A_118] {strides = array<i32>} : memref<33x512xf32, #tpu.memory_space<vmem>>, vector<16xf32>,
    %convert_element_type3A_120 = arith.fptosi %get3A_119 : vector<16xf32> to vector<16xi32>
    %swap3A_121 = arith.constant 256 : index
    %swap3A_122 = tpu.vector_load %arg8[%swap3A_121] {strides = array<i32>} : memref<512xi32, #tpu.memory_space<vmem>>, vector<16xi32>,
    tpu.vector_store %arg8[%swap3A_121], %convert_element_type3A_120 {strides = array<i32>} : memref<512xi32, #tpu.memory_space<vmem>>, vector<16xi32>,
    %get3A_123 = arith.constant 0 : i32
    %get3A_124 = arith.index_cast %get3A_123 : i32 to index
    %get3A_125 = arith.constant 272 : index
    %get3A_126 = tpu.vector_load %arg5[%get3A_124, %get3A_125] {strides = array<i32>} : memref<33x512xf32, #tpu.memory_space<vmem>>, vector<16xf32>,
    %convert_element_type3A_127 = arith.fptosi %get3A_126 : vector<16xf32> to vector<16xi32>
    %swap3A_128 = arith.constant 272 : index
    %swap3A_129 = tpu.vector_load %arg8[%swap3A_128] {strides = array<i32>} : memref<512xi32, #tpu.memory_space<vmem>>, vector<16xi32>,
    tpu.vector_store %arg8[%swap3A_128], %convert_element_type3A_127 {strides = array<i32>} : memref<512xi32, #tpu.memory_space<vmem>>, vector<16xi32>,
    %get3A_130 = arith.constant 0 : i32
    %get3A_131 = arith.index_cast %get3A_130 : i32 to index
    %get3A_132 = arith.constant 288 : index
    %get3A_133 = tpu.vector_load %arg5[%get3A_131, %get3A_132] {strides = array<i32>} : memref<33x512xf32, #tpu.memory_space<vmem>>, vector<16xf32>,
    %convert_element_type3A_134 = arith.fptosi %get3A_133 : vector<16xf32> to vector<16xi32>
    %swap3A_135 = arith.constant 288 : index
    %swap3A_136 = tpu.vector_load %arg8[%swap3A_135] {strides = array<i32>} : memref<512xi32, #tpu.memory_space<vmem>>, vector<16xi32>,
    tpu.vector_store %arg8[%swap3A_135], %convert_element_type3A_134 {strides = array<i32>} : memref<512xi32, #tpu.memory_space<vmem>>, vector<16xi32>,
    %get3A_137 = arith.constant 0 : i32
    %get3A_138 = arith.index_cast %get3A_137 : i32 to index
    %get3A_139 = arith.constant 304 : index
    %get3A_140 = tpu.vector_load %arg5[%get3A_138, %get3A_139] {strides = array<i32>} : memref<33x512xf32, #tpu.memory_space<vmem>>, vector<16xf32>,
    %convert_element_type3A_141 = arith.fptosi %get3A_140 : vector<16xf32> to vector<16xi32>
    %swap3A_142 = arith.constant 304 : index
    %swap3A_143 = tpu.vector_load %arg8[%swap3A_142] {strides = array<i32>} : memref<512xi32, #tpu.memory_space<vmem>>, vector<16xi32>,
    tpu.vector_store %arg8[%swap3A_142], %convert_element_type3A_141 {strides = array<i32>} : memref<512xi32, #tpu.memory_space<vmem>>, vector<16xi32>,
    %get3A_144 = arith.constant 0 : i32
    %get3A_145 = arith.index_cast %get3A_144 : i32 to index
    %get3A_146 = arith.constant 320 : index
    %get3A_147 = tpu.vector_load %arg5[%get3A_145, %get3A_146] {strides = array<i32>} : memref<33x512xf32, #tpu.memory_space<vmem>>, vector<16xf32>,
    %convert_element_type3A_148 = arith.fptosi %get3A_147 : vector<16xf32> to vector<16xi32>
    %swap3A_149 = arith.constant 320 : index
    %swap3A_150 = tpu.vector_load %arg8[%swap3A_149] {strides = array<i32>} : memref<512xi32, #tpu.memory_space<vmem>>, vector<16xi32>,
    tpu.vector_store %arg8[%swap3A_149], %convert_element_type3A_148 {strides = array<i32>} : memref<512xi32, #tpu.memory_space<vmem>>, vector<16xi32>,
    %get3A_151 = arith.constant 0 : i32
    %get3A_152 = arith.index_cast %get3A_151 : i32 to index
    %get3A_153 = arith.constant 336 : index
    %get3A_154 = tpu.vector_load %arg5[%get3A_152, %get3A_153] {strides = array<i32>} : memref<33x512xf32, #tpu.memory_space<vmem>>, vector<16xf32>,
    %convert_element_type3A_155 = arith.fptosi %get3A_154 : vector<16xf32> to vector<16xi32>
    %swap3A_156 = arith.constant 336 : index
    %swap3A_157 = tpu.vector_load %arg8[%swap3A_156] {strides = array<i32>} : memref<512xi32, #tpu.memory_space<vmem>>, vector<16xi32>,
    tpu.vector_store %arg8[%swap3A_156], %convert_element_type3A_155 {strides = array<i32>} : memref<512xi32, #tpu.memory_space<vmem>>, vector<16xi32>,
    %get3A_158 = arith.constant 0 : i32
    %get3A_159 = arith.index_cast %get3A_158 : i32 to index
    %get3A_160 = arith.constant 352 : index
    %get3A_161 = tpu.vector_load %arg5[%get3A_159, %get3A_160] {strides = array<i32>} : memref<33x512xf32, #tpu.memory_space<vmem>>, vector<16xf32>,
    %convert_element_type3A_162 = arith.fptosi %get3A_161 : vector<16xf32> to vector<16xi32>
    %swap3A_163 = arith.constant 352 : index
    %swap3A_164 = tpu.vector_load %arg8[%swap3A_163] {strides = array<i32>} : memref<512xi32, #tpu.memory_space<vmem>>, vector<16xi32>,
    tpu.vector_store %arg8[%swap3A_163], %convert_element_type3A_162 {strides = array<i32>} : memref<512xi32, #tpu.memory_space<vmem>>, vector<16xi32>,
    %get3A_165 = arith.constant 0 : i32
    %get3A_166 = arith.index_cast %get3A_165 : i32 to index
    %get3A_167 = arith.constant 368 : index
    %get3A_168 = tpu.vector_load %arg5[%get3A_166, %get3A_167] {strides = array<i32>} : memref<33x512xf32, #tpu.memory_space<vmem>>, vector<16xf32>,
    %convert_element_type3A_169 = arith.fptosi %get3A_168 : vector<16xf32> to vector<16xi32>
    %swap3A_170 = arith.constant 368 : index
    %swap3A_171 = tpu.vector_load %arg8[%swap3A_170] {strides = array<i32>} : memref<512xi32, #tpu.memory_space<vmem>>, vector<16xi32>,
    tpu.vector_store %arg8[%swap3A_170], %convert_element_type3A_169 {strides = array<i32>} : memref<512xi32, #tpu.memory_space<vmem>>, vector<16xi32>,
    %get3A_172 = arith.constant 0 : i32
    %get3A_173 = arith.index_cast %get3A_172 : i32 to index
    %get3A_174 = arith.constant 384 : index
    %get3A_175 = tpu.vector_load %arg5[%get3A_173, %get3A_174] {strides = array<i32>} : memref<33x512xf32, #tpu.memory_space<vmem>>, vector<16xf32>,
    %convert_element_type3A_176 = arith.fptosi %get3A_175 : vector<16xf32> to vector<16xi32>
    %swap3A_177 = arith.constant 384 : index
    %swap3A_178 = tpu.vector_load %arg8[%swap3A_177] {strides = array<i32>} : memref<512xi32, #tpu.memory_space<vmem>>, vector<16xi32>,
    tpu.vector_store %arg8[%swap3A_177], %convert_element_type3A_176 {strides = array<i32>} : memref<512xi32, #tpu.memory_space<vmem>>, vector<16xi32>,
    %get3A_179 = arith.constant 0 : i32
    %get3A_180 = arith.index_cast %get3A_179 : i32 to index
    %get3A_181 = arith.constant 400 : index
    %get3A_182 = tpu.vector_load %arg5[%get3A_180, %get3A_181] {strides = array<i32>} : memref<33x512xf32, #tpu.memory_space<vmem>>, vector<16xf32>,
    %convert_element_type3A_183 = arith.fptosi %get3A_182 : vector<16xf32> to vector<16xi32>
    %swap3A_184 = arith.constant 400 : index
    %swap3A_185 = tpu.vector_load %arg8[%swap3A_184] {strides = array<i32>} : memref<512xi32, #tpu.memory_space<vmem>>, vector<16xi32>,
    tpu.vector_store %arg8[%swap3A_184], %convert_element_type3A_183 {strides = array<i32>} : memref<512xi32, #tpu.memory_space<vmem>>, vector<16xi32>,
    %get3A_186 = arith.constant 0 : i32
    %get3A_187 = arith.index_cast %get3A_186 : i32 to index
    %get3A_188 = arith.constant 416 : index
    %get3A_189 = tpu.vector_load %arg5[%get3A_187, %get3A_188] {strides = array<i32>} : memref<33x512xf32, #tpu.memory_space<vmem>>, vector<16xf32>,
    %convert_element_type3A_190 = arith.fptosi %get3A_189 : vector<16xf32> to vector<16xi32>
    %swap3A_191 = arith.constant 416 : index
    %swap3A_192 = tpu.vector_load %arg8[%swap3A_191] {strides = array<i32>} : memref<512xi32, #tpu.memory_space<vmem>>, vector<16xi32>,
    tpu.vector_store %arg8[%swap3A_191], %convert_element_type3A_190 {strides = array<i32>} : memref<512xi32, #tpu.memory_space<vmem>>, vector<16xi32>,
    %get3A_193 = arith.constant 0 : i32
    %get3A_194 = arith.index_cast %get3A_193 : i32 to index
    %get3A_195 = arith.constant 432 : index
    %get3A_196 = tpu.vector_load %arg5[%get3A_194, %get3A_195] {strides = array<i32>} : memref<33x512xf32, #tpu.memory_space<vmem>>, vector<16xf32>,
    %convert_element_type3A_197 = arith.fptosi %get3A_196 : vector<16xf32> to vector<16xi32>
    %swap3A_198 = arith.constant 432 : index
    %swap3A_199 = tpu.vector_load %arg8[%swap3A_198] {strides = array<i32>} : memref<512xi32, #tpu.memory_space<vmem>>, vector<16xi32>,
    tpu.vector_store %arg8[%swap3A_198], %convert_element_type3A_197 {strides = array<i32>} : memref<512xi32, #tpu.memory_space<vmem>>, vector<16xi32>,
    %get3A_200 = arith.constant 0 : i32
    %get3A_201 = arith.index_cast %get3A_200 : i32 to index
    %get3A_202 = arith.constant 448 : index
    %get3A_203 = tpu.vector_load %arg5[%get3A_201, %get3A_202] {strides = array<i32>} : memref<33x512xf32, #tpu.memory_space<vmem>>, vector<16xf32>,
    %convert_element_type3A_204 = arith.fptosi %get3A_203 : vector<16xf32> to vector<16xi32>
    %swap3A_205 = arith.constant 448 : index
    %swap3A_206 = tpu.vector_load %arg8[%swap3A_205] {strides = array<i32>} : memref<512xi32, #tpu.memory_space<vmem>>, vector<16xi32>,
    tpu.vector_store %arg8[%swap3A_205], %convert_element_type3A_204 {strides = array<i32>} : memref<512xi32, #tpu.memory_space<vmem>>, vector<16xi32>,
    %get3A_207 = arith.constant 0 : i32
    %get3A_208 = arith.index_cast %get3A_207 : i32 to index
    %get3A_209 = arith.constant 464 : index
    %get3A_210 = tpu.vector_load %arg5[%get3A_208, %get3A_209] {strides = array<i32>} : memref<33x512xf32, #tpu.memory_space<vmem>>, vector<16xf32>,
    %convert_element_type3A_211 = arith.fptosi %get3A_210 : vector<16xf32> to vector<16xi32>
    %swap3A_212 = arith.constant 464 : index
    %swap3A_213 = tpu.vector_load %arg8[%swap3A_212] {strides = array<i32>} : memref<512xi32, #tpu.memory_space<vmem>>, vector<16xi32>,
    tpu.vector_store %arg8[%swap3A_212], %convert_element_type3A_211 {strides = array<i32>} : memref<512xi32, #tpu.memory_space<vmem>>, vector<16xi32>,
    %get3A_214 = arith.constant 0 : i32
    %get3A_215 = arith.index_cast %get3A_214 : i32 to index
    %get3A_216 = arith.constant 480 : index
    %get3A_217 = tpu.vector_load %arg5[%get3A_215, %get3A_216] {strides = array<i32>} : memref<33x512xf32, #tpu.memory_space<vmem>>, vector<16xf32>,
    %convert_element_type3A_218 = arith.fptosi %get3A_217 : vector<16xf32> to vector<16xi32>
    %swap3A_219 = arith.constant 480 : index
    %swap3A_220 = tpu.vector_load %arg8[%swap3A_219] {strides = array<i32>} : memref<512xi32, #tpu.memory_space<vmem>>, vector<16xi32>,
    tpu.vector_store %arg8[%swap3A_219], %convert_element_type3A_218 {strides = array<i32>} : memref<512xi32, #tpu.memory_space<vmem>>, vector<16xi32>,
    %get3A_221 = arith.constant 0 : i32
    %get3A_222 = arith.index_cast %get3A_221 : i32 to index
    %get3A_223 = arith.constant 496 : index
    %get3A_224 = tpu.vector_load %arg5[%get3A_222, %get3A_223] {strides = array<i32>} : memref<33x512xf32, #tpu.memory_space<vmem>>, vector<16xf32>,
    %convert_element_type3A_225 = arith.fptosi %get3A_224 : vector<16xf32> to vector<16xi32>
    %swap3A_226 = arith.constant 496 : index
    %swap3A_227 = tpu.vector_load %arg8[%swap3A_226] {strides = array<i32>} : memref<512xi32, #tpu.memory_space<vmem>>, vector<16xi32>,
    tpu.vector_store %arg8[%swap3A_226], %convert_element_type3A_225 {strides = array<i32>} : memref<512xi32, #tpu.memory_space<vmem>>, vector<16xi32>,
    %get3A_228 = arith.constant 0 : index
    %get3A_229 = tpu.vector_load %arg8[%get3A_228] {strides = array<i32>} : memref<512xi32, #tpu.memory_space<vmem>>, vector<16xi32>,
    %shift_right_arithmetic3A_230 = arith.constant 7 : i32
    %shift_right_arithmetic3A_231 = vector.broadcast %shift_right_arithmetic3A_230 : i32 to vector<16xi32>
    %shift_right_arithmetic3A_232 = arith.shrsi %get3A_229, %shift_right_arithmetic3A_231 : vector<16xi32>
    %mul3A_233 = arith.constant 128 : i32
    %mul3A_234 = vector.broadcast %mul3A_233 : i32 to vector<16xi32>
    %mul3A_235 = arith.muli %shift_right_arithmetic3A_232, %mul3A_234 : vector<16xi32>
    %slice3A = vector.extract_strided_slice %mul3A_235 {offsets = [0], sizes = [1], strides = [1]} : vector<16xi32> to vector<1xi32>
    %squeeze3A = vector.extract %slice3A[0] : i32 from vector<1xi32>
    %multiple_of3A = tpu.assume_multiple %squeeze3A, 128 : i32
    %dma_start3A = arith.constant 0 : i32
    %dma_start3A_236 = arith.constant 0 : i32
    %dma_start3A_237 = arith.constant 0 : i32
    %dma_start3A_238 = arith.constant 0 : i32
    %dma_start3A_239 = arith.constant 0 : i32
    %dma_start3A_240 = tpu.memref_slice %arg7[%dma_start3A, %dma_start3A_237, %dma_start3A_238, %dma_start3A_239] : memref<32x2x8x128xf32, #tpu.memory_space<vmem>> -> memref<1x2x8x128xf32, #tpu.memory_space<vmem>>
    %dma_start3A_241 = tpu.memref_squeeze %dma_start3A_240 : memref<1x2x8x128xf32, #tpu.memory_space<vmem>> -> memref<2x8x128xf32, #tpu.memory_space<vmem>>
    %dma_start3A_242 = arith.constant 0 : i32
    %dma_start3A_243 = arith.constant 0 : i32
    %dma_start3A_244 = tpu.memref_slice %arg3[%dma_start3A_242, %dma_start3A_243, %multiple_of3A] : memref<2x8x1000000xf32, #tpu.memory_space<hbm>> -> memref<2x8x128xf32, #tpu.memory_space<hbm>>
    %dma_start3A_245 = tpu.memref_slice %arg9[%dma_start3A_236] : memref<2x!tpu.dma_semaphore, #tpu.memory_space<semaphore_mem>> -> memref<1x!tpu.dma_semaphore, #tpu.memory_space<semaphore_mem>>
    %dma_start3A_246 = tpu.memref_squeeze %dma_start3A_245 : memref<1x!tpu.dma_semaphore, #tpu.memory_space<semaphore_mem>> -> memref<!tpu.dma_semaphore, #tpu.memory_space<semaphore_mem>>
    %dma_start3A_247 = arith.constant 0 : i32
    %dma_start3A_248 = arith.constant 0 : i32
    %dma_start3A_249 = arith.constant 0 : i32
    %dma_start3A_250 = tpu.memref_slice %arg7[%dma_start3A, %dma_start3A_247, %dma_start3A_248, %dma_start3A_249] : memref<32x2x8x128xf32, #tpu.memory_space<vmem>> -> memref<1x2x8x128xf32, #tpu.memory_space<vmem>>
    %dma_start3A_251 = tpu.memref_squeeze %dma_start3A_250 : memref<1x2x8x128xf32, #tpu.memory_space<vmem>> -> memref<2x8x128xf32, #tpu.memory_space<vmem>>
    %dma_start3A_252 = arith.constant 0 : i32
    %dma_start3A_253 = arith.constant 0 : i32
    %dma_start3A_254 = tpu.memref_slice %arg3[%dma_start3A_252, %dma_start3A_253, %multiple_of3A] : memref<2x8x1000000xf32, #tpu.memory_space<hbm>> -> memref<2x8x128xf32, #tpu.memory_space<hbm>>
    tpu.enqueue_dma source(%dma_start3A_254 : memref<2x8x128xf32, #tpu.memory_space<hbm>>) target(%dma_start3A_251 : memref<2x8x128xf32, #tpu.memory_space<vmem>>) target_semaphore(%dma_start3A_246 : memref<!tpu.dma_semaphore, #tpu.memory_space<semaphore_mem>>)
    %slice3A_255 = vector.extract_strided_slice %mul3A_235 {offsets = [1], sizes = [1], strides = [1]} : vector<16xi32> to vector<1xi32>
    %squeeze3A_256 = vector.extract %slice3A_255[0] : i32 from vector<1xi32>
    %multiple_of3A_257 = tpu.assume_multiple %squeeze3A_256, 128 : i32
    %dma_start3A_258 = arith.constant 1 : i32
    %dma_start3A_259 = arith.constant 0 : i32
    %dma_start3A_260 = arith.constant 0 : i32
    %dma_start3A_261 = arith.constant 0 : i32
    %dma_start3A_262 = arith.constant 0 : i32
    %dma_start3A_263 = tpu.memref_slice %arg7[%dma_start3A_258, %dma_start3A_260, %dma_start3A_261, %dma_start3A_262] : memref<32x2x8x128xf32, #tpu.memory_space<vmem>> -> memref<1x2x8x128xf32, #tpu.memory_space<vmem>>
    %dma_start3A_264 = tpu.memref_squeeze %dma_start3A_263 : memref<1x2x8x128xf32, #tpu.memory_space<vmem>> -> memref<2x8x128xf32, #tpu.memory_space<vmem>>
    %dma_start3A_265 = arith.constant 0 : i32
    %dma_start3A_266 = arith.constant 0 : i32
    %dma_start3A_267 = tpu.memref_slice %arg3[%dma_start3A_265, %dma_start3A_266, %multiple_of3A_257] : memref<2x8x1000000xf32, #tpu.memory_space<hbm>> -> memref<2x8x128xf32, #tpu.memory_space<hbm>>
    %dma_start3A_268 = tpu.memref_slice %arg9[%dma_start3A_259] : memref<2x!tpu.dma_semaphore, #tpu.memory_space<semaphore_mem>> -> memref<1x!tpu.dma_semaphore, #tpu.memory_space<semaphore_mem>>
    %dma_start3A_269 = tpu.memref_squeeze %dma_start3A_268 : memref<1x!tpu.dma_semaphore, #tpu.memory_space<semaphore_mem>> -> memref<!tpu.dma_semaphore, #tpu.memory_space<semaphore_mem>>
    %dma_start3A_270 = arith.constant 0 : i32
    %dma_start3A_271 = arith.constant 0 : i32
    %dma_start3A_272 = arith.constant 0 : i32
    %dma_start3A_273 = tpu.memref_slice %arg7[%dma_start3A_258, %dma_start3A_270, %dma_start3A_271, %dma_start3A_272] : memref<32x2x8x128xf32, #tpu.memory_space<vmem>> -> memref<1x2x8x128xf32, #tpu.memory_space<vmem>>
    %dma_start3A_274 = tpu.memref_squeeze %dma_start3A_273 : memref<1x2x8x128xf32, #tpu.memory_space<vmem>> -> memref<2x8x128xf32, #tpu.memory_space<vmem>>
    %dma_start3A_275 = arith.constant 0 : i32
    %dma_start3A_276 = arith.constant 0 : i32
    %dma_start3A_277 = tpu.memref_slice %arg3[%dma_start3A_275, %dma_start3A_276, %multiple_of3A_257] : memref<2x8x1000000xf32, #tpu.memory_space<hbm>> -> memref<2x8x128xf32, #tpu.memory_space<hbm>>
    tpu.enqueue_dma source(%dma_start3A_277 : memref<2x8x128xf32, #tpu.memory_space<hbm>>) target(%dma_start3A_274 : memref<2x8x128xf32, #tpu.memory_space<vmem>>) target_semaphore(%dma_start3A_269 : memref<!tpu.dma_semaphore, #tpu.memory_space<semaphore_mem>>)
    %slice3A_278 = vector.extract_strided_slice %mul3A_235 {offsets = [2], sizes = [1], strides = [1]} : vector<16xi32> to vector<1xi32>
    %squeeze3A_279 = vector.extract %slice3A_278[0] : i32 from vector<1xi32>
    %multiple_of3A_280 = tpu.assume_multiple %squeeze3A_279, 128 : i32
    %dma_start3A_281 = arith.constant 2 : i32
    %dma_start3A_282 = arith.constant 0 : i32
    %dma_start3A_283 = arith.constant 0 : i32
    %dma_start3A_284 = arith.constant 0 : i32
    %dma_start3A_285 = arith.constant 0 : i32
    %dma_start3A_286 = tpu.memref_slice %arg7[%dma_start3A_281, %dma_start3A_283, %dma_start3A_284, %dma_start3A_285] : memref<32x2x8x128xf32, #tpu.memory_space<vmem>> -> memref<1x2x8x128xf32, #tpu.memory_space<vmem>>
    %dma_start3A_287 = tpu.memref_squeeze %dma_start3A_286 : memref<1x2x8x128xf32, #tpu.memory_space<vmem>> -> memref<2x8x128xf32, #tpu.memory_space<vmem>>
    %dma_start3A_288 = arith.constant 0 : i32
    %dma_start3A_289 = arith.constant 0 : i32
    %dma_start3A_290 = tpu.memref_slice %arg3[%dma_start3A_288, %dma_start3A_289, %multiple_of3A_280] : memref<2x8x1000000xf32, #tpu.memory_space<hbm>> -> memref<2x8x128xf32, #tpu.memory_space<hbm>>
    %dma_start3A_291 = tpu.memref_slice %arg9[%dma_start3A_282] : memref<2x!tpu.dma_semaphore, #tpu.memory_space<semaphore_mem>> -> memref<1x!tpu.dma_semaphore, #tpu.memory_space<semaphore_mem>>
    %dma_start3A_292 = tpu.memref_squeeze %dma_start3A_291 : memref<1x!tpu.dma_semaphore, #tpu.memory_space<semaphore_mem>> -> memref<!tpu.dma_semaphore, #tpu.memory_space<semaphore_mem>>
    %dma_start3A_293 = arith.constant 0 : i32
    %dma_start3A_294 = arith.constant 0 : i32
    %dma_start3A_295 = arith.constant 0 : i32
    %dma_start3A_296 = tpu.memref_slice %arg7[%dma_start3A_281, %dma_start3A_293, %dma_start3A_294, %dma_start3A_295] : memref<32x2x8x128xf32, #tpu.memory_space<vmem>> -> memref<1x2x8x128xf32, #tpu.memory_space<vmem>>
    %dma_start3A_297 = tpu.memref_squeeze %dma_start3A_296 : memref<1x2x8x128xf32, #tpu.memory_space<vmem>> -> memref<2x8x128xf32, #tpu.memory_space<vmem>>
    %dma_start3A_298 = arith.constant 0 : i32
    %dma_start3A_299 = arith.constant 0 : i32
    %dma_start3A_300 = tpu.memref_slice %arg3[%dma_start3A_298, %dma_start3A_299, %multiple_of3A_280] : memref<2x8x1000000xf32, #tpu.memory_space<hbm>> -> memref<2x8x128xf32, #tpu.memory_space<hbm>>
    tpu.enqueue_dma source(%dma_start3A_300 : memref<2x8x128xf32, #tpu.memory_space<hbm>>) target(%dma_start3A_297 : memref<2x8x128xf32, #tpu.memory_space<vmem>>) target_semaphore(%dma_start3A_292 : memref<!tpu.dma_semaphore, #tpu.memory_space<semaphore_mem>>)
    %slice3A_301 = vector.extract_strided_slice %mul3A_235 {offsets = [3], sizes = [1], strides = [1]} : vector<16xi32> to vector<1xi32>
    %squeeze3A_302 = vector.extract %slice3A_301[0] : i32 from vector<1xi32>
    %multiple_of3A_303 = tpu.assume_multiple %squeeze3A_302, 128 : i32
    %dma_start3A_304 = arith.constant 3 : i32
    %dma_start3A_305 = arith.constant 0 : i32
    %dma_start3A_306 = arith.constant 0 : i32
    %dma_start3A_307 = arith.constant 0 : i32
    %dma_start3A_308 = arith.constant 0 : i32
    %dma_start3A_309 = tpu.memref_slice %arg7[%dma_start3A_304, %dma_start3A_306, %dma_start3A_307, %dma_start3A_308] : memref<32x2x8x128xf32, #tpu.memory_space<vmem>> -> memref<1x2x8x128xf32, #tpu.memory_space<vmem>>
    %dma_start3A_310 = tpu.memref_squeeze %dma_start3A_309 : memref<1x2x8x128xf32, #tpu.memory_space<vmem>> -> memref<2x8x128xf32, #tpu.memory_space<vmem>>
    %dma_start3A_311 = arith.constant 0 : i32
    %dma_start3A_312 = arith.constant 0 : i32
    %dma_start3A_313 = tpu.memref_slice %arg3[%dma_start3A_311, %dma_start3A_312, %multiple_of3A_303] : memref<2x8x1000000xf32, #tpu.memory_space<hbm>> -> memref<2x8x128xf32, #tpu.memory_space<hbm>>
    %dma_start3A_314 = tpu.memref_slice %arg9[%dma_start3A_305] : memref<2x!tpu.dma_semaphore, #tpu.memory_space<semaphore_mem>> -> memref<1x!tpu.dma_semaphore, #tpu.memory_space<semaphore_mem>>
    %dma_start3A_315 = tpu.memref_squeeze %dma_start3A_314 : memref<1x!tpu.dma_semaphore, #tpu.memory_space<semaphore_mem>> -> memref<!tpu.dma_semaphore, #tpu.memory_space<semaphore_mem>>
    %dma_start3A_316 = arith.constant 0 : i32
    %dma_start3A_317 = arith.constant 0 : i32
    %dma_start3A_318 = arith.constant 0 : i32
    %dma_start3A_319 = tpu.memref_slice %arg7[%dma_start3A_304, %dma_start3A_316, %dma_start3A_317, %dma_start3A_318] : memref<32x2x8x128xf32, #tpu.memory_space<vmem>> -> memref<1x2x8x128xf32, #tpu.memory_space<vmem>>
    %dma_start3A_320 = tpu.memref_squeeze %dma_start3A_319 : memref<1x2x8x128xf32, #tpu.memory_space<vmem>> -> memref<2x8x128xf32, #tpu.memory_space<vmem>>
    %dma_start3A_321 = arith.constant 0 : i32
    %dma_start3A_322 = arith.constant 0 : i32
    %dma_start3A_323 = tpu.memref_slice %arg3[%dma_start3A_321, %dma_start3A_322, %multiple_of3A_303] : memref<2x8x1000000xf32, #tpu.memory_space<hbm>> -> memref<2x8x128xf32, #tpu.memory_space<hbm>>
    tpu.enqueue_dma source(%dma_start3A_323 : memref<2x8x128xf32, #tpu.memory_space<hbm>>) target(%dma_start3A_320 : memref<2x8x128xf32, #tpu.memory_space<vmem>>) target_semaphore(%dma_start3A_315 : memref<!tpu.dma_semaphore, #tpu.memory_space<semaphore_mem>>)
    %slice3A_324 = vector.extract_strided_slice %mul3A_235 {offsets = [4], sizes = [1], strides = [1]} : vector<16xi32> to vector<1xi32>
    %squeeze3A_325 = vector.extract %slice3A_324[0] : i32 from vector<1xi32>
    %multiple_of3A_326 = tpu.assume_multiple %squeeze3A_325, 128 : i32
    %dma_start3A_327 = arith.constant 4 : i32
    %dma_start3A_328 = arith.constant 0 : i32
    %dma_start3A_329 = arith.constant 0 : i32
    %dma_start3A_330 = arith.constant 0 : i32
    %dma_start3A_331 = arith.constant 0 : i32
    %dma_start3A_332 = tpu.memref_slice %arg7[%dma_start3A_327, %dma_start3A_329, %dma_start3A_330, %dma_start3A_331] : memref<32x2x8x128xf32, #tpu.memory_space<vmem>> -> memref<1x2x8x128xf32, #tpu.memory_space<vmem>>
    %dma_start3A_333 = tpu.memref_squeeze %dma_start3A_332 : memref<1x2x8x128xf32, #tpu.memory_space<vmem>> -> memref<2x8x128xf32, #tpu.memory_space<vmem>>
    %dma_start3A_334 = arith.constant 0 : i32
    %dma_start3A_335 = arith.constant 0 : i32
    %dma_start3A_336 = tpu.memref_slice %arg3[%dma_start3A_334, %dma_start3A_335, %multiple_of3A_326] : memref<2x8x1000000xf32, #tpu.memory_space<hbm>> -> memref<2x8x128xf32, #tpu.memory_space<hbm>>
    %dma_start3A_337 = tpu.memref_slice %arg9[%dma_start3A_328] : memref<2x!tpu.dma_semaphore, #tpu.memory_space<semaphore_mem>> -> memref<1x!tpu.dma_semaphore, #tpu.memory_space<semaphore_mem>>
    %dma_start3A_338 = tpu.memref_squeeze %dma_start3A_337 : memref<1x!tpu.dma_semaphore, #tpu.memory_space<semaphore_mem>> -> memref<!tpu.dma_semaphore, #tpu.memory_space<semaphore_mem>>
    %dma_start3A_339 = arith.constant 0 : i32
    %dma_start3A_340 = arith.constant 0 : i32
    %dma_start3A_341 = arith.constant 0 : i32
    %dma_start3A_342 = tpu.memref_slice %arg7[%dma_start3A_327, %dma_start3A_339, %dma_start3A_340, %dma_start3A_341] : memref<32x2x8x128xf32, #tpu.memory_space<vmem>> -> memref<1x2x8x128xf32, #tpu.memory_space<vmem>>
    %dma_start3A_343 = tpu.memref_squeeze %dma_start3A_342 : memref<1x2x8x128xf32, #tpu.memory_space<vmem>> -> memref<2x8x128xf32, #tpu.memory_space<vmem>>
    %dma_start3A_344 = arith.constant 0 : i32
    %dma_start3A_345 = arith.constant 0 : i32
    %dma_start3A_346 = tpu.memref_slice %arg3[%dma_start3A_344, %dma_start3A_345, %multiple_of3A_326] : memref<2x8x1000000xf32, #tpu.memory_space<hbm>> -> memref<2x8x128xf32, #tpu.memory_space<hbm>>
    tpu.enqueue_dma source(%dma_start3A_346 : memref<2x8x128xf32, #tpu.memory_space<hbm>>) target(%dma_start3A_343 : memref<2x8x128xf32, #tpu.memory_space<vmem>>) target_semaphore(%dma_start3A_338 : memref<!tpu.dma_semaphore, #tpu.memory_space<semaphore_mem>>)
    %slice3A_347 = vector.extract_strided_slice %mul3A_235 {offsets = [5], sizes = [1], strides = [1]} : vector<16xi32> to vector<1xi32>
    %squeeze3A_348 = vector.extract %slice3A_347[0] : i32 from vector<1xi32>
    %multiple_of3A_349 = tpu.assume_multiple %squeeze3A_348, 128 : i32
    %dma_start3A_350 = arith.constant 5 : i32
    %dma_start3A_351 = arith.constant 0 : i32
    %dma_start3A_352 = arith.constant 0 : i32
    %dma_start3A_353 = arith.constant 0 : i32
    %dma_start3A_354 = arith.constant 0 : i32
    %dma_start3A_355 = tpu.memref_slice %arg7[%dma_start3A_350, %dma_start3A_352, %dma_start3A_353, %dma_start3A_354] : memref<32x2x8x128xf32, #tpu.memory_space<vmem>> -> memref<1x2x8x128xf32, #tpu.memory_space<vmem>>
    %dma_start3A_356 = tpu.memref_squeeze %dma_start3A_355 : memref<1x2x8x128xf32, #tpu.memory_space<vmem>> -> memref<2x8x128xf32, #tpu.memory_space<vmem>>
    %dma_start3A_357 = arith.constant 0 : i32
    %dma_start3A_358 = arith.constant 0 : i32
    %dma_start3A_359 = tpu.memref_slice %arg3[%dma_start3A_357, %dma_start3A_358, %multiple_of3A_349] : memref<2x8x1000000xf32, #tpu.memory_space<hbm>> -> memref<2x8x128xf32, #tpu.memory_space<hbm>>
    %dma_start3A_360 = tpu.memref_slice %arg9[%dma_start3A_351] : memref<2x!tpu.dma_semaphore, #tpu.memory_space<semaphore_mem>> -> memref<1x!tpu.dma_semaphore, #tpu.memory_space<semaphore_mem>>
    %dma_start3A_361 = tpu.memref_squeeze %dma_start3A_360 : memref<1x!tpu.dma_semaphore, #tpu.memory_space<semaphore_mem>> -> memref<!tpu.dma_semaphore, #tpu.memory_space<semaphore_mem>>
    %dma_start3A_362 = arith.constant 0 : i32
    %dma_start3A_363 = arith.constant 0 : i32
    %dma_start3A_364 = arith.constant 0 : i32
    %dma_start3A_365 = tpu.memref_slice %arg7[%dma_start3A_350, %dma_start3A_362, %dma_start3A_363, %dma_start3A_364] : memref<32x2x8x128xf32, #tpu.memory_space<vmem>> -> memref<1x2x8x128xf32, #tpu.memory_space<vmem>>
    %dma_start3A_366 = tpu.memref_squeeze %dma_start3A_365 : memref<1x2x8x128xf32, #tpu.memory_space<vmem>> -> memref<2x8x128xf32, #tpu.memory_space<vmem>>
    %dma_start3A_367 = arith.constant 0 : i32
    %dma_start3A_368 = arith.constant 0 : i32
    %dma_start3A_369 = tpu.memref_slice %arg3[%dma_start3A_367, %dma_start3A_368, %multiple_of3A_349] : memref<2x8x1000000xf32, #tpu.memory_space<hbm>> -> memref<2x8x128xf32, #tpu.memory_space<hbm>>
    tpu.enqueue_dma source(%dma_start3A_369 : memref<2x8x128xf32, #tpu.memory_space<hbm>>) target(%dma_start3A_366 : memref<2x8x128xf32, #tpu.memory_space<vmem>>) target_semaphore(%dma_start3A_361 : memref<!tpu.dma_semaphore, #tpu.memory_space<semaphore_mem>>)
    %slice3A_370 = vector.extract_strided_slice %mul3A_235 {offsets = [6], sizes = [1], strides = [1]} : vector<16xi32> to vector<1xi32>
    %squeeze3A_371 = vector.extract %slice3A_370[0] : i32 from vector<1xi32>
    %multiple_of3A_372 = tpu.assume_multiple %squeeze3A_371, 128 : i32
    %dma_start3A_373 = arith.constant 6 : i32
    %dma_start3A_374 = arith.constant 0 : i32
    %dma_start3A_375 = arith.constant 0 : i32
    %dma_start3A_376 = arith.constant 0 : i32
    %dma_start3A_377 = arith.constant 0 : i32
    %dma_start3A_378 = tpu.memref_slice %arg7[%dma_start3A_373, %dma_start3A_375, %dma_start3A_376, %dma_start3A_377] : memref<32x2x8x128xf32, #tpu.memory_space<vmem>> -> memref<1x2x8x128xf32, #tpu.memory_space<vmem>>
    %dma_start3A_379 = tpu.memref_squeeze %dma_start3A_378 : memref<1x2x8x128xf32, #tpu.memory_space<vmem>> -> memref<2x8x128xf32, #tpu.memory_space<vmem>>
    %dma_start3A_380 = arith.constant 0 : i32
    %dma_start3A_381 = arith.constant 0 : i32
    %dma_start3A_382 = tpu.memref_slice %arg3[%dma_start3A_380, %dma_start3A_381, %multiple_of3A_372] : memref<2x8x1000000xf32, #tpu.memory_space<hbm>> -> memref<2x8x128xf32, #tpu.memory_space<hbm>>
    %dma_start3A_383 = tpu.memref_slice %arg9[%dma_start3A_374] : memref<2x!tpu.dma_semaphore, #tpu.memory_space<semaphore_mem>> -> memref<1x!tpu.dma_semaphore, #tpu.memory_space<semaphore_mem>>
    %dma_start3A_384 = tpu.memref_squeeze %dma_start3A_383 : memref<1x!tpu.dma_semaphore, #tpu.memory_space<semaphore_mem>> -> memref<!tpu.dma_semaphore, #tpu.memory_space<semaphore_mem>>
    %dma_start3A_385 = arith.constant 0 : i32
    %dma_start3A_386 = arith.constant 0 : i32
    %dma_start3A_387 = arith.constant 0 : i32
    %dma_start3A_388 = tpu.memref_slice %arg7[%dma_start3A_373, %dma_start3A_385, %dma_start3A_386, %dma_start3A_387] : memref<32x2x8x128xf32, #tpu.memory_space<vmem>> -> memref<1x2x8x128xf32, #tpu.memory_space<vmem>>
    %dma_start3A_389 = tpu.memref_squeeze %dma_start3A_388 : memref<1x2x8x128xf32, #tpu.memory_space<vmem>> -> memref<2x8x128xf32, #tpu.memory_space<vmem>>
    %dma_start3A_390 = arith.constant 0 : i32
    %dma_start3A_391 = arith.constant 0 : i32
    %dma_start3A_392 = tpu.memref_slice %arg3[%dma_start3A_390, %dma_start3A_391, %multiple_of3A_372] : memref<2x8x1000000xf32, #tpu.memory_space<hbm>> -> memref<2x8x128xf32, #tpu.memory_space<hbm>>
    tpu.enqueue_dma source(%dma_start3A_392 : memref<2x8x128xf32, #tpu.memory_space<hbm>>) target(%dma_start3A_389 : memref<2x8x128xf32, #tpu.memory_space<vmem>>) target_semaphore(%dma_start3A_384 : memref<!tpu.dma_semaphore, #tpu.memory_space<semaphore_mem>>)
    %slice3A_393 = vector.extract_strided_slice %mul3A_235 {offsets = [7], sizes = [1], strides = [1]} : vector<16xi32> to vector<1xi32>
    %squeeze3A_394 = vector.extract %slice3A_393[0] : i32 from vector<1xi32>
    %multiple_of3A_395 = tpu.assume_multiple %squeeze3A_394, 128 : i32
    %dma_start3A_396 = arith.constant 7 : i32
    %dma_start3A_397 = arith.constant 0 : i32
    %dma_start3A_398 = arith.constant 0 : i32
    %dma_start3A_399 = arith.constant 0 : i32
    %dma_start3A_400 = arith.constant 0 : i32
    %dma_start3A_401 = tpu.memref_slice %arg7[%dma_start3A_396, %dma_start3A_398, %dma_start3A_399, %dma_start3A_400] : memref<32x2x8x128xf32, #tpu.memory_space<vmem>> -> memref<1x2x8x128xf32, #tpu.memory_space<vmem>>
    %dma_start3A_402 = tpu.memref_squeeze %dma_start3A_401 : memref<1x2x8x128xf32, #tpu.memory_space<vmem>> -> memref<2x8x128xf32, #tpu.memory_space<vmem>>
    %dma_start3A_403 = arith.constant 0 : i32
    %dma_start3A_404 = arith.constant 0 : i32
    %dma_start3A_405 = tpu.memref_slice %arg3[%dma_start3A_403, %dma_start3A_404, %multiple_of3A_395] : memref<2x8x1000000xf32, #tpu.memory_space<hbm>> -> memref<2x8x128xf32, #tpu.memory_space<hbm>>
    %dma_start3A_406 = tpu.memref_slice %arg9[%dma_start3A_397] : memref<2x!tpu.dma_semaphore, #tpu.memory_space<semaphore_mem>> -> memref<1x!tpu.dma_semaphore, #tpu.memory_space<semaphore_mem>>
    %dma_start3A_407 = tpu.memref_squeeze %dma_start3A_406 : memref<1x!tpu.dma_semaphore, #tpu.memory_space<semaphore_mem>> -> memref<!tpu.dma_semaphore, #tpu.memory_space<semaphore_mem>>
    %dma_start3A_408 = arith.constant 0 : i32
    %dma_start3A_409 = arith.constant 0 : i32
    %dma_start3A_410 = arith.constant 0 : i32
    %dma_start3A_411 = tpu.memref_slice %arg7[%dma_start3A_396, %dma_start3A_408, %dma_start3A_409, %dma_start3A_410] : memref<32x2x8x128xf32, #tpu.memory_space<vmem>> -> memref<1x2x8x128xf32, #tpu.memory_space<vmem>>
    %dma_start3A_412 = tpu.memref_squeeze %dma_start3A_411 : memref<1x2x8x128xf32, #tpu.memory_space<vmem>> -> memref<2x8x128xf32, #tpu.memory_space<vmem>>
    %dma_start3A_413 = arith.constant 0 : i32
    %dma_start3A_414 = arith.constant 0 : i32
    %dma_start3A_415 = tpu.memref_slice %arg3[%dma_start3A_413, %dma_start3A_414, %multiple_of3A_395] : memref<2x8x1000000xf32, #tpu.memory_space<hbm>> -> memref<2x8x128xf32, #tpu.memory_space<hbm>>
    tpu.enqueue_dma source(%dma_start3A_415 : memref<2x8x128xf32, #tpu.memory_space<hbm>>) target(%dma_start3A_412 : memref<2x8x128xf32, #tpu.memory_space<vmem>>) target_semaphore(%dma_start3A_407 : memref<!tpu.dma_semaphore, #tpu.memory_space<semaphore_mem>>)
    %slice3A_416 = vector.extract_strided_slice %mul3A_235 {offsets = [8], sizes = [1], strides = [1]} : vector<16xi32> to vector<1xi32>
    %squeeze3A_417 = vector.extract %slice3A_416[0] : i32 from vector<1xi32>
    %multiple_of3A_418 = tpu.assume_multiple %squeeze3A_417, 128 : i32
    %dma_start3A_419 = arith.constant 8 : i32
    %dma_start3A_420 = arith.constant 0 : i32
    %dma_start3A_421 = arith.constant 0 : i32
    %dma_start3A_422 = arith.constant 0 : i32
    %dma_start3A_423 = arith.constant 0 : i32
    %dma_start3A_424 = tpu.memref_slice %arg7[%dma_start3A_419, %dma_start3A_421, %dma_start3A_422, %dma_start3A_423] : memref<32x2x8x128xf32, #tpu.memory_space<vmem>> -> memref<1x2x8x128xf32, #tpu.memory_space<vmem>>
    %dma_start3A_425 = tpu.memref_squeeze %dma_start3A_424 : memref<1x2x8x128xf32, #tpu.memory_space<vmem>> -> memref<2x8x128xf32, #tpu.memory_space<vmem>>
    %dma_start3A_426 = arith.constant 0 : i32
    %dma_start3A_427 = arith.constant 0 : i32
    %dma_start3A_428 = tpu.memref_slice %arg3[%dma_start3A_426, %dma_start3A_427, %multiple_of3A_418] : memref<2x8x1000000xf32, #tpu.memory_space<hbm>> -> memref<2x8x128xf32, #tpu.memory_space<hbm>>
    %dma_start3A_429 = tpu.memref_slice %arg9[%dma_start3A_420] : memref<2x!tpu.dma_semaphore, #tpu.memory_space<semaphore_mem>> -> memref<1x!tpu.dma_semaphore, #tpu.memory_space<semaphore_mem>>
    %dma_start3A_430 = tpu.memref_squeeze %dma_start3A_429 : memref<1x!tpu.dma_semaphore, #tpu.memory_space<semaphore_mem>> -> memref<!tpu.dma_semaphore, #tpu.memory_space<semaphore_mem>>
    %dma_start3A_431 = arith.constant 0 : i32
    %dma_start3A_432 = arith.constant 0 : i32
    %dma_start3A_433 = arith.constant 0 : i32
    %dma_start3A_434 = tpu.memref_slice %arg7[%dma_start3A_419, %dma_start3A_431, %dma_start3A_432, %dma_start3A_433] : memref<32x2x8x128xf32, #tpu.memory_space<vmem>> -> memref<1x2x8x128xf32, #tpu.memory_space<vmem>>
    %dma_start3A_435 = tpu.memref_squeeze %dma_start3A_434 : memref<1x2x8x128xf32, #tpu.memory_space<vmem>> -> memref<2x8x128xf32, #tpu.memory_space<vmem>>
    %dma_start3A_436 = arith.constant 0 : i32
    %dma_start3A_437 = arith.constant 0 : i32
    %dma_start3A_438 = tpu.memref_slice %arg3[%dma_start3A_436, %dma_start3A_437, %multiple_of3A_418] : memref<2x8x1000000xf32, #tpu.memory_space<hbm>> -> memref<2x8x128xf32, #tpu.memory_space<hbm>>
    tpu.enqueue_dma source(%dma_start3A_438 : memref<2x8x128xf32, #tpu.memory_space<hbm>>) target(%dma_start3A_435 : memref<2x8x128xf32, #tpu.memory_space<vmem>>) target_semaphore(%dma_start3A_430 : memref<!tpu.dma_semaphore, #tpu.memory_space<semaphore_mem>>)
    %slice3A_439 = vector.extract_strided_slice %mul3A_235 {offsets = [9], sizes = [1], strides = [1]} : vector<16xi32> to vector<1xi32>
    %squeeze3A_440 = vector.extract %slice3A_439[0] : i32 from vector<1xi32>
    %multiple_of3A_441 = tpu.assume_multiple %squeeze3A_440, 128 : i32
    %dma_start3A_442 = arith.constant 9 : i32
    %dma_start3A_443 = arith.constant 0 : i32
    %dma_start3A_444 = arith.constant 0 : i32
    %dma_start3A_445 = arith.constant 0 : i32
    %dma_start3A_446 = arith.constant 0 : i32
    %dma_start3A_447 = tpu.memref_slice %arg7[%dma_start3A_442, %dma_start3A_444, %dma_start3A_445, %dma_start3A_446] : memref<32x2x8x128xf32, #tpu.memory_space<vmem>> -> memref<1x2x8x128xf32, #tpu.memory_space<vmem>>
    %dma_start3A_448 = tpu.memref_squeeze %dma_start3A_447 : memref<1x2x8x128xf32, #tpu.memory_space<vmem>> -> memref<2x8x128xf32, #tpu.memory_space<vmem>>
    %dma_start3A_449 = arith.constant 0 : i32
    %dma_start3A_450 = arith.constant 0 : i32
    %dma_start3A_451 = tpu.memref_slice %arg3[%dma_start3A_449, %dma_start3A_450, %multiple_of3A_441] : memref<2x8x1000000xf32, #tpu.memory_space<hbm>> -> memref<2x8x128xf32, #tpu.memory_space<hbm>>
    %dma_start3A_452 = tpu.memref_slice %arg9[%dma_start3A_443] : memref<2x!tpu.dma_semaphore, #tpu.memory_space<semaphore_mem>> -> memref<1x!tpu.dma_semaphore, #tpu.memory_space<semaphore_mem>>
    %dma_start3A_453 = tpu.memref_squeeze %dma_start3A_452 : memref<1x!tpu.dma_semaphore, #tpu.memory_space<semaphore_mem>> -> memref<!tpu.dma_semaphore, #tpu.memory_space<semaphore_mem>>
    %dma_start3A_454 = arith.constant 0 : i32
    %dma_start3A_455 = arith.constant 0 : i32
    %dma_start3A_456 = arith.constant 0 : i32
    %dma_start3A_457 = tpu.memref_slice %arg7[%dma_start3A_442, %dma_start3A_454, %dma_start3A_455, %dma_start3A_456] : memref<32x2x8x128xf32, #tpu.memory_space<vmem>> -> memref<1x2x8x128xf32, #tpu.memory_space<vmem>>
    %dma_start3A_458 = tpu.memref_squeeze %dma_start3A_457 : memref<1x2x8x128xf32, #tpu.memory_space<vmem>> -> memref<2x8x128xf32, #tpu.memory_space<vmem>>
    %dma_start3A_459 = arith.constant 0 : i32
    %dma_start3A_460 = arith.constant 0 : i32
    %dma_start3A_461 = tpu.memref_slice %arg3[%dma_start3A_459, %dma_start3A_460, %multiple_of3A_441] : memref<2x8x1000000xf32, #tpu.memory_space<hbm>> -> memref<2x8x128xf32, #tpu.memory_space<hbm>>
    tpu.enqueue_dma source(%dma_start3A_461 : memref<2x8x128xf32, #tpu.memory_space<hbm>>) target(%dma_start3A_458 : memref<2x8x128xf32, #tpu.memory_space<vmem>>) target_semaphore(%dma_start3A_453 : memref<!tpu.dma_semaphore, #tpu.memory_space<semaphore_mem>>)
    %slice3A_462 = vector.extract_strided_slice %mul3A_235 {offsets = [10], sizes = [1], strides = [1]} : vector<16xi32> to vector<1xi32>
    %squeeze3A_463 = vector.extract %slice3A_462[0] : i32 from vector<1xi32>
    %multiple_of3A_464 = tpu.assume_multiple %squeeze3A_463, 128 : i32
    %dma_start3A_465 = arith.constant 10 : i32
    %dma_start3A_466 = arith.constant 0 : i32
    %dma_start3A_467 = arith.constant 0 : i32
    %dma_start3A_468 = arith.constant 0 : i32
    %dma_start3A_469 = arith.constant 0 : i32
    %dma_start3A_470 = tpu.memref_slice %arg7[%dma_start3A_465, %dma_start3A_467, %dma_start3A_468, %dma_start3A_469] : memref<32x2x8x128xf32, #tpu.memory_space<vmem>> -> memref<1x2x8x128xf32, #tpu.memory_space<vmem>>
    %dma_start3A_471 = tpu.memref_squeeze %dma_start3A_470 : memref<1x2x8x128xf32, #tpu.memory_space<vmem>> -> memref<2x8x128xf32, #tpu.memory_space<vmem>>
    %dma_start3A_472 = arith.constant 0 : i32
    %dma_start3A_473 = arith.constant 0 : i32
    %dma_start3A_474 = tpu.memref_slice %arg3[%dma_start3A_472, %dma_start3A_473, %multiple_of3A_464] : memref<2x8x1000000xf32, #tpu.memory_space<hbm>> -> memref<2x8x128xf32, #tpu.memory_space<hbm>>
    %dma_start3A_475 = tpu.memref_slice %arg9[%dma_start3A_466] : memref<2x!tpu.dma_semaphore, #tpu.memory_space<semaphore_mem>> -> memref<1x!tpu.dma_semaphore, #tpu.memory_space<semaphore_mem>>
    %dma_start3A_476 = tpu.memref_squeeze %dma_start3A_475 : memref<1x!tpu.dma_semaphore, #tpu.memory_space<semaphore_mem>> -> memref<!tpu.dma_semaphore, #tpu.memory_space<semaphore_mem>>
    %dma_start3A_477 = arith.constant 0 : i32
    %dma_start3A_478 = arith.constant 0 : i32
    %dma_start3A_479 = arith.constant 0 : i32
    %dma_start3A_480 = tpu.memref_slice %arg7[%dma_start3A_465, %dma_start3A_477, %dma_start3A_478, %dma_start3A_479] : memref<32x2x8x128xf32, #tpu.memory_space<vmem>> -> memref<1x2x8x128xf32, #tpu.memory_space<vmem>>
    %dma_start3A_481 = tpu.memref_squeeze %dma_start3A_480 : memref<1x2x8x128xf32, #tpu.memory_space<vmem>> -> memref<2x8x128xf32, #tpu.memory_space<vmem>>
    %dma_start3A_482 = arith.constant 0 : i32
    %dma_start3A_483 = arith.constant 0 : i32
    %dma_start3A_484 = tpu.memref_slice %arg3[%dma_start3A_482, %dma_start3A_483, %multiple_of3A_464] : memref<2x8x1000000xf32, #tpu.memory_space<hbm>> -> memref<2x8x128xf32, #tpu.memory_space<hbm>>
    tpu.enqueue_dma source(%dma_start3A_484 : memref<2x8x128xf32, #tpu.memory_space<hbm>>) target(%dma_start3A_481 : memref<2x8x128xf32, #tpu.memory_space<vmem>>) target_semaphore(%dma_start3A_476 : memref<!tpu.dma_semaphore, #tpu.memory_space<semaphore_mem>>)
    %slice3A_485 = vector.extract_strided_slice %mul3A_235 {offsets = [11], sizes = [1], strides = [1]} : vector<16xi32> to vector<1xi32>
    %squeeze3A_486 = vector.extract %slice3A_485[0] : i32 from vector<1xi32>
    %multiple_of3A_487 = tpu.assume_multiple %squeeze3A_486, 128 : i32
    %dma_start3A_488 = arith.constant 11 : i32
    %dma_start3A_489 = arith.constant 0 : i32
    %dma_start3A_490 = arith.constant 0 : i32
    %dma_start3A_491 = arith.constant 0 : i32
    %dma_start3A_492 = arith.constant 0 : i32
    %dma_start3A_493 = tpu.memref_slice %arg7[%dma_start3A_488, %dma_start3A_490, %dma_start3A_491, %dma_start3A_492] : memref<32x2x8x128xf32, #tpu.memory_space<vmem>> -> memref<1x2x8x128xf32, #tpu.memory_space<vmem>>
    %dma_start3A_494 = tpu.memref_squeeze %dma_start3A_493 : memref<1x2x8x128xf32, #tpu.memory_space<vmem>> -> memref<2x8x128xf32, #tpu.memory_space<vmem>>
    %dma_start3A_495 = arith.constant 0 : i32
    %dma_start3A_496 = arith.constant 0 : i32
    %dma_start3A_497 = tpu.memref_slice %arg3[%dma_start3A_495, %dma_start3A_496, %multiple_of3A_487] : memref<2x8x1000000xf32, #tpu.memory_space<hbm>> -> memref<2x8x128xf32, #tpu.memory_space<hbm>>
    %dma_start3A_498 = tpu.memref_slice %arg9[%dma_start3A_489] : memref<2x!tpu.dma_semaphore, #tpu.memory_space<semaphore_mem>> -> memref<1x!tpu.dma_semaphore, #tpu.memory_space<semaphore_mem>>
    %dma_start3A_499 = tpu.memref_squeeze %dma_start3A_498 : memref<1x!tpu.dma_semaphore, #tpu.memory_space<semaphore_mem>> -> memref<!tpu.dma_semaphore, #tpu.memory_space<semaphore_mem>>
    %dma_start3A_500 = arith.constant 0 : i32
    %dma_start3A_501 = arith.constant 0 : i32
    %dma_start3A_502 = arith.constant 0 : i32
    %dma_start3A_503 = tpu.memref_slice %arg7[%dma_start3A_488, %dma_start3A_500, %dma_start3A_501, %dma_start3A_502] : memref<32x2x8x128xf32, #tpu.memory_space<vmem>> -> memref<1x2x8x128xf32, #tpu.memory_space<vmem>>
    %dma_start3A_504 = tpu.memref_squeeze %dma_start3A_503 : memref<1x2x8x128xf32, #tpu.memory_space<vmem>> -> memref<2x8x128xf32, #tpu.memory_space<vmem>>
    %dma_start3A_505 = arith.constant 0 : i32
    %dma_start3A_506 = arith.constant 0 : i32
    %dma_start3A_507 = tpu.memref_slice %arg3[%dma_start3A_505, %dma_start3A_506, %multiple_of3A_487] : memref<2x8x1000000xf32, #tpu.memory_space<hbm>> -> memref<2x8x128xf32, #tpu.memory_space<hbm>>
    tpu.enqueue_dma source(%dma_start3A_507 : memref<2x8x128xf32, #tpu.memory_space<hbm>>) target(%dma_start3A_504 : memref<2x8x128xf32, #tpu.memory_space<vmem>>) target_semaphore(%dma_start3A_499 : memref<!tpu.dma_semaphore, #tpu.memory_space<semaphore_mem>>)
    %slice3A_508 = vector.extract_strided_slice %mul3A_235 {offsets = [12], sizes = [1], strides = [1]} : vector<16xi32> to vector<1xi32>
    %squeeze3A_509 = vector.extract %slice3A_508[0] : i32 from vector<1xi32>
    %multiple_of3A_510 = tpu.assume_multiple %squeeze3A_509, 128 : i32
    %dma_start3A_511 = arith.constant 12 : i32
    %dma_start3A_512 = arith.constant 0 : i32
    %dma_start3A_513 = arith.constant 0 : i32
    %dma_start3A_514 = arith.constant 0 : i32
    %dma_start3A_515 = arith.constant 0 : i32
    %dma_start3A_516 = tpu.memref_slice %arg7[%dma_start3A_511, %dma_start3A_513, %dma_start3A_514, %dma_start3A_515] : memref<32x2x8x128xf32, #tpu.memory_space<vmem>> -> memref<1x2x8x128xf32, #tpu.memory_space<vmem>>
    %dma_start3A_517 = tpu.memref_squeeze %dma_start3A_516 : memref<1x2x8x128xf32, #tpu.memory_space<vmem>> -> memref<2x8x128xf32, #tpu.memory_space<vmem>>
    %dma_start3A_518 = arith.constant 0 : i32
    %dma_start3A_519 = arith.constant 0 : i32
    %dma_start3A_520 = tpu.memref_slice %arg3[%dma_start3A_518, %dma_start3A_519, %multiple_of3A_510] : memref<2x8x1000000xf32, #tpu.memory_space<hbm>> -> memref<2x8x128xf32, #tpu.memory_space<hbm>>
    %dma_start3A_521 = tpu.memref_slice %arg9[%dma_start3A_512] : memref<2x!tpu.dma_semaphore, #tpu.memory_space<semaphore_mem>> -> memref<1x!tpu.dma_semaphore, #tpu.memory_space<semaphore_mem>>
    %dma_start3A_522 = tpu.memref_squeeze %dma_start3A_521 : memref<1x!tpu.dma_semaphore, #tpu.memory_space<semaphore_mem>> -> memref<!tpu.dma_semaphore, #tpu.memory_space<semaphore_mem>>
    %dma_start3A_523 = arith.constant 0 : i32
    %dma_start3A_524 = arith.constant 0 : i32
    %dma_start3A_525 = arith.constant 0 : i32
    %dma_start3A_526 = tpu.memref_slice %arg7[%dma_start3A_511, %dma_start3A_523, %dma_start3A_524, %dma_start3A_525] : memref<32x2x8x128xf32, #tpu.memory_space<vmem>> -> memref<1x2x8x128xf32, #tpu.memory_space<vmem>>
    %dma_start3A_527 = tpu.memref_squeeze %dma_start3A_526 : memref<1x2x8x128xf32, #tpu.memory_space<vmem>> -> memref<2x8x128xf32, #tpu.memory_space<vmem>>
    %dma_start3A_528 = arith.constant 0 : i32
    %dma_start3A_529 = arith.constant 0 : i32
    %dma_start3A_530 = tpu.memref_slice %arg3[%dma_start3A_528, %dma_start3A_529, %multiple_of3A_510] : memref<2x8x1000000xf32, #tpu.memory_space<hbm>> -> memref<2x8x128xf32, #tpu.memory_space<hbm>>
    tpu.enqueue_dma source(%dma_start3A_530 : memref<2x8x128xf32, #tpu.memory_space<hbm>>) target(%dma_start3A_527 : memref<2x8x128xf32, #tpu.memory_space<vmem>>) target_semaphore(%dma_start3A_522 : memref<!tpu.dma_semaphore, #tpu.memory_space<semaphore_mem>>)
    %slice3A_531 = vector.extract_strided_slice %mul3A_235 {offsets = [13], sizes = [1], strides = [1]} : vector<16xi32> to vector<1xi32>
    %squeeze3A_532 = vector.extract %slice3A_531[0] : i32 from vector<1xi32>
    %multiple_of3A_533 = tpu.assume_multiple %squeeze3A_532, 128 : i32
    %dma_start3A_534 = arith.constant 13 : i32
    %dma_start3A_535 = arith.constant 0 : i32
    %dma_start3A_536 = arith.constant 0 : i32
    %dma_start3A_537 = arith.constant 0 : i32
    %dma_start3A_538 = arith.constant 0 : i32
    %dma_start3A_539 = tpu.memref_slice %arg7[%dma_start3A_534, %dma_start3A_536, %dma_start3A_537, %dma_start3A_538] : memref<32x2x8x128xf32, #tpu.memory_space<vmem>> -> memref<1x2x8x128xf32, #tpu.memory_space<vmem>>
    %dma_start3A_540 = tpu.memref_squeeze %dma_start3A_539 : memref<1x2x8x128xf32, #tpu.memory_space<vmem>> -> memref<2x8x128xf32, #tpu.memory_space<vmem>>
    %dma_start3A_541 = arith.constant 0 : i32
    %dma_start3A_542 = arith.constant 0 : i32
    %dma_start3A_543 = tpu.memref_slice %arg3[%dma_start3A_541, %dma_start3A_542, %multiple_of3A_533] : memref<2x8x1000000xf32, #tpu.memory_space<hbm>> -> memref<2x8x128xf32, #tpu.memory_space<hbm>>
    %dma_start3A_544 = tpu.memref_slice %arg9[%dma_start3A_535] : memref<2x!tpu.dma_semaphore, #tpu.memory_space<semaphore_mem>> -> memref<1x!tpu.dma_semaphore, #tpu.memory_space<semaphore_mem>>
    %dma_start3A_545 = tpu.memref_squeeze %dma_start3A_544 : memref<1x!tpu.dma_semaphore, #tpu.memory_space<semaphore_mem>> -> memref<!tpu.dma_semaphore, #tpu.memory_space<semaphore_mem>>
    %dma_start3A_546 = arith.constant 0 : i32
    %dma_start3A_547 = arith.constant 0 : i32
    %dma_start3A_548 = arith.constant 0 : i32
    %dma_start3A_549 = tpu.memref_slice %arg7[%dma_start3A_534, %dma_start3A_546, %dma_start3A_547, %dma_start3A_548] : memref<32x2x8x128xf32, #tpu.memory_space<vmem>> -> memref<1x2x8x128xf32, #tpu.memory_space<vmem>>
    %dma_start3A_550 = tpu.memref_squeeze %dma_start3A_549 : memref<1x2x8x128xf32, #tpu.memory_space<vmem>> -> memref<2x8x128xf32, #tpu.memory_space<vmem>>
    %dma_start3A_551 = arith.constant 0 : i32
    %dma_start3A_552 = arith.constant 0 : i32
    %dma_start3A_553 = tpu.memref_slice %arg3[%dma_start3A_551, %dma_start3A_552, %multiple_of3A_533] : memref<2x8x1000000xf32, #tpu.memory_space<hbm>> -> memref<2x8x128xf32, #tpu.memory_space<hbm>>
    tpu.enqueue_dma source(%dma_start3A_553 : memref<2x8x128xf32, #tpu.memory_space<hbm>>) target(%dma_start3A_550 : memref<2x8x128xf32, #tpu.memory_space<vmem>>) target_semaphore(%dma_start3A_545 : memref<!tpu.dma_semaphore, #tpu.memory_space<semaphore_mem>>)
    %slice3A_554 = vector.extract_strided_slice %mul3A_235 {offsets = [14], sizes = [1], strides = [1]} : vector<16xi32> to vector<1xi32>
    %squeeze3A_555 = vector.extract %slice3A_554[0] : i32 from vector<1xi32>
    %multiple_of3A_556 = tpu.assume_multiple %squeeze3A_555, 128 : i32
    %dma_start3A_557 = arith.constant 14 : i32
    %dma_start3A_558 = arith.constant 0 : i32
    %dma_start3A_559 = arith.constant 0 : i32
    %dma_start3A_560 = arith.constant 0 : i32
    %dma_start3A_561 = arith.constant 0 : i32
    %dma_start3A_562 = tpu.memref_slice %arg7[%dma_start3A_557, %dma_start3A_559, %dma_start3A_560, %dma_start3A_561] : memref<32x2x8x128xf32, #tpu.memory_space<vmem>> -> memref<1x2x8x128xf32, #tpu.memory_space<vmem>>
    %dma_start3A_563 = tpu.memref_squeeze %dma_start3A_562 : memref<1x2x8x128xf32, #tpu.memory_space<vmem>> -> memref<2x8x128xf32, #tpu.memory_space<vmem>>
    %dma_start3A_564 = arith.constant 0 : i32
    %dma_start3A_565 = arith.constant 0 : i32
    %dma_start3A_566 = tpu.memref_slice %arg3[%dma_start3A_564, %dma_start3A_565, %multiple_of3A_556] : memref<2x8x1000000xf32, #tpu.memory_space<hbm>> -> memref<2x8x128xf32, #tpu.memory_space<hbm>>
    %dma_start3A_567 = tpu.memref_slice %arg9[%dma_start3A_558] : memref<2x!tpu.dma_semaphore, #tpu.memory_space<semaphore_mem>> -> memref<1x!tpu.dma_semaphore, #tpu.memory_space<semaphore_mem>>
    %dma_start3A_568 = tpu.memref_squeeze %dma_start3A_567 : memref<1x!tpu.dma_semaphore, #tpu.memory_space<semaphore_mem>> -> memref<!tpu.dma_semaphore, #tpu.memory_space<semaphore_mem>>
    %dma_start3A_569 = arith.constant 0 : i32
    %dma_start3A_570 = arith.constant 0 : i32
    %dma_start3A_571 = arith.constant 0 : i32
    %dma_start3A_572 = tpu.memref_slice %arg7[%dma_start3A_557, %dma_start3A_569, %dma_start3A_570, %dma_start3A_571] : memref<32x2x8x128xf32, #tpu.memory_space<vmem>> -> memref<1x2x8x128xf32, #tpu.memory_space<vmem>>
    %dma_start3A_573 = tpu.memref_squeeze %dma_start3A_572 : memref<1x2x8x128xf32, #tpu.memory_space<vmem>> -> memref<2x8x128xf32, #tpu.memory_space<vmem>>
    %dma_start3A_574 = arith.constant 0 : i32
    %dma_start3A_575 = arith.constant 0 : i32
    %dma_start3A_576 = tpu.memref_slice %arg3[%dma_start3A_574, %dma_start3A_575, %multiple_of3A_556] : memref<2x8x1000000xf32, #tpu.memory_space<hbm>> -> memref<2x8x128xf32, #tpu.memory_space<hbm>>
    tpu.enqueue_dma source(%dma_start3A_576 : memref<2x8x128xf32, #tpu.memory_space<hbm>>) target(%dma_start3A_573 : memref<2x8x128xf32, #tpu.memory_space<vmem>>) target_semaphore(%dma_start3A_568 : memref<!tpu.dma_semaphore, #tpu.memory_space<semaphore_mem>>)
    %slice3A_577 = vector.extract_strided_slice %mul3A_235 {offsets = [15], sizes = [1], strides = [1]} : vector<16xi32> to vector<1xi32>
    %squeeze3A_578 = vector.extract %slice3A_577[0] : i32 from vector<1xi32>
    %multiple_of3A_579 = tpu.assume_multiple %squeeze3A_578, 128 : i32
    %dma_start3A_580 = arith.constant 15 : i32
    %dma_start3A_581 = arith.constant 0 : i32
    %dma_start3A_582 = arith.constant 0 : i32
    %dma_start3A_583 = arith.constant 0 : i32
    %dma_start3A_584 = arith.constant 0 : i32
    %dma_start3A_585 = tpu.memref_slice %arg7[%dma_start3A_580, %dma_start3A_582, %dma_start3A_583, %dma_start3A_584] : memref<32x2x8x128xf32, #tpu.memory_space<vmem>> -> memref<1x2x8x128xf32, #tpu.memory_space<vmem>>
    %dma_start3A_586 = tpu.memref_squeeze %dma_start3A_585 : memref<1x2x8x128xf32, #tpu.memory_space<vmem>> -> memref<2x8x128xf32, #tpu.memory_space<vmem>>
    %dma_start3A_587 = arith.constant 0 : i32
    %dma_start3A_588 = arith.constant 0 : i32
    %dma_start3A_589 = tpu.memref_slice %arg3[%dma_start3A_587, %dma_start3A_588, %multiple_of3A_579] : memref<2x8x1000000xf32, #tpu.memory_space<hbm>> -> memref<2x8x128xf32, #tpu.memory_space<hbm>>
    %dma_start3A_590 = tpu.memref_slice %arg9[%dma_start3A_581] : memref<2x!tpu.dma_semaphore, #tpu.memory_space<semaphore_mem>> -> memref<1x!tpu.dma_semaphore, #tpu.memory_space<semaphore_mem>>
    %dma_start3A_591 = tpu.memref_squeeze %dma_start3A_590 : memref<1x!tpu.dma_semaphore, #tpu.memory_space<semaphore_mem>> -> memref<!tpu.dma_semaphore, #tpu.memory_space<semaphore_mem>>
    %dma_start3A_592 = arith.constant 0 : i32
    %dma_start3A_593 = arith.constant 0 : i32
    %dma_start3A_594 = arith.constant 0 : i32
    %dma_start3A_595 = tpu.memref_slice %arg7[%dma_start3A_580, %dma_start3A_592, %dma_start3A_593, %dma_start3A_594] : memref<32x2x8x128xf32, #tpu.memory_space<vmem>> -> memref<1x2x8x128xf32, #tpu.memory_space<vmem>>
    %dma_start3A_596 = tpu.memref_squeeze %dma_start3A_595 : memref<1x2x8x128xf32, #tpu.memory_space<vmem>> -> memref<2x8x128xf32, #tpu.memory_space<vmem>>
    %dma_start3A_597 = arith.constant 0 : i32
    %dma_start3A_598 = arith.constant 0 : i32
    %dma_start3A_599 = tpu.memref_slice %arg3[%dma_start3A_597, %dma_start3A_598, %multiple_of3A_579] : memref<2x8x1000000xf32, #tpu.memory_space<hbm>> -> memref<2x8x128xf32, #tpu.memory_space<hbm>>
    tpu.enqueue_dma source(%dma_start3A_599 : memref<2x8x128xf32, #tpu.memory_space<hbm>>) target(%dma_start3A_596 : memref<2x8x128xf32, #tpu.memory_space<vmem>>) target_semaphore(%dma_start3A_591 : memref<!tpu.dma_semaphore, #tpu.memory_space<semaphore_mem>>)
    %scan3A = arith.constant 0 : i32
    %scan3A_600 = arith.constant 0 : i32
    %scan3A_601 = arith.constant 16 : i32
    %scan3A_602 = arith.addi %scan3A_600, %scan3A_601 : i32
    %scan3A_603 = arith.constant 1 : i32
    %scan3A_604 = scf.for %scan3A_606 = %scan3A_600 to %scan3A_602 step %scan3A_603 iter_args(%scan3A_607 = %scan3A) -> (i32)  : i32 {
      %mul3A_608 = arith.constant 2 : i32
      %mul3A_609 = arith.muli %mul3A_608, %scan3A_606 : i32
      %add3A_610 = arith.constant 1 : i32
      %add3A_611 = arith.addi %mul3A_609, %add3A_610 : i32
      %mul3A_612 = arith.constant 16 : i32
      %mul3A_613 = arith.muli %add3A_611, %mul3A_612 : i32
      %get3A_614 = arith.index_cast %mul3A_613 : i32 to index
      %get3A_615 = tpu.vector_load %arg8[%get3A_614] {strides = array<i32>} : memref<512xi32, #tpu.memory_space<vmem>>, vector<16xi32>,
      %shift_right_arithmetic3A_616 = arith.constant 7 : i32
      %shift_right_arithmetic3A_617 = vector.broadcast %shift_right_arithmetic3A_616 : i32 to vector<16xi32>
      %shift_right_arithmetic3A_618 = arith.shrsi %get3A_615, %shift_right_arithmetic3A_617 : vector<16xi32>
      %mul3A_619 = arith.constant 128 : i32
      %mul3A_620 = vector.broadcast %mul3A_619 : i32 to vector<16xi32>
      %mul3A_621 = arith.muli %shift_right_arithmetic3A_618, %mul3A_620 : vector<16xi32>
      %slice3A_622 = vector.extract_strided_slice %mul3A_621 {offsets = [0], sizes = [1], strides = [1]} : vector<16xi32> to vector<1xi32>
      %squeeze3A_623 = vector.extract %slice3A_622[0] : i32 from vector<1xi32>
      %multiple_of3A_624 = tpu.assume_multiple %squeeze3A_623, 128 : i32
      %dma_start3A_625 = arith.constant 16 : i32
      %dma_start3A_626 = arith.constant 1 : i32
      %dma_start3A_627 = arith.constant 0 : i32
      %dma_start3A_628 = arith.constant 0 : i32
      %dma_start3A_629 = arith.constant 0 : i32
      %dma_start3A_630 = tpu.memref_slice %arg7[%dma_start3A_625, %dma_start3A_627, %dma_start3A_628, %dma_start3A_629] : memref<32x2x8x128xf32, #tpu.memory_space<vmem>> -> memref<1x2x8x128xf32, #tpu.memory_space<vmem>>
      %dma_start3A_631 = tpu.memref_squeeze %dma_start3A_630 : memref<1x2x8x128xf32, #tpu.memory_space<vmem>> -> memref<2x8x128xf32, #tpu.memory_space<vmem>>
      %dma_start3A_632 = arith.constant 0 : i32
      %dma_start3A_633 = arith.constant 0 : i32
      %dma_start3A_634 = tpu.memref_slice %arg3[%dma_start3A_632, %dma_start3A_633, %multiple_of3A_624] : memref<2x8x1000000xf32, #tpu.memory_space<hbm>> -> memref<2x8x128xf32, #tpu.memory_space<hbm>>
      %dma_start3A_635 = tpu.memref_slice %arg9[%dma_start3A_626] : memref<2x!tpu.dma_semaphore, #tpu.memory_space<semaphore_mem>> -> memref<1x!tpu.dma_semaphore, #tpu.memory_space<semaphore_mem>>
      %dma_start3A_636 = tpu.memref_squeeze %dma_start3A_635 : memref<1x!tpu.dma_semaphore, #tpu.memory_space<semaphore_mem>> -> memref<!tpu.dma_semaphore, #tpu.memory_space<semaphore_mem>>
      %dma_start3A_637 = arith.constant 0 : i32
      %dma_start3A_638 = arith.constant 0 : i32
      %dma_start3A_639 = arith.constant 0 : i32
      %dma_start3A_640 = tpu.memref_slice %arg7[%dma_start3A_625, %dma_start3A_637, %dma_start3A_638, %dma_start3A_639] : memref<32x2x8x128xf32, #tpu.memory_space<vmem>> -> memref<1x2x8x128xf32, #tpu.memory_space<vmem>>
      %dma_start3A_641 = tpu.memref_squeeze %dma_start3A_640 : memref<1x2x8x128xf32, #tpu.memory_space<vmem>> -> memref<2x8x128xf32, #tpu.memory_space<vmem>>
      %dma_start3A_642 = arith.constant 0 : i32
      %dma_start3A_643 = arith.constant 0 : i32
      %dma_start3A_644 = tpu.memref_slice %arg3[%dma_start3A_642, %dma_start3A_643, %multiple_of3A_624] : memref<2x8x1000000xf32, #tpu.memory_space<hbm>> -> memref<2x8x128xf32, #tpu.memory_space<hbm>>
      tpu.enqueue_dma source(%dma_start3A_644 : memref<2x8x128xf32, #tpu.memory_space<hbm>>) target(%dma_start3A_641 : memref<2x8x128xf32, #tpu.memory_space<vmem>>) target_semaphore(%dma_start3A_636 : memref<!tpu.dma_semaphore, #tpu.memory_space<semaphore_mem>>)
      %slice3A_645 = vector.extract_strided_slice %mul3A_621 {offsets = [1], sizes = [1], strides = [1]} : vector<16xi32> to vector<1xi32>
      %squeeze3A_646 = vector.extract %slice3A_645[0] : i32 from vector<1xi32>
      %multiple_of3A_647 = tpu.assume_multiple %squeeze3A_646, 128 : i32
      %dma_start3A_648 = arith.constant 17 : i32
      %dma_start3A_649 = arith.constant 1 : i32
      %dma_start3A_650 = arith.constant 0 : i32
      %dma_start3A_651 = arith.constant 0 : i32
      %dma_start3A_652 = arith.constant 0 : i32
      %dma_start3A_653 = tpu.memref_slice %arg7[%dma_start3A_648, %dma_start3A_650, %dma_start3A_651, %dma_start3A_652] : memref<32x2x8x128xf32, #tpu.memory_space<vmem>> -> memref<1x2x8x128xf32, #tpu.memory_space<vmem>>
      %dma_start3A_654 = tpu.memref_squeeze %dma_start3A_653 : memref<1x2x8x128xf32, #tpu.memory_space<vmem>> -> memref<2x8x128xf32, #tpu.memory_space<vmem>>
      %dma_start3A_655 = arith.constant 0 : i32
      %dma_start3A_656 = arith.constant 0 : i32
      %dma_start3A_657 = tpu.memref_slice %arg3[%dma_start3A_655, %dma_start3A_656, %multiple_of3A_647] : memref<2x8x1000000xf32, #tpu.memory_space<hbm>> -> memref<2x8x128xf32, #tpu.memory_space<hbm>>
      %dma_start3A_658 = tpu.memref_slice %arg9[%dma_start3A_649] : memref<2x!tpu.dma_semaphore, #tpu.memory_space<semaphore_mem>> -> memref<1x!tpu.dma_semaphore, #tpu.memory_space<semaphore_mem>>
      %dma_start3A_659 = tpu.memref_squeeze %dma_start3A_658 : memref<1x!tpu.dma_semaphore, #tpu.memory_space<semaphore_mem>> -> memref<!tpu.dma_semaphore, #tpu.memory_space<semaphore_mem>>
      %dma_start3A_660 = arith.constant 0 : i32
      %dma_start3A_661 = arith.constant 0 : i32
      %dma_start3A_662 = arith.constant 0 : i32
      %dma_start3A_663 = tpu.memref_slice %arg7[%dma_start3A_648, %dma_start3A_660, %dma_start3A_661, %dma_start3A_662] : memref<32x2x8x128xf32, #tpu.memory_space<vmem>> -> memref<1x2x8x128xf32, #tpu.memory_space<vmem>>
      %dma_start3A_664 = tpu.memref_squeeze %dma_start3A_663 : memref<1x2x8x128xf32, #tpu.memory_space<vmem>> -> memref<2x8x128xf32, #tpu.memory_space<vmem>>
      %dma_start3A_665 = arith.constant 0 : i32
      %dma_start3A_666 = arith.constant 0 : i32
      %dma_start3A_667 = tpu.memref_slice %arg3[%dma_start3A_665, %dma_start3A_666, %multiple_of3A_647] : memref<2x8x1000000xf32, #tpu.memory_space<hbm>> -> memref<2x8x128xf32, #tpu.memory_space<hbm>>
      tpu.enqueue_dma source(%dma_start3A_667 : memref<2x8x128xf32, #tpu.memory_space<hbm>>) target(%dma_start3A_664 : memref<2x8x128xf32, #tpu.memory_space<vmem>>) target_semaphore(%dma_start3A_659 : memref<!tpu.dma_semaphore, #tpu.memory_space<semaphore_mem>>)
      %slice3A_668 = vector.extract_strided_slice %mul3A_621 {offsets = [2], sizes = [1], strides = [1]} : vector<16xi32> to vector<1xi32>
      %squeeze3A_669 = vector.extract %slice3A_668[0] : i32 from vector<1xi32>
      %multiple_of3A_670 = tpu.assume_multiple %squeeze3A_669, 128 : i32
      %dma_start3A_671 = arith.constant 18 : i32
      %dma_start3A_672 = arith.constant 1 : i32
      %dma_start3A_673 = arith.constant 0 : i32
      %dma_start3A_674 = arith.constant 0 : i32
      %dma_start3A_675 = arith.constant 0 : i32
      %dma_start3A_676 = tpu.memref_slice %arg7[%dma_start3A_671, %dma_start3A_673, %dma_start3A_674, %dma_start3A_675] : memref<32x2x8x128xf32, #tpu.memory_space<vmem>> -> memref<1x2x8x128xf32, #tpu.memory_space<vmem>>
      %dma_start3A_677 = tpu.memref_squeeze %dma_start3A_676 : memref<1x2x8x128xf32, #tpu.memory_space<vmem>> -> memref<2x8x128xf32, #tpu.memory_space<vmem>>
      %dma_start3A_678 = arith.constant 0 : i32
      %dma_start3A_679 = arith.constant 0 : i32
      %dma_start3A_680 = tpu.memref_slice %arg3[%dma_start3A_678, %dma_start3A_679, %multiple_of3A_670] : memref<2x8x1000000xf32, #tpu.memory_space<hbm>> -> memref<2x8x128xf32, #tpu.memory_space<hbm>>
      %dma_start3A_681 = tpu.memref_slice %arg9[%dma_start3A_672] : memref<2x!tpu.dma_semaphore, #tpu.memory_space<semaphore_mem>> -> memref<1x!tpu.dma_semaphore, #tpu.memory_space<semaphore_mem>>
      %dma_start3A_682 = tpu.memref_squeeze %dma_start3A_681 : memref<1x!tpu.dma_semaphore, #tpu.memory_space<semaphore_mem>> -> memref<!tpu.dma_semaphore, #tpu.memory_space<semaphore_mem>>
      %dma_start3A_683 = arith.constant 0 : i32
      %dma_start3A_684 = arith.constant 0 : i32
      %dma_start3A_685 = arith.constant 0 : i32
      %dma_start3A_686 = tpu.memref_slice %arg7[%dma_start3A_671, %dma_start3A_683, %dma_start3A_684, %dma_start3A_685] : memref<32x2x8x128xf32, #tpu.memory_space<vmem>> -> memref<1x2x8x128xf32, #tpu.memory_space<vmem>>
      %dma_start3A_687 = tpu.memref_squeeze %dma_start3A_686 : memref<1x2x8x128xf32, #tpu.memory_space<vmem>> -> memref<2x8x128xf32, #tpu.memory_space<vmem>>
      %dma_start3A_688 = arith.constant 0 : i32
      %dma_start3A_689 = arith.constant 0 : i32
      %dma_start3A_690 = tpu.memref_slice %arg3[%dma_start3A_688, %dma_start3A_689, %multiple_of3A_670] : memref<2x8x1000000xf32, #tpu.memory_space<hbm>> -> memref<2x8x128xf32, #tpu.memory_space<hbm>>
      tpu.enqueue_dma source(%dma_start3A_690 : memref<2x8x128xf32, #tpu.memory_space<hbm>>) target(%dma_start3A_687 : memref<2x8x128xf32, #tpu.memory_space<vmem>>) target_semaphore(%dma_start3A_682 : memref<!tpu.dma_semaphore, #tpu.memory_space<semaphore_mem>>)
      %slice3A_691 = vector.extract_strided_slice %mul3A_621 {offsets = [3], sizes = [1], strides = [1]} : vector<16xi32> to vector<1xi32>
      %squeeze3A_692 = vector.extract %slice3A_691[0] : i32 from vector<1xi32>
      %multiple_of3A_693 = tpu.assume_multiple %squeeze3A_692, 128 : i32
      %dma_start3A_694 = arith.constant 19 : i32
      %dma_start3A_695 = arith.constant 1 : i32
      %dma_start3A_696 = arith.constant 0 : i32
      %dma_start3A_697 = arith.constant 0 : i32
      %dma_start3A_698 = arith.constant 0 : i32
      %dma_start3A_699 = tpu.memref_slice %arg7[%dma_start3A_694, %dma_start3A_696, %dma_start3A_697, %dma_start3A_698] : memref<32x2x8x128xf32, #tpu.memory_space<vmem>> -> memref<1x2x8x128xf32, #tpu.memory_space<vmem>>
      %dma_start3A_700 = tpu.memref_squeeze %dma_start3A_699 : memref<1x2x8x128xf32, #tpu.memory_space<vmem>> -> memref<2x8x128xf32, #tpu.memory_space<vmem>>
      %dma_start3A_701 = arith.constant 0 : i32
      %dma_start3A_702 = arith.constant 0 : i32
      %dma_start3A_703 = tpu.memref_slice %arg3[%dma_start3A_701, %dma_start3A_702, %multiple_of3A_693] : memref<2x8x1000000xf32, #tpu.memory_space<hbm>> -> memref<2x8x128xf32, #tpu.memory_space<hbm>>
      %dma_start3A_704 = tpu.memref_slice %arg9[%dma_start3A_695] : memref<2x!tpu.dma_semaphore, #tpu.memory_space<semaphore_mem>> -> memref<1x!tpu.dma_semaphore, #tpu.memory_space<semaphore_mem>>
      %dma_start3A_705 = tpu.memref_squeeze %dma_start3A_704 : memref<1x!tpu.dma_semaphore, #tpu.memory_space<semaphore_mem>> -> memref<!tpu.dma_semaphore, #tpu.memory_space<semaphore_mem>>
      %dma_start3A_706 = arith.constant 0 : i32
      %dma_start3A_707 = arith.constant 0 : i32
      %dma_start3A_708 = arith.constant 0 : i32
      %dma_start3A_709 = tpu.memref_slice %arg7[%dma_start3A_694, %dma_start3A_706, %dma_start3A_707, %dma_start3A_708] : memref<32x2x8x128xf32, #tpu.memory_space<vmem>> -> memref<1x2x8x128xf32, #tpu.memory_space<vmem>>
      %dma_start3A_710 = tpu.memref_squeeze %dma_start3A_709 : memref<1x2x8x128xf32, #tpu.memory_space<vmem>> -> memref<2x8x128xf32, #tpu.memory_space<vmem>>
      %dma_start3A_711 = arith.constant 0 : i32
      %dma_start3A_712 = arith.constant 0 : i32
      %dma_start3A_713 = tpu.memref_slice %arg3[%dma_start3A_711, %dma_start3A_712, %multiple_of3A_693] : memref<2x8x1000000xf32, #tpu.memory_space<hbm>> -> memref<2x8x128xf32, #tpu.memory_space<hbm>>
      tpu.enqueue_dma source(%dma_start3A_713 : memref<2x8x128xf32, #tpu.memory_space<hbm>>) target(%dma_start3A_710 : memref<2x8x128xf32, #tpu.memory_space<vmem>>) target_semaphore(%dma_start3A_705 : memref<!tpu.dma_semaphore, #tpu.memory_space<semaphore_mem>>)
      %slice3A_714 = vector.extract_strided_slice %mul3A_621 {offsets = [4], sizes = [1], strides = [1]} : vector<16xi32> to vector<1xi32>
      %squeeze3A_715 = vector.extract %slice3A_714[0] : i32 from vector<1xi32>
      %multiple_of3A_716 = tpu.assume_multiple %squeeze3A_715, 128 : i32
      %dma_start3A_717 = arith.constant 20 : i32
      %dma_start3A_718 = arith.constant 1 : i32
      %dma_start3A_719 = arith.constant 0 : i32
      %dma_start3A_720 = arith.constant 0 : i32
      %dma_start3A_721 = arith.constant 0 : i32
      %dma_start3A_722 = tpu.memref_slice %arg7[%dma_start3A_717, %dma_start3A_719, %dma_start3A_720, %dma_start3A_721] : memref<32x2x8x128xf32, #tpu.memory_space<vmem>> -> memref<1x2x8x128xf32, #tpu.memory_space<vmem>>
      %dma_start3A_723 = tpu.memref_squeeze %dma_start3A_722 : memref<1x2x8x128xf32, #tpu.memory_space<vmem>> -> memref<2x8x128xf32, #tpu.memory_space<vmem>>
      %dma_start3A_724 = arith.constant 0 : i32
      %dma_start3A_725 = arith.constant 0 : i32
      %dma_start3A_726 = tpu.memref_slice %arg3[%dma_start3A_724, %dma_start3A_725, %multiple_of3A_716] : memref<2x8x1000000xf32, #tpu.memory_space<hbm>> -> memref<2x8x128xf32, #tpu.memory_space<hbm>>
      %dma_start3A_727 = tpu.memref_slice %arg9[%dma_start3A_718] : memref<2x!tpu.dma_semaphore, #tpu.memory_space<semaphore_mem>> -> memref<1x!tpu.dma_semaphore, #tpu.memory_space<semaphore_mem>>
      %dma_start3A_728 = tpu.memref_squeeze %dma_start3A_727 : memref<1x!tpu.dma_semaphore, #tpu.memory_space<semaphore_mem>> -> memref<!tpu.dma_semaphore, #tpu.memory_space<semaphore_mem>>
      %dma_start3A_729 = arith.constant 0 : i32
      %dma_start3A_730 = arith.constant 0 : i32
      %dma_start3A_731 = arith.constant 0 : i32
      %dma_start3A_732 = tpu.memref_slice %arg7[%dma_start3A_717, %dma_start3A_729, %dma_start3A_730, %dma_start3A_731] : memref<32x2x8x128xf32, #tpu.memory_space<vmem>> -> memref<1x2x8x128xf32, #tpu.memory_space<vmem>>
      %dma_start3A_733 = tpu.memref_squeeze %dma_start3A_732 : memref<1x2x8x128xf32, #tpu.memory_space<vmem>> -> memref<2x8x128xf32, #tpu.memory_space<vmem>>
      %dma_start3A_734 = arith.constant 0 : i32
      %dma_start3A_735 = arith.constant 0 : i32
      %dma_start3A_736 = tpu.memref_slice %arg3[%dma_start3A_734, %dma_start3A_735, %multiple_of3A_716] : memref<2x8x1000000xf32, #tpu.memory_space<hbm>> -> memref<2x8x128xf32, #tpu.memory_space<hbm>>
      tpu.enqueue_dma source(%dma_start3A_736 : memref<2x8x128xf32, #tpu.memory_space<hbm>>) target(%dma_start3A_733 : memref<2x8x128xf32, #tpu.memory_space<vmem>>) target_semaphore(%dma_start3A_728 : memref<!tpu.dma_semaphore, #tpu.memory_space<semaphore_mem>>)
      %slice3A_737 = vector.extract_strided_slice %mul3A_621 {offsets = [5], sizes = [1], strides = [1]} : vector<16xi32> to vector<1xi32>
      %squeeze3A_738 = vector.extract %slice3A_737[0] : i32 from vector<1xi32>
      %multiple_of3A_739 = tpu.assume_multiple %squeeze3A_738, 128 : i32
      %dma_start3A_740 = arith.constant 21 : i32
      %dma_start3A_741 = arith.constant 1 : i32
      %dma_start3A_742 = arith.constant 0 : i32
      %dma_start3A_743 = arith.constant 0 : i32
      %dma_start3A_744 = arith.constant 0 : i32
      %dma_start3A_745 = tpu.memref_slice %arg7[%dma_start3A_740, %dma_start3A_742, %dma_start3A_743, %dma_start3A_744] : memref<32x2x8x128xf32, #tpu.memory_space<vmem>> -> memref<1x2x8x128xf32, #tpu.memory_space<vmem>>
      %dma_start3A_746 = tpu.memref_squeeze %dma_start3A_745 : memref<1x2x8x128xf32, #tpu.memory_space<vmem>> -> memref<2x8x128xf32, #tpu.memory_space<vmem>>
      %dma_start3A_747 = arith.constant 0 : i32
      %dma_start3A_748 = arith.constant 0 : i32
      %dma_start3A_749 = tpu.memref_slice %arg3[%dma_start3A_747, %dma_start3A_748, %multiple_of3A_739] : memref<2x8x1000000xf32, #tpu.memory_space<hbm>> -> memref<2x8x128xf32, #tpu.memory_space<hbm>>
      %dma_start3A_750 = tpu.memref_slice %arg9[%dma_start3A_741] : memref<2x!tpu.dma_semaphore, #tpu.memory_space<semaphore_mem>> -> memref<1x!tpu.dma_semaphore, #tpu.memory_space<semaphore_mem>>
      %dma_start3A_751 = tpu.memref_squeeze %dma_start3A_750 : memref<1x!tpu.dma_semaphore, #tpu.memory_space<semaphore_mem>> -> memref<!tpu.dma_semaphore, #tpu.memory_space<semaphore_mem>>
      %dma_start3A_752 = arith.constant 0 : i32
      %dma_start3A_753 = arith.constant 0 : i32
      %dma_start3A_754 = arith.constant 0 : i32
      %dma_start3A_755 = tpu.memref_slice %arg7[%dma_start3A_740, %dma_start3A_752, %dma_start3A_753, %dma_start3A_754] : memref<32x2x8x128xf32, #tpu.memory_space<vmem>> -> memref<1x2x8x128xf32, #tpu.memory_space<vmem>>
      %dma_start3A_756 = tpu.memref_squeeze %dma_start3A_755 : memref<1x2x8x128xf32, #tpu.memory_space<vmem>> -> memref<2x8x128xf32, #tpu.memory_space<vmem>>
      %dma_start3A_757 = arith.constant 0 : i32
      %dma_start3A_758 = arith.constant 0 : i32
      %dma_start3A_759 = tpu.memref_slice %arg3[%dma_start3A_757, %dma_start3A_758, %multiple_of3A_739] : memref<2x8x1000000xf32, #tpu.memory_space<hbm>> -> memref<2x8x128xf32, #tpu.memory_space<hbm>>
      tpu.enqueue_dma source(%dma_start3A_759 : memref<2x8x128xf32, #tpu.memory_space<hbm>>) target(%dma_start3A_756 : memref<2x8x128xf32, #tpu.memory_space<vmem>>) target_semaphore(%dma_start3A_751 : memref<!tpu.dma_semaphore, #tpu.memory_space<semaphore_mem>>)
      %slice3A_760 = vector.extract_strided_slice %mul3A_621 {offsets = [6], sizes = [1], strides = [1]} : vector<16xi32> to vector<1xi32>
      %squeeze3A_761 = vector.extract %slice3A_760[0] : i32 from vector<1xi32>
      %multiple_of3A_762 = tpu.assume_multiple %squeeze3A_761, 128 : i32
      %dma_start3A_763 = arith.constant 22 : i32
      %dma_start3A_764 = arith.constant 1 : i32
      %dma_start3A_765 = arith.constant 0 : i32
      %dma_start3A_766 = arith.constant 0 : i32
      %dma_start3A_767 = arith.constant 0 : i32
      %dma_start3A_768 = tpu.memref_slice %arg7[%dma_start3A_763, %dma_start3A_765, %dma_start3A_766, %dma_start3A_767] : memref<32x2x8x128xf32, #tpu.memory_space<vmem>> -> memref<1x2x8x128xf32, #tpu.memory_space<vmem>>
      %dma_start3A_769 = tpu.memref_squeeze %dma_start3A_768 : memref<1x2x8x128xf32, #tpu.memory_space<vmem>> -> memref<2x8x128xf32, #tpu.memory_space<vmem>>
      %dma_start3A_770 = arith.constant 0 : i32
      %dma_start3A_771 = arith.constant 0 : i32
      %dma_start3A_772 = tpu.memref_slice %arg3[%dma_start3A_770, %dma_start3A_771, %multiple_of3A_762] : memref<2x8x1000000xf32, #tpu.memory_space<hbm>> -> memref<2x8x128xf32, #tpu.memory_space<hbm>>
      %dma_start3A_773 = tpu.memref_slice %arg9[%dma_start3A_764] : memref<2x!tpu.dma_semaphore, #tpu.memory_space<semaphore_mem>> -> memref<1x!tpu.dma_semaphore, #tpu.memory_space<semaphore_mem>>
      %dma_start3A_774 = tpu.memref_squeeze %dma_start3A_773 : memref<1x!tpu.dma_semaphore, #tpu.memory_space<semaphore_mem>> -> memref<!tpu.dma_semaphore, #tpu.memory_space<semaphore_mem>>
      %dma_start3A_775 = arith.constant 0 : i32
      %dma_start3A_776 = arith.constant 0 : i32
      %dma_start3A_777 = arith.constant 0 : i32
      %dma_start3A_778 = tpu.memref_slice %arg7[%dma_start3A_763, %dma_start3A_775, %dma_start3A_776, %dma_start3A_777] : memref<32x2x8x128xf32, #tpu.memory_space<vmem>> -> memref<1x2x8x128xf32, #tpu.memory_space<vmem>>
      %dma_start3A_779 = tpu.memref_squeeze %dma_start3A_778 : memref<1x2x8x128xf32, #tpu.memory_space<vmem>> -> memref<2x8x128xf32, #tpu.memory_space<vmem>>
      %dma_start3A_780 = arith.constant 0 : i32
      %dma_start3A_781 = arith.constant 0 : i32
      %dma_start3A_782 = tpu.memref_slice %arg3[%dma_start3A_780, %dma_start3A_781, %multiple_of3A_762] : memref<2x8x1000000xf32, #tpu.memory_space<hbm>> -> memref<2x8x128xf32, #tpu.memory_space<hbm>>
      tpu.enqueue_dma source(%dma_start3A_782 : memref<2x8x128xf32, #tpu.memory_space<hbm>>) target(%dma_start3A_779 : memref<2x8x128xf32, #tpu.memory_space<vmem>>) target_semaphore(%dma_start3A_774 : memref<!tpu.dma_semaphore, #tpu.memory_space<semaphore_mem>>)
      %slice3A_783 = vector.extract_strided_slice %mul3A_621 {offsets = [7], sizes = [1], strides = [1]} : vector<16xi32> to vector<1xi32>
      %squeeze3A_784 = vector.extract %slice3A_783[0] : i32 from vector<1xi32>
      %multiple_of3A_785 = tpu.assume_multiple %squeeze3A_784, 128 : i32
      %dma_start3A_786 = arith.constant 23 : i32
      %dma_start3A_787 = arith.constant 1 : i32
      %dma_start3A_788 = arith.constant 0 : i32
      %dma_start3A_789 = arith.constant 0 : i32
      %dma_start3A_790 = arith.constant 0 : i32
      %dma_start3A_791 = tpu.memref_slice %arg7[%dma_start3A_786, %dma_start3A_788, %dma_start3A_789, %dma_start3A_790] : memref<32x2x8x128xf32, #tpu.memory_space<vmem>> -> memref<1x2x8x128xf32, #tpu.memory_space<vmem>>
      %dma_start3A_792 = tpu.memref_squeeze %dma_start3A_791 : memref<1x2x8x128xf32, #tpu.memory_space<vmem>> -> memref<2x8x128xf32, #tpu.memory_space<vmem>>
      %dma_start3A_793 = arith.constant 0 : i32
      %dma_start3A_794 = arith.constant 0 : i32
      %dma_start3A_795 = tpu.memref_slice %arg3[%dma_start3A_793, %dma_start3A_794, %multiple_of3A_785] : memref<2x8x1000000xf32, #tpu.memory_space<hbm>> -> memref<2x8x128xf32, #tpu.memory_space<hbm>>
      %dma_start3A_796 = tpu.memref_slice %arg9[%dma_start3A_787] : memref<2x!tpu.dma_semaphore, #tpu.memory_space<semaphore_mem>> -> memref<1x!tpu.dma_semaphore, #tpu.memory_space<semaphore_mem>>
      %dma_start3A_797 = tpu.memref_squeeze %dma_start3A_796 : memref<1x!tpu.dma_semaphore, #tpu.memory_space<semaphore_mem>> -> memref<!tpu.dma_semaphore, #tpu.memory_space<semaphore_mem>>
      %dma_start3A_798 = arith.constant 0 : i32
      %dma_start3A_799 = arith.constant 0 : i32
      %dma_start3A_800 = arith.constant 0 : i32
      %dma_start3A_801 = tpu.memref_slice %arg7[%dma_start3A_786, %dma_start3A_798, %dma_start3A_799, %dma_start3A_800] : memref<32x2x8x128xf32, #tpu.memory_space<vmem>> -> memref<1x2x8x128xf32, #tpu.memory_space<vmem>>
      %dma_start3A_802 = tpu.memref_squeeze %dma_start3A_801 : memref<1x2x8x128xf32, #tpu.memory_space<vmem>> -> memref<2x8x128xf32, #tpu.memory_space<vmem>>
      %dma_start3A_803 = arith.constant 0 : i32
      %dma_start3A_804 = arith.constant 0 : i32
      %dma_start3A_805 = tpu.memref_slice %arg3[%dma_start3A_803, %dma_start3A_804, %multiple_of3A_785] : memref<2x8x1000000xf32, #tpu.memory_space<hbm>> -> memref<2x8x128xf32, #tpu.memory_space<hbm>>
      tpu.enqueue_dma source(%dma_start3A_805 : memref<2x8x128xf32, #tpu.memory_space<hbm>>) target(%dma_start3A_802 : memref<2x8x128xf32, #tpu.memory_space<vmem>>) target_semaphore(%dma_start3A_797 : memref<!tpu.dma_semaphore, #tpu.memory_space<semaphore_mem>>)
      %slice3A_806 = vector.extract_strided_slice %mul3A_621 {offsets = [8], sizes = [1], strides = [1]} : vector<16xi32> to vector<1xi32>
      %squeeze3A_807 = vector.extract %slice3A_806[0] : i32 from vector<1xi32>
      %multiple_of3A_808 = tpu.assume_multiple %squeeze3A_807, 128 : i32
      %dma_start3A_809 = arith.constant 24 : i32
      %dma_start3A_810 = arith.constant 1 : i32
      %dma_start3A_811 = arith.constant 0 : i32
      %dma_start3A_812 = arith.constant 0 : i32
      %dma_start3A_813 = arith.constant 0 : i32
      %dma_start3A_814 = tpu.memref_slice %arg7[%dma_start3A_809, %dma_start3A_811, %dma_start3A_812, %dma_start3A_813] : memref<32x2x8x128xf32, #tpu.memory_space<vmem>> -> memref<1x2x8x128xf32, #tpu.memory_space<vmem>>
      %dma_start3A_815 = tpu.memref_squeeze %dma_start3A_814 : memref<1x2x8x128xf32, #tpu.memory_space<vmem>> -> memref<2x8x128xf32, #tpu.memory_space<vmem>>
      %dma_start3A_816 = arith.constant 0 : i32
      %dma_start3A_817 = arith.constant 0 : i32
      %dma_start3A_818 = tpu.memref_slice %arg3[%dma_start3A_816, %dma_start3A_817, %multiple_of3A_808] : memref<2x8x1000000xf32, #tpu.memory_space<hbm>> -> memref<2x8x128xf32, #tpu.memory_space<hbm>>
      %dma_start3A_819 = tpu.memref_slice %arg9[%dma_start3A_810] : memref<2x!tpu.dma_semaphore, #tpu.memory_space<semaphore_mem>> -> memref<1x!tpu.dma_semaphore, #tpu.memory_space<semaphore_mem>>
      %dma_start3A_820 = tpu.memref_squeeze %dma_start3A_819 : memref<1x!tpu.dma_semaphore, #tpu.memory_space<semaphore_mem>> -> memref<!tpu.dma_semaphore, #tpu.memory_space<semaphore_mem>>
      %dma_start3A_821 = arith.constant 0 : i32
      %dma_start3A_822 = arith.constant 0 : i32
      %dma_start3A_823 = arith.constant 0 : i32
      %dma_start3A_824 = tpu.memref_slice %arg7[%dma_start3A_809, %dma_start3A_821, %dma_start3A_822, %dma_start3A_823] : memref<32x2x8x128xf32, #tpu.memory_space<vmem>> -> memref<1x2x8x128xf32, #tpu.memory_space<vmem>>
      %dma_start3A_825 = tpu.memref_squeeze %dma_start3A_824 : memref<1x2x8x128xf32, #tpu.memory_space<vmem>> -> memref<2x8x128xf32, #tpu.memory_space<vmem>>
      %dma_start3A_826 = arith.constant 0 : i32
      %dma_start3A_827 = arith.constant 0 : i32
      %dma_start3A_828 = tpu.memref_slice %arg3[%dma_start3A_826, %dma_start3A_827, %multiple_of3A_808] : memref<2x8x1000000xf32, #tpu.memory_space<hbm>> -> memref<2x8x128xf32, #tpu.memory_space<hbm>>
      tpu.enqueue_dma source(%dma_start3A_828 : memref<2x8x128xf32, #tpu.memory_space<hbm>>) target(%dma_start3A_825 : memref<2x8x128xf32, #tpu.memory_space<vmem>>) target_semaphore(%dma_start3A_820 : memref<!tpu.dma_semaphore, #tpu.memory_space<semaphore_mem>>)
      %slice3A_829 = vector.extract_strided_slice %mul3A_621 {offsets = [9], sizes = [1], strides = [1]} : vector<16xi32> to vector<1xi32>
      %squeeze3A_830 = vector.extract %slice3A_829[0] : i32 from vector<1xi32>
      %multiple_of3A_831 = tpu.assume_multiple %squeeze3A_830, 128 : i32
      %dma_start3A_832 = arith.constant 25 : i32
      %dma_start3A_833 = arith.constant 1 : i32
      %dma_start3A_834 = arith.constant 0 : i32
      %dma_start3A_835 = arith.constant 0 : i32
      %dma_start3A_836 = arith.constant 0 : i32
      %dma_start3A_837 = tpu.memref_slice %arg7[%dma_start3A_832, %dma_start3A_834, %dma_start3A_835, %dma_start3A_836] : memref<32x2x8x128xf32, #tpu.memory_space<vmem>> -> memref<1x2x8x128xf32, #tpu.memory_space<vmem>>
      %dma_start3A_838 = tpu.memref_squeeze %dma_start3A_837 : memref<1x2x8x128xf32, #tpu.memory_space<vmem>> -> memref<2x8x128xf32, #tpu.memory_space<vmem>>
      %dma_start3A_839 = arith.constant 0 : i32
      %dma_start3A_840 = arith.constant 0 : i32
      %dma_start3A_841 = tpu.memref_slice %arg3[%dma_start3A_839, %dma_start3A_840, %multiple_of3A_831] : memref<2x8x1000000xf32, #tpu.memory_space<hbm>> -> memref<2x8x128xf32, #tpu.memory_space<hbm>>
      %dma_start3A_842 = tpu.memref_slice %arg9[%dma_start3A_833] : memref<2x!tpu.dma_semaphore, #tpu.memory_space<semaphore_mem>> -> memref<1x!tpu.dma_semaphore, #tpu.memory_space<semaphore_mem>>
      %dma_start3A_843 = tpu.memref_squeeze %dma_start3A_842 : memref<1x!tpu.dma_semaphore, #tpu.memory_space<semaphore_mem>> -> memref<!tpu.dma_semaphore, #tpu.memory_space<semaphore_mem>>
      %dma_start3A_844 = arith.constant 0 : i32
      %dma_start3A_845 = arith.constant 0 : i32
      %dma_start3A_846 = arith.constant 0 : i32
      %dma_start3A_847 = tpu.memref_slice %arg7[%dma_start3A_832, %dma_start3A_844, %dma_start3A_845, %dma_start3A_846] : memref<32x2x8x128xf32, #tpu.memory_space<vmem>> -> memref<1x2x8x128xf32, #tpu.memory_space<vmem>>
      %dma_start3A_848 = tpu.memref_squeeze %dma_start3A_847 : memref<1x2x8x128xf32, #tpu.memory_space<vmem>> -> memref<2x8x128xf32, #tpu.memory_space<vmem>>
      %dma_start3A_849 = arith.constant 0 : i32
      %dma_start3A_850 = arith.constant 0 : i32
      %dma_start3A_851 = tpu.memref_slice %arg3[%dma_start3A_849, %dma_start3A_850, %multiple_of3A_831] : memref<2x8x1000000xf32, #tpu.memory_space<hbm>> -> memref<2x8x128xf32, #tpu.memory_space<hbm>>
      tpu.enqueue_dma source(%dma_start3A_851 : memref<2x8x128xf32, #tpu.memory_space<hbm>>) target(%dma_start3A_848 : memref<2x8x128xf32, #tpu.memory_space<vmem>>) target_semaphore(%dma_start3A_843 : memref<!tpu.dma_semaphore, #tpu.memory_space<semaphore_mem>>)
      %slice3A_852 = vector.extract_strided_slice %mul3A_621 {offsets = [10], sizes = [1], strides = [1]} : vector<16xi32> to vector<1xi32>
      %squeeze3A_853 = vector.extract %slice3A_852[0] : i32 from vector<1xi32>
      %multiple_of3A_854 = tpu.assume_multiple %squeeze3A_853, 128 : i32
      %dma_start3A_855 = arith.constant 26 : i32
      %dma_start3A_856 = arith.constant 1 : i32
      %dma_start3A_857 = arith.constant 0 : i32
      %dma_start3A_858 = arith.constant 0 : i32
      %dma_start3A_859 = arith.constant 0 : i32
      %dma_start3A_860 = tpu.memref_slice %arg7[%dma_start3A_855, %dma_start3A_857, %dma_start3A_858, %dma_start3A_859] : memref<32x2x8x128xf32, #tpu.memory_space<vmem>> -> memref<1x2x8x128xf32, #tpu.memory_space<vmem>>
      %dma_start3A_861 = tpu.memref_squeeze %dma_start3A_860 : memref<1x2x8x128xf32, #tpu.memory_space<vmem>> -> memref<2x8x128xf32, #tpu.memory_space<vmem>>
      %dma_start3A_862 = arith.constant 0 : i32
      %dma_start3A_863 = arith.constant 0 : i32
      %dma_start3A_864 = tpu.memref_slice %arg3[%dma_start3A_862, %dma_start3A_863, %multiple_of3A_854] : memref<2x8x1000000xf32, #tpu.memory_space<hbm>> -> memref<2x8x128xf32, #tpu.memory_space<hbm>>
      %dma_start3A_865 = tpu.memref_slice %arg9[%dma_start3A_856] : memref<2x!tpu.dma_semaphore, #tpu.memory_space<semaphore_mem>> -> memref<1x!tpu.dma_semaphore, #tpu.memory_space<semaphore_mem>>
      %dma_start3A_866 = tpu.memref_squeeze %dma_start3A_865 : memref<1x!tpu.dma_semaphore, #tpu.memory_space<semaphore_mem>> -> memref<!tpu.dma_semaphore, #tpu.memory_space<semaphore_mem>>
      %dma_start3A_867 = arith.constant 0 : i32
      %dma_start3A_868 = arith.constant 0 : i32
      %dma_start3A_869 = arith.constant 0 : i32
      %dma_start3A_870 = tpu.memref_slice %arg7[%dma_start3A_855, %dma_start3A_867, %dma_start3A_868, %dma_start3A_869] : memref<32x2x8x128xf32, #tpu.memory_space<vmem>> -> memref<1x2x8x128xf32, #tpu.memory_space<vmem>>
      %dma_start3A_871 = tpu.memref_squeeze %dma_start3A_870 : memref<1x2x8x128xf32, #tpu.memory_space<vmem>> -> memref<2x8x128xf32, #tpu.memory_space<vmem>>
      %dma_start3A_872 = arith.constant 0 : i32
      %dma_start3A_873 = arith.constant 0 : i32
      %dma_start3A_874 = tpu.memref_slice %arg3[%dma_start3A_872, %dma_start3A_873, %multiple_of3A_854] : memref<2x8x1000000xf32, #tpu.memory_space<hbm>> -> memref<2x8x128xf32, #tpu.memory_space<hbm>>
      tpu.enqueue_dma source(%dma_start3A_874 : memref<2x8x128xf32, #tpu.memory_space<hbm>>) target(%dma_start3A_871 : memref<2x8x128xf32, #tpu.memory_space<vmem>>) target_semaphore(%dma_start3A_866 : memref<!tpu.dma_semaphore, #tpu.memory_space<semaphore_mem>>)
      %slice3A_875 = vector.extract_strided_slice %mul3A_621 {offsets = [11], sizes = [1], strides = [1]} : vector<16xi32> to vector<1xi32>
      %squeeze3A_876 = vector.extract %slice3A_875[0] : i32 from vector<1xi32>
      %multiple_of3A_877 = tpu.assume_multiple %squeeze3A_876, 128 : i32
      %dma_start3A_878 = arith.constant 27 : i32
      %dma_start3A_879 = arith.constant 1 : i32
      %dma_start3A_880 = arith.constant 0 : i32
      %dma_start3A_881 = arith.constant 0 : i32
      %dma_start3A_882 = arith.constant 0 : i32
      %dma_start3A_883 = tpu.memref_slice %arg7[%dma_start3A_878, %dma_start3A_880, %dma_start3A_881, %dma_start3A_882] : memref<32x2x8x128xf32, #tpu.memory_space<vmem>> -> memref<1x2x8x128xf32, #tpu.memory_space<vmem>>
      %dma_start3A_884 = tpu.memref_squeeze %dma_start3A_883 : memref<1x2x8x128xf32, #tpu.memory_space<vmem>> -> memref<2x8x128xf32, #tpu.memory_space<vmem>>
      %dma_start3A_885 = arith.constant 0 : i32
      %dma_start3A_886 = arith.constant 0 : i32
      %dma_start3A_887 = tpu.memref_slice %arg3[%dma_start3A_885, %dma_start3A_886, %multiple_of3A_877] : memref<2x8x1000000xf32, #tpu.memory_space<hbm>> -> memref<2x8x128xf32, #tpu.memory_space<hbm>>
      %dma_start3A_888 = tpu.memref_slice %arg9[%dma_start3A_879] : memref<2x!tpu.dma_semaphore, #tpu.memory_space<semaphore_mem>> -> memref<1x!tpu.dma_semaphore, #tpu.memory_space<semaphore_mem>>
      %dma_start3A_889 = tpu.memref_squeeze %dma_start3A_888 : memref<1x!tpu.dma_semaphore, #tpu.memory_space<semaphore_mem>> -> memref<!tpu.dma_semaphore, #tpu.memory_space<semaphore_mem>>
      %dma_start3A_890 = arith.constant 0 : i32
      %dma_start3A_891 = arith.constant 0 : i32
      %dma_start3A_892 = arith.constant 0 : i32
      %dma_start3A_893 = tpu.memref_slice %arg7[%dma_start3A_878, %dma_start3A_890, %dma_start3A_891, %dma_start3A_892] : memref<32x2x8x128xf32, #tpu.memory_space<vmem>> -> memref<1x2x8x128xf32, #tpu.memory_space<vmem>>
      %dma_start3A_894 = tpu.memref_squeeze %dma_start3A_893 : memref<1x2x8x128xf32, #tpu.memory_space<vmem>> -> memref<2x8x128xf32, #tpu.memory_space<vmem>>
      %dma_start3A_895 = arith.constant 0 : i32
      %dma_start3A_896 = arith.constant 0 : i32
      %dma_start3A_897 = tpu.memref_slice %arg3[%dma_start3A_895, %dma_start3A_896, %multiple_of3A_877] : memref<2x8x1000000xf32, #tpu.memory_space<hbm>> -> memref<2x8x128xf32, #tpu.memory_space<hbm>>
      tpu.enqueue_dma source(%dma_start3A_897 : memref<2x8x128xf32, #tpu.memory_space<hbm>>) target(%dma_start3A_894 : memref<2x8x128xf32, #tpu.memory_space<vmem>>) target_semaphore(%dma_start3A_889 : memref<!tpu.dma_semaphore, #tpu.memory_space<semaphore_mem>>)
      %slice3A_898 = vector.extract_strided_slice %mul3A_621 {offsets = [12], sizes = [1], strides = [1]} : vector<16xi32> to vector<1xi32>
      %squeeze3A_899 = vector.extract %slice3A_898[0] : i32 from vector<1xi32>
      %multiple_of3A_900 = tpu.assume_multiple %squeeze3A_899, 128 : i32
      %dma_start3A_901 = arith.constant 28 : i32
      %dma_start3A_902 = arith.constant 1 : i32
      %dma_start3A_903 = arith.constant 0 : i32
      %dma_start3A_904 = arith.constant 0 : i32
      %dma_start3A_905 = arith.constant 0 : i32
      %dma_start3A_906 = tpu.memref_slice %arg7[%dma_start3A_901, %dma_start3A_903, %dma_start3A_904, %dma_start3A_905] : memref<32x2x8x128xf32, #tpu.memory_space<vmem>> -> memref<1x2x8x128xf32, #tpu.memory_space<vmem>>
      %dma_start3A_907 = tpu.memref_squeeze %dma_start3A_906 : memref<1x2x8x128xf32, #tpu.memory_space<vmem>> -> memref<2x8x128xf32, #tpu.memory_space<vmem>>
      %dma_start3A_908 = arith.constant 0 : i32
      %dma_start3A_909 = arith.constant 0 : i32
      %dma_start3A_910 = tpu.memref_slice %arg3[%dma_start3A_908, %dma_start3A_909, %multiple_of3A_900] : memref<2x8x1000000xf32, #tpu.memory_space<hbm>> -> memref<2x8x128xf32, #tpu.memory_space<hbm>>
      %dma_start3A_911 = tpu.memref_slice %arg9[%dma_start3A_902] : memref<2x!tpu.dma_semaphore, #tpu.memory_space<semaphore_mem>> -> memref<1x!tpu.dma_semaphore, #tpu.memory_space<semaphore_mem>>
      %dma_start3A_912 = tpu.memref_squeeze %dma_start3A_911 : memref<1x!tpu.dma_semaphore, #tpu.memory_space<semaphore_mem>> -> memref<!tpu.dma_semaphore, #tpu.memory_space<semaphore_mem>>
      %dma_start3A_913 = arith.constant 0 : i32
      %dma_start3A_914 = arith.constant 0 : i32
      %dma_start3A_915 = arith.constant 0 : i32
      %dma_start3A_916 = tpu.memref_slice %arg7[%dma_start3A_901, %dma_start3A_913, %dma_start3A_914, %dma_start3A_915] : memref<32x2x8x128xf32, #tpu.memory_space<vmem>> -> memref<1x2x8x128xf32, #tpu.memory_space<vmem>>
      %dma_start3A_917 = tpu.memref_squeeze %dma_start3A_916 : memref<1x2x8x128xf32, #tpu.memory_space<vmem>> -> memref<2x8x128xf32, #tpu.memory_space<vmem>>
      %dma_start3A_918 = arith.constant 0 : i32
      %dma_start3A_919 = arith.constant 0 : i32
      %dma_start3A_920 = tpu.memref_slice %arg3[%dma_start3A_918, %dma_start3A_919, %multiple_of3A_900] : memref<2x8x1000000xf32, #tpu.memory_space<hbm>> -> memref<2x8x128xf32, #tpu.memory_space<hbm>>
      tpu.enqueue_dma source(%dma_start3A_920 : memref<2x8x128xf32, #tpu.memory_space<hbm>>) target(%dma_start3A_917 : memref<2x8x128xf32, #tpu.memory_space<vmem>>) target_semaphore(%dma_start3A_912 : memref<!tpu.dma_semaphore, #tpu.memory_space<semaphore_mem>>)
      %slice3A_921 = vector.extract_strided_slice %mul3A_621 {offsets = [13], sizes = [1], strides = [1]} : vector<16xi32> to vector<1xi32>
      %squeeze3A_922 = vector.extract %slice3A_921[0] : i32 from vector<1xi32>
      %multiple_of3A_923 = tpu.assume_multiple %squeeze3A_922, 128 : i32
      %dma_start3A_924 = arith.constant 29 : i32
      %dma_start3A_925 = arith.constant 1 : i32
      %dma_start3A_926 = arith.constant 0 : i32
      %dma_start3A_927 = arith.constant 0 : i32
      %dma_start3A_928 = arith.constant 0 : i32
      %dma_start3A_929 = tpu.memref_slice %arg7[%dma_start3A_924, %dma_start3A_926, %dma_start3A_927, %dma_start3A_928] : memref<32x2x8x128xf32, #tpu.memory_space<vmem>> -> memref<1x2x8x128xf32, #tpu.memory_space<vmem>>
      %dma_start3A_930 = tpu.memref_squeeze %dma_start3A_929 : memref<1x2x8x128xf32, #tpu.memory_space<vmem>> -> memref<2x8x128xf32, #tpu.memory_space<vmem>>
      %dma_start3A_931 = arith.constant 0 : i32
      %dma_start3A_932 = arith.constant 0 : i32
      %dma_start3A_933 = tpu.memref_slice %arg3[%dma_start3A_931, %dma_start3A_932, %multiple_of3A_923] : memref<2x8x1000000xf32, #tpu.memory_space<hbm>> -> memref<2x8x128xf32, #tpu.memory_space<hbm>>
      %dma_start3A_934 = tpu.memref_slice %arg9[%dma_start3A_925] : memref<2x!tpu.dma_semaphore, #tpu.memory_space<semaphore_mem>> -> memref<1x!tpu.dma_semaphore, #tpu.memory_space<semaphore_mem>>
      %dma_start3A_935 = tpu.memref_squeeze %dma_start3A_934 : memref<1x!tpu.dma_semaphore, #tpu.memory_space<semaphore_mem>> -> memref<!tpu.dma_semaphore, #tpu.memory_space<semaphore_mem>>
      %dma_start3A_936 = arith.constant 0 : i32
      %dma_start3A_937 = arith.constant 0 : i32
      %dma_start3A_938 = arith.constant 0 : i32
      %dma_start3A_939 = tpu.memref_slice %arg7[%dma_start3A_924, %dma_start3A_936, %dma_start3A_937, %dma_start3A_938] : memref<32x2x8x128xf32, #tpu.memory_space<vmem>> -> memref<1x2x8x128xf32, #tpu.memory_space<vmem>>
      %dma_start3A_940 = tpu.memref_squeeze %dma_start3A_939 : memref<1x2x8x128xf32, #tpu.memory_space<vmem>> -> memref<2x8x128xf32, #tpu.memory_space<vmem>>
      %dma_start3A_941 = arith.constant 0 : i32
      %dma_start3A_942 = arith.constant 0 : i32
      %dma_start3A_943 = tpu.memref_slice %arg3[%dma_start3A_941, %dma_start3A_942, %multiple_of3A_923] : memref<2x8x1000000xf32, #tpu.memory_space<hbm>> -> memref<2x8x128xf32, #tpu.memory_space<hbm>>
      tpu.enqueue_dma source(%dma_start3A_943 : memref<2x8x128xf32, #tpu.memory_space<hbm>>) target(%dma_start3A_940 : memref<2x8x128xf32, #tpu.memory_space<vmem>>) target_semaphore(%dma_start3A_935 : memref<!tpu.dma_semaphore, #tpu.memory_space<semaphore_mem>>)
      %slice3A_944 = vector.extract_strided_slice %mul3A_621 {offsets = [14], sizes = [1], strides = [1]} : vector<16xi32> to vector<1xi32>
      %squeeze3A_945 = vector.extract %slice3A_944[0] : i32 from vector<1xi32>
      %multiple_of3A_946 = tpu.assume_multiple %squeeze3A_945, 128 : i32
      %dma_start3A_947 = arith.constant 30 : i32
      %dma_start3A_948 = arith.constant 1 : i32
      %dma_start3A_949 = arith.constant 0 : i32
      %dma_start3A_950 = arith.constant 0 : i32
      %dma_start3A_951 = arith.constant 0 : i32
      %dma_start3A_952 = tpu.memref_slice %arg7[%dma_start3A_947, %dma_start3A_949, %dma_start3A_950, %dma_start3A_951] : memref<32x2x8x128xf32, #tpu.memory_space<vmem>> -> memref<1x2x8x128xf32, #tpu.memory_space<vmem>>
      %dma_start3A_953 = tpu.memref_squeeze %dma_start3A_952 : memref<1x2x8x128xf32, #tpu.memory_space<vmem>> -> memref<2x8x128xf32, #tpu.memory_space<vmem>>
      %dma_start3A_954 = arith.constant 0 : i32
      %dma_start3A_955 = arith.constant 0 : i32
      %dma_start3A_956 = tpu.memref_slice %arg3[%dma_start3A_954, %dma_start3A_955, %multiple_of3A_946] : memref<2x8x1000000xf32, #tpu.memory_space<hbm>> -> memref<2x8x128xf32, #tpu.memory_space<hbm>>
      %dma_start3A_957 = tpu.memref_slice %arg9[%dma_start3A_948] : memref<2x!tpu.dma_semaphore, #tpu.memory_space<semaphore_mem>> -> memref<1x!tpu.dma_semaphore, #tpu.memory_space<semaphore_mem>>
      %dma_start3A_958 = tpu.memref_squeeze %dma_start3A_957 : memref<1x!tpu.dma_semaphore, #tpu.memory_space<semaphore_mem>> -> memref<!tpu.dma_semaphore, #tpu.memory_space<semaphore_mem>>
      %dma_start3A_959 = arith.constant 0 : i32
      %dma_start3A_960 = arith.constant 0 : i32
      %dma_start3A_961 = arith.constant 0 : i32
      %dma_start3A_962 = tpu.memref_slice %arg7[%dma_start3A_947, %dma_start3A_959, %dma_start3A_960, %dma_start3A_961] : memref<32x2x8x128xf32, #tpu.memory_space<vmem>> -> memref<1x2x8x128xf32, #tpu.memory_space<vmem>>
      %dma_start3A_963 = tpu.memref_squeeze %dma_start3A_962 : memref<1x2x8x128xf32, #tpu.memory_space<vmem>> -> memref<2x8x128xf32, #tpu.memory_space<vmem>>
      %dma_start3A_964 = arith.constant 0 : i32
      %dma_start3A_965 = arith.constant 0 : i32
      %dma_start3A_966 = tpu.memref_slice %arg3[%dma_start3A_964, %dma_start3A_965, %multiple_of3A_946] : memref<2x8x1000000xf32, #tpu.memory_space<hbm>> -> memref<2x8x128xf32, #tpu.memory_space<hbm>>
      tpu.enqueue_dma source(%dma_start3A_966 : memref<2x8x128xf32, #tpu.memory_space<hbm>>) target(%dma_start3A_963 : memref<2x8x128xf32, #tpu.memory_space<vmem>>) target_semaphore(%dma_start3A_958 : memref<!tpu.dma_semaphore, #tpu.memory_space<semaphore_mem>>)
      %slice3A_967 = vector.extract_strided_slice %mul3A_621 {offsets = [15], sizes = [1], strides = [1]} : vector<16xi32> to vector<1xi32>
      %squeeze3A_968 = vector.extract %slice3A_967[0] : i32 from vector<1xi32>
      %multiple_of3A_969 = tpu.assume_multiple %squeeze3A_968, 128 : i32
      %dma_start3A_970 = arith.constant 31 : i32
      %dma_start3A_971 = arith.constant 1 : i32
      %dma_start3A_972 = arith.constant 0 : i32
      %dma_start3A_973 = arith.constant 0 : i32
      %dma_start3A_974 = arith.constant 0 : i32
      %dma_start3A_975 = tpu.memref_slice %arg7[%dma_start3A_970, %dma_start3A_972, %dma_start3A_973, %dma_start3A_974] : memref<32x2x8x128xf32, #tpu.memory_space<vmem>> -> memref<1x2x8x128xf32, #tpu.memory_space<vmem>>
      %dma_start3A_976 = tpu.memref_squeeze %dma_start3A_975 : memref<1x2x8x128xf32, #tpu.memory_space<vmem>> -> memref<2x8x128xf32, #tpu.memory_space<vmem>>
      %dma_start3A_977 = arith.constant 0 : i32
      %dma_start3A_978 = arith.constant 0 : i32
      %dma_start3A_979 = tpu.memref_slice %arg3[%dma_start3A_977, %dma_start3A_978, %multiple_of3A_969] : memref<2x8x1000000xf32, #tpu.memory_space<hbm>> -> memref<2x8x128xf32, #tpu.memory_space<hbm>>
      %dma_start3A_980 = tpu.memref_slice %arg9[%dma_start3A_971] : memref<2x!tpu.dma_semaphore, #tpu.memory_space<semaphore_mem>> -> memref<1x!tpu.dma_semaphore, #tpu.memory_space<semaphore_mem>>
      %dma_start3A_981 = tpu.memref_squeeze %dma_start3A_980 : memref<1x!tpu.dma_semaphore, #tpu.memory_space<semaphore_mem>> -> memref<!tpu.dma_semaphore, #tpu.memory_space<semaphore_mem>>
      %dma_start3A_982 = arith.constant 0 : i32
      %dma_start3A_983 = arith.constant 0 : i32
      %dma_start3A_984 = arith.constant 0 : i32
      %dma_start3A_985 = tpu.memref_slice %arg7[%dma_start3A_970, %dma_start3A_982, %dma_start3A_983, %dma_start3A_984] : memref<32x2x8x128xf32, #tpu.memory_space<vmem>> -> memref<1x2x8x128xf32, #tpu.memory_space<vmem>>
      %dma_start3A_986 = tpu.memref_squeeze %dma_start3A_985 : memref<1x2x8x128xf32, #tpu.memory_space<vmem>> -> memref<2x8x128xf32, #tpu.memory_space<vmem>>
      %dma_start3A_987 = arith.constant 0 : i32
      %dma_start3A_988 = arith.constant 0 : i32
      %dma_start3A_989 = tpu.memref_slice %arg3[%dma_start3A_987, %dma_start3A_988, %multiple_of3A_969] : memref<2x8x1000000xf32, #tpu.memory_space<hbm>> -> memref<2x8x128xf32, #tpu.memory_space<hbm>>
      tpu.enqueue_dma source(%dma_start3A_989 : memref<2x8x128xf32, #tpu.memory_space<hbm>>) target(%dma_start3A_986 : memref<2x8x128xf32, #tpu.memory_space<vmem>>) target_semaphore(%dma_start3A_981 : memref<!tpu.dma_semaphore, #tpu.memory_space<semaphore_mem>>)
      %mul3A_990 = arith.constant 2 : i32
      %mul3A_991 = arith.muli %mul3A_990, %scan3A_606 : i32
      %mul3A_992 = arith.constant 16 : i32
      %mul3A_993 = arith.muli %mul3A_991, %mul3A_992 : i32
      %get3A_994 = arith.index_cast %mul3A_993 : i32 to index
      %get3A_995 = tpu.vector_load %arg8[%get3A_994] {strides = array<i32>} : memref<512xi32, #tpu.memory_space<vmem>>, vector<16xi32>,
      %and3A_996 = arith.constant 127 : i32
      %and3A_997 = vector.broadcast %and3A_996 : i32 to vector<16xi32>
      %and3A_998 = arith.andi %get3A_995, %and3A_997 : vector<16xi32>
      %dma_wait3A = arith.constant 0 : i32
      %dma_wait3A_999 = arith.constant 0 : i32
      %dma_wait3A_1000 = arith.constant 0 : i32
      %dma_wait3A_1001 = arith.constant 0 : i32
      %dma_wait3A_1002 = arith.constant 0 : i32
      %dma_wait3A_1003 = tpu.memref_slice %arg7[%dma_wait3A, %dma_wait3A_1000, %dma_wait3A_1001, %dma_wait3A_1002] : memref<32x2x8x128xf32, #tpu.memory_space<vmem>> -> memref<1x2x8x128xf32, #tpu.memory_space<vmem>>
      %dma_wait3A_1004 = tpu.memref_squeeze %dma_wait3A_1003 : memref<1x2x8x128xf32, #tpu.memory_space<vmem>> -> memref<2x8x128xf32, #tpu.memory_space<vmem>>
      %dma_wait3A_1005 = arith.constant 0 : i32
      %dma_wait3A_1006 = arith.constant 0 : i32
      %dma_wait3A_1007 = arith.constant 0 : i32
      %dma_wait3A_1008 = tpu.memref_slice %arg3[%dma_wait3A_1005, %dma_wait3A_1006, %dma_wait3A_1007] : memref<2x8x1000000xf32, #tpu.memory_space<hbm>> -> memref<2x8x128xf32, #tpu.memory_space<hbm>>
      %dma_wait3A_1009 = tpu.memref_slice %arg9[%dma_wait3A_999] : memref<2x!tpu.dma_semaphore, #tpu.memory_space<semaphore_mem>> -> memref<1x!tpu.dma_semaphore, #tpu.memory_space<semaphore_mem>>
      %dma_wait3A_1010 = tpu.memref_squeeze %dma_wait3A_1009 : memref<1x!tpu.dma_semaphore, #tpu.memory_space<semaphore_mem>> -> memref<!tpu.dma_semaphore, #tpu.memory_space<semaphore_mem>>
      %dma_wait3A_1011 = arith.constant 0 : i32
      %dma_wait3A_1012 = arith.constant 0 : i32
      %dma_wait3A_1013 = arith.constant 0 : i32
      %dma_wait3A_1014 = tpu.memref_slice %arg7[%dma_wait3A, %dma_wait3A_1011, %dma_wait3A_1012, %dma_wait3A_1013] : memref<32x2x8x128xf32, #tpu.memory_space<vmem>> -> memref<1x2x8x128xf32, #tpu.memory_space<vmem>>
      %dma_wait3A_1015 = tpu.memref_squeeze %dma_wait3A_1014 : memref<1x2x8x128xf32, #tpu.memory_space<vmem>> -> memref<2x8x128xf32, #tpu.memory_space<vmem>>
      %dma_wait3A_1016 = arith.constant 0 : i32
      %dma_wait3A_1017 = arith.constant 0 : i32
      %dma_wait3A_1018 = arith.constant 0 : i32
      %dma_wait3A_1019 = tpu.memref_slice %arg3[%dma_wait3A_1016, %dma_wait3A_1017, %dma_wait3A_1018] : memref<2x8x1000000xf32, #tpu.memory_space<hbm>> -> memref<2x8x128xf32, #tpu.memory_space<hbm>>
      tpu.wait_dma2 semaphore(%dma_wait3A_1010 : memref<!tpu.dma_semaphore, #tpu.memory_space<semaphore_mem>>) src(%dma_wait3A_1019 : memref<2x8x128xf32, #tpu.memory_space<hbm>>) dst(%dma_wait3A_1015 : memref<2x8x128xf32, #tpu.memory_space<vmem>>)
      %dma_wait3A_1020 = arith.constant 1 : i32
      %dma_wait3A_1021 = arith.constant 0 : i32
      %dma_wait3A_1022 = arith.constant 0 : i32
      %dma_wait3A_1023 = arith.constant 0 : i32
      %dma_wait3A_1024 = arith.constant 0 : i32
      %dma_wait3A_1025 = tpu.memref_slice %arg7[%dma_wait3A_1020, %dma_wait3A_1022, %dma_wait3A_1023, %dma_wait3A_1024] : memref<32x2x8x128xf32, #tpu.memory_space<vmem>> -> memref<1x2x8x128xf32, #tpu.memory_space<vmem>>
      %dma_wait3A_1026 = tpu.memref_squeeze %dma_wait3A_1025 : memref<1x2x8x128xf32, #tpu.memory_space<vmem>> -> memref<2x8x128xf32, #tpu.memory_space<vmem>>
      %dma_wait3A_1027 = arith.constant 0 : i32
      %dma_wait3A_1028 = arith.constant 0 : i32
      %dma_wait3A_1029 = arith.constant 0 : i32
      %dma_wait3A_1030 = tpu.memref_slice %arg3[%dma_wait3A_1027, %dma_wait3A_1028, %dma_wait3A_1029] : memref<2x8x1000000xf32, #tpu.memory_space<hbm>> -> memref<2x8x128xf32, #tpu.memory_space<hbm>>
      %dma_wait3A_1031 = tpu.memref_slice %arg9[%dma_wait3A_1021] : memref<2x!tpu.dma_semaphore, #tpu.memory_space<semaphore_mem>> -> memref<1x!tpu.dma_semaphore, #tpu.memory_space<semaphore_mem>>
      %dma_wait3A_1032 = tpu.memref_squeeze %dma_wait3A_1031 : memref<1x!tpu.dma_semaphore, #tpu.memory_space<semaphore_mem>> -> memref<!tpu.dma_semaphore, #tpu.memory_space<semaphore_mem>>
      %dma_wait3A_1033 = arith.constant 0 : i32
      %dma_wait3A_1034 = arith.constant 0 : i32
      %dma_wait3A_1035 = arith.constant 0 : i32
      %dma_wait3A_1036 = tpu.memref_slice %arg7[%dma_wait3A_1020, %dma_wait3A_1033, %dma_wait3A_1034, %dma_wait3A_1035] : memref<32x2x8x128xf32, #tpu.memory_space<vmem>> -> memref<1x2x8x128xf32, #tpu.memory_space<vmem>>
      %dma_wait3A_1037 = tpu.memref_squeeze %dma_wait3A_1036 : memref<1x2x8x128xf32, #tpu.memory_space<vmem>> -> memref<2x8x128xf32, #tpu.memory_space<vmem>>
      %dma_wait3A_1038 = arith.constant 0 : i32
      %dma_wait3A_1039 = arith.constant 0 : i32
      %dma_wait3A_1040 = arith.constant 0 : i32
      %dma_wait3A_1041 = tpu.memref_slice %arg3[%dma_wait3A_1038, %dma_wait3A_1039, %dma_wait3A_1040] : memref<2x8x1000000xf32, #tpu.memory_space<hbm>> -> memref<2x8x128xf32, #tpu.memory_space<hbm>>
      tpu.wait_dma2 semaphore(%dma_wait3A_1032 : memref<!tpu.dma_semaphore, #tpu.memory_space<semaphore_mem>>) src(%dma_wait3A_1041 : memref<2x8x128xf32, #tpu.memory_space<hbm>>) dst(%dma_wait3A_1037 : memref<2x8x128xf32, #tpu.memory_space<vmem>>)
      %dma_wait3A_1042 = arith.constant 2 : i32
      %dma_wait3A_1043 = arith.constant 0 : i32
      %dma_wait3A_1044 = arith.constant 0 : i32
      %dma_wait3A_1045 = arith.constant 0 : i32
      %dma_wait3A_1046 = arith.constant 0 : i32
      %dma_wait3A_1047 = tpu.memref_slice %arg7[%dma_wait3A_1042, %dma_wait3A_1044, %dma_wait3A_1045, %dma_wait3A_1046] : memref<32x2x8x128xf32, #tpu.memory_space<vmem>> -> memref<1x2x8x128xf32, #tpu.memory_space<vmem>>
      %dma_wait3A_1048 = tpu.memref_squeeze %dma_wait3A_1047 : memref<1x2x8x128xf32, #tpu.memory_space<vmem>> -> memref<2x8x128xf32, #tpu.memory_space<vmem>>
      %dma_wait3A_1049 = arith.constant 0 : i32
      %dma_wait3A_1050 = arith.constant 0 : i32
      %dma_wait3A_1051 = arith.constant 0 : i32
      %dma_wait3A_1052 = tpu.memref_slice %arg3[%dma_wait3A_1049, %dma_wait3A_1050, %dma_wait3A_1051] : memref<2x8x1000000xf32, #tpu.memory_space<hbm>> -> memref<2x8x128xf32, #tpu.memory_space<hbm>>
      %dma_wait3A_1053 = tpu.memref_slice %arg9[%dma_wait3A_1043] : memref<2x!tpu.dma_semaphore, #tpu.memory_space<semaphore_mem>> -> memref<1x!tpu.dma_semaphore, #tpu.memory_space<semaphore_mem>>
      %dma_wait3A_1054 = tpu.memref_squeeze %dma_wait3A_1053 : memref<1x!tpu.dma_semaphore, #tpu.memory_space<semaphore_mem>> -> memref<!tpu.dma_semaphore, #tpu.memory_space<semaphore_mem>>
      %dma_wait3A_1055 = arith.constant 0 : i32
      %dma_wait3A_1056 = arith.constant 0 : i32
      %dma_wait3A_1057 = arith.constant 0 : i32
      %dma_wait3A_1058 = tpu.memref_slice %arg7[%dma_wait3A_1042, %dma_wait3A_1055, %dma_wait3A_1056, %dma_wait3A_1057] : memref<32x2x8x128xf32, #tpu.memory_space<vmem>> -> memref<1x2x8x128xf32, #tpu.memory_space<vmem>>
      %dma_wait3A_1059 = tpu.memref_squeeze %dma_wait3A_1058 : memref<1x2x8x128xf32, #tpu.memory_space<vmem>> -> memref<2x8x128xf32, #tpu.memory_space<vmem>>
      %dma_wait3A_1060 = arith.constant 0 : i32
      %dma_wait3A_1061 = arith.constant 0 : i32
      %dma_wait3A_1062 = arith.constant 0 : i32
      %dma_wait3A_1063 = tpu.memref_slice %arg3[%dma_wait3A_1060, %dma_wait3A_1061, %dma_wait3A_1062] : memref<2x8x1000000xf32, #tpu.memory_space<hbm>> -> memref<2x8x128xf32, #tpu.memory_space<hbm>>
      tpu.wait_dma2 semaphore(%dma_wait3A_1054 : memref<!tpu.dma_semaphore, #tpu.memory_space<semaphore_mem>>) src(%dma_wait3A_1063 : memref<2x8x128xf32, #tpu.memory_space<hbm>>) dst(%dma_wait3A_1059 : memref<2x8x128xf32, #tpu.memory_space<vmem>>)
      %dma_wait3A_1064 = arith.constant 3 : i32
      %dma_wait3A_1065 = arith.constant 0 : i32
      %dma_wait3A_1066 = arith.constant 0 : i32
      %dma_wait3A_1067 = arith.constant 0 : i32
      %dma_wait3A_1068 = arith.constant 0 : i32
      %dma_wait3A_1069 = tpu.memref_slice %arg7[%dma_wait3A_1064, %dma_wait3A_1066, %dma_wait3A_1067, %dma_wait3A_1068] : memref<32x2x8x128xf32, #tpu.memory_space<vmem>> -> memref<1x2x8x128xf32, #tpu.memory_space<vmem>>
      %dma_wait3A_1070 = tpu.memref_squeeze %dma_wait3A_1069 : memref<1x2x8x128xf32, #tpu.memory_space<vmem>> -> memref<2x8x128xf32, #tpu.memory_space<vmem>>
      %dma_wait3A_1071 = arith.constant 0 : i32
      %dma_wait3A_1072 = arith.constant 0 : i32
      %dma_wait3A_1073 = arith.constant 0 : i32
      %dma_wait3A_1074 = tpu.memref_slice %arg3[%dma_wait3A_1071, %dma_wait3A_1072, %dma_wait3A_1073] : memref<2x8x1000000xf32, #tpu.memory_space<hbm>> -> memref<2x8x128xf32, #tpu.memory_space<hbm>>
      %dma_wait3A_1075 = tpu.memref_slice %arg9[%dma_wait3A_1065] : memref<2x!tpu.dma_semaphore, #tpu.memory_space<semaphore_mem>> -> memref<1x!tpu.dma_semaphore, #tpu.memory_space<semaphore_mem>>
      %dma_wait3A_1076 = tpu.memref_squeeze %dma_wait3A_1075 : memref<1x!tpu.dma_semaphore, #tpu.memory_space<semaphore_mem>> -> memref<!tpu.dma_semaphore, #tpu.memory_space<semaphore_mem>>
      %dma_wait3A_1077 = arith.constant 0 : i32
      %dma_wait3A_1078 = arith.constant 0 : i32
      %dma_wait3A_1079 = arith.constant 0 : i32
      %dma_wait3A_1080 = tpu.memref_slice %arg7[%dma_wait3A_1064, %dma_wait3A_1077, %dma_wait3A_1078, %dma_wait3A_1079] : memref<32x2x8x128xf32, #tpu.memory_space<vmem>> -> memref<1x2x8x128xf32, #tpu.memory_space<vmem>>
      %dma_wait3A_1081 = tpu.memref_squeeze %dma_wait3A_1080 : memref<1x2x8x128xf32, #tpu.memory_space<vmem>> -> memref<2x8x128xf32, #tpu.memory_space<vmem>>
      %dma_wait3A_1082 = arith.constant 0 : i32
      %dma_wait3A_1083 = arith.constant 0 : i32
      %dma_wait3A_1084 = arith.constant 0 : i32
      %dma_wait3A_1085 = tpu.memref_slice %arg3[%dma_wait3A_1082, %dma_wait3A_1083, %dma_wait3A_1084] : memref<2x8x1000000xf32, #tpu.memory_space<hbm>> -> memref<2x8x128xf32, #tpu.memory_space<hbm>>
      tpu.wait_dma2 semaphore(%dma_wait3A_1076 : memref<!tpu.dma_semaphore, #tpu.memory_space<semaphore_mem>>) src(%dma_wait3A_1085 : memref<2x8x128xf32, #tpu.memory_space<hbm>>) dst(%dma_wait3A_1081 : memref<2x8x128xf32, #tpu.memory_space<vmem>>)
      %dma_wait3A_1086 = arith.constant 4 : i32
      %dma_wait3A_1087 = arith.constant 0 : i32
      %dma_wait3A_1088 = arith.constant 0 : i32
      %dma_wait3A_1089 = arith.constant 0 : i32
      %dma_wait3A_1090 = arith.constant 0 : i32
      %dma_wait3A_1091 = tpu.memref_slice %arg7[%dma_wait3A_1086, %dma_wait3A_1088, %dma_wait3A_1089, %dma_wait3A_1090] : memref<32x2x8x128xf32, #tpu.memory_space<vmem>> -> memref<1x2x8x128xf32, #tpu.memory_space<vmem>>
      %dma_wait3A_1092 = tpu.memref_squeeze %dma_wait3A_1091 : memref<1x2x8x128xf32, #tpu.memory_space<vmem>> -> memref<2x8x128xf32, #tpu.memory_space<vmem>>
      %dma_wait3A_1093 = arith.constant 0 : i32
      %dma_wait3A_1094 = arith.constant 0 : i32
      %dma_wait3A_1095 = arith.constant 0 : i32
      %dma_wait3A_1096 = tpu.memref_slice %arg3[%dma_wait3A_1093, %dma_wait3A_1094, %dma_wait3A_1095] : memref<2x8x1000000xf32, #tpu.memory_space<hbm>> -> memref<2x8x128xf32, #tpu.memory_space<hbm>>
      %dma_wait3A_1097 = tpu.memref_slice %arg9[%dma_wait3A_1087] : memref<2x!tpu.dma_semaphore, #tpu.memory_space<semaphore_mem>> -> memref<1x!tpu.dma_semaphore, #tpu.memory_space<semaphore_mem>>
      %dma_wait3A_1098 = tpu.memref_squeeze %dma_wait3A_1097 : memref<1x!tpu.dma_semaphore, #tpu.memory_space<semaphore_mem>> -> memref<!tpu.dma_semaphore, #tpu.memory_space<semaphore_mem>>
      %dma_wait3A_1099 = arith.constant 0 : i32
      %dma_wait3A_1100 = arith.constant 0 : i32
      %dma_wait3A_1101 = arith.constant 0 : i32
      %dma_wait3A_1102 = tpu.memref_slice %arg7[%dma_wait3A_1086, %dma_wait3A_1099, %dma_wait3A_1100, %dma_wait3A_1101] : memref<32x2x8x128xf32, #tpu.memory_space<vmem>> -> memref<1x2x8x128xf32, #tpu.memory_space<vmem>>
      %dma_wait3A_1103 = tpu.memref_squeeze %dma_wait3A_1102 : memref<1x2x8x128xf32, #tpu.memory_space<vmem>> -> memref<2x8x128xf32, #tpu.memory_space<vmem>>
      %dma_wait3A_1104 = arith.constant 0 : i32
      %dma_wait3A_1105 = arith.constant 0 : i32
      %dma_wait3A_1106 = arith.constant 0 : i32
      %dma_wait3A_1107 = tpu.memref_slice %arg3[%dma_wait3A_1104, %dma_wait3A_1105, %dma_wait3A_1106] : memref<2x8x1000000xf32, #tpu.memory_space<hbm>> -> memref<2x8x128xf32, #tpu.memory_space<hbm>>
      tpu.wait_dma2 semaphore(%dma_wait3A_1098 : memref<!tpu.dma_semaphore, #tpu.memory_space<semaphore_mem>>) src(%dma_wait3A_1107 : memref<2x8x128xf32, #tpu.memory_space<hbm>>) dst(%dma_wait3A_1103 : memref<2x8x128xf32, #tpu.memory_space<vmem>>)
      %dma_wait3A_1108 = arith.constant 5 : i32
      %dma_wait3A_1109 = arith.constant 0 : i32
      %dma_wait3A_1110 = arith.constant 0 : i32
      %dma_wait3A_1111 = arith.constant 0 : i32
      %dma_wait3A_1112 = arith.constant 0 : i32
      %dma_wait3A_1113 = tpu.memref_slice %arg7[%dma_wait3A_1108, %dma_wait3A_1110, %dma_wait3A_1111, %dma_wait3A_1112] : memref<32x2x8x128xf32, #tpu.memory_space<vmem>> -> memref<1x2x8x128xf32, #tpu.memory_space<vmem>>
      %dma_wait3A_1114 = tpu.memref_squeeze %dma_wait3A_1113 : memref<1x2x8x128xf32, #tpu.memory_space<vmem>> -> memref<2x8x128xf32, #tpu.memory_space<vmem>>
      %dma_wait3A_1115 = arith.constant 0 : i32
      %dma_wait3A_1116 = arith.constant 0 : i32
      %dma_wait3A_1117 = arith.constant 0 : i32
      %dma_wait3A_1118 = tpu.memref_slice %arg3[%dma_wait3A_1115, %dma_wait3A_1116, %dma_wait3A_1117] : memref<2x8x1000000xf32, #tpu.memory_space<hbm>> -> memref<2x8x128xf32, #tpu.memory_space<hbm>>
      %dma_wait3A_1119 = tpu.memref_slice %arg9[%dma_wait3A_1109] : memref<2x!tpu.dma_semaphore, #tpu.memory_space<semaphore_mem>> -> memref<1x!tpu.dma_semaphore, #tpu.memory_space<semaphore_mem>>
      %dma_wait3A_1120 = tpu.memref_squeeze %dma_wait3A_1119 : memref<1x!tpu.dma_semaphore, #tpu.memory_space<semaphore_mem>> -> memref<!tpu.dma_semaphore, #tpu.memory_space<semaphore_mem>>
      %dma_wait3A_1121 = arith.constant 0 : i32
      %dma_wait3A_1122 = arith.constant 0 : i32
      %dma_wait3A_1123 = arith.constant 0 : i32
      %dma_wait3A_1124 = tpu.memref_slice %arg7[%dma_wait3A_1108, %dma_wait3A_1121, %dma_wait3A_1122, %dma_wait3A_1123] : memref<32x2x8x128xf32, #tpu.memory_space<vmem>> -> memref<1x2x8x128xf32, #tpu.memory_space<vmem>>
      %dma_wait3A_1125 = tpu.memref_squeeze %dma_wait3A_1124 : memref<1x2x8x128xf32, #tpu.memory_space<vmem>> -> memref<2x8x128xf32, #tpu.memory_space<vmem>>
      %dma_wait3A_1126 = arith.constant 0 : i32
      %dma_wait3A_1127 = arith.constant 0 : i32
      %dma_wait3A_1128 = arith.constant 0 : i32
      %dma_wait3A_1129 = tpu.memref_slice %arg3[%dma_wait3A_1126, %dma_wait3A_1127, %dma_wait3A_1128] : memref<2x8x1000000xf32, #tpu.memory_space<hbm>> -> memref<2x8x128xf32, #tpu.memory_space<hbm>>
      tpu.wait_dma2 semaphore(%dma_wait3A_1120 : memref<!tpu.dma_semaphore, #tpu.memory_space<semaphore_mem>>) src(%dma_wait3A_1129 : memref<2x8x128xf32, #tpu.memory_space<hbm>>) dst(%dma_wait3A_1125 : memref<2x8x128xf32, #tpu.memory_space<vmem>>)
      %dma_wait3A_1130 = arith.constant 6 : i32
      %dma_wait3A_1131 = arith.constant 0 : i32
      %dma_wait3A_1132 = arith.constant 0 : i32
      %dma_wait3A_1133 = arith.constant 0 : i32
      %dma_wait3A_1134 = arith.constant 0 : i32
      %dma_wait3A_1135 = tpu.memref_slice %arg7[%dma_wait3A_1130, %dma_wait3A_1132, %dma_wait3A_1133, %dma_wait3A_1134] : memref<32x2x8x128xf32, #tpu.memory_space<vmem>> -> memref<1x2x8x128xf32, #tpu.memory_space<vmem>>
      %dma_wait3A_1136 = tpu.memref_squeeze %dma_wait3A_1135 : memref<1x2x8x128xf32, #tpu.memory_space<vmem>> -> memref<2x8x128xf32, #tpu.memory_space<vmem>>
      %dma_wait3A_1137 = arith.constant 0 : i32
      %dma_wait3A_1138 = arith.constant 0 : i32
      %dma_wait3A_1139 = arith.constant 0 : i32
      %dma_wait3A_1140 = tpu.memref_slice %arg3[%dma_wait3A_1137, %dma_wait3A_1138, %dma_wait3A_1139] : memref<2x8x1000000xf32, #tpu.memory_space<hbm>> -> memref<2x8x128xf32, #tpu.memory_space<hbm>>
      %dma_wait3A_1141 = tpu.memref_slice %arg9[%dma_wait3A_1131] : memref<2x!tpu.dma_semaphore, #tpu.memory_space<semaphore_mem>> -> memref<1x!tpu.dma_semaphore, #tpu.memory_space<semaphore_mem>>
      %dma_wait3A_1142 = tpu.memref_squeeze %dma_wait3A_1141 : memref<1x!tpu.dma_semaphore, #tpu.memory_space<semaphore_mem>> -> memref<!tpu.dma_semaphore, #tpu.memory_space<semaphore_mem>>
      %dma_wait3A_1143 = arith.constant 0 : i32
      %dma_wait3A_1144 = arith.constant 0 : i32
      %dma_wait3A_1145 = arith.constant 0 : i32
      %dma_wait3A_1146 = tpu.memref_slice %arg7[%dma_wait3A_1130, %dma_wait3A_1143, %dma_wait3A_1144, %dma_wait3A_1145] : memref<32x2x8x128xf32, #tpu.memory_space<vmem>> -> memref<1x2x8x128xf32, #tpu.memory_space<vmem>>
      %dma_wait3A_1147 = tpu.memref_squeeze %dma_wait3A_1146 : memref<1x2x8x128xf32, #tpu.memory_space<vmem>> -> memref<2x8x128xf32, #tpu.memory_space<vmem>>
      %dma_wait3A_1148 = arith.constant 0 : i32
      %dma_wait3A_1149 = arith.constant 0 : i32
      %dma_wait3A_1150 = arith.constant 0 : i32
      %dma_wait3A_1151 = tpu.memref_slice %arg3[%dma_wait3A_1148, %dma_wait3A_1149, %dma_wait3A_1150] : memref<2x8x1000000xf32, #tpu.memory_space<hbm>> -> memref<2x8x128xf32, #tpu.memory_space<hbm>>
      tpu.wait_dma2 semaphore(%dma_wait3A_1142 : memref<!tpu.dma_semaphore, #tpu.memory_space<semaphore_mem>>) src(%dma_wait3A_1151 : memref<2x8x128xf32, #tpu.memory_space<hbm>>) dst(%dma_wait3A_1147 : memref<2x8x128xf32, #tpu.memory_space<vmem>>)
      %dma_wait3A_1152 = arith.constant 7 : i32
      %dma_wait3A_1153 = arith.constant 0 : i32
      %dma_wait3A_1154 = arith.constant 0 : i32
      %dma_wait3A_1155 = arith.constant 0 : i32
      %dma_wait3A_1156 = arith.constant 0 : i32
      %dma_wait3A_1157 = tpu.memref_slice %arg7[%dma_wait3A_1152, %dma_wait3A_1154, %dma_wait3A_1155, %dma_wait3A_1156] : memref<32x2x8x128xf32, #tpu.memory_space<vmem>> -> memref<1x2x8x128xf32, #tpu.memory_space<vmem>>
      %dma_wait3A_1158 = tpu.memref_squeeze %dma_wait3A_1157 : memref<1x2x8x128xf32, #tpu.memory_space<vmem>> -> memref<2x8x128xf32, #tpu.memory_space<vmem>>
      %dma_wait3A_1159 = arith.constant 0 : i32
      %dma_wait3A_1160 = arith.constant 0 : i32
      %dma_wait3A_1161 = arith.constant 0 : i32
      %dma_wait3A_1162 = tpu.memref_slice %arg3[%dma_wait3A_1159, %dma_wait3A_1160, %dma_wait3A_1161] : memref<2x8x1000000xf32, #tpu.memory_space<hbm>> -> memref<2x8x128xf32, #tpu.memory_space<hbm>>
      %dma_wait3A_1163 = tpu.memref_slice %arg9[%dma_wait3A_1153] : memref<2x!tpu.dma_semaphore, #tpu.memory_space<semaphore_mem>> -> memref<1x!tpu.dma_semaphore, #tpu.memory_space<semaphore_mem>>
      %dma_wait3A_1164 = tpu.memref_squeeze %dma_wait3A_1163 : memref<1x!tpu.dma_semaphore, #tpu.memory_space<semaphore_mem>> -> memref<!tpu.dma_semaphore, #tpu.memory_space<semaphore_mem>>
      %dma_wait3A_1165 = arith.constant 0 : i32
      %dma_wait3A_1166 = arith.constant 0 : i32
      %dma_wait3A_1167 = arith.constant 0 : i32
      %dma_wait3A_1168 = tpu.memref_slice %arg7[%dma_wait3A_1152, %dma_wait3A_1165, %dma_wait3A_1166, %dma_wait3A_1167] : memref<32x2x8x128xf32, #tpu.memory_space<vmem>> -> memref<1x2x8x128xf32, #tpu.memory_space<vmem>>
      %dma_wait3A_1169 = tpu.memref_squeeze %dma_wait3A_1168 : memref<1x2x8x128xf32, #tpu.memory_space<vmem>> -> memref<2x8x128xf32, #tpu.memory_space<vmem>>
      %dma_wait3A_1170 = arith.constant 0 : i32
      %dma_wait3A_1171 = arith.constant 0 : i32
      %dma_wait3A_1172 = arith.constant 0 : i32
      %dma_wait3A_1173 = tpu.memref_slice %arg3[%dma_wait3A_1170, %dma_wait3A_1171, %dma_wait3A_1172] : memref<2x8x1000000xf32, #tpu.memory_space<hbm>> -> memref<2x8x128xf32, #tpu.memory_space<hbm>>
      tpu.wait_dma2 semaphore(%dma_wait3A_1164 : memref<!tpu.dma_semaphore, #tpu.memory_space<semaphore_mem>>) src(%dma_wait3A_1173 : memref<2x8x128xf32, #tpu.memory_space<hbm>>) dst(%dma_wait3A_1169 : memref<2x8x128xf32, #tpu.memory_space<vmem>>)
      %dma_wait3A_1174 = arith.constant 8 : i32
      %dma_wait3A_1175 = arith.constant 0 : i32
      %dma_wait3A_1176 = arith.constant 0 : i32
      %dma_wait3A_1177 = arith.constant 0 : i32
      %dma_wait3A_1178 = arith.constant 0 : i32
      %dma_wait3A_1179 = tpu.memref_slice %arg7[%dma_wait3A_1174, %dma_wait3A_1176, %dma_wait3A_1177, %dma_wait3A_1178] : memref<32x2x8x128xf32, #tpu.memory_space<vmem>> -> memref<1x2x8x128xf32, #tpu.memory_space<vmem>>
      %dma_wait3A_1180 = tpu.memref_squeeze %dma_wait3A_1179 : memref<1x2x8x128xf32, #tpu.memory_space<vmem>> -> memref<2x8x128xf32, #tpu.memory_space<vmem>>
      %dma_wait3A_1181 = arith.constant 0 : i32
      %dma_wait3A_1182 = arith.constant 0 : i32
      %dma_wait3A_1183 = arith.constant 0 : i32
      %dma_wait3A_1184 = tpu.memref_slice %arg3[%dma_wait3A_1181, %dma_wait3A_1182, %dma_wait3A_1183] : memref<2x8x1000000xf32, #tpu.memory_space<hbm>> -> memref<2x8x128xf32, #tpu.memory_space<hbm>>
      %dma_wait3A_1185 = tpu.memref_slice %arg9[%dma_wait3A_1175] : memref<2x!tpu.dma_semaphore, #tpu.memory_space<semaphore_mem>> -> memref<1x!tpu.dma_semaphore, #tpu.memory_space<semaphore_mem>>
      %dma_wait3A_1186 = tpu.memref_squeeze %dma_wait3A_1185 : memref<1x!tpu.dma_semaphore, #tpu.memory_space<semaphore_mem>> -> memref<!tpu.dma_semaphore, #tpu.memory_space<semaphore_mem>>
      %dma_wait3A_1187 = arith.constant 0 : i32
      %dma_wait3A_1188 = arith.constant 0 : i32
      %dma_wait3A_1189 = arith.constant 0 : i32
      %dma_wait3A_1190 = tpu.memref_slice %arg7[%dma_wait3A_1174, %dma_wait3A_1187, %dma_wait3A_1188, %dma_wait3A_1189] : memref<32x2x8x128xf32, #tpu.memory_space<vmem>> -> memref<1x2x8x128xf32, #tpu.memory_space<vmem>>
      %dma_wait3A_1191 = tpu.memref_squeeze %dma_wait3A_1190 : memref<1x2x8x128xf32, #tpu.memory_space<vmem>> -> memref<2x8x128xf32, #tpu.memory_space<vmem>>
      %dma_wait3A_1192 = arith.constant 0 : i32
      %dma_wait3A_1193 = arith.constant 0 : i32
      %dma_wait3A_1194 = arith.constant 0 : i32
      %dma_wait3A_1195 = tpu.memref_slice %arg3[%dma_wait3A_1192, %dma_wait3A_1193, %dma_wait3A_1194] : memref<2x8x1000000xf32, #tpu.memory_space<hbm>> -> memref<2x8x128xf32, #tpu.memory_space<hbm>>
      tpu.wait_dma2 semaphore(%dma_wait3A_1186 : memref<!tpu.dma_semaphore, #tpu.memory_space<semaphore_mem>>) src(%dma_wait3A_1195 : memref<2x8x128xf32, #tpu.memory_space<hbm>>) dst(%dma_wait3A_1191 : memref<2x8x128xf32, #tpu.memory_space<vmem>>)
      %dma_wait3A_1196 = arith.constant 9 : i32
      %dma_wait3A_1197 = arith.constant 0 : i32
      %dma_wait3A_1198 = arith.constant 0 : i32
      %dma_wait3A_1199 = arith.constant 0 : i32
      %dma_wait3A_1200 = arith.constant 0 : i32
      %dma_wait3A_1201 = tpu.memref_slice %arg7[%dma_wait3A_1196, %dma_wait3A_1198, %dma_wait3A_1199, %dma_wait3A_1200] : memref<32x2x8x128xf32, #tpu.memory_space<vmem>> -> memref<1x2x8x128xf32, #tpu.memory_space<vmem>>
      %dma_wait3A_1202 = tpu.memref_squeeze %dma_wait3A_1201 : memref<1x2x8x128xf32, #tpu.memory_space<vmem>> -> memref<2x8x128xf32, #tpu.memory_space<vmem>>
      %dma_wait3A_1203 = arith.constant 0 : i32
      %dma_wait3A_1204 = arith.constant 0 : i32
      %dma_wait3A_1205 = arith.constant 0 : i32
      %dma_wait3A_1206 = tpu.memref_slice %arg3[%dma_wait3A_1203, %dma_wait3A_1204, %dma_wait3A_1205] : memref<2x8x1000000xf32, #tpu.memory_space<hbm>> -> memref<2x8x128xf32, #tpu.memory_space<hbm>>
      %dma_wait3A_1207 = tpu.memref_slice %arg9[%dma_wait3A_1197] : memref<2x!tpu.dma_semaphore, #tpu.memory_space<semaphore_mem>> -> memref<1x!tpu.dma_semaphore, #tpu.memory_space<semaphore_mem>>
      %dma_wait3A_1208 = tpu.memref_squeeze %dma_wait3A_1207 : memref<1x!tpu.dma_semaphore, #tpu.memory_space<semaphore_mem>> -> memref<!tpu.dma_semaphore, #tpu.memory_space<semaphore_mem>>
      %dma_wait3A_1209 = arith.constant 0 : i32
      %dma_wait3A_1210 = arith.constant 0 : i32
      %dma_wait3A_1211 = arith.constant 0 : i32
      %dma_wait3A_1212 = tpu.memref_slice %arg7[%dma_wait3A_1196, %dma_wait3A_1209, %dma_wait3A_1210, %dma_wait3A_1211] : memref<32x2x8x128xf32, #tpu.memory_space<vmem>> -> memref<1x2x8x128xf32, #tpu.memory_space<vmem>>
      %dma_wait3A_1213 = tpu.memref_squeeze %dma_wait3A_1212 : memref<1x2x8x128xf32, #tpu.memory_space<vmem>> -> memref<2x8x128xf32, #tpu.memory_space<vmem>>
      %dma_wait3A_1214 = arith.constant 0 : i32
      %dma_wait3A_1215 = arith.constant 0 : i32
      %dma_wait3A_1216 = arith.constant 0 : i32
      %dma_wait3A_1217 = tpu.memref_slice %arg3[%dma_wait3A_1214, %dma_wait3A_1215, %dma_wait3A_1216] : memref<2x8x1000000xf32, #tpu.memory_space<hbm>> -> memref<2x8x128xf32, #tpu.memory_space<hbm>>
      tpu.wait_dma2 semaphore(%dma_wait3A_1208 : memref<!tpu.dma_semaphore, #tpu.memory_space<semaphore_mem>>) src(%dma_wait3A_1217 : memref<2x8x128xf32, #tpu.memory_space<hbm>>) dst(%dma_wait3A_1213 : memref<2x8x128xf32, #tpu.memory_space<vmem>>)
      %dma_wait3A_1218 = arith.constant 10 : i32
      %dma_wait3A_1219 = arith.constant 0 : i32
      %dma_wait3A_1220 = arith.constant 0 : i32
      %dma_wait3A_1221 = arith.constant 0 : i32
      %dma_wait3A_1222 = arith.constant 0 : i32
      %dma_wait3A_1223 = tpu.memref_slice %arg7[%dma_wait3A_1218, %dma_wait3A_1220, %dma_wait3A_1221, %dma_wait3A_1222] : memref<32x2x8x128xf32, #tpu.memory_space<vmem>> -> memref<1x2x8x128xf32, #tpu.memory_space<vmem>>
      %dma_wait3A_1224 = tpu.memref_squeeze %dma_wait3A_1223 : memref<1x2x8x128xf32, #tpu.memory_space<vmem>> -> memref<2x8x128xf32, #tpu.memory_space<vmem>>
      %dma_wait3A_1225 = arith.constant 0 : i32
      %dma_wait3A_1226 = arith.constant 0 : i32
      %dma_wait3A_1227 = arith.constant 0 : i32
      %dma_wait3A_1228 = tpu.memref_slice %arg3[%dma_wait3A_1225, %dma_wait3A_1226, %dma_wait3A_1227] : memref<2x8x1000000xf32, #tpu.memory_space<hbm>> -> memref<2x8x128xf32, #tpu.memory_space<hbm>>
      %dma_wait3A_1229 = tpu.memref_slice %arg9[%dma_wait3A_1219] : memref<2x!tpu.dma_semaphore, #tpu.memory_space<semaphore_mem>> -> memref<1x!tpu.dma_semaphore, #tpu.memory_space<semaphore_mem>>
      %dma_wait3A_1230 = tpu.memref_squeeze %dma_wait3A_1229 : memref<1x!tpu.dma_semaphore, #tpu.memory_space<semaphore_mem>> -> memref<!tpu.dma_semaphore, #tpu.memory_space<semaphore_mem>>
      %dma_wait3A_1231 = arith.constant 0 : i32
      %dma_wait3A_1232 = arith.constant 0 : i32
      %dma_wait3A_1233 = arith.constant 0 : i32
      %dma_wait3A_1234 = tpu.memref_slice %arg7[%dma_wait3A_1218, %dma_wait3A_1231, %dma_wait3A_1232, %dma_wait3A_1233] : memref<32x2x8x128xf32, #tpu.memory_space<vmem>> -> memref<1x2x8x128xf32, #tpu.memory_space<vmem>>
      %dma_wait3A_1235 = tpu.memref_squeeze %dma_wait3A_1234 : memref<1x2x8x128xf32, #tpu.memory_space<vmem>> -> memref<2x8x128xf32, #tpu.memory_space<vmem>>
      %dma_wait3A_1236 = arith.constant 0 : i32
      %dma_wait3A_1237 = arith.constant 0 : i32
      %dma_wait3A_1238 = arith.constant 0 : i32
      %dma_wait3A_1239 = tpu.memref_slice %arg3[%dma_wait3A_1236, %dma_wait3A_1237, %dma_wait3A_1238] : memref<2x8x1000000xf32, #tpu.memory_space<hbm>> -> memref<2x8x128xf32, #tpu.memory_space<hbm>>
      tpu.wait_dma2 semaphore(%dma_wait3A_1230 : memref<!tpu.dma_semaphore, #tpu.memory_space<semaphore_mem>>) src(%dma_wait3A_1239 : memref<2x8x128xf32, #tpu.memory_space<hbm>>) dst(%dma_wait3A_1235 : memref<2x8x128xf32, #tpu.memory_space<vmem>>)
      %dma_wait3A_1240 = arith.constant 11 : i32
      %dma_wait3A_1241 = arith.constant 0 : i32
      %dma_wait3A_1242 = arith.constant 0 : i32
      %dma_wait3A_1243 = arith.constant 0 : i32
      %dma_wait3A_1244 = arith.constant 0 : i32
      %dma_wait3A_1245 = tpu.memref_slice %arg7[%dma_wait3A_1240, %dma_wait3A_1242, %dma_wait3A_1243, %dma_wait3A_1244] : memref<32x2x8x128xf32, #tpu.memory_space<vmem>> -> memref<1x2x8x128xf32, #tpu.memory_space<vmem>>
      %dma_wait3A_1246 = tpu.memref_squeeze %dma_wait3A_1245 : memref<1x2x8x128xf32, #tpu.memory_space<vmem>> -> memref<2x8x128xf32, #tpu.memory_space<vmem>>
      %dma_wait3A_1247 = arith.constant 0 : i32
      %dma_wait3A_1248 = arith.constant 0 : i32
      %dma_wait3A_1249 = arith.constant 0 : i32
      %dma_wait3A_1250 = tpu.memref_slice %arg3[%dma_wait3A_1247, %dma_wait3A_1248, %dma_wait3A_1249] : memref<2x8x1000000xf32, #tpu.memory_space<hbm>> -> memref<2x8x128xf32, #tpu.memory_space<hbm>>
      %dma_wait3A_1251 = tpu.memref_slice %arg9[%dma_wait3A_1241] : memref<2x!tpu.dma_semaphore, #tpu.memory_space<semaphore_mem>> -> memref<1x!tpu.dma_semaphore, #tpu.memory_space<semaphore_mem>>
      %dma_wait3A_1252 = tpu.memref_squeeze %dma_wait3A_1251 : memref<1x!tpu.dma_semaphore, #tpu.memory_space<semaphore_mem>> -> memref<!tpu.dma_semaphore, #tpu.memory_space<semaphore_mem>>
      %dma_wait3A_1253 = arith.constant 0 : i32
      %dma_wait3A_1254 = arith.constant 0 : i32
      %dma_wait3A_1255 = arith.constant 0 : i32
      %dma_wait3A_1256 = tpu.memref_slice %arg7[%dma_wait3A_1240, %dma_wait3A_1253, %dma_wait3A_1254, %dma_wait3A_1255] : memref<32x2x8x128xf32, #tpu.memory_space<vmem>> -> memref<1x2x8x128xf32, #tpu.memory_space<vmem>>
      %dma_wait3A_1257 = tpu.memref_squeeze %dma_wait3A_1256 : memref<1x2x8x128xf32, #tpu.memory_space<vmem>> -> memref<2x8x128xf32, #tpu.memory_space<vmem>>
      %dma_wait3A_1258 = arith.constant 0 : i32
      %dma_wait3A_1259 = arith.constant 0 : i32
      %dma_wait3A_1260 = arith.constant 0 : i32
      %dma_wait3A_1261 = tpu.memref_slice %arg3[%dma_wait3A_1258, %dma_wait3A_1259, %dma_wait3A_1260] : memref<2x8x1000000xf32, #tpu.memory_space<hbm>> -> memref<2x8x128xf32, #tpu.memory_space<hbm>>
      tpu.wait_dma2 semaphore(%dma_wait3A_1252 : memref<!tpu.dma_semaphore, #tpu.memory_space<semaphore_mem>>) src(%dma_wait3A_1261 : memref<2x8x128xf32, #tpu.memory_space<hbm>>) dst(%dma_wait3A_1257 : memref<2x8x128xf32, #tpu.memory_space<vmem>>)
      %dma_wait3A_1262 = arith.constant 12 : i32
      %dma_wait3A_1263 = arith.constant 0 : i32
      %dma_wait3A_1264 = arith.constant 0 : i32
      %dma_wait3A_1265 = arith.constant 0 : i32
      %dma_wait3A_1266 = arith.constant 0 : i32
      %dma_wait3A_1267 = tpu.memref_slice %arg7[%dma_wait3A_1262, %dma_wait3A_1264, %dma_wait3A_1265, %dma_wait3A_1266] : memref<32x2x8x128xf32, #tpu.memory_space<vmem>> -> memref<1x2x8x128xf32, #tpu.memory_space<vmem>>
      %dma_wait3A_1268 = tpu.memref_squeeze %dma_wait3A_1267 : memref<1x2x8x128xf32, #tpu.memory_space<vmem>> -> memref<2x8x128xf32, #tpu.memory_space<vmem>>
      %dma_wait3A_1269 = arith.constant 0 : i32
      %dma_wait3A_1270 = arith.constant 0 : i32
      %dma_wait3A_1271 = arith.constant 0 : i32
      %dma_wait3A_1272 = tpu.memref_slice %arg3[%dma_wait3A_1269, %dma_wait3A_1270, %dma_wait3A_1271] : memref<2x8x1000000xf32, #tpu.memory_space<hbm>> -> memref<2x8x128xf32, #tpu.memory_space<hbm>>
      %dma_wait3A_1273 = tpu.memref_slice %arg9[%dma_wait3A_1263] : memref<2x!tpu.dma_semaphore, #tpu.memory_space<semaphore_mem>> -> memref<1x!tpu.dma_semaphore, #tpu.memory_space<semaphore_mem>>
      %dma_wait3A_1274 = tpu.memref_squeeze %dma_wait3A_1273 : memref<1x!tpu.dma_semaphore, #tpu.memory_space<semaphore_mem>> -> memref<!tpu.dma_semaphore, #tpu.memory_space<semaphore_mem>>
      %dma_wait3A_1275 = arith.constant 0 : i32
      %dma_wait3A_1276 = arith.constant 0 : i32
      %dma_wait3A_1277 = arith.constant 0 : i32
      %dma_wait3A_1278 = tpu.memref_slice %arg7[%dma_wait3A_1262, %dma_wait3A_1275, %dma_wait3A_1276, %dma_wait3A_1277] : memref<32x2x8x128xf32, #tpu.memory_space<vmem>> -> memref<1x2x8x128xf32, #tpu.memory_space<vmem>>
      %dma_wait3A_1279 = tpu.memref_squeeze %dma_wait3A_1278 : memref<1x2x8x128xf32, #tpu.memory_space<vmem>> -> memref<2x8x128xf32, #tpu.memory_space<vmem>>
      %dma_wait3A_1280 = arith.constant 0 : i32
      %dma_wait3A_1281 = arith.constant 0 : i32
      %dma_wait3A_1282 = arith.constant 0 : i32
      %dma_wait3A_1283 = tpu.memref_slice %arg3[%dma_wait3A_1280, %dma_wait3A_1281, %dma_wait3A_1282] : memref<2x8x1000000xf32, #tpu.memory_space<hbm>> -> memref<2x8x128xf32, #tpu.memory_space<hbm>>
      tpu.wait_dma2 semaphore(%dma_wait3A_1274 : memref<!tpu.dma_semaphore, #tpu.memory_space<semaphore_mem>>) src(%dma_wait3A_1283 : memref<2x8x128xf32, #tpu.memory_space<hbm>>) dst(%dma_wait3A_1279 : memref<2x8x128xf32, #tpu.memory_space<vmem>>)
      %dma_wait3A_1284 = arith.constant 13 : i32
      %dma_wait3A_1285 = arith.constant 0 : i32
      %dma_wait3A_1286 = arith.constant 0 : i32
      %dma_wait3A_1287 = arith.constant 0 : i32
      %dma_wait3A_1288 = arith.constant 0 : i32
      %dma_wait3A_1289 = tpu.memref_slice %arg7[%dma_wait3A_1284, %dma_wait3A_1286, %dma_wait3A_1287, %dma_wait3A_1288] : memref<32x2x8x128xf32, #tpu.memory_space<vmem>> -> memref<1x2x8x128xf32, #tpu.memory_space<vmem>>
      %dma_wait3A_1290 = tpu.memref_squeeze %dma_wait3A_1289 : memref<1x2x8x128xf32, #tpu.memory_space<vmem>> -> memref<2x8x128xf32, #tpu.memory_space<vmem>>
      %dma_wait3A_1291 = arith.constant 0 : i32
      %dma_wait3A_1292 = arith.constant 0 : i32
      %dma_wait3A_1293 = arith.constant 0 : i32
      %dma_wait3A_1294 = tpu.memref_slice %arg3[%dma_wait3A_1291, %dma_wait3A_1292, %dma_wait3A_1293] : memref<2x8x1000000xf32, #tpu.memory_space<hbm>> -> memref<2x8x128xf32, #tpu.memory_space<hbm>>
      %dma_wait3A_1295 = tpu.memref_slice %arg9[%dma_wait3A_1285] : memref<2x!tpu.dma_semaphore, #tpu.memory_space<semaphore_mem>> -> memref<1x!tpu.dma_semaphore, #tpu.memory_space<semaphore_mem>>
      %dma_wait3A_1296 = tpu.memref_squeeze %dma_wait3A_1295 : memref<1x!tpu.dma_semaphore, #tpu.memory_space<semaphore_mem>> -> memref<!tpu.dma_semaphore, #tpu.memory_space<semaphore_mem>>
      %dma_wait3A_1297 = arith.constant 0 : i32
      %dma_wait3A_1298 = arith.constant 0 : i32
      %dma_wait3A_1299 = arith.constant 0 : i32
      %dma_wait3A_1300 = tpu.memref_slice %arg7[%dma_wait3A_1284, %dma_wait3A_1297, %dma_wait3A_1298, %dma_wait3A_1299] : memref<32x2x8x128xf32, #tpu.memory_space<vmem>> -> memref<1x2x8x128xf32, #tpu.memory_space<vmem>>
      %dma_wait3A_1301 = tpu.memref_squeeze %dma_wait3A_1300 : memref<1x2x8x128xf32, #tpu.memory_space<vmem>> -> memref<2x8x128xf32, #tpu.memory_space<vmem>>
      %dma_wait3A_1302 = arith.constant 0 : i32
      %dma_wait3A_1303 = arith.constant 0 : i32
      %dma_wait3A_1304 = arith.constant 0 : i32
      %dma_wait3A_1305 = tpu.memref_slice %arg3[%dma_wait3A_1302, %dma_wait3A_1303, %dma_wait3A_1304] : memref<2x8x1000000xf32, #tpu.memory_space<hbm>> -> memref<2x8x128xf32, #tpu.memory_space<hbm>>
      tpu.wait_dma2 semaphore(%dma_wait3A_1296 : memref<!tpu.dma_semaphore, #tpu.memory_space<semaphore_mem>>) src(%dma_wait3A_1305 : memref<2x8x128xf32, #tpu.memory_space<hbm>>) dst(%dma_wait3A_1301 : memref<2x8x128xf32, #tpu.memory_space<vmem>>)
      %dma_wait3A_1306 = arith.constant 14 : i32
      %dma_wait3A_1307 = arith.constant 0 : i32
      %dma_wait3A_1308 = arith.constant 0 : i32
      %dma_wait3A_1309 = arith.constant 0 : i32
      %dma_wait3A_1310 = arith.constant 0 : i32
      %dma_wait3A_1311 = tpu.memref_slice %arg7[%dma_wait3A_1306, %dma_wait3A_1308, %dma_wait3A_1309, %dma_wait3A_1310] : memref<32x2x8x128xf32, #tpu.memory_space<vmem>> -> memref<1x2x8x128xf32, #tpu.memory_space<vmem>>
      %dma_wait3A_1312 = tpu.memref_squeeze %dma_wait3A_1311 : memref<1x2x8x128xf32, #tpu.memory_space<vmem>> -> memref<2x8x128xf32, #tpu.memory_space<vmem>>
      %dma_wait3A_1313 = arith.constant 0 : i32
      %dma_wait3A_1314 = arith.constant 0 : i32
      %dma_wait3A_1315 = arith.constant 0 : i32
      %dma_wait3A_1316 = tpu.memref_slice %arg3[%dma_wait3A_1313, %dma_wait3A_1314, %dma_wait3A_1315] : memref<2x8x1000000xf32, #tpu.memory_space<hbm>> -> memref<2x8x128xf32, #tpu.memory_space<hbm>>
      %dma_wait3A_1317 = tpu.memref_slice %arg9[%dma_wait3A_1307] : memref<2x!tpu.dma_semaphore, #tpu.memory_space<semaphore_mem>> -> memref<1x!tpu.dma_semaphore, #tpu.memory_space<semaphore_mem>>
      %dma_wait3A_1318 = tpu.memref_squeeze %dma_wait3A_1317 : memref<1x!tpu.dma_semaphore, #tpu.memory_space<semaphore_mem>> -> memref<!tpu.dma_semaphore, #tpu.memory_space<semaphore_mem>>
      %dma_wait3A_1319 = arith.constant 0 : i32
      %dma_wait3A_1320 = arith.constant 0 : i32
      %dma_wait3A_1321 = arith.constant 0 : i32
      %dma_wait3A_1322 = tpu.memref_slice %arg7[%dma_wait3A_1306, %dma_wait3A_1319, %dma_wait3A_1320, %dma_wait3A_1321] : memref<32x2x8x128xf32, #tpu.memory_space<vmem>> -> memref<1x2x8x128xf32, #tpu.memory_space<vmem>>
      %dma_wait3A_1323 = tpu.memref_squeeze %dma_wait3A_1322 : memref<1x2x8x128xf32, #tpu.memory_space<vmem>> -> memref<2x8x128xf32, #tpu.memory_space<vmem>>
      %dma_wait3A_1324 = arith.constant 0 : i32
      %dma_wait3A_1325 = arith.constant 0 : i32
      %dma_wait3A_1326 = arith.constant 0 : i32
      %dma_wait3A_1327 = tpu.memref_slice %arg3[%dma_wait3A_1324, %dma_wait3A_1325, %dma_wait3A_1326] : memref<2x8x1000000xf32, #tpu.memory_space<hbm>> -> memref<2x8x128xf32, #tpu.memory_space<hbm>>
      tpu.wait_dma2 semaphore(%dma_wait3A_1318 : memref<!tpu.dma_semaphore, #tpu.memory_space<semaphore_mem>>) src(%dma_wait3A_1327 : memref<2x8x128xf32, #tpu.memory_space<hbm>>) dst(%dma_wait3A_1323 : memref<2x8x128xf32, #tpu.memory_space<vmem>>)
      %dma_wait3A_1328 = arith.constant 15 : i32
      %dma_wait3A_1329 = arith.constant 0 : i32
      %dma_wait3A_1330 = arith.constant 0 : i32
      %dma_wait3A_1331 = arith.constant 0 : i32
      %dma_wait3A_1332 = arith.constant 0 : i32
      %dma_wait3A_1333 = tpu.memref_slice %arg7[%dma_wait3A_1328, %dma_wait3A_1330, %dma_wait3A_1331, %dma_wait3A_1332] : memref<32x2x8x128xf32, #tpu.memory_space<vmem>> -> memref<1x2x8x128xf32, #tpu.memory_space<vmem>>
      %dma_wait3A_1334 = tpu.memref_squeeze %dma_wait3A_1333 : memref<1x2x8x128xf32, #tpu.memory_space<vmem>> -> memref<2x8x128xf32, #tpu.memory_space<vmem>>
      %dma_wait3A_1335 = arith.constant 0 : i32
      %dma_wait3A_1336 = arith.constant 0 : i32
      %dma_wait3A_1337 = arith.constant 0 : i32
      %dma_wait3A_1338 = tpu.memref_slice %arg3[%dma_wait3A_1335, %dma_wait3A_1336, %dma_wait3A_1337] : memref<2x8x1000000xf32, #tpu.memory_space<hbm>> -> memref<2x8x128xf32, #tpu.memory_space<hbm>>
      %dma_wait3A_1339 = tpu.memref_slice %arg9[%dma_wait3A_1329] : memref<2x!tpu.dma_semaphore, #tpu.memory_space<semaphore_mem>> -> memref<1x!tpu.dma_semaphore, #tpu.memory_space<semaphore_mem>>
      %dma_wait3A_1340 = tpu.memref_squeeze %dma_wait3A_1339 : memref<1x!tpu.dma_semaphore, #tpu.memory_space<semaphore_mem>> -> memref<!tpu.dma_semaphore, #tpu.memory_space<semaphore_mem>>
      %dma_wait3A_1341 = arith.constant 0 : i32
      %dma_wait3A_1342 = arith.constant 0 : i32
      %dma_wait3A_1343 = arith.constant 0 : i32
      %dma_wait3A_1344 = tpu.memref_slice %arg7[%dma_wait3A_1328, %dma_wait3A_1341, %dma_wait3A_1342, %dma_wait3A_1343] : memref<32x2x8x128xf32, #tpu.memory_space<vmem>> -> memref<1x2x8x128xf32, #tpu.memory_space<vmem>>
      %dma_wait3A_1345 = tpu.memref_squeeze %dma_wait3A_1344 : memref<1x2x8x128xf32, #tpu.memory_space<vmem>> -> memref<2x8x128xf32, #tpu.memory_space<vmem>>
      %dma_wait3A_1346 = arith.constant 0 : i32
      %dma_wait3A_1347 = arith.constant 0 : i32
      %dma_wait3A_1348 = arith.constant 0 : i32
      %dma_wait3A_1349 = tpu.memref_slice %arg3[%dma_wait3A_1346, %dma_wait3A_1347, %dma_wait3A_1348] : memref<2x8x1000000xf32, #tpu.memory_space<hbm>> -> memref<2x8x128xf32, #tpu.memory_space<hbm>>
      tpu.wait_dma2 semaphore(%dma_wait3A_1340 : memref<!tpu.dma_semaphore, #tpu.memory_space<semaphore_mem>>) src(%dma_wait3A_1349 : memref<2x8x128xf32, #tpu.memory_space<hbm>>) dst(%dma_wait3A_1345 : memref<2x8x128xf32, #tpu.memory_space<vmem>>)
      %slice3A_1350 = vector.extract_strided_slice %and3A_998 {offsets = [0], sizes = [1], strides = [1]} : vector<16xi32> to vector<1xi32>
      %squeeze3A_1351 = vector.extract %slice3A_1350[0] : i32 from vector<1xi32>
      %broadcast_in_dim3A = vector.broadcast %squeeze3A_1351 : i32 to vector<16xi32>
      %gather3A = arith.constant 0 : i32
      %gather3A_1352 = arith.constant 0 : i32
      %gather3A_1353 = arith.constant 0 : i32
      %gather3A_1354 = arith.constant 0 : i32
      %gather3A_1355 = tpu.memref_slice %arg7[%gather3A, %gather3A_1352, %gather3A_1353, %gather3A_1354] : memref<32x2x8x128xf32, #tpu.memory_space<vmem>> -> memref<1x2x8x128xf32, #tpu.memory_space<vmem>>
      %gather3A_1356 = tpu.memref_squeeze %gather3A_1355 : memref<1x2x8x128xf32, #tpu.memory_space<vmem>> -> memref<2x8x128xf32, #tpu.memory_space<vmem>>
      %gather3A_1357 = tpu.vector_load_idx %gather3A_1356[%shift_right_arithmetic3A_4, %and3A_6, %broadcast_in_dim3A] : memref<2x8x128xf32, #tpu.memory_space<vmem>>[vector<16xi32>, vector<16xi32>, vector<16xi32>], vector<16xf32>,
      %mul3A_1358 = arith.constant 16 : i32
      %mul3A_1359 = arith.muli %mul3A_991, %mul3A_1358 : i32
      %add3A_1360 = arith.constant 0 : i32
      %add3A_1361 = arith.addi %mul3A_1359, %add3A_1360 : i32
      %broadcast_in_dim3A_1362 = vector.broadcast %add3A_1361 : i32 to vector<16xi32>
      tpu.vector_store_idx %arg6[%iota3A, %broadcast_in_dim3A_1362], %gather3A_1357 : memref<48x512xf32, #tpu.memory_space<vmem>>[vector<16xi32>, vector<16xi32>], vector<16xf32>,
      %slice3A_1363 = vector.extract_strided_slice %and3A_998 {offsets = [1], sizes = [1], strides = [1]} : vector<16xi32> to vector<1xi32>
      %squeeze3A_1364 = vector.extract %slice3A_1363[0] : i32 from vector<1xi32>
      %broadcast_in_dim3A_1365 = vector.broadcast %squeeze3A_1364 : i32 to vector<16xi32>
      %gather3A_1366 = arith.constant 1 : i32
      %gather3A_1367 = arith.constant 0 : i32
      %gather3A_1368 = arith.constant 0 : i32
      %gather3A_1369 = arith.constant 0 : i32
      %gather3A_1370 = tpu.memref_slice %arg7[%gather3A_1366, %gather3A_1367, %gather3A_1368, %gather3A_1369] : memref<32x2x8x128xf32, #tpu.memory_space<vmem>> -> memref<1x2x8x128xf32, #tpu.memory_space<vmem>>
      %gather3A_1371 = tpu.memref_squeeze %gather3A_1370 : memref<1x2x8x128xf32, #tpu.memory_space<vmem>> -> memref<2x8x128xf32, #tpu.memory_space<vmem>>
      %gather3A_1372 = tpu.vector_load_idx %gather3A_1371[%shift_right_arithmetic3A_4, %and3A_6, %broadcast_in_dim3A_1365] : memref<2x8x128xf32, #tpu.memory_space<vmem>>[vector<16xi32>, vector<16xi32>, vector<16xi32>], vector<16xf32>,
      %mul3A_1373 = arith.constant 16 : i32
      %mul3A_1374 = arith.muli %mul3A_991, %mul3A_1373 : i32
      %add3A_1375 = arith.constant 1 : i32
      %add3A_1376 = arith.addi %mul3A_1374, %add3A_1375 : i32
      %broadcast_in_dim3A_1377 = vector.broadcast %add3A_1376 : i32 to vector<16xi32>
      tpu.vector_store_idx %arg6[%iota3A, %broadcast_in_dim3A_1377], %gather3A_1372 : memref<48x512xf32, #tpu.memory_space<vmem>>[vector<16xi32>, vector<16xi32>], vector<16xf32>,
      %slice3A_1378 = vector.extract_strided_slice %and3A_998 {offsets = [2], sizes = [1], strides = [1]} : vector<16xi32> to vector<1xi32>
      %squeeze3A_1379 = vector.extract %slice3A_1378[0] : i32 from vector<1xi32>
      %broadcast_in_dim3A_1380 = vector.broadcast %squeeze3A_1379 : i32 to vector<16xi32>
      %gather3A_1381 = arith.constant 2 : i32
      %gather3A_1382 = arith.constant 0 : i32
      %gather3A_1383 = arith.constant 0 : i32
      %gather3A_1384 = arith.constant 0 : i32
      %gather3A_1385 = tpu.memref_slice %arg7[%gather3A_1381, %gather3A_1382, %gather3A_1383, %gather3A_1384] : memref<32x2x8x128xf32, #tpu.memory_space<vmem>> -> memref<1x2x8x128xf32, #tpu.memory_space<vmem>>
      %gather3A_1386 = tpu.memref_squeeze %gather3A_1385 : memref<1x2x8x128xf32, #tpu.memory_space<vmem>> -> memref<2x8x128xf32, #tpu.memory_space<vmem>>
      %gather3A_1387 = tpu.vector_load_idx %gather3A_1386[%shift_right_arithmetic3A_4, %and3A_6, %broadcast_in_dim3A_1380] : memref<2x8x128xf32, #tpu.memory_space<vmem>>[vector<16xi32>, vector<16xi32>, vector<16xi32>], vector<16xf32>,
      %mul3A_1388 = arith.constant 16 : i32
      %mul3A_1389 = arith.muli %mul3A_991, %mul3A_1388 : i32
      %add3A_1390 = arith.constant 2 : i32
      %add3A_1391 = arith.addi %mul3A_1389, %add3A_1390 : i32
      %broadcast_in_dim3A_1392 = vector.broadcast %add3A_1391 : i32 to vector<16xi32>
      tpu.vector_store_idx %arg6[%iota3A, %broadcast_in_dim3A_1392], %gather3A_1387 : memref<48x512xf32, #tpu.memory_space<vmem>>[vector<16xi32>, vector<16xi32>], vector<16xf32>,
      %slice3A_1393 = vector.extract_strided_slice %and3A_998 {offsets = [3], sizes = [1], strides = [1]} : vector<16xi32> to vector<1xi32>
      %squeeze3A_1394 = vector.extract %slice3A_1393[0] : i32 from vector<1xi32>
      %broadcast_in_dim3A_1395 = vector.broadcast %squeeze3A_1394 : i32 to vector<16xi32>
      %gather3A_1396 = arith.constant 3 : i32
      %gather3A_1397 = arith.constant 0 : i32
      %gather3A_1398 = arith.constant 0 : i32
      %gather3A_1399 = arith.constant 0 : i32
      %gather3A_1400 = tpu.memref_slice %arg7[%gather3A_1396, %gather3A_1397, %gather3A_1398, %gather3A_1399] : memref<32x2x8x128xf32, #tpu.memory_space<vmem>> -> memref<1x2x8x128xf32, #tpu.memory_space<vmem>>
      %gather3A_1401 = tpu.memref_squeeze %gather3A_1400 : memref<1x2x8x128xf32, #tpu.memory_space<vmem>> -> memref<2x8x128xf32, #tpu.memory_space<vmem>>
      %gather3A_1402 = tpu.vector_load_idx %gather3A_1401[%shift_right_arithmetic3A_4, %and3A_6, %broadcast_in_dim3A_1395] : memref<2x8x128xf32, #tpu.memory_space<vmem>>[vector<16xi32>, vector<16xi32>, vector<16xi32>], vector<16xf32>,
      %mul3A_1403 = arith.constant 16 : i32
      %mul3A_1404 = arith.muli %mul3A_991, %mul3A_1403 : i32
      %add3A_1405 = arith.constant 3 : i32
      %add3A_1406 = arith.addi %mul3A_1404, %add3A_1405 : i32
      %broadcast_in_dim3A_1407 = vector.broadcast %add3A_1406 : i32 to vector<16xi32>
      tpu.vector_store_idx %arg6[%iota3A, %broadcast_in_dim3A_1407], %gather3A_1402 : memref<48x512xf32, #tpu.memory_space<vmem>>[vector<16xi32>, vector<16xi32>], vector<16xf32>,
      %slice3A_1408 = vector.extract_strided_slice %and3A_998 {offsets = [4], sizes = [1], strides = [1]} : vector<16xi32> to vector<1xi32>
      %squeeze3A_1409 = vector.extract %slice3A_1408[0] : i32 from vector<1xi32>
      %broadcast_in_dim3A_1410 = vector.broadcast %squeeze3A_1409 : i32 to vector<16xi32>
      %gather3A_1411 = arith.constant 4 : i32
      %gather3A_1412 = arith.constant 0 : i32
      %gather3A_1413 = arith.constant 0 : i32
      %gather3A_1414 = arith.constant 0 : i32
      %gather3A_1415 = tpu.memref_slice %arg7[%gather3A_1411, %gather3A_1412, %gather3A_1413, %gather3A_1414] : memref<32x2x8x128xf32, #tpu.memory_space<vmem>> -> memref<1x2x8x128xf32, #tpu.memory_space<vmem>>
      %gather3A_1416 = tpu.memref_squeeze %gather3A_1415 : memref<1x2x8x128xf32, #tpu.memory_space<vmem>> -> memref<2x8x128xf32, #tpu.memory_space<vmem>>
      %gather3A_1417 = tpu.vector_load_idx %gather3A_1416[%shift_right_arithmetic3A_4, %and3A_6, %broadcast_in_dim3A_1410] : memref<2x8x128xf32, #tpu.memory_space<vmem>>[vector<16xi32>, vector<16xi32>, vector<16xi32>], vector<16xf32>,
      %mul3A_1418 = arith.constant 16 : i32
      %mul3A_1419 = arith.muli %mul3A_991, %mul3A_1418 : i32
      %add3A_1420 = arith.constant 4 : i32
      %add3A_1421 = arith.addi %mul3A_1419, %add3A_1420 : i32
      %broadcast_in_dim3A_1422 = vector.broadcast %add3A_1421 : i32 to vector<16xi32>
      tpu.vector_store_idx %arg6[%iota3A, %broadcast_in_dim3A_1422], %gather3A_1417 : memref<48x512xf32, #tpu.memory_space<vmem>>[vector<16xi32>, vector<16xi32>], vector<16xf32>,
      %slice3A_1423 = vector.extract_strided_slice %and3A_998 {offsets = [5], sizes = [1], strides = [1]} : vector<16xi32> to vector<1xi32>
      %squeeze3A_1424 = vector.extract %slice3A_1423[0] : i32 from vector<1xi32>
      %broadcast_in_dim3A_1425 = vector.broadcast %squeeze3A_1424 : i32 to vector<16xi32>
      %gather3A_1426 = arith.constant 5 : i32
      %gather3A_1427 = arith.constant 0 : i32
      %gather3A_1428 = arith.constant 0 : i32
      %gather3A_1429 = arith.constant 0 : i32
      %gather3A_1430 = tpu.memref_slice %arg7[%gather3A_1426, %gather3A_1427, %gather3A_1428, %gather3A_1429] : memref<32x2x8x128xf32, #tpu.memory_space<vmem>> -> memref<1x2x8x128xf32, #tpu.memory_space<vmem>>
      %gather3A_1431 = tpu.memref_squeeze %gather3A_1430 : memref<1x2x8x128xf32, #tpu.memory_space<vmem>> -> memref<2x8x128xf32, #tpu.memory_space<vmem>>
      %gather3A_1432 = tpu.vector_load_idx %gather3A_1431[%shift_right_arithmetic3A_4, %and3A_6, %broadcast_in_dim3A_1425] : memref<2x8x128xf32, #tpu.memory_space<vmem>>[vector<16xi32>, vector<16xi32>, vector<16xi32>], vector<16xf32>,
      %mul3A_1433 = arith.constant 16 : i32
      %mul3A_1434 = arith.muli %mul3A_991, %mul3A_1433 : i32
      %add3A_1435 = arith.constant 5 : i32
      %add3A_1436 = arith.addi %mul3A_1434, %add3A_1435 : i32
      %broadcast_in_dim3A_1437 = vector.broadcast %add3A_1436 : i32 to vector<16xi32>
      tpu.vector_store_idx %arg6[%iota3A, %broadcast_in_dim3A_1437], %gather3A_1432 : memref<48x512xf32, #tpu.memory_space<vmem>>[vector<16xi32>, vector<16xi32>], vector<16xf32>,
      %slice3A_1438 = vector.extract_strided_slice %and3A_998 {offsets = [6], sizes = [1], strides = [1]} : vector<16xi32> to vector<1xi32>
      %squeeze3A_1439 = vector.extract %slice3A_1438[0] : i32 from vector<1xi32>
      %broadcast_in_dim3A_1440 = vector.broadcast %squeeze3A_1439 : i32 to vector<16xi32>
      %gather3A_1441 = arith.constant 6 : i32
      %gather3A_1442 = arith.constant 0 : i32
      %gather3A_1443 = arith.constant 0 : i32
      %gather3A_1444 = arith.constant 0 : i32
      %gather3A_1445 = tpu.memref_slice %arg7[%gather3A_1441, %gather3A_1442, %gather3A_1443, %gather3A_1444] : memref<32x2x8x128xf32, #tpu.memory_space<vmem>> -> memref<1x2x8x128xf32, #tpu.memory_space<vmem>>
      %gather3A_1446 = tpu.memref_squeeze %gather3A_1445 : memref<1x2x8x128xf32, #tpu.memory_space<vmem>> -> memref<2x8x128xf32, #tpu.memory_space<vmem>>
      %gather3A_1447 = tpu.vector_load_idx %gather3A_1446[%shift_right_arithmetic3A_4, %and3A_6, %broadcast_in_dim3A_1440] : memref<2x8x128xf32, #tpu.memory_space<vmem>>[vector<16xi32>, vector<16xi32>, vector<16xi32>], vector<16xf32>,
      %mul3A_1448 = arith.constant 16 : i32
      %mul3A_1449 = arith.muli %mul3A_991, %mul3A_1448 : i32
      %add3A_1450 = arith.constant 6 : i32
      %add3A_1451 = arith.addi %mul3A_1449, %add3A_1450 : i32
      %broadcast_in_dim3A_1452 = vector.broadcast %add3A_1451 : i32 to vector<16xi32>
      tpu.vector_store_idx %arg6[%iota3A, %broadcast_in_dim3A_1452], %gather3A_1447 : memref<48x512xf32, #tpu.memory_space<vmem>>[vector<16xi32>, vector<16xi32>], vector<16xf32>,
      %slice3A_1453 = vector.extract_strided_slice %and3A_998 {offsets = [7], sizes = [1], strides = [1]} : vector<16xi32> to vector<1xi32>
      %squeeze3A_1454 = vector.extract %slice3A_1453[0] : i32 from vector<1xi32>
      %broadcast_in_dim3A_1455 = vector.broadcast %squeeze3A_1454 : i32 to vector<16xi32>
      %gather3A_1456 = arith.constant 7 : i32
      %gather3A_1457 = arith.constant 0 : i32
      %gather3A_1458 = arith.constant 0 : i32
      %gather3A_1459 = arith.constant 0 : i32
      %gather3A_1460 = tpu.memref_slice %arg7[%gather3A_1456, %gather3A_1457, %gather3A_1458, %gather3A_1459] : memref<32x2x8x128xf32, #tpu.memory_space<vmem>> -> memref<1x2x8x128xf32, #tpu.memory_space<vmem>>
      %gather3A_1461 = tpu.memref_squeeze %gather3A_1460 : memref<1x2x8x128xf32, #tpu.memory_space<vmem>> -> memref<2x8x128xf32, #tpu.memory_space<vmem>>
      %gather3A_1462 = tpu.vector_load_idx %gather3A_1461[%shift_right_arithmetic3A_4, %and3A_6, %broadcast_in_dim3A_1455] : memref<2x8x128xf32, #tpu.memory_space<vmem>>[vector<16xi32>, vector<16xi32>, vector<16xi32>], vector<16xf32>,
      %mul3A_1463 = arith.constant 16 : i32
      %mul3A_1464 = arith.muli %mul3A_991, %mul3A_1463 : i32
      %add3A_1465 = arith.constant 7 : i32
      %add3A_1466 = arith.addi %mul3A_1464, %add3A_1465 : i32
      %broadcast_in_dim3A_1467 = vector.broadcast %add3A_1466 : i32 to vector<16xi32>
      tpu.vector_store_idx %arg6[%iota3A, %broadcast_in_dim3A_1467], %gather3A_1462 : memref<48x512xf32, #tpu.memory_space<vmem>>[vector<16xi32>, vector<16xi32>], vector<16xf32>,
      %slice3A_1468 = vector.extract_strided_slice %and3A_998 {offsets = [8], sizes = [1], strides = [1]} : vector<16xi32> to vector<1xi32>
      %squeeze3A_1469 = vector.extract %slice3A_1468[0] : i32 from vector<1xi32>
      %broadcast_in_dim3A_1470 = vector.broadcast %squeeze3A_1469 : i32 to vector<16xi32>
      %gather3A_1471 = arith.constant 8 : i32
      %gather3A_1472 = arith.constant 0 : i32
      %gather3A_1473 = arith.constant 0 : i32
      %gather3A_1474 = arith.constant 0 : i32
      %gather3A_1475 = tpu.memref_slice %arg7[%gather3A_1471, %gather3A_1472, %gather3A_1473, %gather3A_1474] : memref<32x2x8x128xf32, #tpu.memory_space<vmem>> -> memref<1x2x8x128xf32, #tpu.memory_space<vmem>>
      %gather3A_1476 = tpu.memref_squeeze %gather3A_1475 : memref<1x2x8x128xf32, #tpu.memory_space<vmem>> -> memref<2x8x128xf32, #tpu.memory_space<vmem>>
      %gather3A_1477 = tpu.vector_load_idx %gather3A_1476[%shift_right_arithmetic3A_4, %and3A_6, %broadcast_in_dim3A_1470] : memref<2x8x128xf32, #tpu.memory_space<vmem>>[vector<16xi32>, vector<16xi32>, vector<16xi32>], vector<16xf32>,
      %mul3A_1478 = arith.constant 16 : i32
      %mul3A_1479 = arith.muli %mul3A_991, %mul3A_1478 : i32
      %add3A_1480 = arith.constant 8 : i32
      %add3A_1481 = arith.addi %mul3A_1479, %add3A_1480 : i32
      %broadcast_in_dim3A_1482 = vector.broadcast %add3A_1481 : i32 to vector<16xi32>
      tpu.vector_store_idx %arg6[%iota3A, %broadcast_in_dim3A_1482], %gather3A_1477 : memref<48x512xf32, #tpu.memory_space<vmem>>[vector<16xi32>, vector<16xi32>], vector<16xf32>,
      %slice3A_1483 = vector.extract_strided_slice %and3A_998 {offsets = [9], sizes = [1], strides = [1]} : vector<16xi32> to vector<1xi32>
      %squeeze3A_1484 = vector.extract %slice3A_1483[0] : i32 from vector<1xi32>
      %broadcast_in_dim3A_1485 = vector.broadcast %squeeze3A_1484 : i32 to vector<16xi32>
      %gather3A_1486 = arith.constant 9 : i32
      %gather3A_1487 = arith.constant 0 : i32
      %gather3A_1488 = arith.constant 0 : i32
      %gather3A_1489 = arith.constant 0 : i32
      %gather3A_1490 = tpu.memref_slice %arg7[%gather3A_1486, %gather3A_1487, %gather3A_1488, %gather3A_1489] : memref<32x2x8x128xf32, #tpu.memory_space<vmem>> -> memref<1x2x8x128xf32, #tpu.memory_space<vmem>>
      %gather3A_1491 = tpu.memref_squeeze %gather3A_1490 : memref<1x2x8x128xf32, #tpu.memory_space<vmem>> -> memref<2x8x128xf32, #tpu.memory_space<vmem>>
      %gather3A_1492 = tpu.vector_load_idx %gather3A_1491[%shift_right_arithmetic3A_4, %and3A_6, %broadcast_in_dim3A_1485] : memref<2x8x128xf32, #tpu.memory_space<vmem>>[vector<16xi32>, vector<16xi32>, vector<16xi32>], vector<16xf32>,
      %mul3A_1493 = arith.constant 16 : i32
      %mul3A_1494 = arith.muli %mul3A_991, %mul3A_1493 : i32
      %add3A_1495 = arith.constant 9 : i32
      %add3A_1496 = arith.addi %mul3A_1494, %add3A_1495 : i32
      %broadcast_in_dim3A_1497 = vector.broadcast %add3A_1496 : i32 to vector<16xi32>
      tpu.vector_store_idx %arg6[%iota3A, %broadcast_in_dim3A_1497], %gather3A_1492 : memref<48x512xf32, #tpu.memory_space<vmem>>[vector<16xi32>, vector<16xi32>], vector<16xf32>,
      %slice3A_1498 = vector.extract_strided_slice %and3A_998 {offsets = [10], sizes = [1], strides = [1]} : vector<16xi32> to vector<1xi32>
      %squeeze3A_1499 = vector.extract %slice3A_1498[0] : i32 from vector<1xi32>
      %broadcast_in_dim3A_1500 = vector.broadcast %squeeze3A_1499 : i32 to vector<16xi32>
      %gather3A_1501 = arith.constant 10 : i32
      %gather3A_1502 = arith.constant 0 : i32
      %gather3A_1503 = arith.constant 0 : i32
      %gather3A_1504 = arith.constant 0 : i32
      %gather3A_1505 = tpu.memref_slice %arg7[%gather3A_1501, %gather3A_1502, %gather3A_1503, %gather3A_1504] : memref<32x2x8x128xf32, #tpu.memory_space<vmem>> -> memref<1x2x8x128xf32, #tpu.memory_space<vmem>>
      %gather3A_1506 = tpu.memref_squeeze %gather3A_1505 : memref<1x2x8x128xf32, #tpu.memory_space<vmem>> -> memref<2x8x128xf32, #tpu.memory_space<vmem>>
      %gather3A_1507 = tpu.vector_load_idx %gather3A_1506[%shift_right_arithmetic3A_4, %and3A_6, %broadcast_in_dim3A_1500] : memref<2x8x128xf32, #tpu.memory_space<vmem>>[vector<16xi32>, vector<16xi32>, vector<16xi32>], vector<16xf32>,
      %mul3A_1508 = arith.constant 16 : i32
      %mul3A_1509 = arith.muli %mul3A_991, %mul3A_1508 : i32
      %add3A_1510 = arith.constant 10 : i32
      %add3A_1511 = arith.addi %mul3A_1509, %add3A_1510 : i32
      %broadcast_in_dim3A_1512 = vector.broadcast %add3A_1511 : i32 to vector<16xi32>
      tpu.vector_store_idx %arg6[%iota3A, %broadcast_in_dim3A_1512], %gather3A_1507 : memref<48x512xf32, #tpu.memory_space<vmem>>[vector<16xi32>, vector<16xi32>], vector<16xf32>,
      %slice3A_1513 = vector.extract_strided_slice %and3A_998 {offsets = [11], sizes = [1], strides = [1]} : vector<16xi32> to vector<1xi32>
      %squeeze3A_1514 = vector.extract %slice3A_1513[0] : i32 from vector<1xi32>
      %broadcast_in_dim3A_1515 = vector.broadcast %squeeze3A_1514 : i32 to vector<16xi32>
      %gather3A_1516 = arith.constant 11 : i32
      %gather3A_1517 = arith.constant 0 : i32
      %gather3A_1518 = arith.constant 0 : i32
      %gather3A_1519 = arith.constant 0 : i32
      %gather3A_1520 = tpu.memref_slice %arg7[%gather3A_1516, %gather3A_1517, %gather3A_1518, %gather3A_1519] : memref<32x2x8x128xf32, #tpu.memory_space<vmem>> -> memref<1x2x8x128xf32, #tpu.memory_space<vmem>>
      %gather3A_1521 = tpu.memref_squeeze %gather3A_1520 : memref<1x2x8x128xf32, #tpu.memory_space<vmem>> -> memref<2x8x128xf32, #tpu.memory_space<vmem>>
      %gather3A_1522 = tpu.vector_load_idx %gather3A_1521[%shift_right_arithmetic3A_4, %and3A_6, %broadcast_in_dim3A_1515] : memref<2x8x128xf32, #tpu.memory_space<vmem>>[vector<16xi32>, vector<16xi32>, vector<16xi32>], vector<16xf32>,
      %mul3A_1523 = arith.constant 16 : i32
      %mul3A_1524 = arith.muli %mul3A_991, %mul3A_1523 : i32
      %add3A_1525 = arith.constant 11 : i32
      %add3A_1526 = arith.addi %mul3A_1524, %add3A_1525 : i32
      %broadcast_in_dim3A_1527 = vector.broadcast %add3A_1526 : i32 to vector<16xi32>
      tpu.vector_store_idx %arg6[%iota3A, %broadcast_in_dim3A_1527], %gather3A_1522 : memref<48x512xf32, #tpu.memory_space<vmem>>[vector<16xi32>, vector<16xi32>], vector<16xf32>,
      %slice3A_1528 = vector.extract_strided_slice %and3A_998 {offsets = [12], sizes = [1], strides = [1]} : vector<16xi32> to vector<1xi32>
      %squeeze3A_1529 = vector.extract %slice3A_1528[0] : i32 from vector<1xi32>
      %broadcast_in_dim3A_1530 = vector.broadcast %squeeze3A_1529 : i32 to vector<16xi32>
      %gather3A_1531 = arith.constant 12 : i32
      %gather3A_1532 = arith.constant 0 : i32
      %gather3A_1533 = arith.constant 0 : i32
      %gather3A_1534 = arith.constant 0 : i32
      %gather3A_1535 = tpu.memref_slice %arg7[%gather3A_1531, %gather3A_1532, %gather3A_1533, %gather3A_1534] : memref<32x2x8x128xf32, #tpu.memory_space<vmem>> -> memref<1x2x8x128xf32, #tpu.memory_space<vmem>>
      %gather3A_1536 = tpu.memref_squeeze %gather3A_1535 : memref<1x2x8x128xf32, #tpu.memory_space<vmem>> -> memref<2x8x128xf32, #tpu.memory_space<vmem>>
      %gather3A_1537 = tpu.vector_load_idx %gather3A_1536[%shift_right_arithmetic3A_4, %and3A_6, %broadcast_in_dim3A_1530] : memref<2x8x128xf32, #tpu.memory_space<vmem>>[vector<16xi32>, vector<16xi32>, vector<16xi32>], vector<16xf32>,
      %mul3A_1538 = arith.constant 16 : i32
      %mul3A_1539 = arith.muli %mul3A_991, %mul3A_1538 : i32
      %add3A_1540 = arith.constant 12 : i32
      %add3A_1541 = arith.addi %mul3A_1539, %add3A_1540 : i32
      %broadcast_in_dim3A_1542 = vector.broadcast %add3A_1541 : i32 to vector<16xi32>
      tpu.vector_store_idx %arg6[%iota3A, %broadcast_in_dim3A_1542], %gather3A_1537 : memref<48x512xf32, #tpu.memory_space<vmem>>[vector<16xi32>, vector<16xi32>], vector<16xf32>,
      %slice3A_1543 = vector.extract_strided_slice %and3A_998 {offsets = [13], sizes = [1], strides = [1]} : vector<16xi32> to vector<1xi32>
      %squeeze3A_1544 = vector.extract %slice3A_1543[0] : i32 from vector<1xi32>
      %broadcast_in_dim3A_1545 = vector.broadcast %squeeze3A_1544 : i32 to vector<16xi32>
      %gather3A_1546 = arith.constant 13 : i32
      %gather3A_1547 = arith.constant 0 : i32
      %gather3A_1548 = arith.constant 0 : i32
      %gather3A_1549 = arith.constant 0 : i32
      %gather3A_1550 = tpu.memref_slice %arg7[%gather3A_1546, %gather3A_1547, %gather3A_1548, %gather3A_1549] : memref<32x2x8x128xf32, #tpu.memory_space<vmem>> -> memref<1x2x8x128xf32, #tpu.memory_space<vmem>>
      %gather3A_1551 = tpu.memref_squeeze %gather3A_1550 : memref<1x2x8x128xf32, #tpu.memory_space<vmem>> -> memref<2x8x128xf32, #tpu.memory_space<vmem>>
      %gather3A_1552 = tpu.vector_load_idx %gather3A_1551[%shift_right_arithmetic3A_4, %and3A_6, %broadcast_in_dim3A_1545] : memref<2x8x128xf32, #tpu.memory_space<vmem>>[vector<16xi32>, vector<16xi32>, vector<16xi32>], vector<16xf32>,
      %mul3A_1553 = arith.constant 16 : i32
      %mul3A_1554 = arith.muli %mul3A_991, %mul3A_1553 : i32
      %add3A_1555 = arith.constant 13 : i32
      %add3A_1556 = arith.addi %mul3A_1554, %add3A_1555 : i32
      %broadcast_in_dim3A_1557 = vector.broadcast %add3A_1556 : i32 to vector<16xi32>
      tpu.vector_store_idx %arg6[%iota3A, %broadcast_in_dim3A_1557], %gather3A_1552 : memref<48x512xf32, #tpu.memory_space<vmem>>[vector<16xi32>, vector<16xi32>], vector<16xf32>,
      %slice3A_1558 = vector.extract_strided_slice %and3A_998 {offsets = [14], sizes = [1], strides = [1]} : vector<16xi32> to vector<1xi32>
      %squeeze3A_1559 = vector.extract %slice3A_1558[0] : i32 from vector<1xi32>
      %broadcast_in_dim3A_1560 = vector.broadcast %squeeze3A_1559 : i32 to vector<16xi32>
      %gather3A_1561 = arith.constant 14 : i32
      %gather3A_1562 = arith.constant 0 : i32
      %gather3A_1563 = arith.constant 0 : i32
      %gather3A_1564 = arith.constant 0 : i32
      %gather3A_1565 = tpu.memref_slice %arg7[%gather3A_1561, %gather3A_1562, %gather3A_1563, %gather3A_1564] : memref<32x2x8x128xf32, #tpu.memory_space<vmem>> -> memref<1x2x8x128xf32, #tpu.memory_space<vmem>>
      %gather3A_1566 = tpu.memref_squeeze %gather3A_1565 : memref<1x2x8x128xf32, #tpu.memory_space<vmem>> -> memref<2x8x128xf32, #tpu.memory_space<vmem>>
      %gather3A_1567 = tpu.vector_load_idx %gather3A_1566[%shift_right_arithmetic3A_4, %and3A_6, %broadcast_in_dim3A_1560] : memref<2x8x128xf32, #tpu.memory_space<vmem>>[vector<16xi32>, vector<16xi32>, vector<16xi32>], vector<16xf32>,
      %mul3A_1568 = arith.constant 16 : i32
      %mul3A_1569 = arith.muli %mul3A_991, %mul3A_1568 : i32
      %add3A_1570 = arith.constant 14 : i32
      %add3A_1571 = arith.addi %mul3A_1569, %add3A_1570 : i32
      %broadcast_in_dim3A_1572 = vector.broadcast %add3A_1571 : i32 to vector<16xi32>
      tpu.vector_store_idx %arg6[%iota3A, %broadcast_in_dim3A_1572], %gather3A_1567 : memref<48x512xf32, #tpu.memory_space<vmem>>[vector<16xi32>, vector<16xi32>], vector<16xf32>,
      %slice3A_1573 = vector.extract_strided_slice %and3A_998 {offsets = [15], sizes = [1], strides = [1]} : vector<16xi32> to vector<1xi32>
      %squeeze3A_1574 = vector.extract %slice3A_1573[0] : i32 from vector<1xi32>
      %broadcast_in_dim3A_1575 = vector.broadcast %squeeze3A_1574 : i32 to vector<16xi32>
      %gather3A_1576 = arith.constant 15 : i32
      %gather3A_1577 = arith.constant 0 : i32
      %gather3A_1578 = arith.constant 0 : i32
      %gather3A_1579 = arith.constant 0 : i32
      %gather3A_1580 = tpu.memref_slice %arg7[%gather3A_1576, %gather3A_1577, %gather3A_1578, %gather3A_1579] : memref<32x2x8x128xf32, #tpu.memory_space<vmem>> -> memref<1x2x8x128xf32, #tpu.memory_space<vmem>>
      %gather3A_1581 = tpu.memref_squeeze %gather3A_1580 : memref<1x2x8x128xf32, #tpu.memory_space<vmem>> -> memref<2x8x128xf32, #tpu.memory_space<vmem>>
      %gather3A_1582 = tpu.vector_load_idx %gather3A_1581[%shift_right_arithmetic3A_4, %and3A_6, %broadcast_in_dim3A_1575] : memref<2x8x128xf32, #tpu.memory_space<vmem>>[vector<16xi32>, vector<16xi32>, vector<16xi32>], vector<16xf32>,
      %mul3A_1583 = arith.constant 16 : i32
      %mul3A_1584 = arith.muli %mul3A_991, %mul3A_1583 : i32
      %add3A_1585 = arith.constant 15 : i32
      %add3A_1586 = arith.addi %mul3A_1584, %add3A_1585 : i32
      %broadcast_in_dim3A_1587 = vector.broadcast %add3A_1586 : i32 to vector<16xi32>
      tpu.vector_store_idx %arg6[%iota3A, %broadcast_in_dim3A_1587], %gather3A_1582 : memref<48x512xf32, #tpu.memory_space<vmem>>[vector<16xi32>, vector<16xi32>], vector<16xf32>,
      %get3A_1588 = arith.index_cast %add3A_611 : i32 to index
      %get3A_1589 = arith.constant 0 : index
      %get3A_1590 = tpu.vector_load %arg5[%get3A_1588, %get3A_1589] {strides = array<i32>} : memref<33x512xf32, #tpu.memory_space<vmem>>, vector<16xf32>,
      %add3A_1591 = arith.constant 16 : i32
      %add3A_1592 = arith.addi %add3A_611, %add3A_1591 : i32
      %sub3A = arith.constant 1 : i32
      %sub3A_1593 = arith.subi %add3A_1592, %sub3A : i32
      %swap3A_1594 = arith.index_cast %sub3A_1593 : i32 to index
      %swap3A_1595 = arith.constant 0 : index
      %swap3A_1596 = tpu.vector_load %arg6[%swap3A_1594, %swap3A_1595] {strides = array<i32>} : memref<48x512xf32, #tpu.memory_space<vmem>>, vector<16xf32>,
      tpu.vector_store %arg6[%swap3A_1594, %swap3A_1595], %get3A_1590 {strides = array<i32>} : memref<48x512xf32, #tpu.memory_space<vmem>>, vector<16xf32>,
      %get3A_1597 = arith.index_cast %add3A_611 : i32 to index
      %get3A_1598 = arith.constant 16 : index
      %get3A_1599 = tpu.vector_load %arg5[%get3A_1597, %get3A_1598] {strides = array<i32>} : memref<33x512xf32, #tpu.memory_space<vmem>>, vector<16xf32>,
      %add3A_1600 = arith.constant 16 : i32
      %add3A_1601 = arith.addi %add3A_611, %add3A_1600 : i32
      %sub3A_1602 = arith.constant 1 : i32
      %sub3A_1603 = arith.subi %add3A_1601, %sub3A_1602 : i32
      %swap3A_1604 = arith.index_cast %sub3A_1603 : i32 to index
      %swap3A_1605 = arith.constant 16 : index
      %swap3A_1606 = tpu.vector_load %arg6[%swap3A_1604, %swap3A_1605] {strides = array<i32>} : memref<48x512xf32, #tpu.memory_space<vmem>>, vector<16xf32>,
      tpu.vector_store %arg6[%swap3A_1604, %swap3A_1605], %get3A_1599 {strides = array<i32>} : memref<48x512xf32, #tpu.memory_space<vmem>>, vector<16xf32>,
      %get3A_1607 = arith.index_cast %add3A_611 : i32 to index
      %get3A_1608 = arith.constant 32 : index
      %get3A_1609 = tpu.vector_load %arg5[%get3A_1607, %get3A_1608] {strides = array<i32>} : memref<33x512xf32, #tpu.memory_space<vmem>>, vector<16xf32>,
      %add3A_1610 = arith.constant 16 : i32
      %add3A_1611 = arith.addi %add3A_611, %add3A_1610 : i32
      %sub3A_1612 = arith.constant 1 : i32
      %sub3A_1613 = arith.subi %add3A_1611, %sub3A_1612 : i32
      %swap3A_1614 = arith.index_cast %sub3A_1613 : i32 to index
      %swap3A_1615 = arith.constant 32 : index
      %swap3A_1616 = tpu.vector_load %arg6[%swap3A_1614, %swap3A_1615] {strides = array<i32>} : memref<48x512xf32, #tpu.memory_space<vmem>>, vector<16xf32>,
      tpu.vector_store %arg6[%swap3A_1614, %swap3A_1615], %get3A_1609 {strides = array<i32>} : memref<48x512xf32, #tpu.memory_space<vmem>>, vector<16xf32>,
      %get3A_1617 = arith.index_cast %add3A_611 : i32 to index
      %get3A_1618 = arith.constant 48 : index
      %get3A_1619 = tpu.vector_load %arg5[%get3A_1617, %get3A_1618] {strides = array<i32>} : memref<33x512xf32, #tpu.memory_space<vmem>>, vector<16xf32>,
      %add3A_1620 = arith.constant 16 : i32
      %add3A_1621 = arith.addi %add3A_611, %add3A_1620 : i32
      %sub3A_1622 = arith.constant 1 : i32
      %sub3A_1623 = arith.subi %add3A_1621, %sub3A_1622 : i32
      %swap3A_1624 = arith.index_cast %sub3A_1623 : i32 to index
      %swap3A_1625 = arith.constant 48 : index
      %swap3A_1626 = tpu.vector_load %arg6[%swap3A_1624, %swap3A_1625] {strides = array<i32>} : memref<48x512xf32, #tpu.memory_space<vmem>>, vector<16xf32>,
      tpu.vector_store %arg6[%swap3A_1624, %swap3A_1625], %get3A_1619 {strides = array<i32>} : memref<48x512xf32, #tpu.memory_space<vmem>>, vector<16xf32>,
      %get3A_1627 = arith.index_cast %add3A_611 : i32 to index
      %get3A_1628 = arith.constant 64 : index
      %get3A_1629 = tpu.vector_load %arg5[%get3A_1627, %get3A_1628] {strides = array<i32>} : memref<33x512xf32, #tpu.memory_space<vmem>>, vector<16xf32>,
      %add3A_1630 = arith.constant 16 : i32
      %add3A_1631 = arith.addi %add3A_611, %add3A_1630 : i32
      %sub3A_1632 = arith.constant 1 : i32
      %sub3A_1633 = arith.subi %add3A_1631, %sub3A_1632 : i32
      %swap3A_1634 = arith.index_cast %sub3A_1633 : i32 to index
      %swap3A_1635 = arith.constant 64 : index
      %swap3A_1636 = tpu.vector_load %arg6[%swap3A_1634, %swap3A_1635] {strides = array<i32>} : memref<48x512xf32, #tpu.memory_space<vmem>>, vector<16xf32>,
      tpu.vector_store %arg6[%swap3A_1634, %swap3A_1635], %get3A_1629 {strides = array<i32>} : memref<48x512xf32, #tpu.memory_space<vmem>>, vector<16xf32>,
      %get3A_1637 = arith.index_cast %add3A_611 : i32 to index
      %get3A_1638 = arith.constant 80 : index
      %get3A_1639 = tpu.vector_load %arg5[%get3A_1637, %get3A_1638] {strides = array<i32>} : memref<33x512xf32, #tpu.memory_space<vmem>>, vector<16xf32>,
      %add3A_1640 = arith.constant 16 : i32
      %add3A_1641 = arith.addi %add3A_611, %add3A_1640 : i32
      %sub3A_1642 = arith.constant 1 : i32
      %sub3A_1643 = arith.subi %add3A_1641, %sub3A_1642 : i32
      %swap3A_1644 = arith.index_cast %sub3A_1643 : i32 to index
      %swap3A_1645 = arith.constant 80 : index
      %swap3A_1646 = tpu.vector_load %arg6[%swap3A_1644, %swap3A_1645] {strides = array<i32>} : memref<48x512xf32, #tpu.memory_space<vmem>>, vector<16xf32>,
      tpu.vector_store %arg6[%swap3A_1644, %swap3A_1645], %get3A_1639 {strides = array<i32>} : memref<48x512xf32, #tpu.memory_space<vmem>>, vector<16xf32>,
      %get3A_1647 = arith.index_cast %add3A_611 : i32 to index
      %get3A_1648 = arith.constant 96 : index
      %get3A_1649 = tpu.vector_load %arg5[%get3A_1647, %get3A_1648] {strides = array<i32>} : memref<33x512xf32, #tpu.memory_space<vmem>>, vector<16xf32>,
      %add3A_1650 = arith.constant 16 : i32
      %add3A_1651 = arith.addi %add3A_611, %add3A_1650 : i32
      %sub3A_1652 = arith.constant 1 : i32
      %sub3A_1653 = arith.subi %add3A_1651, %sub3A_1652 : i32
      %swap3A_1654 = arith.index_cast %sub3A_1653 : i32 to index
      %swap3A_1655 = arith.constant 96 : index
      %swap3A_1656 = tpu.vector_load %arg6[%swap3A_1654, %swap3A_1655] {strides = array<i32>} : memref<48x512xf32, #tpu.memory_space<vmem>>, vector<16xf32>,
      tpu.vector_store %arg6[%swap3A_1654, %swap3A_1655], %get3A_1649 {strides = array<i32>} : memref<48x512xf32, #tpu.memory_space<vmem>>, vector<16xf32>,
      %get3A_1657 = arith.index_cast %add3A_611 : i32 to index
      %get3A_1658 = arith.constant 112 : index
      %get3A_1659 = tpu.vector_load %arg5[%get3A_1657, %get3A_1658] {strides = array<i32>} : memref<33x512xf32, #tpu.memory_space<vmem>>, vector<16xf32>,
      %add3A_1660 = arith.constant 16 : i32
      %add3A_1661 = arith.addi %add3A_611, %add3A_1660 : i32
      %sub3A_1662 = arith.constant 1 : i32
      %sub3A_1663 = arith.subi %add3A_1661, %sub3A_1662 : i32
      %swap3A_1664 = arith.index_cast %sub3A_1663 : i32 to index
      %swap3A_1665 = arith.constant 112 : index
      %swap3A_1666 = tpu.vector_load %arg6[%swap3A_1664, %swap3A_1665] {strides = array<i32>} : memref<48x512xf32, #tpu.memory_space<vmem>>, vector<16xf32>,
      tpu.vector_store %arg6[%swap3A_1664, %swap3A_1665], %get3A_1659 {strides = array<i32>} : memref<48x512xf32, #tpu.memory_space<vmem>>, vector<16xf32>,
      %get3A_1667 = arith.index_cast %add3A_611 : i32 to index
      %get3A_1668 = arith.constant 128 : index
      %get3A_1669 = tpu.vector_load %arg5[%get3A_1667, %get3A_1668] {strides = array<i32>} : memref<33x512xf32, #tpu.memory_space<vmem>>, vector<16xf32>,
      %add3A_1670 = arith.constant 16 : i32
      %add3A_1671 = arith.addi %add3A_611, %add3A_1670 : i32
      %sub3A_1672 = arith.constant 1 : i32
      %sub3A_1673 = arith.subi %add3A_1671, %sub3A_1672 : i32
      %swap3A_1674 = arith.index_cast %sub3A_1673 : i32 to index
      %swap3A_1675 = arith.constant 128 : index
      %swap3A_1676 = tpu.vector_load %arg6[%swap3A_1674, %swap3A_1675] {strides = array<i32>} : memref<48x512xf32, #tpu.memory_space<vmem>>, vector<16xf32>,
      tpu.vector_store %arg6[%swap3A_1674, %swap3A_1675], %get3A_1669 {strides = array<i32>} : memref<48x512xf32, #tpu.memory_space<vmem>>, vector<16xf32>,
      %get3A_1677 = arith.index_cast %add3A_611 : i32 to index
      %get3A_1678 = arith.constant 144 : index
      %get3A_1679 = tpu.vector_load %arg5[%get3A_1677, %get3A_1678] {strides = array<i32>} : memref<33x512xf32, #tpu.memory_space<vmem>>, vector<16xf32>,
      %add3A_1680 = arith.constant 16 : i32
      %add3A_1681 = arith.addi %add3A_611, %add3A_1680 : i32
      %sub3A_1682 = arith.constant 1 : i32
      %sub3A_1683 = arith.subi %add3A_1681, %sub3A_1682 : i32
      %swap3A_1684 = arith.index_cast %sub3A_1683 : i32 to index
      %swap3A_1685 = arith.constant 144 : index
      %swap3A_1686 = tpu.vector_load %arg6[%swap3A_1684, %swap3A_1685] {strides = array<i32>} : memref<48x512xf32, #tpu.memory_space<vmem>>, vector<16xf32>,
      tpu.vector_store %arg6[%swap3A_1684, %swap3A_1685], %get3A_1679 {strides = array<i32>} : memref<48x512xf32, #tpu.memory_space<vmem>>, vector<16xf32>,
      %get3A_1687 = arith.index_cast %add3A_611 : i32 to index
      %get3A_1688 = arith.constant 160 : index
      %get3A_1689 = tpu.vector_load %arg5[%get3A_1687, %get3A_1688] {strides = array<i32>} : memref<33x512xf32, #tpu.memory_space<vmem>>, vector<16xf32>,
      %add3A_1690 = arith.constant 16 : i32
      %add3A_1691 = arith.addi %add3A_611, %add3A_1690 : i32
      %sub3A_1692 = arith.constant 1 : i32
      %sub3A_1693 = arith.subi %add3A_1691, %sub3A_1692 : i32
      %swap3A_1694 = arith.index_cast %sub3A_1693 : i32 to index
      %swap3A_1695 = arith.constant 160 : index
      %swap3A_1696 = tpu.vector_load %arg6[%swap3A_1694, %swap3A_1695] {strides = array<i32>} : memref<48x512xf32, #tpu.memory_space<vmem>>, vector<16xf32>,
      tpu.vector_store %arg6[%swap3A_1694, %swap3A_1695], %get3A_1689 {strides = array<i32>} : memref<48x512xf32, #tpu.memory_space<vmem>>, vector<16xf32>,
      %get3A_1697 = arith.index_cast %add3A_611 : i32 to index
      %get3A_1698 = arith.constant 176 : index
      %get3A_1699 = tpu.vector_load %arg5[%get3A_1697, %get3A_1698] {strides = array<i32>} : memref<33x512xf32, #tpu.memory_space<vmem>>, vector<16xf32>,
      %add3A_1700 = arith.constant 16 : i32
      %add3A_1701 = arith.addi %add3A_611, %add3A_1700 : i32
      %sub3A_1702 = arith.constant 1 : i32
      %sub3A_1703 = arith.subi %add3A_1701, %sub3A_1702 : i32
      %swap3A_1704 = arith.index_cast %sub3A_1703 : i32 to index
      %swap3A_1705 = arith.constant 176 : index
      %swap3A_1706 = tpu.vector_load %arg6[%swap3A_1704, %swap3A_1705] {strides = array<i32>} : memref<48x512xf32, #tpu.memory_space<vmem>>, vector<16xf32>,
      tpu.vector_store %arg6[%swap3A_1704, %swap3A_1705], %get3A_1699 {strides = array<i32>} : memref<48x512xf32, #tpu.memory_space<vmem>>, vector<16xf32>,
      %get3A_1707 = arith.index_cast %add3A_611 : i32 to index
      %get3A_1708 = arith.constant 192 : index
      %get3A_1709 = tpu.vector_load %arg5[%get3A_1707, %get3A_1708] {strides = array<i32>} : memref<33x512xf32, #tpu.memory_space<vmem>>, vector<16xf32>,
      %add3A_1710 = arith.constant 16 : i32
      %add3A_1711 = arith.addi %add3A_611, %add3A_1710 : i32
      %sub3A_1712 = arith.constant 1 : i32
      %sub3A_1713 = arith.subi %add3A_1711, %sub3A_1712 : i32
      %swap3A_1714 = arith.index_cast %sub3A_1713 : i32 to index
      %swap3A_1715 = arith.constant 192 : index
      %swap3A_1716 = tpu.vector_load %arg6[%swap3A_1714, %swap3A_1715] {strides = array<i32>} : memref<48x512xf32, #tpu.memory_space<vmem>>, vector<16xf32>,
      tpu.vector_store %arg6[%swap3A_1714, %swap3A_1715], %get3A_1709 {strides = array<i32>} : memref<48x512xf32, #tpu.memory_space<vmem>>, vector<16xf32>,
      %get3A_1717 = arith.index_cast %add3A_611 : i32 to index
      %get3A_1718 = arith.constant 208 : index
      %get3A_1719 = tpu.vector_load %arg5[%get3A_1717, %get3A_1718] {strides = array<i32>} : memref<33x512xf32, #tpu.memory_space<vmem>>, vector<16xf32>,
      %add3A_1720 = arith.constant 16 : i32
      %add3A_1721 = arith.addi %add3A_611, %add3A_1720 : i32
      %sub3A_1722 = arith.constant 1 : i32
      %sub3A_1723 = arith.subi %add3A_1721, %sub3A_1722 : i32
      %swap3A_1724 = arith.index_cast %sub3A_1723 : i32 to index
      %swap3A_1725 = arith.constant 208 : index
      %swap3A_1726 = tpu.vector_load %arg6[%swap3A_1724, %swap3A_1725] {strides = array<i32>} : memref<48x512xf32, #tpu.memory_space<vmem>>, vector<16xf32>,
      tpu.vector_store %arg6[%swap3A_1724, %swap3A_1725], %get3A_1719 {strides = array<i32>} : memref<48x512xf32, #tpu.memory_space<vmem>>, vector<16xf32>,
      %get3A_1727 = arith.index_cast %add3A_611 : i32 to index
      %get3A_1728 = arith.constant 224 : index
      %get3A_1729 = tpu.vector_load %arg5[%get3A_1727, %get3A_1728] {strides = array<i32>} : memref<33x512xf32, #tpu.memory_space<vmem>>, vector<16xf32>,
      %add3A_1730 = arith.constant 16 : i32
      %add3A_1731 = arith.addi %add3A_611, %add3A_1730 : i32
      %sub3A_1732 = arith.constant 1 : i32
      %sub3A_1733 = arith.subi %add3A_1731, %sub3A_1732 : i32
      %swap3A_1734 = arith.index_cast %sub3A_1733 : i32 to index
      %swap3A_1735 = arith.constant 224 : index
      %swap3A_1736 = tpu.vector_load %arg6[%swap3A_1734, %swap3A_1735] {strides = array<i32>} : memref<48x512xf32, #tpu.memory_space<vmem>>, vector<16xf32>,
      tpu.vector_store %arg6[%swap3A_1734, %swap3A_1735], %get3A_1729 {strides = array<i32>} : memref<48x512xf32, #tpu.memory_space<vmem>>, vector<16xf32>,
      %get3A_1737 = arith.index_cast %add3A_611 : i32 to index
      %get3A_1738 = arith.constant 240 : index
      %get3A_1739 = tpu.vector_load %arg5[%get3A_1737, %get3A_1738] {strides = array<i32>} : memref<33x512xf32, #tpu.memory_space<vmem>>, vector<16xf32>,
      %add3A_1740 = arith.constant 16 : i32
      %add3A_1741 = arith.addi %add3A_611, %add3A_1740 : i32
      %sub3A_1742 = arith.constant 1 : i32
      %sub3A_1743 = arith.subi %add3A_1741, %sub3A_1742 : i32
      %swap3A_1744 = arith.index_cast %sub3A_1743 : i32 to index
      %swap3A_1745 = arith.constant 240 : index
      %swap3A_1746 = tpu.vector_load %arg6[%swap3A_1744, %swap3A_1745] {strides = array<i32>} : memref<48x512xf32, #tpu.memory_space<vmem>>, vector<16xf32>,
      tpu.vector_store %arg6[%swap3A_1744, %swap3A_1745], %get3A_1739 {strides = array<i32>} : memref<48x512xf32, #tpu.memory_space<vmem>>, vector<16xf32>,
      %get3A_1747 = arith.index_cast %add3A_611 : i32 to index
      %get3A_1748 = arith.constant 256 : index
      %get3A_1749 = tpu.vector_load %arg5[%get3A_1747, %get3A_1748] {strides = array<i32>} : memref<33x512xf32, #tpu.memory_space<vmem>>, vector<16xf32>,
      %add3A_1750 = arith.constant 16 : i32
      %add3A_1751 = arith.addi %add3A_611, %add3A_1750 : i32
      %sub3A_1752 = arith.constant 1 : i32
      %sub3A_1753 = arith.subi %add3A_1751, %sub3A_1752 : i32
      %swap3A_1754 = arith.index_cast %sub3A_1753 : i32 to index
      %swap3A_1755 = arith.constant 256 : index
      %swap3A_1756 = tpu.vector_load %arg6[%swap3A_1754, %swap3A_1755] {strides = array<i32>} : memref<48x512xf32, #tpu.memory_space<vmem>>, vector<16xf32>,
      tpu.vector_store %arg6[%swap3A_1754, %swap3A_1755], %get3A_1749 {strides = array<i32>} : memref<48x512xf32, #tpu.memory_space<vmem>>, vector<16xf32>,
      %get3A_1757 = arith.index_cast %add3A_611 : i32 to index
      %get3A_1758 = arith.constant 272 : index
      %get3A_1759 = tpu.vector_load %arg5[%get3A_1757, %get3A_1758] {strides = array<i32>} : memref<33x512xf32, #tpu.memory_space<vmem>>, vector<16xf32>,
      %add3A_1760 = arith.constant 16 : i32
      %add3A_1761 = arith.addi %add3A_611, %add3A_1760 : i32
      %sub3A_1762 = arith.constant 1 : i32
      %sub3A_1763 = arith.subi %add3A_1761, %sub3A_1762 : i32
      %swap3A_1764 = arith.index_cast %sub3A_1763 : i32 to index
      %swap3A_1765 = arith.constant 272 : index
      %swap3A_1766 = tpu.vector_load %arg6[%swap3A_1764, %swap3A_1765] {strides = array<i32>} : memref<48x512xf32, #tpu.memory_space<vmem>>, vector<16xf32>,
      tpu.vector_store %arg6[%swap3A_1764, %swap3A_1765], %get3A_1759 {strides = array<i32>} : memref<48x512xf32, #tpu.memory_space<vmem>>, vector<16xf32>,
      %get3A_1767 = arith.index_cast %add3A_611 : i32 to index
      %get3A_1768 = arith.constant 288 : index
      %get3A_1769 = tpu.vector_load %arg5[%get3A_1767, %get3A_1768] {strides = array<i32>} : memref<33x512xf32, #tpu.memory_space<vmem>>, vector<16xf32>,
      %add3A_1770 = arith.constant 16 : i32
      %add3A_1771 = arith.addi %add3A_611, %add3A_1770 : i32
      %sub3A_1772 = arith.constant 1 : i32
      %sub3A_1773 = arith.subi %add3A_1771, %sub3A_1772 : i32
      %swap3A_1774 = arith.index_cast %sub3A_1773 : i32 to index
      %swap3A_1775 = arith.constant 288 : index
      %swap3A_1776 = tpu.vector_load %arg6[%swap3A_1774, %swap3A_1775] {strides = array<i32>} : memref<48x512xf32, #tpu.memory_space<vmem>>, vector<16xf32>,
      tpu.vector_store %arg6[%swap3A_1774, %swap3A_1775], %get3A_1769 {strides = array<i32>} : memref<48x512xf32, #tpu.memory_space<vmem>>, vector<16xf32>,
      %get3A_1777 = arith.index_cast %add3A_611 : i32 to index
      %get3A_1778 = arith.constant 304 : index
      %get3A_1779 = tpu.vector_load %arg5[%get3A_1777, %get3A_1778] {strides = array<i32>} : memref<33x512xf32, #tpu.memory_space<vmem>>, vector<16xf32>,
      %add3A_1780 = arith.constant 16 : i32
      %add3A_1781 = arith.addi %add3A_611, %add3A_1780 : i32
      %sub3A_1782 = arith.constant 1 : i32
      %sub3A_1783 = arith.subi %add3A_1781, %sub3A_1782 : i32
      %swap3A_1784 = arith.index_cast %sub3A_1783 : i32 to index
      %swap3A_1785 = arith.constant 304 : index
      %swap3A_1786 = tpu.vector_load %arg6[%swap3A_1784, %swap3A_1785] {strides = array<i32>} : memref<48x512xf32, #tpu.memory_space<vmem>>, vector<16xf32>,
      tpu.vector_store %arg6[%swap3A_1784, %swap3A_1785], %get3A_1779 {strides = array<i32>} : memref<48x512xf32, #tpu.memory_space<vmem>>, vector<16xf32>,
      %get3A_1787 = arith.index_cast %add3A_611 : i32 to index
      %get3A_1788 = arith.constant 320 : index
      %get3A_1789 = tpu.vector_load %arg5[%get3A_1787, %get3A_1788] {strides = array<i32>} : memref<33x512xf32, #tpu.memory_space<vmem>>, vector<16xf32>,
      %add3A_1790 = arith.constant 16 : i32
      %add3A_1791 = arith.addi %add3A_611, %add3A_1790 : i32
      %sub3A_1792 = arith.constant 1 : i32
      %sub3A_1793 = arith.subi %add3A_1791, %sub3A_1792 : i32
      %swap3A_1794 = arith.index_cast %sub3A_1793 : i32 to index
      %swap3A_1795 = arith.constant 320 : index
      %swap3A_1796 = tpu.vector_load %arg6[%swap3A_1794, %swap3A_1795] {strides = array<i32>} : memref<48x512xf32, #tpu.memory_space<vmem>>, vector<16xf32>,
      tpu.vector_store %arg6[%swap3A_1794, %swap3A_1795], %get3A_1789 {strides = array<i32>} : memref<48x512xf32, #tpu.memory_space<vmem>>, vector<16xf32>,
      %get3A_1797 = arith.index_cast %add3A_611 : i32 to index
      %get3A_1798 = arith.constant 336 : index
      %get3A_1799 = tpu.vector_load %arg5[%get3A_1797, %get3A_1798] {strides = array<i32>} : memref<33x512xf32, #tpu.memory_space<vmem>>, vector<16xf32>,
      %add3A_1800 = arith.constant 16 : i32
      %add3A_1801 = arith.addi %add3A_611, %add3A_1800 : i32
      %sub3A_1802 = arith.constant 1 : i32
      %sub3A_1803 = arith.subi %add3A_1801, %sub3A_1802 : i32
      %swap3A_1804 = arith.index_cast %sub3A_1803 : i32 to index
      %swap3A_1805 = arith.constant 336 : index
      %swap3A_1806 = tpu.vector_load %arg6[%swap3A_1804, %swap3A_1805] {strides = array<i32>} : memref<48x512xf32, #tpu.memory_space<vmem>>, vector<16xf32>,
      tpu.vector_store %arg6[%swap3A_1804, %swap3A_1805], %get3A_1799 {strides = array<i32>} : memref<48x512xf32, #tpu.memory_space<vmem>>, vector<16xf32>,
      %get3A_1807 = arith.index_cast %add3A_611 : i32 to index
      %get3A_1808 = arith.constant 352 : index
      %get3A_1809 = tpu.vector_load %arg5[%get3A_1807, %get3A_1808] {strides = array<i32>} : memref<33x512xf32, #tpu.memory_space<vmem>>, vector<16xf32>,
      %add3A_1810 = arith.constant 16 : i32
      %add3A_1811 = arith.addi %add3A_611, %add3A_1810 : i32
      %sub3A_1812 = arith.constant 1 : i32
      %sub3A_1813 = arith.subi %add3A_1811, %sub3A_1812 : i32
      %swap3A_1814 = arith.index_cast %sub3A_1813 : i32 to index
      %swap3A_1815 = arith.constant 352 : index
      %swap3A_1816 = tpu.vector_load %arg6[%swap3A_1814, %swap3A_1815] {strides = array<i32>} : memref<48x512xf32, #tpu.memory_space<vmem>>, vector<16xf32>,
      tpu.vector_store %arg6[%swap3A_1814, %swap3A_1815], %get3A_1809 {strides = array<i32>} : memref<48x512xf32, #tpu.memory_space<vmem>>, vector<16xf32>,
      %get3A_1817 = arith.index_cast %add3A_611 : i32 to index
      %get3A_1818 = arith.constant 368 : index
      %get3A_1819 = tpu.vector_load %arg5[%get3A_1817, %get3A_1818] {strides = array<i32>} : memref<33x512xf32, #tpu.memory_space<vmem>>, vector<16xf32>,
      %add3A_1820 = arith.constant 16 : i32
      %add3A_1821 = arith.addi %add3A_611, %add3A_1820 : i32
      %sub3A_1822 = arith.constant 1 : i32
      %sub3A_1823 = arith.subi %add3A_1821, %sub3A_1822 : i32
      %swap3A_1824 = arith.index_cast %sub3A_1823 : i32 to index
      %swap3A_1825 = arith.constant 368 : index
      %swap3A_1826 = tpu.vector_load %arg6[%swap3A_1824, %swap3A_1825] {strides = array<i32>} : memref<48x512xf32, #tpu.memory_space<vmem>>, vector<16xf32>,
      tpu.vector_store %arg6[%swap3A_1824, %swap3A_1825], %get3A_1819 {strides = array<i32>} : memref<48x512xf32, #tpu.memory_space<vmem>>, vector<16xf32>,
      %get3A_1827 = arith.index_cast %add3A_611 : i32 to index
      %get3A_1828 = arith.constant 384 : index
      %get3A_1829 = tpu.vector_load %arg5[%get3A_1827, %get3A_1828] {strides = array<i32>} : memref<33x512xf32, #tpu.memory_space<vmem>>, vector<16xf32>,
      %add3A_1830 = arith.constant 16 : i32
      %add3A_1831 = arith.addi %add3A_611, %add3A_1830 : i32
      %sub3A_1832 = arith.constant 1 : i32
      %sub3A_1833 = arith.subi %add3A_1831, %sub3A_1832 : i32
      %swap3A_1834 = arith.index_cast %sub3A_1833 : i32 to index
      %swap3A_1835 = arith.constant 384 : index
      %swap3A_1836 = tpu.vector_load %arg6[%swap3A_1834, %swap3A_1835] {strides = array<i32>} : memref<48x512xf32, #tpu.memory_space<vmem>>, vector<16xf32>,
      tpu.vector_store %arg6[%swap3A_1834, %swap3A_1835], %get3A_1829 {strides = array<i32>} : memref<48x512xf32, #tpu.memory_space<vmem>>, vector<16xf32>,
      %get3A_1837 = arith.index_cast %add3A_611 : i32 to index
      %get3A_1838 = arith.constant 400 : index
      %get3A_1839 = tpu.vector_load %arg5[%get3A_1837, %get3A_1838] {strides = array<i32>} : memref<33x512xf32, #tpu.memory_space<vmem>>, vector<16xf32>,
      %add3A_1840 = arith.constant 16 : i32
      %add3A_1841 = arith.addi %add3A_611, %add3A_1840 : i32
      %sub3A_1842 = arith.constant 1 : i32
      %sub3A_1843 = arith.subi %add3A_1841, %sub3A_1842 : i32
      %swap3A_1844 = arith.index_cast %sub3A_1843 : i32 to index
      %swap3A_1845 = arith.constant 400 : index
      %swap3A_1846 = tpu.vector_load %arg6[%swap3A_1844, %swap3A_1845] {strides = array<i32>} : memref<48x512xf32, #tpu.memory_space<vmem>>, vector<16xf32>,
      tpu.vector_store %arg6[%swap3A_1844, %swap3A_1845], %get3A_1839 {strides = array<i32>} : memref<48x512xf32, #tpu.memory_space<vmem>>, vector<16xf32>,
      %get3A_1847 = arith.index_cast %add3A_611 : i32 to index
      %get3A_1848 = arith.constant 416 : index
      %get3A_1849 = tpu.vector_load %arg5[%get3A_1847, %get3A_1848] {strides = array<i32>} : memref<33x512xf32, #tpu.memory_space<vmem>>, vector<16xf32>,
      %add3A_1850 = arith.constant 16 : i32
      %add3A_1851 = arith.addi %add3A_611, %add3A_1850 : i32
      %sub3A_1852 = arith.constant 1 : i32
      %sub3A_1853 = arith.subi %add3A_1851, %sub3A_1852 : i32
      %swap3A_1854 = arith.index_cast %sub3A_1853 : i32 to index
      %swap3A_1855 = arith.constant 416 : index
      %swap3A_1856 = tpu.vector_load %arg6[%swap3A_1854, %swap3A_1855] {strides = array<i32>} : memref<48x512xf32, #tpu.memory_space<vmem>>, vector<16xf32>,
      tpu.vector_store %arg6[%swap3A_1854, %swap3A_1855], %get3A_1849 {strides = array<i32>} : memref<48x512xf32, #tpu.memory_space<vmem>>, vector<16xf32>,
      %get3A_1857 = arith.index_cast %add3A_611 : i32 to index
      %get3A_1858 = arith.constant 432 : index
      %get3A_1859 = tpu.vector_load %arg5[%get3A_1857, %get3A_1858] {strides = array<i32>} : memref<33x512xf32, #tpu.memory_space<vmem>>, vector<16xf32>,
      %add3A_1860 = arith.constant 16 : i32
      %add3A_1861 = arith.addi %add3A_611, %add3A_1860 : i32
      %sub3A_1862 = arith.constant 1 : i32
      %sub3A_1863 = arith.subi %add3A_1861, %sub3A_1862 : i32
      %swap3A_1864 = arith.index_cast %sub3A_1863 : i32 to index
      %swap3A_1865 = arith.constant 432 : index
      %swap3A_1866 = tpu.vector_load %arg6[%swap3A_1864, %swap3A_1865] {strides = array<i32>} : memref<48x512xf32, #tpu.memory_space<vmem>>, vector<16xf32>,
      tpu.vector_store %arg6[%swap3A_1864, %swap3A_1865], %get3A_1859 {strides = array<i32>} : memref<48x512xf32, #tpu.memory_space<vmem>>, vector<16xf32>,
      %get3A_1867 = arith.index_cast %add3A_611 : i32 to index
      %get3A_1868 = arith.constant 448 : index
      %get3A_1869 = tpu.vector_load %arg5[%get3A_1867, %get3A_1868] {strides = array<i32>} : memref<33x512xf32, #tpu.memory_space<vmem>>, vector<16xf32>,
      %add3A_1870 = arith.constant 16 : i32
      %add3A_1871 = arith.addi %add3A_611, %add3A_1870 : i32
      %sub3A_1872 = arith.constant 1 : i32
      %sub3A_1873 = arith.subi %add3A_1871, %sub3A_1872 : i32
      %swap3A_1874 = arith.index_cast %sub3A_1873 : i32 to index
      %swap3A_1875 = arith.constant 448 : index
      %swap3A_1876 = tpu.vector_load %arg6[%swap3A_1874, %swap3A_1875] {strides = array<i32>} : memref<48x512xf32, #tpu.memory_space<vmem>>, vector<16xf32>,
      tpu.vector_store %arg6[%swap3A_1874, %swap3A_1875], %get3A_1869 {strides = array<i32>} : memref<48x512xf32, #tpu.memory_space<vmem>>, vector<16xf32>,
      %get3A_1877 = arith.index_cast %add3A_611 : i32 to index
      %get3A_1878 = arith.constant 464 : index
      %get3A_1879 = tpu.vector_load %arg5[%get3A_1877, %get3A_1878] {strides = array<i32>} : memref<33x512xf32, #tpu.memory_space<vmem>>, vector<16xf32>,
      %add3A_1880 = arith.constant 16 : i32
      %add3A_1881 = arith.addi %add3A_611, %add3A_1880 : i32
      %sub3A_1882 = arith.constant 1 : i32
      %sub3A_1883 = arith.subi %add3A_1881, %sub3A_1882 : i32
      %swap3A_1884 = arith.index_cast %sub3A_1883 : i32 to index
      %swap3A_1885 = arith.constant 464 : index
      %swap3A_1886 = tpu.vector_load %arg6[%swap3A_1884, %swap3A_1885] {strides = array<i32>} : memref<48x512xf32, #tpu.memory_space<vmem>>, vector<16xf32>,
      tpu.vector_store %arg6[%swap3A_1884, %swap3A_1885], %get3A_1879 {strides = array<i32>} : memref<48x512xf32, #tpu.memory_space<vmem>>, vector<16xf32>,
      %get3A_1887 = arith.index_cast %add3A_611 : i32 to index
      %get3A_1888 = arith.constant 480 : index
      %get3A_1889 = tpu.vector_load %arg5[%get3A_1887, %get3A_1888] {strides = array<i32>} : memref<33x512xf32, #tpu.memory_space<vmem>>, vector<16xf32>,
      %add3A_1890 = arith.constant 16 : i32
      %add3A_1891 = arith.addi %add3A_611, %add3A_1890 : i32
      %sub3A_1892 = arith.constant 1 : i32
      %sub3A_1893 = arith.subi %add3A_1891, %sub3A_1892 : i32
      %swap3A_1894 = arith.index_cast %sub3A_1893 : i32 to index
      %swap3A_1895 = arith.constant 480 : index
      %swap3A_1896 = tpu.vector_load %arg6[%swap3A_1894, %swap3A_1895] {strides = array<i32>} : memref<48x512xf32, #tpu.memory_space<vmem>>, vector<16xf32>,
      tpu.vector_store %arg6[%swap3A_1894, %swap3A_1895], %get3A_1889 {strides = array<i32>} : memref<48x512xf32, #tpu.memory_space<vmem>>, vector<16xf32>,
      %get3A_1897 = arith.index_cast %add3A_611 : i32 to index
      %get3A_1898 = arith.constant 496 : index
      %get3A_1899 = tpu.vector_load %arg5[%get3A_1897, %get3A_1898] {strides = array<i32>} : memref<33x512xf32, #tpu.memory_space<vmem>>, vector<16xf32>,
      %add3A_1900 = arith.constant 16 : i32
      %add3A_1901 = arith.addi %add3A_611, %add3A_1900 : i32
      %sub3A_1902 = arith.constant 1 : i32
      %sub3A_1903 = arith.subi %add3A_1901, %sub3A_1902 : i32
      %swap3A_1904 = arith.index_cast %sub3A_1903 : i32 to index
      %swap3A_1905 = arith.constant 496 : index
      %swap3A_1906 = tpu.vector_load %arg6[%swap3A_1904, %swap3A_1905] {strides = array<i32>} : memref<48x512xf32, #tpu.memory_space<vmem>>, vector<16xf32>,
      tpu.vector_store %arg6[%swap3A_1904, %swap3A_1905], %get3A_1899 {strides = array<i32>} : memref<48x512xf32, #tpu.memory_space<vmem>>, vector<16xf32>,
      %lt3A = arith.constant 15 : i32
      %lt3A_1907 = arith.cmpi slt, %scan3A_606, %lt3A : i32
      %convert_element_type3A_1908 = arith.extui %lt3A_1907 : i1 to i32
      %cond3A = arith.constant 0 : i32
      %cond3A_1909 = arith.cmpi ne, %convert_element_type3A_1908, %cond3A : i32
      scf.if %cond3A_1909 {
        %add3A_2832 = arith.constant 1 : i32
        %add3A_2833 = arith.addi %add3A_611, %add3A_2832 : i32
        %mul3A_2834 = arith.constant 16 : i32
        %mul3A_2835 = arith.muli %add3A_2833, %mul3A_2834 : i32
        %get3A_2836 = arith.index_cast %mul3A_2835 : i32 to index
        %get3A_2837 = tpu.vector_load %arg8[%get3A_2836] {strides = array<i32>} : memref<512xi32, #tpu.memory_space<vmem>>, vector<16xi32>,
        %shift_right_arithmetic3A_2838 = arith.constant 7 : i32
        %shift_right_arithmetic3A_2839 = vector.broadcast %shift_right_arithmetic3A_2838 : i32 to vector<16xi32>
        %shift_right_arithmetic3A_2840 = arith.shrsi %get3A_2837, %shift_right_arithmetic3A_2839 : vector<16xi32>
        %mul3A_2841 = arith.constant 128 : i32
        %mul3A_2842 = vector.broadcast %mul3A_2841 : i32 to vector<16xi32>
        %mul3A_2843 = arith.muli %shift_right_arithmetic3A_2840, %mul3A_2842 : vector<16xi32>
        %slice3A_2844 = vector.extract_strided_slice %mul3A_2843 {offsets = [0], sizes = [1], strides = [1]} : vector<16xi32> to vector<1xi32>
        %squeeze3A_2845 = vector.extract %slice3A_2844[0] : i32 from vector<1xi32>
        %multiple_of3A_2846 = tpu.assume_multiple %squeeze3A_2845, 128 : i32
        %dma_start3A_2847 = arith.constant 0 : i32
        %dma_start3A_2848 = arith.constant 0 : i32
        %dma_start3A_2849 = arith.constant 0 : i32
        %dma_start3A_2850 = arith.constant 0 : i32
        %dma_start3A_2851 = arith.constant 0 : i32
        %dma_start3A_2852 = tpu.memref_slice %arg7[%dma_start3A_2847, %dma_start3A_2849, %dma_start3A_2850, %dma_start3A_2851] : memref<32x2x8x128xf32, #tpu.memory_space<vmem>> -> memref<1x2x8x128xf32, #tpu.memory_space<vmem>>
        %dma_start3A_2853 = tpu.memref_squeeze %dma_start3A_2852 : memref<1x2x8x128xf32, #tpu.memory_space<vmem>> -> memref<2x8x128xf32, #tpu.memory_space<vmem>>
        %dma_start3A_2854 = arith.constant 0 : i32
        %dma_start3A_2855 = arith.constant 0 : i32
        %dma_start3A_2856 = tpu.memref_slice %arg3[%dma_start3A_2854, %dma_start3A_2855, %multiple_of3A_2846] : memref<2x8x1000000xf32, #tpu.memory_space<hbm>> -> memref<2x8x128xf32, #tpu.memory_space<hbm>>
        %dma_start3A_2857 = tpu.memref_slice %arg9[%dma_start3A_2848] : memref<2x!tpu.dma_semaphore, #tpu.memory_space<semaphore_mem>> -> memref<1x!tpu.dma_semaphore, #tpu.memory_space<semaphore_mem>>
        %dma_start3A_2858 = tpu.memref_squeeze %dma_start3A_2857 : memref<1x!tpu.dma_semaphore, #tpu.memory_space<semaphore_mem>> -> memref<!tpu.dma_semaphore, #tpu.memory_space<semaphore_mem>>
        %dma_start3A_2859 = arith.constant 0 : i32
        %dma_start3A_2860 = arith.constant 0 : i32
        %dma_start3A_2861 = arith.constant 0 : i32
        %dma_start3A_2862 = tpu.memref_slice %arg7[%dma_start3A_2847, %dma_start3A_2859, %dma_start3A_2860, %dma_start3A_2861] : memref<32x2x8x128xf32, #tpu.memory_space<vmem>> -> memref<1x2x8x128xf32, #tpu.memory_space<vmem>>
        %dma_start3A_2863 = tpu.memref_squeeze %dma_start3A_2862 : memref<1x2x8x128xf32, #tpu.memory_space<vmem>> -> memref<2x8x128xf32, #tpu.memory_space<vmem>>
        %dma_start3A_2864 = arith.constant 0 : i32
        %dma_start3A_2865 = arith.constant 0 : i32
        %dma_start3A_2866 = tpu.memref_slice %arg3[%dma_start3A_2864, %dma_start3A_2865, %multiple_of3A_2846] : memref<2x8x1000000xf32, #tpu.memory_space<hbm>> -> memref<2x8x128xf32, #tpu.memory_space<hbm>>
        tpu.enqueue_dma source(%dma_start3A_2866 : memref<2x8x128xf32, #tpu.memory_space<hbm>>) target(%dma_start3A_2863 : memref<2x8x128xf32, #tpu.memory_space<vmem>>) target_semaphore(%dma_start3A_2858 : memref<!tpu.dma_semaphore, #tpu.memory_space<semaphore_mem>>)
        %slice3A_2867 = vector.extract_strided_slice %mul3A_2843 {offsets = [1], sizes = [1], strides = [1]} : vector<16xi32> to vector<1xi32>
        %squeeze3A_2868 = vector.extract %slice3A_2867[0] : i32 from vector<1xi32>
        %multiple_of3A_2869 = tpu.assume_multiple %squeeze3A_2868, 128 : i32
        %dma_start3A_2870 = arith.constant 1 : i32
        %dma_start3A_2871 = arith.constant 0 : i32
        %dma_start3A_2872 = arith.constant 0 : i32
        %dma_start3A_2873 = arith.constant 0 : i32
        %dma_start3A_2874 = arith.constant 0 : i32
        %dma_start3A_2875 = tpu.memref_slice %arg7[%dma_start3A_2870, %dma_start3A_2872, %dma_start3A_2873, %dma_start3A_2874] : memref<32x2x8x128xf32, #tpu.memory_space<vmem>> -> memref<1x2x8x128xf32, #tpu.memory_space<vmem>>
        %dma_start3A_2876 = tpu.memref_squeeze %dma_start3A_2875 : memref<1x2x8x128xf32, #tpu.memory_space<vmem>> -> memref<2x8x128xf32, #tpu.memory_space<vmem>>
        %dma_start3A_2877 = arith.constant 0 : i32
        %dma_start3A_2878 = arith.constant 0 : i32
        %dma_start3A_2879 = tpu.memref_slice %arg3[%dma_start3A_2877, %dma_start3A_2878, %multiple_of3A_2869] : memref<2x8x1000000xf32, #tpu.memory_space<hbm>> -> memref<2x8x128xf32, #tpu.memory_space<hbm>>
        %dma_start3A_2880 = tpu.memref_slice %arg9[%dma_start3A_2871] : memref<2x!tpu.dma_semaphore, #tpu.memory_space<semaphore_mem>> -> memref<1x!tpu.dma_semaphore, #tpu.memory_space<semaphore_mem>>
        %dma_start3A_2881 = tpu.memref_squeeze %dma_start3A_2880 : memref<1x!tpu.dma_semaphore, #tpu.memory_space<semaphore_mem>> -> memref<!tpu.dma_semaphore, #tpu.memory_space<semaphore_mem>>
        %dma_start3A_2882 = arith.constant 0 : i32
        %dma_start3A_2883 = arith.constant 0 : i32
        %dma_start3A_2884 = arith.constant 0 : i32
        %dma_start3A_2885 = tpu.memref_slice %arg7[%dma_start3A_2870, %dma_start3A_2882, %dma_start3A_2883, %dma_start3A_2884] : memref<32x2x8x128xf32, #tpu.memory_space<vmem>> -> memref<1x2x8x128xf32, #tpu.memory_space<vmem>>
        %dma_start3A_2886 = tpu.memref_squeeze %dma_start3A_2885 : memref<1x2x8x128xf32, #tpu.memory_space<vmem>> -> memref<2x8x128xf32, #tpu.memory_space<vmem>>
        %dma_start3A_2887 = arith.constant 0 : i32
        %dma_start3A_2888 = arith.constant 0 : i32
        %dma_start3A_2889 = tpu.memref_slice %arg3[%dma_start3A_2887, %dma_start3A_2888, %multiple_of3A_2869] : memref<2x8x1000000xf32, #tpu.memory_space<hbm>> -> memref<2x8x128xf32, #tpu.memory_space<hbm>>
        tpu.enqueue_dma source(%dma_start3A_2889 : memref<2x8x128xf32, #tpu.memory_space<hbm>>) target(%dma_start3A_2886 : memref<2x8x128xf32, #tpu.memory_space<vmem>>) target_semaphore(%dma_start3A_2881 : memref<!tpu.dma_semaphore, #tpu.memory_space<semaphore_mem>>)
        %slice3A_2890 = vector.extract_strided_slice %mul3A_2843 {offsets = [2], sizes = [1], strides = [1]} : vector<16xi32> to vector<1xi32>
        %squeeze3A_2891 = vector.extract %slice3A_2890[0] : i32 from vector<1xi32>
        %multiple_of3A_2892 = tpu.assume_multiple %squeeze3A_2891, 128 : i32
        %dma_start3A_2893 = arith.constant 2 : i32
        %dma_start3A_2894 = arith.constant 0 : i32
        %dma_start3A_2895 = arith.constant 0 : i32
        %dma_start3A_2896 = arith.constant 0 : i32
        %dma_start3A_2897 = arith.constant 0 : i32
        %dma_start3A_2898 = tpu.memref_slice %arg7[%dma_start3A_2893, %dma_start3A_2895, %dma_start3A_2896, %dma_start3A_2897] : memref<32x2x8x128xf32, #tpu.memory_space<vmem>> -> memref<1x2x8x128xf32, #tpu.memory_space<vmem>>
        %dma_start3A_2899 = tpu.memref_squeeze %dma_start3A_2898 : memref<1x2x8x128xf32, #tpu.memory_space<vmem>> -> memref<2x8x128xf32, #tpu.memory_space<vmem>>
        %dma_start3A_2900 = arith.constant 0 : i32
        %dma_start3A_2901 = arith.constant 0 : i32
        %dma_start3A_2902 = tpu.memref_slice %arg3[%dma_start3A_2900, %dma_start3A_2901, %multiple_of3A_2892] : memref<2x8x1000000xf32, #tpu.memory_space<hbm>> -> memref<2x8x128xf32, #tpu.memory_space<hbm>>
        %dma_start3A_2903 = tpu.memref_slice %arg9[%dma_start3A_2894] : memref<2x!tpu.dma_semaphore, #tpu.memory_space<semaphore_mem>> -> memref<1x!tpu.dma_semaphore, #tpu.memory_space<semaphore_mem>>
        %dma_start3A_2904 = tpu.memref_squeeze %dma_start3A_2903 : memref<1x!tpu.dma_semaphore, #tpu.memory_space<semaphore_mem>> -> memref<!tpu.dma_semaphore, #tpu.memory_space<semaphore_mem>>
        %dma_start3A_2905 = arith.constant 0 : i32
        %dma_start3A_2906 = arith.constant 0 : i32
        %dma_start3A_2907 = arith.constant 0 : i32
        %dma_start3A_2908 = tpu.memref_slice %arg7[%dma_start3A_2893, %dma_start3A_2905, %dma_start3A_2906, %dma_start3A_2907] : memref<32x2x8x128xf32, #tpu.memory_space<vmem>> -> memref<1x2x8x128xf32, #tpu.memory_space<vmem>>
        %dma_start3A_2909 = tpu.memref_squeeze %dma_start3A_2908 : memref<1x2x8x128xf32, #tpu.memory_space<vmem>> -> memref<2x8x128xf32, #tpu.memory_space<vmem>>
        %dma_start3A_2910 = arith.constant 0 : i32
        %dma_start3A_2911 = arith.constant 0 : i32
        %dma_start3A_2912 = tpu.memref_slice %arg3[%dma_start3A_2910, %dma_start3A_2911, %multiple_of3A_2892] : memref<2x8x1000000xf32, #tpu.memory_space<hbm>> -> memref<2x8x128xf32, #tpu.memory_space<hbm>>
        tpu.enqueue_dma source(%dma_start3A_2912 : memref<2x8x128xf32, #tpu.memory_space<hbm>>) target(%dma_start3A_2909 : memref<2x8x128xf32, #tpu.memory_space<vmem>>) target_semaphore(%dma_start3A_2904 : memref<!tpu.dma_semaphore, #tpu.memory_space<semaphore_mem>>)
        %slice3A_2913 = vector.extract_strided_slice %mul3A_2843 {offsets = [3], sizes = [1], strides = [1]} : vector<16xi32> to vector<1xi32>
        %squeeze3A_2914 = vector.extract %slice3A_2913[0] : i32 from vector<1xi32>
        %multiple_of3A_2915 = tpu.assume_multiple %squeeze3A_2914, 128 : i32
        %dma_start3A_2916 = arith.constant 3 : i32
        %dma_start3A_2917 = arith.constant 0 : i32
        %dma_start3A_2918 = arith.constant 0 : i32
        %dma_start3A_2919 = arith.constant 0 : i32
        %dma_start3A_2920 = arith.constant 0 : i32
        %dma_start3A_2921 = tpu.memref_slice %arg7[%dma_start3A_2916, %dma_start3A_2918, %dma_start3A_2919, %dma_start3A_2920] : memref<32x2x8x128xf32, #tpu.memory_space<vmem>> -> memref<1x2x8x128xf32, #tpu.memory_space<vmem>>
        %dma_start3A_2922 = tpu.memref_squeeze %dma_start3A_2921 : memref<1x2x8x128xf32, #tpu.memory_space<vmem>> -> memref<2x8x128xf32, #tpu.memory_space<vmem>>
        %dma_start3A_2923 = arith.constant 0 : i32
        %dma_start3A_2924 = arith.constant 0 : i32
        %dma_start3A_2925 = tpu.memref_slice %arg3[%dma_start3A_2923, %dma_start3A_2924, %multiple_of3A_2915] : memref<2x8x1000000xf32, #tpu.memory_space<hbm>> -> memref<2x8x128xf32, #tpu.memory_space<hbm>>
        %dma_start3A_2926 = tpu.memref_slice %arg9[%dma_start3A_2917] : memref<2x!tpu.dma_semaphore, #tpu.memory_space<semaphore_mem>> -> memref<1x!tpu.dma_semaphore, #tpu.memory_space<semaphore_mem>>
        %dma_start3A_2927 = tpu.memref_squeeze %dma_start3A_2926 : memref<1x!tpu.dma_semaphore, #tpu.memory_space<semaphore_mem>> -> memref<!tpu.dma_semaphore, #tpu.memory_space<semaphore_mem>>
        %dma_start3A_2928 = arith.constant 0 : i32
        %dma_start3A_2929 = arith.constant 0 : i32
        %dma_start3A_2930 = arith.constant 0 : i32
        %dma_start3A_2931 = tpu.memref_slice %arg7[%dma_start3A_2916, %dma_start3A_2928, %dma_start3A_2929, %dma_start3A_2930] : memref<32x2x8x128xf32, #tpu.memory_space<vmem>> -> memref<1x2x8x128xf32, #tpu.memory_space<vmem>>
        %dma_start3A_2932 = tpu.memref_squeeze %dma_start3A_2931 : memref<1x2x8x128xf32, #tpu.memory_space<vmem>> -> memref<2x8x128xf32, #tpu.memory_space<vmem>>
        %dma_start3A_2933 = arith.constant 0 : i32
        %dma_start3A_2934 = arith.constant 0 : i32
        %dma_start3A_2935 = tpu.memref_slice %arg3[%dma_start3A_2933, %dma_start3A_2934, %multiple_of3A_2915] : memref<2x8x1000000xf32, #tpu.memory_space<hbm>> -> memref<2x8x128xf32, #tpu.memory_space<hbm>>
        tpu.enqueue_dma source(%dma_start3A_2935 : memref<2x8x128xf32, #tpu.memory_space<hbm>>) target(%dma_start3A_2932 : memref<2x8x128xf32, #tpu.memory_space<vmem>>) target_semaphore(%dma_start3A_2927 : memref<!tpu.dma_semaphore, #tpu.memory_space<semaphore_mem>>)
        %slice3A_2936 = vector.extract_strided_slice %mul3A_2843 {offsets = [4], sizes = [1], strides = [1]} : vector<16xi32> to vector<1xi32>
        %squeeze3A_2937 = vector.extract %slice3A_2936[0] : i32 from vector<1xi32>
        %multiple_of3A_2938 = tpu.assume_multiple %squeeze3A_2937, 128 : i32
        %dma_start3A_2939 = arith.constant 4 : i32
        %dma_start3A_2940 = arith.constant 0 : i32
        %dma_start3A_2941 = arith.constant 0 : i32
        %dma_start3A_2942 = arith.constant 0 : i32
        %dma_start3A_2943 = arith.constant 0 : i32
        %dma_start3A_2944 = tpu.memref_slice %arg7[%dma_start3A_2939, %dma_start3A_2941, %dma_start3A_2942, %dma_start3A_2943] : memref<32x2x8x128xf32, #tpu.memory_space<vmem>> -> memref<1x2x8x128xf32, #tpu.memory_space<vmem>>
        %dma_start3A_2945 = tpu.memref_squeeze %dma_start3A_2944 : memref<1x2x8x128xf32, #tpu.memory_space<vmem>> -> memref<2x8x128xf32, #tpu.memory_space<vmem>>
        %dma_start3A_2946 = arith.constant 0 : i32
        %dma_start3A_2947 = arith.constant 0 : i32
        %dma_start3A_2948 = tpu.memref_slice %arg3[%dma_start3A_2946, %dma_start3A_2947, %multiple_of3A_2938] : memref<2x8x1000000xf32, #tpu.memory_space<hbm>> -> memref<2x8x128xf32, #tpu.memory_space<hbm>>
        %dma_start3A_2949 = tpu.memref_slice %arg9[%dma_start3A_2940] : memref<2x!tpu.dma_semaphore, #tpu.memory_space<semaphore_mem>> -> memref<1x!tpu.dma_semaphore, #tpu.memory_space<semaphore_mem>>
        %dma_start3A_2950 = tpu.memref_squeeze %dma_start3A_2949 : memref<1x!tpu.dma_semaphore, #tpu.memory_space<semaphore_mem>> -> memref<!tpu.dma_semaphore, #tpu.memory_space<semaphore_mem>>
        %dma_start3A_2951 = arith.constant 0 : i32
        %dma_start3A_2952 = arith.constant 0 : i32
        %dma_start3A_2953 = arith.constant 0 : i32
        %dma_start3A_2954 = tpu.memref_slice %arg7[%dma_start3A_2939, %dma_start3A_2951, %dma_start3A_2952, %dma_start3A_2953] : memref<32x2x8x128xf32, #tpu.memory_space<vmem>> -> memref<1x2x8x128xf32, #tpu.memory_space<vmem>>
        %dma_start3A_2955 = tpu.memref_squeeze %dma_start3A_2954 : memref<1x2x8x128xf32, #tpu.memory_space<vmem>> -> memref<2x8x128xf32, #tpu.memory_space<vmem>>
        %dma_start3A_2956 = arith.constant 0 : i32
        %dma_start3A_2957 = arith.constant 0 : i32
        %dma_start3A_2958 = tpu.memref_slice %arg3[%dma_start3A_2956, %dma_start3A_2957, %multiple_of3A_2938] : memref<2x8x1000000xf32, #tpu.memory_space<hbm>> -> memref<2x8x128xf32, #tpu.memory_space<hbm>>
        tpu.enqueue_dma source(%dma_start3A_2958 : memref<2x8x128xf32, #tpu.memory_space<hbm>>) target(%dma_start3A_2955 : memref<2x8x128xf32, #tpu.memory_space<vmem>>) target_semaphore(%dma_start3A_2950 : memref<!tpu.dma_semaphore, #tpu.memory_space<semaphore_mem>>)
        %slice3A_2959 = vector.extract_strided_slice %mul3A_2843 {offsets = [5], sizes = [1], strides = [1]} : vector<16xi32> to vector<1xi32>
        %squeeze3A_2960 = vector.extract %slice3A_2959[0] : i32 from vector<1xi32>
        %multiple_of3A_2961 = tpu.assume_multiple %squeeze3A_2960, 128 : i32
        %dma_start3A_2962 = arith.constant 5 : i32
        %dma_start3A_2963 = arith.constant 0 : i32
        %dma_start3A_2964 = arith.constant 0 : i32
        %dma_start3A_2965 = arith.constant 0 : i32
        %dma_start3A_2966 = arith.constant 0 : i32
        %dma_start3A_2967 = tpu.memref_slice %arg7[%dma_start3A_2962, %dma_start3A_2964, %dma_start3A_2965, %dma_start3A_2966] : memref<32x2x8x128xf32, #tpu.memory_space<vmem>> -> memref<1x2x8x128xf32, #tpu.memory_space<vmem>>
        %dma_start3A_2968 = tpu.memref_squeeze %dma_start3A_2967 : memref<1x2x8x128xf32, #tpu.memory_space<vmem>> -> memref<2x8x128xf32, #tpu.memory_space<vmem>>
        %dma_start3A_2969 = arith.constant 0 : i32
        %dma_start3A_2970 = arith.constant 0 : i32
        %dma_start3A_2971 = tpu.memref_slice %arg3[%dma_start3A_2969, %dma_start3A_2970, %multiple_of3A_2961] : memref<2x8x1000000xf32, #tpu.memory_space<hbm>> -> memref<2x8x128xf32, #tpu.memory_space<hbm>>
        %dma_start3A_2972 = tpu.memref_slice %arg9[%dma_start3A_2963] : memref<2x!tpu.dma_semaphore, #tpu.memory_space<semaphore_mem>> -> memref<1x!tpu.dma_semaphore, #tpu.memory_space<semaphore_mem>>
        %dma_start3A_2973 = tpu.memref_squeeze %dma_start3A_2972 : memref<1x!tpu.dma_semaphore, #tpu.memory_space<semaphore_mem>> -> memref<!tpu.dma_semaphore, #tpu.memory_space<semaphore_mem>>
        %dma_start3A_2974 = arith.constant 0 : i32
        %dma_start3A_2975 = arith.constant 0 : i32
        %dma_start3A_2976 = arith.constant 0 : i32
        %dma_start3A_2977 = tpu.memref_slice %arg7[%dma_start3A_2962, %dma_start3A_2974, %dma_start3A_2975, %dma_start3A_2976] : memref<32x2x8x128xf32, #tpu.memory_space<vmem>> -> memref<1x2x8x128xf32, #tpu.memory_space<vmem>>
        %dma_start3A_2978 = tpu.memref_squeeze %dma_start3A_2977 : memref<1x2x8x128xf32, #tpu.memory_space<vmem>> -> memref<2x8x128xf32, #tpu.memory_space<vmem>>
        %dma_start3A_2979 = arith.constant 0 : i32
        %dma_start3A_2980 = arith.constant 0 : i32
        %dma_start3A_2981 = tpu.memref_slice %arg3[%dma_start3A_2979, %dma_start3A_2980, %multiple_of3A_2961] : memref<2x8x1000000xf32, #tpu.memory_space<hbm>> -> memref<2x8x128xf32, #tpu.memory_space<hbm>>
        tpu.enqueue_dma source(%dma_start3A_2981 : memref<2x8x128xf32, #tpu.memory_space<hbm>>) target(%dma_start3A_2978 : memref<2x8x128xf32, #tpu.memory_space<vmem>>) target_semaphore(%dma_start3A_2973 : memref<!tpu.dma_semaphore, #tpu.memory_space<semaphore_mem>>)
        %slice3A_2982 = vector.extract_strided_slice %mul3A_2843 {offsets = [6], sizes = [1], strides = [1]} : vector<16xi32> to vector<1xi32>
        %squeeze3A_2983 = vector.extract %slice3A_2982[0] : i32 from vector<1xi32>
        %multiple_of3A_2984 = tpu.assume_multiple %squeeze3A_2983, 128 : i32
        %dma_start3A_2985 = arith.constant 6 : i32
        %dma_start3A_2986 = arith.constant 0 : i32
        %dma_start3A_2987 = arith.constant 0 : i32
        %dma_start3A_2988 = arith.constant 0 : i32
        %dma_start3A_2989 = arith.constant 0 : i32
        %dma_start3A_2990 = tpu.memref_slice %arg7[%dma_start3A_2985, %dma_start3A_2987, %dma_start3A_2988, %dma_start3A_2989] : memref<32x2x8x128xf32, #tpu.memory_space<vmem>> -> memref<1x2x8x128xf32, #tpu.memory_space<vmem>>
        %dma_start3A_2991 = tpu.memref_squeeze %dma_start3A_2990 : memref<1x2x8x128xf32, #tpu.memory_space<vmem>> -> memref<2x8x128xf32, #tpu.memory_space<vmem>>
        %dma_start3A_2992 = arith.constant 0 : i32
        %dma_start3A_2993 = arith.constant 0 : i32
        %dma_start3A_2994 = tpu.memref_slice %arg3[%dma_start3A_2992, %dma_start3A_2993, %multiple_of3A_2984] : memref<2x8x1000000xf32, #tpu.memory_space<hbm>> -> memref<2x8x128xf32, #tpu.memory_space<hbm>>
        %dma_start3A_2995 = tpu.memref_slice %arg9[%dma_start3A_2986] : memref<2x!tpu.dma_semaphore, #tpu.memory_space<semaphore_mem>> -> memref<1x!tpu.dma_semaphore, #tpu.memory_space<semaphore_mem>>
        %dma_start3A_2996 = tpu.memref_squeeze %dma_start3A_2995 : memref<1x!tpu.dma_semaphore, #tpu.memory_space<semaphore_mem>> -> memref<!tpu.dma_semaphore, #tpu.memory_space<semaphore_mem>>
        %dma_start3A_2997 = arith.constant 0 : i32
        %dma_start3A_2998 = arith.constant 0 : i32
        %dma_start3A_2999 = arith.constant 0 : i32
        %dma_start3A_3000 = tpu.memref_slice %arg7[%dma_start3A_2985, %dma_start3A_2997, %dma_start3A_2998, %dma_start3A_2999] : memref<32x2x8x128xf32, #tpu.memory_space<vmem>> -> memref<1x2x8x128xf32, #tpu.memory_space<vmem>>
        %dma_start3A_3001 = tpu.memref_squeeze %dma_start3A_3000 : memref<1x2x8x128xf32, #tpu.memory_space<vmem>> -> memref<2x8x128xf32, #tpu.memory_space<vmem>>
        %dma_start3A_3002 = arith.constant 0 : i32
        %dma_start3A_3003 = arith.constant 0 : i32
        %dma_start3A_3004 = tpu.memref_slice %arg3[%dma_start3A_3002, %dma_start3A_3003, %multiple_of3A_2984] : memref<2x8x1000000xf32, #tpu.memory_space<hbm>> -> memref<2x8x128xf32, #tpu.memory_space<hbm>>
        tpu.enqueue_dma source(%dma_start3A_3004 : memref<2x8x128xf32, #tpu.memory_space<hbm>>) target(%dma_start3A_3001 : memref<2x8x128xf32, #tpu.memory_space<vmem>>) target_semaphore(%dma_start3A_2996 : memref<!tpu.dma_semaphore, #tpu.memory_space<semaphore_mem>>)
        %slice3A_3005 = vector.extract_strided_slice %mul3A_2843 {offsets = [7], sizes = [1], strides = [1]} : vector<16xi32> to vector<1xi32>
        %squeeze3A_3006 = vector.extract %slice3A_3005[0] : i32 from vector<1xi32>
        %multiple_of3A_3007 = tpu.assume_multiple %squeeze3A_3006, 128 : i32
        %dma_start3A_3008 = arith.constant 7 : i32
        %dma_start3A_3009 = arith.constant 0 : i32
        %dma_start3A_3010 = arith.constant 0 : i32
        %dma_start3A_3011 = arith.constant 0 : i32
        %dma_start3A_3012 = arith.constant 0 : i32
        %dma_start3A_3013 = tpu.memref_slice %arg7[%dma_start3A_3008, %dma_start3A_3010, %dma_start3A_3011, %dma_start3A_3012] : memref<32x2x8x128xf32, #tpu.memory_space<vmem>> -> memref<1x2x8x128xf32, #tpu.memory_space<vmem>>
        %dma_start3A_3014 = tpu.memref_squeeze %dma_start3A_3013 : memref<1x2x8x128xf32, #tpu.memory_space<vmem>> -> memref<2x8x128xf32, #tpu.memory_space<vmem>>
        %dma_start3A_3015 = arith.constant 0 : i32
        %dma_start3A_3016 = arith.constant 0 : i32
        %dma_start3A_3017 = tpu.memref_slice %arg3[%dma_start3A_3015, %dma_start3A_3016, %multiple_of3A_3007] : memref<2x8x1000000xf32, #tpu.memory_space<hbm>> -> memref<2x8x128xf32, #tpu.memory_space<hbm>>
        %dma_start3A_3018 = tpu.memref_slice %arg9[%dma_start3A_3009] : memref<2x!tpu.dma_semaphore, #tpu.memory_space<semaphore_mem>> -> memref<1x!tpu.dma_semaphore, #tpu.memory_space<semaphore_mem>>
        %dma_start3A_3019 = tpu.memref_squeeze %dma_start3A_3018 : memref<1x!tpu.dma_semaphore, #tpu.memory_space<semaphore_mem>> -> memref<!tpu.dma_semaphore, #tpu.memory_space<semaphore_mem>>
        %dma_start3A_3020 = arith.constant 0 : i32
        %dma_start3A_3021 = arith.constant 0 : i32
        %dma_start3A_3022 = arith.constant 0 : i32
        %dma_start3A_3023 = tpu.memref_slice %arg7[%dma_start3A_3008, %dma_start3A_3020, %dma_start3A_3021, %dma_start3A_3022] : memref<32x2x8x128xf32, #tpu.memory_space<vmem>> -> memref<1x2x8x128xf32, #tpu.memory_space<vmem>>
        %dma_start3A_3024 = tpu.memref_squeeze %dma_start3A_3023 : memref<1x2x8x128xf32, #tpu.memory_space<vmem>> -> memref<2x8x128xf32, #tpu.memory_space<vmem>>
        %dma_start3A_3025 = arith.constant 0 : i32
        %dma_start3A_3026 = arith.constant 0 : i32
        %dma_start3A_3027 = tpu.memref_slice %arg3[%dma_start3A_3025, %dma_start3A_3026, %multiple_of3A_3007] : memref<2x8x1000000xf32, #tpu.memory_space<hbm>> -> memref<2x8x128xf32, #tpu.memory_space<hbm>>
        tpu.enqueue_dma source(%dma_start3A_3027 : memref<2x8x128xf32, #tpu.memory_space<hbm>>) target(%dma_start3A_3024 : memref<2x8x128xf32, #tpu.memory_space<vmem>>) target_semaphore(%dma_start3A_3019 : memref<!tpu.dma_semaphore, #tpu.memory_space<semaphore_mem>>)
        %slice3A_3028 = vector.extract_strided_slice %mul3A_2843 {offsets = [8], sizes = [1], strides = [1]} : vector<16xi32> to vector<1xi32>
        %squeeze3A_3029 = vector.extract %slice3A_3028[0] : i32 from vector<1xi32>
        %multiple_of3A_3030 = tpu.assume_multiple %squeeze3A_3029, 128 : i32
        %dma_start3A_3031 = arith.constant 8 : i32
        %dma_start3A_3032 = arith.constant 0 : i32
        %dma_start3A_3033 = arith.constant 0 : i32
        %dma_start3A_3034 = arith.constant 0 : i32
        %dma_start3A_3035 = arith.constant 0 : i32
        %dma_start3A_3036 = tpu.memref_slice %arg7[%dma_start3A_3031, %dma_start3A_3033, %dma_start3A_3034, %dma_start3A_3035] : memref<32x2x8x128xf32, #tpu.memory_space<vmem>> -> memref<1x2x8x128xf32, #tpu.memory_space<vmem>>
        %dma_start3A_3037 = tpu.memref_squeeze %dma_start3A_3036 : memref<1x2x8x128xf32, #tpu.memory_space<vmem>> -> memref<2x8x128xf32, #tpu.memory_space<vmem>>
        %dma_start3A_3038 = arith.constant 0 : i32
        %dma_start3A_3039 = arith.constant 0 : i32
        %dma_start3A_3040 = tpu.memref_slice %arg3[%dma_start3A_3038, %dma_start3A_3039, %multiple_of3A_3030] : memref<2x8x1000000xf32, #tpu.memory_space<hbm>> -> memref<2x8x128xf32, #tpu.memory_space<hbm>>
        %dma_start3A_3041 = tpu.memref_slice %arg9[%dma_start3A_3032] : memref<2x!tpu.dma_semaphore, #tpu.memory_space<semaphore_mem>> -> memref<1x!tpu.dma_semaphore, #tpu.memory_space<semaphore_mem>>
        %dma_start3A_3042 = tpu.memref_squeeze %dma_start3A_3041 : memref<1x!tpu.dma_semaphore, #tpu.memory_space<semaphore_mem>> -> memref<!tpu.dma_semaphore, #tpu.memory_space<semaphore_mem>>
        %dma_start3A_3043 = arith.constant 0 : i32
        %dma_start3A_3044 = arith.constant 0 : i32
        %dma_start3A_3045 = arith.constant 0 : i32
        %dma_start3A_3046 = tpu.memref_slice %arg7[%dma_start3A_3031, %dma_start3A_3043, %dma_start3A_3044, %dma_start3A_3045] : memref<32x2x8x128xf32, #tpu.memory_space<vmem>> -> memref<1x2x8x128xf32, #tpu.memory_space<vmem>>
        %dma_start3A_3047 = tpu.memref_squeeze %dma_start3A_3046 : memref<1x2x8x128xf32, #tpu.memory_space<vmem>> -> memref<2x8x128xf32, #tpu.memory_space<vmem>>
        %dma_start3A_3048 = arith.constant 0 : i32
        %dma_start3A_3049 = arith.constant 0 : i32
        %dma_start3A_3050 = tpu.memref_slice %arg3[%dma_start3A_3048, %dma_start3A_3049, %multiple_of3A_3030] : memref<2x8x1000000xf32, #tpu.memory_space<hbm>> -> memref<2x8x128xf32, #tpu.memory_space<hbm>>
        tpu.enqueue_dma source(%dma_start3A_3050 : memref<2x8x128xf32, #tpu.memory_space<hbm>>) target(%dma_start3A_3047 : memref<2x8x128xf32, #tpu.memory_space<vmem>>) target_semaphore(%dma_start3A_3042 : memref<!tpu.dma_semaphore, #tpu.memory_space<semaphore_mem>>)
        %slice3A_3051 = vector.extract_strided_slice %mul3A_2843 {offsets = [9], sizes = [1], strides = [1]} : vector<16xi32> to vector<1xi32>
        %squeeze3A_3052 = vector.extract %slice3A_3051[0] : i32 from vector<1xi32>
        %multiple_of3A_3053 = tpu.assume_multiple %squeeze3A_3052, 128 : i32
        %dma_start3A_3054 = arith.constant 9 : i32
        %dma_start3A_3055 = arith.constant 0 : i32
        %dma_start3A_3056 = arith.constant 0 : i32
        %dma_start3A_3057 = arith.constant 0 : i32
        %dma_start3A_3058 = arith.constant 0 : i32
        %dma_start3A_3059 = tpu.memref_slice %arg7[%dma_start3A_3054, %dma_start3A_3056, %dma_start3A_3057, %dma_start3A_3058] : memref<32x2x8x128xf32, #tpu.memory_space<vmem>> -> memref<1x2x8x128xf32, #tpu.memory_space<vmem>>
        %dma_start3A_3060 = tpu.memref_squeeze %dma_start3A_3059 : memref<1x2x8x128xf32, #tpu.memory_space<vmem>> -> memref<2x8x128xf32, #tpu.memory_space<vmem>>
        %dma_start3A_3061 = arith.constant 0 : i32
        %dma_start3A_3062 = arith.constant 0 : i32
        %dma_start3A_3063 = tpu.memref_slice %arg3[%dma_start3A_3061, %dma_start3A_3062, %multiple_of3A_3053] : memref<2x8x1000000xf32, #tpu.memory_space<hbm>> -> memref<2x8x128xf32, #tpu.memory_space<hbm>>
        %dma_start3A_3064 = tpu.memref_slice %arg9[%dma_start3A_3055] : memref<2x!tpu.dma_semaphore, #tpu.memory_space<semaphore_mem>> -> memref<1x!tpu.dma_semaphore, #tpu.memory_space<semaphore_mem>>
        %dma_start3A_3065 = tpu.memref_squeeze %dma_start3A_3064 : memref<1x!tpu.dma_semaphore, #tpu.memory_space<semaphore_mem>> -> memref<!tpu.dma_semaphore, #tpu.memory_space<semaphore_mem>>
        %dma_start3A_3066 = arith.constant 0 : i32
        %dma_start3A_3067 = arith.constant 0 : i32
        %dma_start3A_3068 = arith.constant 0 : i32
        %dma_start3A_3069 = tpu.memref_slice %arg7[%dma_start3A_3054, %dma_start3A_3066, %dma_start3A_3067, %dma_start3A_3068] : memref<32x2x8x128xf32, #tpu.memory_space<vmem>> -> memref<1x2x8x128xf32, #tpu.memory_space<vmem>>
        %dma_start3A_3070 = tpu.memref_squeeze %dma_start3A_3069 : memref<1x2x8x128xf32, #tpu.memory_space<vmem>> -> memref<2x8x128xf32, #tpu.memory_space<vmem>>
        %dma_start3A_3071 = arith.constant 0 : i32
        %dma_start3A_3072 = arith.constant 0 : i32
        %dma_start3A_3073 = tpu.memref_slice %arg3[%dma_start3A_3071, %dma_start3A_3072, %multiple_of3A_3053] : memref<2x8x1000000xf32, #tpu.memory_space<hbm>> -> memref<2x8x128xf32, #tpu.memory_space<hbm>>
        tpu.enqueue_dma source(%dma_start3A_3073 : memref<2x8x128xf32, #tpu.memory_space<hbm>>) target(%dma_start3A_3070 : memref<2x8x128xf32, #tpu.memory_space<vmem>>) target_semaphore(%dma_start3A_3065 : memref<!tpu.dma_semaphore, #tpu.memory_space<semaphore_mem>>)
        %slice3A_3074 = vector.extract_strided_slice %mul3A_2843 {offsets = [10], sizes = [1], strides = [1]} : vector<16xi32> to vector<1xi32>
        %squeeze3A_3075 = vector.extract %slice3A_3074[0] : i32 from vector<1xi32>
        %multiple_of3A_3076 = tpu.assume_multiple %squeeze3A_3075, 128 : i32
        %dma_start3A_3077 = arith.constant 10 : i32
        %dma_start3A_3078 = arith.constant 0 : i32
        %dma_start3A_3079 = arith.constant 0 : i32
        %dma_start3A_3080 = arith.constant 0 : i32
        %dma_start3A_3081 = arith.constant 0 : i32
        %dma_start3A_3082 = tpu.memref_slice %arg7[%dma_start3A_3077, %dma_start3A_3079, %dma_start3A_3080, %dma_start3A_3081] : memref<32x2x8x128xf32, #tpu.memory_space<vmem>> -> memref<1x2x8x128xf32, #tpu.memory_space<vmem>>
        %dma_start3A_3083 = tpu.memref_squeeze %dma_start3A_3082 : memref<1x2x8x128xf32, #tpu.memory_space<vmem>> -> memref<2x8x128xf32, #tpu.memory_space<vmem>>
        %dma_start3A_3084 = arith.constant 0 : i32
        %dma_start3A_3085 = arith.constant 0 : i32
        %dma_start3A_3086 = tpu.memref_slice %arg3[%dma_start3A_3084, %dma_start3A_3085, %multiple_of3A_3076] : memref<2x8x1000000xf32, #tpu.memory_space<hbm>> -> memref<2x8x128xf32, #tpu.memory_space<hbm>>
        %dma_start3A_3087 = tpu.memref_slice %arg9[%dma_start3A_3078] : memref<2x!tpu.dma_semaphore, #tpu.memory_space<semaphore_mem>> -> memref<1x!tpu.dma_semaphore, #tpu.memory_space<semaphore_mem>>
        %dma_start3A_3088 = tpu.memref_squeeze %dma_start3A_3087 : memref<1x!tpu.dma_semaphore, #tpu.memory_space<semaphore_mem>> -> memref<!tpu.dma_semaphore, #tpu.memory_space<semaphore_mem>>
        %dma_start3A_3089 = arith.constant 0 : i32
        %dma_start3A_3090 = arith.constant 0 : i32
        %dma_start3A_3091 = arith.constant 0 : i32
        %dma_start3A_3092 = tpu.memref_slice %arg7[%dma_start3A_3077, %dma_start3A_3089, %dma_start3A_3090, %dma_start3A_3091] : memref<32x2x8x128xf32, #tpu.memory_space<vmem>> -> memref<1x2x8x128xf32, #tpu.memory_space<vmem>>
        %dma_start3A_3093 = tpu.memref_squeeze %dma_start3A_3092 : memref<1x2x8x128xf32, #tpu.memory_space<vmem>> -> memref<2x8x128xf32, #tpu.memory_space<vmem>>
        %dma_start3A_3094 = arith.constant 0 : i32
        %dma_start3A_3095 = arith.constant 0 : i32
        %dma_start3A_3096 = tpu.memref_slice %arg3[%dma_start3A_3094, %dma_start3A_3095, %multiple_of3A_3076] : memref<2x8x1000000xf32, #tpu.memory_space<hbm>> -> memref<2x8x128xf32, #tpu.memory_space<hbm>>
        tpu.enqueue_dma source(%dma_start3A_3096 : memref<2x8x128xf32, #tpu.memory_space<hbm>>) target(%dma_start3A_3093 : memref<2x8x128xf32, #tpu.memory_space<vmem>>) target_semaphore(%dma_start3A_3088 : memref<!tpu.dma_semaphore, #tpu.memory_space<semaphore_mem>>)
        %slice3A_3097 = vector.extract_strided_slice %mul3A_2843 {offsets = [11], sizes = [1], strides = [1]} : vector<16xi32> to vector<1xi32>
        %squeeze3A_3098 = vector.extract %slice3A_3097[0] : i32 from vector<1xi32>
        %multiple_of3A_3099 = tpu.assume_multiple %squeeze3A_3098, 128 : i32
        %dma_start3A_3100 = arith.constant 11 : i32
        %dma_start3A_3101 = arith.constant 0 : i32
        %dma_start3A_3102 = arith.constant 0 : i32
        %dma_start3A_3103 = arith.constant 0 : i32
        %dma_start3A_3104 = arith.constant 0 : i32
        %dma_start3A_3105 = tpu.memref_slice %arg7[%dma_start3A_3100, %dma_start3A_3102, %dma_start3A_3103, %dma_start3A_3104] : memref<32x2x8x128xf32, #tpu.memory_space<vmem>> -> memref<1x2x8x128xf32, #tpu.memory_space<vmem>>
        %dma_start3A_3106 = tpu.memref_squeeze %dma_start3A_3105 : memref<1x2x8x128xf32, #tpu.memory_space<vmem>> -> memref<2x8x128xf32, #tpu.memory_space<vmem>>
        %dma_start3A_3107 = arith.constant 0 : i32
        %dma_start3A_3108 = arith.constant 0 : i32
        %dma_start3A_3109 = tpu.memref_slice %arg3[%dma_start3A_3107, %dma_start3A_3108, %multiple_of3A_3099] : memref<2x8x1000000xf32, #tpu.memory_space<hbm>> -> memref<2x8x128xf32, #tpu.memory_space<hbm>>
        %dma_start3A_3110 = tpu.memref_slice %arg9[%dma_start3A_3101] : memref<2x!tpu.dma_semaphore, #tpu.memory_space<semaphore_mem>> -> memref<1x!tpu.dma_semaphore, #tpu.memory_space<semaphore_mem>>
        %dma_start3A_3111 = tpu.memref_squeeze %dma_start3A_3110 : memref<1x!tpu.dma_semaphore, #tpu.memory_space<semaphore_mem>> -> memref<!tpu.dma_semaphore, #tpu.memory_space<semaphore_mem>>
        %dma_start3A_3112 = arith.constant 0 : i32
        %dma_start3A_3113 = arith.constant 0 : i32
        %dma_start3A_3114 = arith.constant 0 : i32
        %dma_start3A_3115 = tpu.memref_slice %arg7[%dma_start3A_3100, %dma_start3A_3112, %dma_start3A_3113, %dma_start3A_3114] : memref<32x2x8x128xf32, #tpu.memory_space<vmem>> -> memref<1x2x8x128xf32, #tpu.memory_space<vmem>>
        %dma_start3A_3116 = tpu.memref_squeeze %dma_start3A_3115 : memref<1x2x8x128xf32, #tpu.memory_space<vmem>> -> memref<2x8x128xf32, #tpu.memory_space<vmem>>
        %dma_start3A_3117 = arith.constant 0 : i32
        %dma_start3A_3118 = arith.constant 0 : i32
        %dma_start3A_3119 = tpu.memref_slice %arg3[%dma_start3A_3117, %dma_start3A_3118, %multiple_of3A_3099] : memref<2x8x1000000xf32, #tpu.memory_space<hbm>> -> memref<2x8x128xf32, #tpu.memory_space<hbm>>
        tpu.enqueue_dma source(%dma_start3A_3119 : memref<2x8x128xf32, #tpu.memory_space<hbm>>) target(%dma_start3A_3116 : memref<2x8x128xf32, #tpu.memory_space<vmem>>) target_semaphore(%dma_start3A_3111 : memref<!tpu.dma_semaphore, #tpu.memory_space<semaphore_mem>>)
        %slice3A_3120 = vector.extract_strided_slice %mul3A_2843 {offsets = [12], sizes = [1], strides = [1]} : vector<16xi32> to vector<1xi32>
        %squeeze3A_3121 = vector.extract %slice3A_3120[0] : i32 from vector<1xi32>
        %multiple_of3A_3122 = tpu.assume_multiple %squeeze3A_3121, 128 : i32
        %dma_start3A_3123 = arith.constant 12 : i32
        %dma_start3A_3124 = arith.constant 0 : i32
        %dma_start3A_3125 = arith.constant 0 : i32
        %dma_start3A_3126 = arith.constant 0 : i32
        %dma_start3A_3127 = arith.constant 0 : i32
        %dma_start3A_3128 = tpu.memref_slice %arg7[%dma_start3A_3123, %dma_start3A_3125, %dma_start3A_3126, %dma_start3A_3127] : memref<32x2x8x128xf32, #tpu.memory_space<vmem>> -> memref<1x2x8x128xf32, #tpu.memory_space<vmem>>
        %dma_start3A_3129 = tpu.memref_squeeze %dma_start3A_3128 : memref<1x2x8x128xf32, #tpu.memory_space<vmem>> -> memref<2x8x128xf32, #tpu.memory_space<vmem>>
        %dma_start3A_3130 = arith.constant 0 : i32
        %dma_start3A_3131 = arith.constant 0 : i32
        %dma_start3A_3132 = tpu.memref_slice %arg3[%dma_start3A_3130, %dma_start3A_3131, %multiple_of3A_3122] : memref<2x8x1000000xf32, #tpu.memory_space<hbm>> -> memref<2x8x128xf32, #tpu.memory_space<hbm>>
        %dma_start3A_3133 = tpu.memref_slice %arg9[%dma_start3A_3124] : memref<2x!tpu.dma_semaphore, #tpu.memory_space<semaphore_mem>> -> memref<1x!tpu.dma_semaphore, #tpu.memory_space<semaphore_mem>>
        %dma_start3A_3134 = tpu.memref_squeeze %dma_start3A_3133 : memref<1x!tpu.dma_semaphore, #tpu.memory_space<semaphore_mem>> -> memref<!tpu.dma_semaphore, #tpu.memory_space<semaphore_mem>>
        %dma_start3A_3135 = arith.constant 0 : i32
        %dma_start3A_3136 = arith.constant 0 : i32
        %dma_start3A_3137 = arith.constant 0 : i32
        %dma_start3A_3138 = tpu.memref_slice %arg7[%dma_start3A_3123, %dma_start3A_3135, %dma_start3A_3136, %dma_start3A_3137] : memref<32x2x8x128xf32, #tpu.memory_space<vmem>> -> memref<1x2x8x128xf32, #tpu.memory_space<vmem>>
        %dma_start3A_3139 = tpu.memref_squeeze %dma_start3A_3138 : memref<1x2x8x128xf32, #tpu.memory_space<vmem>> -> memref<2x8x128xf32, #tpu.memory_space<vmem>>
        %dma_start3A_3140 = arith.constant 0 : i32
        %dma_start3A_3141 = arith.constant 0 : i32
        %dma_start3A_3142 = tpu.memref_slice %arg3[%dma_start3A_3140, %dma_start3A_3141, %multiple_of3A_3122] : memref<2x8x1000000xf32, #tpu.memory_space<hbm>> -> memref<2x8x128xf32, #tpu.memory_space<hbm>>
        tpu.enqueue_dma source(%dma_start3A_3142 : memref<2x8x128xf32, #tpu.memory_space<hbm>>) target(%dma_start3A_3139 : memref<2x8x128xf32, #tpu.memory_space<vmem>>) target_semaphore(%dma_start3A_3134 : memref<!tpu.dma_semaphore, #tpu.memory_space<semaphore_mem>>)
        %slice3A_3143 = vector.extract_strided_slice %mul3A_2843 {offsets = [13], sizes = [1], strides = [1]} : vector<16xi32> to vector<1xi32>
        %squeeze3A_3144 = vector.extract %slice3A_3143[0] : i32 from vector<1xi32>
        %multiple_of3A_3145 = tpu.assume_multiple %squeeze3A_3144, 128 : i32
        %dma_start3A_3146 = arith.constant 13 : i32
        %dma_start3A_3147 = arith.constant 0 : i32
        %dma_start3A_3148 = arith.constant 0 : i32
        %dma_start3A_3149 = arith.constant 0 : i32
        %dma_start3A_3150 = arith.constant 0 : i32
        %dma_start3A_3151 = tpu.memref_slice %arg7[%dma_start3A_3146, %dma_start3A_3148, %dma_start3A_3149, %dma_start3A_3150] : memref<32x2x8x128xf32, #tpu.memory_space<vmem>> -> memref<1x2x8x128xf32, #tpu.memory_space<vmem>>
        %dma_start3A_3152 = tpu.memref_squeeze %dma_start3A_3151 : memref<1x2x8x128xf32, #tpu.memory_space<vmem>> -> memref<2x8x128xf32, #tpu.memory_space<vmem>>
        %dma_start3A_3153 = arith.constant 0 : i32
        %dma_start3A_3154 = arith.constant 0 : i32
        %dma_start3A_3155 = tpu.memref_slice %arg3[%dma_start3A_3153, %dma_start3A_3154, %multiple_of3A_3145] : memref<2x8x1000000xf32, #tpu.memory_space<hbm>> -> memref<2x8x128xf32, #tpu.memory_space<hbm>>
        %dma_start3A_3156 = tpu.memref_slice %arg9[%dma_start3A_3147] : memref<2x!tpu.dma_semaphore, #tpu.memory_space<semaphore_mem>> -> memref<1x!tpu.dma_semaphore, #tpu.memory_space<semaphore_mem>>
        %dma_start3A_3157 = tpu.memref_squeeze %dma_start3A_3156 : memref<1x!tpu.dma_semaphore, #tpu.memory_space<semaphore_mem>> -> memref<!tpu.dma_semaphore, #tpu.memory_space<semaphore_mem>>
        %dma_start3A_3158 = arith.constant 0 : i32
        %dma_start3A_3159 = arith.constant 0 : i32
        %dma_start3A_3160 = arith.constant 0 : i32
        %dma_start3A_3161 = tpu.memref_slice %arg7[%dma_start3A_3146, %dma_start3A_3158, %dma_start3A_3159, %dma_start3A_3160] : memref<32x2x8x128xf32, #tpu.memory_space<vmem>> -> memref<1x2x8x128xf32, #tpu.memory_space<vmem>>
        %dma_start3A_3162 = tpu.memref_squeeze %dma_start3A_3161 : memref<1x2x8x128xf32, #tpu.memory_space<vmem>> -> memref<2x8x128xf32, #tpu.memory_space<vmem>>
        %dma_start3A_3163 = arith.constant 0 : i32
        %dma_start3A_3164 = arith.constant 0 : i32
        %dma_start3A_3165 = tpu.memref_slice %arg3[%dma_start3A_3163, %dma_start3A_3164, %multiple_of3A_3145] : memref<2x8x1000000xf32, #tpu.memory_space<hbm>> -> memref<2x8x128xf32, #tpu.memory_space<hbm>>
        tpu.enqueue_dma source(%dma_start3A_3165 : memref<2x8x128xf32, #tpu.memory_space<hbm>>) target(%dma_start3A_3162 : memref<2x8x128xf32, #tpu.memory_space<vmem>>) target_semaphore(%dma_start3A_3157 : memref<!tpu.dma_semaphore, #tpu.memory_space<semaphore_mem>>)
        %slice3A_3166 = vector.extract_strided_slice %mul3A_2843 {offsets = [14], sizes = [1], strides = [1]} : vector<16xi32> to vector<1xi32>
        %squeeze3A_3167 = vector.extract %slice3A_3166[0] : i32 from vector<1xi32>
        %multiple_of3A_3168 = tpu.assume_multiple %squeeze3A_3167, 128 : i32
        %dma_start3A_3169 = arith.constant 14 : i32
        %dma_start3A_3170 = arith.constant 0 : i32
        %dma_start3A_3171 = arith.constant 0 : i32
        %dma_start3A_3172 = arith.constant 0 : i32
        %dma_start3A_3173 = arith.constant 0 : i32
        %dma_start3A_3174 = tpu.memref_slice %arg7[%dma_start3A_3169, %dma_start3A_3171, %dma_start3A_3172, %dma_start3A_3173] : memref<32x2x8x128xf32, #tpu.memory_space<vmem>> -> memref<1x2x8x128xf32, #tpu.memory_space<vmem>>
        %dma_start3A_3175 = tpu.memref_squeeze %dma_start3A_3174 : memref<1x2x8x128xf32, #tpu.memory_space<vmem>> -> memref<2x8x128xf32, #tpu.memory_space<vmem>>
        %dma_start3A_3176 = arith.constant 0 : i32
        %dma_start3A_3177 = arith.constant 0 : i32
        %dma_start3A_3178 = tpu.memref_slice %arg3[%dma_start3A_3176, %dma_start3A_3177, %multiple_of3A_3168] : memref<2x8x1000000xf32, #tpu.memory_space<hbm>> -> memref<2x8x128xf32, #tpu.memory_space<hbm>>
        %dma_start3A_3179 = tpu.memref_slice %arg9[%dma_start3A_3170] : memref<2x!tpu.dma_semaphore, #tpu.memory_space<semaphore_mem>> -> memref<1x!tpu.dma_semaphore, #tpu.memory_space<semaphore_mem>>
        %dma_start3A_3180 = tpu.memref_squeeze %dma_start3A_3179 : memref<1x!tpu.dma_semaphore, #tpu.memory_space<semaphore_mem>> -> memref<!tpu.dma_semaphore, #tpu.memory_space<semaphore_mem>>
        %dma_start3A_3181 = arith.constant 0 : i32
        %dma_start3A_3182 = arith.constant 0 : i32
        %dma_start3A_3183 = arith.constant 0 : i32
        %dma_start3A_3184 = tpu.memref_slice %arg7[%dma_start3A_3169, %dma_start3A_3181, %dma_start3A_3182, %dma_start3A_3183] : memref<32x2x8x128xf32, #tpu.memory_space<vmem>> -> memref<1x2x8x128xf32, #tpu.memory_space<vmem>>
        %dma_start3A_3185 = tpu.memref_squeeze %dma_start3A_3184 : memref<1x2x8x128xf32, #tpu.memory_space<vmem>> -> memref<2x8x128xf32, #tpu.memory_space<vmem>>
        %dma_start3A_3186 = arith.constant 0 : i32
        %dma_start3A_3187 = arith.constant 0 : i32
        %dma_start3A_3188 = tpu.memref_slice %arg3[%dma_start3A_3186, %dma_start3A_3187, %multiple_of3A_3168] : memref<2x8x1000000xf32, #tpu.memory_space<hbm>> -> memref<2x8x128xf32, #tpu.memory_space<hbm>>
        tpu.enqueue_dma source(%dma_start3A_3188 : memref<2x8x128xf32, #tpu.memory_space<hbm>>) target(%dma_start3A_3185 : memref<2x8x128xf32, #tpu.memory_space<vmem>>) target_semaphore(%dma_start3A_3180 : memref<!tpu.dma_semaphore, #tpu.memory_space<semaphore_mem>>)
        %slice3A_3189 = vector.extract_strided_slice %mul3A_2843 {offsets = [15], sizes = [1], strides = [1]} : vector<16xi32> to vector<1xi32>
        %squeeze3A_3190 = vector.extract %slice3A_3189[0] : i32 from vector<1xi32>
        %multiple_of3A_3191 = tpu.assume_multiple %squeeze3A_3190, 128 : i32
        %dma_start3A_3192 = arith.constant 15 : i32
        %dma_start3A_3193 = arith.constant 0 : i32
        %dma_start3A_3194 = arith.constant 0 : i32
        %dma_start3A_3195 = arith.constant 0 : i32
        %dma_start3A_3196 = arith.constant 0 : i32
        %dma_start3A_3197 = tpu.memref_slice %arg7[%dma_start3A_3192, %dma_start3A_3194, %dma_start3A_3195, %dma_start3A_3196] : memref<32x2x8x128xf32, #tpu.memory_space<vmem>> -> memref<1x2x8x128xf32, #tpu.memory_space<vmem>>
        %dma_start3A_3198 = tpu.memref_squeeze %dma_start3A_3197 : memref<1x2x8x128xf32, #tpu.memory_space<vmem>> -> memref<2x8x128xf32, #tpu.memory_space<vmem>>
        %dma_start3A_3199 = arith.constant 0 : i32
        %dma_start3A_3200 = arith.constant 0 : i32
        %dma_start3A_3201 = tpu.memref_slice %arg3[%dma_start3A_3199, %dma_start3A_3200, %multiple_of3A_3191] : memref<2x8x1000000xf32, #tpu.memory_space<hbm>> -> memref<2x8x128xf32, #tpu.memory_space<hbm>>
        %dma_start3A_3202 = tpu.memref_slice %arg9[%dma_start3A_3193] : memref<2x!tpu.dma_semaphore, #tpu.memory_space<semaphore_mem>> -> memref<1x!tpu.dma_semaphore, #tpu.memory_space<semaphore_mem>>
        %dma_start3A_3203 = tpu.memref_squeeze %dma_start3A_3202 : memref<1x!tpu.dma_semaphore, #tpu.memory_space<semaphore_mem>> -> memref<!tpu.dma_semaphore, #tpu.memory_space<semaphore_mem>>
        %dma_start3A_3204 = arith.constant 0 : i32
        %dma_start3A_3205 = arith.constant 0 : i32
        %dma_start3A_3206 = arith.constant 0 : i32
        %dma_start3A_3207 = tpu.memref_slice %arg7[%dma_start3A_3192, %dma_start3A_3204, %dma_start3A_3205, %dma_start3A_3206] : memref<32x2x8x128xf32, #tpu.memory_space<vmem>> -> memref<1x2x8x128xf32, #tpu.memory_space<vmem>>
        %dma_start3A_3208 = tpu.memref_squeeze %dma_start3A_3207 : memref<1x2x8x128xf32, #tpu.memory_space<vmem>> -> memref<2x8x128xf32, #tpu.memory_space<vmem>>
        %dma_start3A_3209 = arith.constant 0 : i32
        %dma_start3A_3210 = arith.constant 0 : i32
        %dma_start3A_3211 = tpu.memref_slice %arg3[%dma_start3A_3209, %dma_start3A_3210, %multiple_of3A_3191] : memref<2x8x1000000xf32, #tpu.memory_space<hbm>> -> memref<2x8x128xf32, #tpu.memory_space<hbm>>
        tpu.enqueue_dma source(%dma_start3A_3211 : memref<2x8x128xf32, #tpu.memory_space<hbm>>) target(%dma_start3A_3208 : memref<2x8x128xf32, #tpu.memory_space<vmem>>) target_semaphore(%dma_start3A_3203 : memref<!tpu.dma_semaphore, #tpu.memory_space<semaphore_mem>>)
      } else {
      }
      %mul3A_1910 = arith.constant 16 : i32
      %mul3A_1911 = arith.muli %add3A_611, %mul3A_1910 : i32
      %get3A_1912 = arith.index_cast %mul3A_1911 : i32 to index
      %get3A_1913 = tpu.vector_load %arg8[%get3A_1912] {strides = array<i32>} : memref<512xi32, #tpu.memory_space<vmem>>, vector<16xi32>,
      %and3A_1914 = arith.constant 127 : i32
      %and3A_1915 = vector.broadcast %and3A_1914 : i32 to vector<16xi32>
      %and3A_1916 = arith.andi %get3A_1913, %and3A_1915 : vector<16xi32>
      %dma_wait3A_1917 = arith.constant 16 : i32
      %dma_wait3A_1918 = arith.constant 1 : i32
      %dma_wait3A_1919 = arith.constant 0 : i32
      %dma_wait3A_1920 = arith.constant 0 : i32
      %dma_wait3A_1921 = arith.constant 0 : i32
      %dma_wait3A_1922 = tpu.memref_slice %arg7[%dma_wait3A_1917, %dma_wait3A_1919, %dma_wait3A_1920, %dma_wait3A_1921] : memref<32x2x8x128xf32, #tpu.memory_space<vmem>> -> memref<1x2x8x128xf32, #tpu.memory_space<vmem>>
      %dma_wait3A_1923 = tpu.memref_squeeze %dma_wait3A_1922 : memref<1x2x8x128xf32, #tpu.memory_space<vmem>> -> memref<2x8x128xf32, #tpu.memory_space<vmem>>
      %dma_wait3A_1924 = arith.constant 0 : i32
      %dma_wait3A_1925 = arith.constant 0 : i32
      %dma_wait3A_1926 = arith.constant 0 : i32
      %dma_wait3A_1927 = tpu.memref_slice %arg3[%dma_wait3A_1924, %dma_wait3A_1925, %dma_wait3A_1926] : memref<2x8x1000000xf32, #tpu.memory_space<hbm>> -> memref<2x8x128xf32, #tpu.memory_space<hbm>>
      %dma_wait3A_1928 = tpu.memref_slice %arg9[%dma_wait3A_1918] : memref<2x!tpu.dma_semaphore, #tpu.memory_space<semaphore_mem>> -> memref<1x!tpu.dma_semaphore, #tpu.memory_space<semaphore_mem>>
      %dma_wait3A_1929 = tpu.memref_squeeze %dma_wait3A_1928 : memref<1x!tpu.dma_semaphore, #tpu.memory_space<semaphore_mem>> -> memref<!tpu.dma_semaphore, #tpu.memory_space<semaphore_mem>>
      %dma_wait3A_1930 = arith.constant 0 : i32
      %dma_wait3A_1931 = arith.constant 0 : i32
      %dma_wait3A_1932 = arith.constant 0 : i32
      %dma_wait3A_1933 = tpu.memref_slice %arg7[%dma_wait3A_1917, %dma_wait3A_1930, %dma_wait3A_1931, %dma_wait3A_1932] : memref<32x2x8x128xf32, #tpu.memory_space<vmem>> -> memref<1x2x8x128xf32, #tpu.memory_space<vmem>>
      %dma_wait3A_1934 = tpu.memref_squeeze %dma_wait3A_1933 : memref<1x2x8x128xf32, #tpu.memory_space<vmem>> -> memref<2x8x128xf32, #tpu.memory_space<vmem>>
      %dma_wait3A_1935 = arith.constant 0 : i32
      %dma_wait3A_1936 = arith.constant 0 : i32
      %dma_wait3A_1937 = arith.constant 0 : i32
      %dma_wait3A_1938 = tpu.memref_slice %arg3[%dma_wait3A_1935, %dma_wait3A_1936, %dma_wait3A_1937] : memref<2x8x1000000xf32, #tpu.memory_space<hbm>> -> memref<2x8x128xf32, #tpu.memory_space<hbm>>
      tpu.wait_dma2 semaphore(%dma_wait3A_1929 : memref<!tpu.dma_semaphore, #tpu.memory_space<semaphore_mem>>) src(%dma_wait3A_1938 : memref<2x8x128xf32, #tpu.memory_space<hbm>>) dst(%dma_wait3A_1934 : memref<2x8x128xf32, #tpu.memory_space<vmem>>)
      %dma_wait3A_1939 = arith.constant 17 : i32
      %dma_wait3A_1940 = arith.constant 1 : i32
      %dma_wait3A_1941 = arith.constant 0 : i32
      %dma_wait3A_1942 = arith.constant 0 : i32
      %dma_wait3A_1943 = arith.constant 0 : i32
      %dma_wait3A_1944 = tpu.memref_slice %arg7[%dma_wait3A_1939, %dma_wait3A_1941, %dma_wait3A_1942, %dma_wait3A_1943] : memref<32x2x8x128xf32, #tpu.memory_space<vmem>> -> memref<1x2x8x128xf32, #tpu.memory_space<vmem>>
      %dma_wait3A_1945 = tpu.memref_squeeze %dma_wait3A_1944 : memref<1x2x8x128xf32, #tpu.memory_space<vmem>> -> memref<2x8x128xf32, #tpu.memory_space<vmem>>
      %dma_wait3A_1946 = arith.constant 0 : i32
      %dma_wait3A_1947 = arith.constant 0 : i32
      %dma_wait3A_1948 = arith.constant 0 : i32
      %dma_wait3A_1949 = tpu.memref_slice %arg3[%dma_wait3A_1946, %dma_wait3A_1947, %dma_wait3A_1948] : memref<2x8x1000000xf32, #tpu.memory_space<hbm>> -> memref<2x8x128xf32, #tpu.memory_space<hbm>>
      %dma_wait3A_1950 = tpu.memref_slice %arg9[%dma_wait3A_1940] : memref<2x!tpu.dma_semaphore, #tpu.memory_space<semaphore_mem>> -> memref<1x!tpu.dma_semaphore, #tpu.memory_space<semaphore_mem>>
      %dma_wait3A_1951 = tpu.memref_squeeze %dma_wait3A_1950 : memref<1x!tpu.dma_semaphore, #tpu.memory_space<semaphore_mem>> -> memref<!tpu.dma_semaphore, #tpu.memory_space<semaphore_mem>>
      %dma_wait3A_1952 = arith.constant 0 : i32
      %dma_wait3A_1953 = arith.constant 0 : i32
      %dma_wait3A_1954 = arith.constant 0 : i32
      %dma_wait3A_1955 = tpu.memref_slice %arg7[%dma_wait3A_1939, %dma_wait3A_1952, %dma_wait3A_1953, %dma_wait3A_1954] : memref<32x2x8x128xf32, #tpu.memory_space<vmem>> -> memref<1x2x8x128xf32, #tpu.memory_space<vmem>>
      %dma_wait3A_1956 = tpu.memref_squeeze %dma_wait3A_1955 : memref<1x2x8x128xf32, #tpu.memory_space<vmem>> -> memref<2x8x128xf32, #tpu.memory_space<vmem>>
      %dma_wait3A_1957 = arith.constant 0 : i32
      %dma_wait3A_1958 = arith.constant 0 : i32
      %dma_wait3A_1959 = arith.constant 0 : i32
      %dma_wait3A_1960 = tpu.memref_slice %arg3[%dma_wait3A_1957, %dma_wait3A_1958, %dma_wait3A_1959] : memref<2x8x1000000xf32, #tpu.memory_space<hbm>> -> memref<2x8x128xf32, #tpu.memory_space<hbm>>
      tpu.wait_dma2 semaphore(%dma_wait3A_1951 : memref<!tpu.dma_semaphore, #tpu.memory_space<semaphore_mem>>) src(%dma_wait3A_1960 : memref<2x8x128xf32, #tpu.memory_space<hbm>>) dst(%dma_wait3A_1956 : memref<2x8x128xf32, #tpu.memory_space<vmem>>)
      %dma_wait3A_1961 = arith.constant 18 : i32
      %dma_wait3A_1962 = arith.constant 1 : i32
      %dma_wait3A_1963 = arith.constant 0 : i32
      %dma_wait3A_1964 = arith.constant 0 : i32
      %dma_wait3A_1965 = arith.constant 0 : i32
      %dma_wait3A_1966 = tpu.memref_slice %arg7[%dma_wait3A_1961, %dma_wait3A_1963, %dma_wait3A_1964, %dma_wait3A_1965] : memref<32x2x8x128xf32, #tpu.memory_space<vmem>> -> memref<1x2x8x128xf32, #tpu.memory_space<vmem>>
      %dma_wait3A_1967 = tpu.memref_squeeze %dma_wait3A_1966 : memref<1x2x8x128xf32, #tpu.memory_space<vmem>> -> memref<2x8x128xf32, #tpu.memory_space<vmem>>
      %dma_wait3A_1968 = arith.constant 0 : i32
      %dma_wait3A_1969 = arith.constant 0 : i32
      %dma_wait3A_1970 = arith.constant 0 : i32
      %dma_wait3A_1971 = tpu.memref_slice %arg3[%dma_wait3A_1968, %dma_wait3A_1969, %dma_wait3A_1970] : memref<2x8x1000000xf32, #tpu.memory_space<hbm>> -> memref<2x8x128xf32, #tpu.memory_space<hbm>>
      %dma_wait3A_1972 = tpu.memref_slice %arg9[%dma_wait3A_1962] : memref<2x!tpu.dma_semaphore, #tpu.memory_space<semaphore_mem>> -> memref<1x!tpu.dma_semaphore, #tpu.memory_space<semaphore_mem>>
      %dma_wait3A_1973 = tpu.memref_squeeze %dma_wait3A_1972 : memref<1x!tpu.dma_semaphore, #tpu.memory_space<semaphore_mem>> -> memref<!tpu.dma_semaphore, #tpu.memory_space<semaphore_mem>>
      %dma_wait3A_1974 = arith.constant 0 : i32
      %dma_wait3A_1975 = arith.constant 0 : i32
      %dma_wait3A_1976 = arith.constant 0 : i32
      %dma_wait3A_1977 = tpu.memref_slice %arg7[%dma_wait3A_1961, %dma_wait3A_1974, %dma_wait3A_1975, %dma_wait3A_1976] : memref<32x2x8x128xf32, #tpu.memory_space<vmem>> -> memref<1x2x8x128xf32, #tpu.memory_space<vmem>>
      %dma_wait3A_1978 = tpu.memref_squeeze %dma_wait3A_1977 : memref<1x2x8x128xf32, #tpu.memory_space<vmem>> -> memref<2x8x128xf32, #tpu.memory_space<vmem>>
      %dma_wait3A_1979 = arith.constant 0 : i32
      %dma_wait3A_1980 = arith.constant 0 : i32
      %dma_wait3A_1981 = arith.constant 0 : i32
      %dma_wait3A_1982 = tpu.memref_slice %arg3[%dma_wait3A_1979, %dma_wait3A_1980, %dma_wait3A_1981] : memref<2x8x1000000xf32, #tpu.memory_space<hbm>> -> memref<2x8x128xf32, #tpu.memory_space<hbm>>
      tpu.wait_dma2 semaphore(%dma_wait3A_1973 : memref<!tpu.dma_semaphore, #tpu.memory_space<semaphore_mem>>) src(%dma_wait3A_1982 : memref<2x8x128xf32, #tpu.memory_space<hbm>>) dst(%dma_wait3A_1978 : memref<2x8x128xf32, #tpu.memory_space<vmem>>)
      %dma_wait3A_1983 = arith.constant 19 : i32
      %dma_wait3A_1984 = arith.constant 1 : i32
      %dma_wait3A_1985 = arith.constant 0 : i32
      %dma_wait3A_1986 = arith.constant 0 : i32
      %dma_wait3A_1987 = arith.constant 0 : i32
      %dma_wait3A_1988 = tpu.memref_slice %arg7[%dma_wait3A_1983, %dma_wait3A_1985, %dma_wait3A_1986, %dma_wait3A_1987] : memref<32x2x8x128xf32, #tpu.memory_space<vmem>> -> memref<1x2x8x128xf32, #tpu.memory_space<vmem>>
      %dma_wait3A_1989 = tpu.memref_squeeze %dma_wait3A_1988 : memref<1x2x8x128xf32, #tpu.memory_space<vmem>> -> memref<2x8x128xf32, #tpu.memory_space<vmem>>
      %dma_wait3A_1990 = arith.constant 0 : i32
      %dma_wait3A_1991 = arith.constant 0 : i32
      %dma_wait3A_1992 = arith.constant 0 : i32
      %dma_wait3A_1993 = tpu.memref_slice %arg3[%dma_wait3A_1990, %dma_wait3A_1991, %dma_wait3A_1992] : memref<2x8x1000000xf32, #tpu.memory_space<hbm>> -> memref<2x8x128xf32, #tpu.memory_space<hbm>>
      %dma_wait3A_1994 = tpu.memref_slice %arg9[%dma_wait3A_1984] : memref<2x!tpu.dma_semaphore, #tpu.memory_space<semaphore_mem>> -> memref<1x!tpu.dma_semaphore, #tpu.memory_space<semaphore_mem>>
      %dma_wait3A_1995 = tpu.memref_squeeze %dma_wait3A_1994 : memref<1x!tpu.dma_semaphore, #tpu.memory_space<semaphore_mem>> -> memref<!tpu.dma_semaphore, #tpu.memory_space<semaphore_mem>>
      %dma_wait3A_1996 = arith.constant 0 : i32
      %dma_wait3A_1997 = arith.constant 0 : i32
      %dma_wait3A_1998 = arith.constant 0 : i32
      %dma_wait3A_1999 = tpu.memref_slice %arg7[%dma_wait3A_1983, %dma_wait3A_1996, %dma_wait3A_1997, %dma_wait3A_1998] : memref<32x2x8x128xf32, #tpu.memory_space<vmem>> -> memref<1x2x8x128xf32, #tpu.memory_space<vmem>>
      %dma_wait3A_2000 = tpu.memref_squeeze %dma_wait3A_1999 : memref<1x2x8x128xf32, #tpu.memory_space<vmem>> -> memref<2x8x128xf32, #tpu.memory_space<vmem>>
      %dma_wait3A_2001 = arith.constant 0 : i32
      %dma_wait3A_2002 = arith.constant 0 : i32
      %dma_wait3A_2003 = arith.constant 0 : i32
      %dma_wait3A_2004 = tpu.memref_slice %arg3[%dma_wait3A_2001, %dma_wait3A_2002, %dma_wait3A_2003] : memref<2x8x1000000xf32, #tpu.memory_space<hbm>> -> memref<2x8x128xf32, #tpu.memory_space<hbm>>
      tpu.wait_dma2 semaphore(%dma_wait3A_1995 : memref<!tpu.dma_semaphore, #tpu.memory_space<semaphore_mem>>) src(%dma_wait3A_2004 : memref<2x8x128xf32, #tpu.memory_space<hbm>>) dst(%dma_wait3A_2000 : memref<2x8x128xf32, #tpu.memory_space<vmem>>)
      %dma_wait3A_2005 = arith.constant 20 : i32
      %dma_wait3A_2006 = arith.constant 1 : i32
      %dma_wait3A_2007 = arith.constant 0 : i32
      %dma_wait3A_2008 = arith.constant 0 : i32
      %dma_wait3A_2009 = arith.constant 0 : i32
      %dma_wait3A_2010 = tpu.memref_slice %arg7[%dma_wait3A_2005, %dma_wait3A_2007, %dma_wait3A_2008, %dma_wait3A_2009] : memref<32x2x8x128xf32, #tpu.memory_space<vmem>> -> memref<1x2x8x128xf32, #tpu.memory_space<vmem>>
      %dma_wait3A_2011 = tpu.memref_squeeze %dma_wait3A_2010 : memref<1x2x8x128xf32, #tpu.memory_space<vmem>> -> memref<2x8x128xf32, #tpu.memory_space<vmem>>
      %dma_wait3A_2012 = arith.constant 0 : i32
      %dma_wait3A_2013 = arith.constant 0 : i32
      %dma_wait3A_2014 = arith.constant 0 : i32
      %dma_wait3A_2015 = tpu.memref_slice %arg3[%dma_wait3A_2012, %dma_wait3A_2013, %dma_wait3A_2014] : memref<2x8x1000000xf32, #tpu.memory_space<hbm>> -> memref<2x8x128xf32, #tpu.memory_space<hbm>>
      %dma_wait3A_2016 = tpu.memref_slice %arg9[%dma_wait3A_2006] : memref<2x!tpu.dma_semaphore, #tpu.memory_space<semaphore_mem>> -> memref<1x!tpu.dma_semaphore, #tpu.memory_space<semaphore_mem>>
      %dma_wait3A_2017 = tpu.memref_squeeze %dma_wait3A_2016 : memref<1x!tpu.dma_semaphore, #tpu.memory_space<semaphore_mem>> -> memref<!tpu.dma_semaphore, #tpu.memory_space<semaphore_mem>>
      %dma_wait3A_2018 = arith.constant 0 : i32
      %dma_wait3A_2019 = arith.constant 0 : i32
      %dma_wait3A_2020 = arith.constant 0 : i32
      %dma_wait3A_2021 = tpu.memref_slice %arg7[%dma_wait3A_2005, %dma_wait3A_2018, %dma_wait3A_2019, %dma_wait3A_2020] : memref<32x2x8x128xf32, #tpu.memory_space<vmem>> -> memref<1x2x8x128xf32, #tpu.memory_space<vmem>>
      %dma_wait3A_2022 = tpu.memref_squeeze %dma_wait3A_2021 : memref<1x2x8x128xf32, #tpu.memory_space<vmem>> -> memref<2x8x128xf32, #tpu.memory_space<vmem>>
      %dma_wait3A_2023 = arith.constant 0 : i32
      %dma_wait3A_2024 = arith.constant 0 : i32
      %dma_wait3A_2025 = arith.constant 0 : i32
      %dma_wait3A_2026 = tpu.memref_slice %arg3[%dma_wait3A_2023, %dma_wait3A_2024, %dma_wait3A_2025] : memref<2x8x1000000xf32, #tpu.memory_space<hbm>> -> memref<2x8x128xf32, #tpu.memory_space<hbm>>
      tpu.wait_dma2 semaphore(%dma_wait3A_2017 : memref<!tpu.dma_semaphore, #tpu.memory_space<semaphore_mem>>) src(%dma_wait3A_2026 : memref<2x8x128xf32, #tpu.memory_space<hbm>>) dst(%dma_wait3A_2022 : memref<2x8x128xf32, #tpu.memory_space<vmem>>)
      %dma_wait3A_2027 = arith.constant 21 : i32
      %dma_wait3A_2028 = arith.constant 1 : i32
      %dma_wait3A_2029 = arith.constant 0 : i32
      %dma_wait3A_2030 = arith.constant 0 : i32
      %dma_wait3A_2031 = arith.constant 0 : i32
      %dma_wait3A_2032 = tpu.memref_slice %arg7[%dma_wait3A_2027, %dma_wait3A_2029, %dma_wait3A_2030, %dma_wait3A_2031] : memref<32x2x8x128xf32, #tpu.memory_space<vmem>> -> memref<1x2x8x128xf32, #tpu.memory_space<vmem>>
      %dma_wait3A_2033 = tpu.memref_squeeze %dma_wait3A_2032 : memref<1x2x8x128xf32, #tpu.memory_space<vmem>> -> memref<2x8x128xf32, #tpu.memory_space<vmem>>
      %dma_wait3A_2034 = arith.constant 0 : i32
      %dma_wait3A_2035 = arith.constant 0 : i32
      %dma_wait3A_2036 = arith.constant 0 : i32
      %dma_wait3A_2037 = tpu.memref_slice %arg3[%dma_wait3A_2034, %dma_wait3A_2035, %dma_wait3A_2036] : memref<2x8x1000000xf32, #tpu.memory_space<hbm>> -> memref<2x8x128xf32, #tpu.memory_space<hbm>>
      %dma_wait3A_2038 = tpu.memref_slice %arg9[%dma_wait3A_2028] : memref<2x!tpu.dma_semaphore, #tpu.memory_space<semaphore_mem>> -> memref<1x!tpu.dma_semaphore, #tpu.memory_space<semaphore_mem>>
      %dma_wait3A_2039 = tpu.memref_squeeze %dma_wait3A_2038 : memref<1x!tpu.dma_semaphore, #tpu.memory_space<semaphore_mem>> -> memref<!tpu.dma_semaphore, #tpu.memory_space<semaphore_mem>>
      %dma_wait3A_2040 = arith.constant 0 : i32
      %dma_wait3A_2041 = arith.constant 0 : i32
      %dma_wait3A_2042 = arith.constant 0 : i32
      %dma_wait3A_2043 = tpu.memref_slice %arg7[%dma_wait3A_2027, %dma_wait3A_2040, %dma_wait3A_2041, %dma_wait3A_2042] : memref<32x2x8x128xf32, #tpu.memory_space<vmem>> -> memref<1x2x8x128xf32, #tpu.memory_space<vmem>>
      %dma_wait3A_2044 = tpu.memref_squeeze %dma_wait3A_2043 : memref<1x2x8x128xf32, #tpu.memory_space<vmem>> -> memref<2x8x128xf32, #tpu.memory_space<vmem>>
      %dma_wait3A_2045 = arith.constant 0 : i32
      %dma_wait3A_2046 = arith.constant 0 : i32
      %dma_wait3A_2047 = arith.constant 0 : i32
      %dma_wait3A_2048 = tpu.memref_slice %arg3[%dma_wait3A_2045, %dma_wait3A_2046, %dma_wait3A_2047] : memref<2x8x1000000xf32, #tpu.memory_space<hbm>> -> memref<2x8x128xf32, #tpu.memory_space<hbm>>
      tpu.wait_dma2 semaphore(%dma_wait3A_2039 : memref<!tpu.dma_semaphore, #tpu.memory_space<semaphore_mem>>) src(%dma_wait3A_2048 : memref<2x8x128xf32, #tpu.memory_space<hbm>>) dst(%dma_wait3A_2044 : memref<2x8x128xf32, #tpu.memory_space<vmem>>)
      %dma_wait3A_2049 = arith.constant 22 : i32
      %dma_wait3A_2050 = arith.constant 1 : i32
      %dma_wait3A_2051 = arith.constant 0 : i32
      %dma_wait3A_2052 = arith.constant 0 : i32
      %dma_wait3A_2053 = arith.constant 0 : i32
      %dma_wait3A_2054 = tpu.memref_slice %arg7[%dma_wait3A_2049, %dma_wait3A_2051, %dma_wait3A_2052, %dma_wait3A_2053] : memref<32x2x8x128xf32, #tpu.memory_space<vmem>> -> memref<1x2x8x128xf32, #tpu.memory_space<vmem>>
      %dma_wait3A_2055 = tpu.memref_squeeze %dma_wait3A_2054 : memref<1x2x8x128xf32, #tpu.memory_space<vmem>> -> memref<2x8x128xf32, #tpu.memory_space<vmem>>
      %dma_wait3A_2056 = arith.constant 0 : i32
      %dma_wait3A_2057 = arith.constant 0 : i32
      %dma_wait3A_2058 = arith.constant 0 : i32
      %dma_wait3A_2059 = tpu.memref_slice %arg3[%dma_wait3A_2056, %dma_wait3A_2057, %dma_wait3A_2058] : memref<2x8x1000000xf32, #tpu.memory_space<hbm>> -> memref<2x8x128xf32, #tpu.memory_space<hbm>>
      %dma_wait3A_2060 = tpu.memref_slice %arg9[%dma_wait3A_2050] : memref<2x!tpu.dma_semaphore, #tpu.memory_space<semaphore_mem>> -> memref<1x!tpu.dma_semaphore, #tpu.memory_space<semaphore_mem>>
      %dma_wait3A_2061 = tpu.memref_squeeze %dma_wait3A_2060 : memref<1x!tpu.dma_semaphore, #tpu.memory_space<semaphore_mem>> -> memref<!tpu.dma_semaphore, #tpu.memory_space<semaphore_mem>>
      %dma_wait3A_2062 = arith.constant 0 : i32
      %dma_wait3A_2063 = arith.constant 0 : i32
      %dma_wait3A_2064 = arith.constant 0 : i32
      %dma_wait3A_2065 = tpu.memref_slice %arg7[%dma_wait3A_2049, %dma_wait3A_2062, %dma_wait3A_2063, %dma_wait3A_2064] : memref<32x2x8x128xf32, #tpu.memory_space<vmem>> -> memref<1x2x8x128xf32, #tpu.memory_space<vmem>>
      %dma_wait3A_2066 = tpu.memref_squeeze %dma_wait3A_2065 : memref<1x2x8x128xf32, #tpu.memory_space<vmem>> -> memref<2x8x128xf32, #tpu.memory_space<vmem>>
      %dma_wait3A_2067 = arith.constant 0 : i32
      %dma_wait3A_2068 = arith.constant 0 : i32
      %dma_wait3A_2069 = arith.constant 0 : i32
      %dma_wait3A_2070 = tpu.memref_slice %arg3[%dma_wait3A_2067, %dma_wait3A_2068, %dma_wait3A_2069] : memref<2x8x1000000xf32, #tpu.memory_space<hbm>> -> memref<2x8x128xf32, #tpu.memory_space<hbm>>
      tpu.wait_dma2 semaphore(%dma_wait3A_2061 : memref<!tpu.dma_semaphore, #tpu.memory_space<semaphore_mem>>) src(%dma_wait3A_2070 : memref<2x8x128xf32, #tpu.memory_space<hbm>>) dst(%dma_wait3A_2066 : memref<2x8x128xf32, #tpu.memory_space<vmem>>)
      %dma_wait3A_2071 = arith.constant 23 : i32
      %dma_wait3A_2072 = arith.constant 1 : i32
      %dma_wait3A_2073 = arith.constant 0 : i32
      %dma_wait3A_2074 = arith.constant 0 : i32
      %dma_wait3A_2075 = arith.constant 0 : i32
      %dma_wait3A_2076 = tpu.memref_slice %arg7[%dma_wait3A_2071, %dma_wait3A_2073, %dma_wait3A_2074, %dma_wait3A_2075] : memref<32x2x8x128xf32, #tpu.memory_space<vmem>> -> memref<1x2x8x128xf32, #tpu.memory_space<vmem>>
      %dma_wait3A_2077 = tpu.memref_squeeze %dma_wait3A_2076 : memref<1x2x8x128xf32, #tpu.memory_space<vmem>> -> memref<2x8x128xf32, #tpu.memory_space<vmem>>
      %dma_wait3A_2078 = arith.constant 0 : i32
      %dma_wait3A_2079 = arith.constant 0 : i32
      %dma_wait3A_2080 = arith.constant 0 : i32
      %dma_wait3A_2081 = tpu.memref_slice %arg3[%dma_wait3A_2078, %dma_wait3A_2079, %dma_wait3A_2080] : memref<2x8x1000000xf32, #tpu.memory_space<hbm>> -> memref<2x8x128xf32, #tpu.memory_space<hbm>>
      %dma_wait3A_2082 = tpu.memref_slice %arg9[%dma_wait3A_2072] : memref<2x!tpu.dma_semaphore, #tpu.memory_space<semaphore_mem>> -> memref<1x!tpu.dma_semaphore, #tpu.memory_space<semaphore_mem>>
      %dma_wait3A_2083 = tpu.memref_squeeze %dma_wait3A_2082 : memref<1x!tpu.dma_semaphore, #tpu.memory_space<semaphore_mem>> -> memref<!tpu.dma_semaphore, #tpu.memory_space<semaphore_mem>>
      %dma_wait3A_2084 = arith.constant 0 : i32
      %dma_wait3A_2085 = arith.constant 0 : i32
      %dma_wait3A_2086 = arith.constant 0 : i32
      %dma_wait3A_2087 = tpu.memref_slice %arg7[%dma_wait3A_2071, %dma_wait3A_2084, %dma_wait3A_2085, %dma_wait3A_2086] : memref<32x2x8x128xf32, #tpu.memory_space<vmem>> -> memref<1x2x8x128xf32, #tpu.memory_space<vmem>>
      %dma_wait3A_2088 = tpu.memref_squeeze %dma_wait3A_2087 : memref<1x2x8x128xf32, #tpu.memory_space<vmem>> -> memref<2x8x128xf32, #tpu.memory_space<vmem>>
      %dma_wait3A_2089 = arith.constant 0 : i32
      %dma_wait3A_2090 = arith.constant 0 : i32
      %dma_wait3A_2091 = arith.constant 0 : i32
      %dma_wait3A_2092 = tpu.memref_slice %arg3[%dma_wait3A_2089, %dma_wait3A_2090, %dma_wait3A_2091] : memref<2x8x1000000xf32, #tpu.memory_space<hbm>> -> memref<2x8x128xf32, #tpu.memory_space<hbm>>
      tpu.wait_dma2 semaphore(%dma_wait3A_2083 : memref<!tpu.dma_semaphore, #tpu.memory_space<semaphore_mem>>) src(%dma_wait3A_2092 : memref<2x8x128xf32, #tpu.memory_space<hbm>>) dst(%dma_wait3A_2088 : memref<2x8x128xf32, #tpu.memory_space<vmem>>)
      %dma_wait3A_2093 = arith.constant 24 : i32
      %dma_wait3A_2094 = arith.constant 1 : i32
      %dma_wait3A_2095 = arith.constant 0 : i32
      %dma_wait3A_2096 = arith.constant 0 : i32
      %dma_wait3A_2097 = arith.constant 0 : i32
      %dma_wait3A_2098 = tpu.memref_slice %arg7[%dma_wait3A_2093, %dma_wait3A_2095, %dma_wait3A_2096, %dma_wait3A_2097] : memref<32x2x8x128xf32, #tpu.memory_space<vmem>> -> memref<1x2x8x128xf32, #tpu.memory_space<vmem>>
      %dma_wait3A_2099 = tpu.memref_squeeze %dma_wait3A_2098 : memref<1x2x8x128xf32, #tpu.memory_space<vmem>> -> memref<2x8x128xf32, #tpu.memory_space<vmem>>
      %dma_wait3A_2100 = arith.constant 0 : i32
      %dma_wait3A_2101 = arith.constant 0 : i32
      %dma_wait3A_2102 = arith.constant 0 : i32
      %dma_wait3A_2103 = tpu.memref_slice %arg3[%dma_wait3A_2100, %dma_wait3A_2101, %dma_wait3A_2102] : memref<2x8x1000000xf32, #tpu.memory_space<hbm>> -> memref<2x8x128xf32, #tpu.memory_space<hbm>>
      %dma_wait3A_2104 = tpu.memref_slice %arg9[%dma_wait3A_2094] : memref<2x!tpu.dma_semaphore, #tpu.memory_space<semaphore_mem>> -> memref<1x!tpu.dma_semaphore, #tpu.memory_space<semaphore_mem>>
      %dma_wait3A_2105 = tpu.memref_squeeze %dma_wait3A_2104 : memref<1x!tpu.dma_semaphore, #tpu.memory_space<semaphore_mem>> -> memref<!tpu.dma_semaphore, #tpu.memory_space<semaphore_mem>>
      %dma_wait3A_2106 = arith.constant 0 : i32
      %dma_wait3A_2107 = arith.constant 0 : i32
      %dma_wait3A_2108 = arith.constant 0 : i32
      %dma_wait3A_2109 = tpu.memref_slice %arg7[%dma_wait3A_2093, %dma_wait3A_2106, %dma_wait3A_2107, %dma_wait3A_2108] : memref<32x2x8x128xf32, #tpu.memory_space<vmem>> -> memref<1x2x8x128xf32, #tpu.memory_space<vmem>>
      %dma_wait3A_2110 = tpu.memref_squeeze %dma_wait3A_2109 : memref<1x2x8x128xf32, #tpu.memory_space<vmem>> -> memref<2x8x128xf32, #tpu.memory_space<vmem>>
      %dma_wait3A_2111 = arith.constant 0 : i32
      %dma_wait3A_2112 = arith.constant 0 : i32
      %dma_wait3A_2113 = arith.constant 0 : i32
      %dma_wait3A_2114 = tpu.memref_slice %arg3[%dma_wait3A_2111, %dma_wait3A_2112, %dma_wait3A_2113] : memref<2x8x1000000xf32, #tpu.memory_space<hbm>> -> memref<2x8x128xf32, #tpu.memory_space<hbm>>
      tpu.wait_dma2 semaphore(%dma_wait3A_2105 : memref<!tpu.dma_semaphore, #tpu.memory_space<semaphore_mem>>) src(%dma_wait3A_2114 : memref<2x8x128xf32, #tpu.memory_space<hbm>>) dst(%dma_wait3A_2110 : memref<2x8x128xf32, #tpu.memory_space<vmem>>)
      %dma_wait3A_2115 = arith.constant 25 : i32
      %dma_wait3A_2116 = arith.constant 1 : i32
      %dma_wait3A_2117 = arith.constant 0 : i32
      %dma_wait3A_2118 = arith.constant 0 : i32
      %dma_wait3A_2119 = arith.constant 0 : i32
      %dma_wait3A_2120 = tpu.memref_slice %arg7[%dma_wait3A_2115, %dma_wait3A_2117, %dma_wait3A_2118, %dma_wait3A_2119] : memref<32x2x8x128xf32, #tpu.memory_space<vmem>> -> memref<1x2x8x128xf32, #tpu.memory_space<vmem>>
      %dma_wait3A_2121 = tpu.memref_squeeze %dma_wait3A_2120 : memref<1x2x8x128xf32, #tpu.memory_space<vmem>> -> memref<2x8x128xf32, #tpu.memory_space<vmem>>
      %dma_wait3A_2122 = arith.constant 0 : i32
      %dma_wait3A_2123 = arith.constant 0 : i32
      %dma_wait3A_2124 = arith.constant 0 : i32
      %dma_wait3A_2125 = tpu.memref_slice %arg3[%dma_wait3A_2122, %dma_wait3A_2123, %dma_wait3A_2124] : memref<2x8x1000000xf32, #tpu.memory_space<hbm>> -> memref<2x8x128xf32, #tpu.memory_space<hbm>>
      %dma_wait3A_2126 = tpu.memref_slice %arg9[%dma_wait3A_2116] : memref<2x!tpu.dma_semaphore, #tpu.memory_space<semaphore_mem>> -> memref<1x!tpu.dma_semaphore, #tpu.memory_space<semaphore_mem>>
      %dma_wait3A_2127 = tpu.memref_squeeze %dma_wait3A_2126 : memref<1x!tpu.dma_semaphore, #tpu.memory_space<semaphore_mem>> -> memref<!tpu.dma_semaphore, #tpu.memory_space<semaphore_mem>>
      %dma_wait3A_2128 = arith.constant 0 : i32
      %dma_wait3A_2129 = arith.constant 0 : i32
      %dma_wait3A_2130 = arith.constant 0 : i32
      %dma_wait3A_2131 = tpu.memref_slice %arg7[%dma_wait3A_2115, %dma_wait3A_2128, %dma_wait3A_2129, %dma_wait3A_2130] : memref<32x2x8x128xf32, #tpu.memory_space<vmem>> -> memref<1x2x8x128xf32, #tpu.memory_space<vmem>>
      %dma_wait3A_2132 = tpu.memref_squeeze %dma_wait3A_2131 : memref<1x2x8x128xf32, #tpu.memory_space<vmem>> -> memref<2x8x128xf32, #tpu.memory_space<vmem>>
      %dma_wait3A_2133 = arith.constant 0 : i32
      %dma_wait3A_2134 = arith.constant 0 : i32
      %dma_wait3A_2135 = arith.constant 0 : i32
      %dma_wait3A_2136 = tpu.memref_slice %arg3[%dma_wait3A_2133, %dma_wait3A_2134, %dma_wait3A_2135] : memref<2x8x1000000xf32, #tpu.memory_space<hbm>> -> memref<2x8x128xf32, #tpu.memory_space<hbm>>
      tpu.wait_dma2 semaphore(%dma_wait3A_2127 : memref<!tpu.dma_semaphore, #tpu.memory_space<semaphore_mem>>) src(%dma_wait3A_2136 : memref<2x8x128xf32, #tpu.memory_space<hbm>>) dst(%dma_wait3A_2132 : memref<2x8x128xf32, #tpu.memory_space<vmem>>)
      %dma_wait3A_2137 = arith.constant 26 : i32
      %dma_wait3A_2138 = arith.constant 1 : i32
      %dma_wait3A_2139 = arith.constant 0 : i32
      %dma_wait3A_2140 = arith.constant 0 : i32
      %dma_wait3A_2141 = arith.constant 0 : i32
      %dma_wait3A_2142 = tpu.memref_slice %arg7[%dma_wait3A_2137, %dma_wait3A_2139, %dma_wait3A_2140, %dma_wait3A_2141] : memref<32x2x8x128xf32, #tpu.memory_space<vmem>> -> memref<1x2x8x128xf32, #tpu.memory_space<vmem>>
      %dma_wait3A_2143 = tpu.memref_squeeze %dma_wait3A_2142 : memref<1x2x8x128xf32, #tpu.memory_space<vmem>> -> memref<2x8x128xf32, #tpu.memory_space<vmem>>
      %dma_wait3A_2144 = arith.constant 0 : i32
      %dma_wait3A_2145 = arith.constant 0 : i32
      %dma_wait3A_2146 = arith.constant 0 : i32
      %dma_wait3A_2147 = tpu.memref_slice %arg3[%dma_wait3A_2144, %dma_wait3A_2145, %dma_wait3A_2146] : memref<2x8x1000000xf32, #tpu.memory_space<hbm>> -> memref<2x8x128xf32, #tpu.memory_space<hbm>>
      %dma_wait3A_2148 = tpu.memref_slice %arg9[%dma_wait3A_2138] : memref<2x!tpu.dma_semaphore, #tpu.memory_space<semaphore_mem>> -> memref<1x!tpu.dma_semaphore, #tpu.memory_space<semaphore_mem>>
      %dma_wait3A_2149 = tpu.memref_squeeze %dma_wait3A_2148 : memref<1x!tpu.dma_semaphore, #tpu.memory_space<semaphore_mem>> -> memref<!tpu.dma_semaphore, #tpu.memory_space<semaphore_mem>>
      %dma_wait3A_2150 = arith.constant 0 : i32
      %dma_wait3A_2151 = arith.constant 0 : i32
      %dma_wait3A_2152 = arith.constant 0 : i32
      %dma_wait3A_2153 = tpu.memref_slice %arg7[%dma_wait3A_2137, %dma_wait3A_2150, %dma_wait3A_2151, %dma_wait3A_2152] : memref<32x2x8x128xf32, #tpu.memory_space<vmem>> -> memref<1x2x8x128xf32, #tpu.memory_space<vmem>>
      %dma_wait3A_2154 = tpu.memref_squeeze %dma_wait3A_2153 : memref<1x2x8x128xf32, #tpu.memory_space<vmem>> -> memref<2x8x128xf32, #tpu.memory_space<vmem>>
      %dma_wait3A_2155 = arith.constant 0 : i32
      %dma_wait3A_2156 = arith.constant 0 : i32
      %dma_wait3A_2157 = arith.constant 0 : i32
      %dma_wait3A_2158 = tpu.memref_slice %arg3[%dma_wait3A_2155, %dma_wait3A_2156, %dma_wait3A_2157] : memref<2x8x1000000xf32, #tpu.memory_space<hbm>> -> memref<2x8x128xf32, #tpu.memory_space<hbm>>
      tpu.wait_dma2 semaphore(%dma_wait3A_2149 : memref<!tpu.dma_semaphore, #tpu.memory_space<semaphore_mem>>) src(%dma_wait3A_2158 : memref<2x8x128xf32, #tpu.memory_space<hbm>>) dst(%dma_wait3A_2154 : memref<2x8x128xf32, #tpu.memory_space<vmem>>)
      %dma_wait3A_2159 = arith.constant 27 : i32
      %dma_wait3A_2160 = arith.constant 1 : i32
      %dma_wait3A_2161 = arith.constant 0 : i32
      %dma_wait3A_2162 = arith.constant 0 : i32
      %dma_wait3A_2163 = arith.constant 0 : i32
      %dma_wait3A_2164 = tpu.memref_slice %arg7[%dma_wait3A_2159, %dma_wait3A_2161, %dma_wait3A_2162, %dma_wait3A_2163] : memref<32x2x8x128xf32, #tpu.memory_space<vmem>> -> memref<1x2x8x128xf32, #tpu.memory_space<vmem>>
      %dma_wait3A_2165 = tpu.memref_squeeze %dma_wait3A_2164 : memref<1x2x8x128xf32, #tpu.memory_space<vmem>> -> memref<2x8x128xf32, #tpu.memory_space<vmem>>
      %dma_wait3A_2166 = arith.constant 0 : i32
      %dma_wait3A_2167 = arith.constant 0 : i32
      %dma_wait3A_2168 = arith.constant 0 : i32
      %dma_wait3A_2169 = tpu.memref_slice %arg3[%dma_wait3A_2166, %dma_wait3A_2167, %dma_wait3A_2168] : memref<2x8x1000000xf32, #tpu.memory_space<hbm>> -> memref<2x8x128xf32, #tpu.memory_space<hbm>>
      %dma_wait3A_2170 = tpu.memref_slice %arg9[%dma_wait3A_2160] : memref<2x!tpu.dma_semaphore, #tpu.memory_space<semaphore_mem>> -> memref<1x!tpu.dma_semaphore, #tpu.memory_space<semaphore_mem>>
      %dma_wait3A_2171 = tpu.memref_squeeze %dma_wait3A_2170 : memref<1x!tpu.dma_semaphore, #tpu.memory_space<semaphore_mem>> -> memref<!tpu.dma_semaphore, #tpu.memory_space<semaphore_mem>>
      %dma_wait3A_2172 = arith.constant 0 : i32
      %dma_wait3A_2173 = arith.constant 0 : i32
      %dma_wait3A_2174 = arith.constant 0 : i32
      %dma_wait3A_2175 = tpu.memref_slice %arg7[%dma_wait3A_2159, %dma_wait3A_2172, %dma_wait3A_2173, %dma_wait3A_2174] : memref<32x2x8x128xf32, #tpu.memory_space<vmem>> -> memref<1x2x8x128xf32, #tpu.memory_space<vmem>>
      %dma_wait3A_2176 = tpu.memref_squeeze %dma_wait3A_2175 : memref<1x2x8x128xf32, #tpu.memory_space<vmem>> -> memref<2x8x128xf32, #tpu.memory_space<vmem>>
      %dma_wait3A_2177 = arith.constant 0 : i32
      %dma_wait3A_2178 = arith.constant 0 : i32
      %dma_wait3A_2179 = arith.constant 0 : i32
      %dma_wait3A_2180 = tpu.memref_slice %arg3[%dma_wait3A_2177, %dma_wait3A_2178, %dma_wait3A_2179] : memref<2x8x1000000xf32, #tpu.memory_space<hbm>> -> memref<2x8x128xf32, #tpu.memory_space<hbm>>
      tpu.wait_dma2 semaphore(%dma_wait3A_2171 : memref<!tpu.dma_semaphore, #tpu.memory_space<semaphore_mem>>) src(%dma_wait3A_2180 : memref<2x8x128xf32, #tpu.memory_space<hbm>>) dst(%dma_wait3A_2176 : memref<2x8x128xf32, #tpu.memory_space<vmem>>)
      %dma_wait3A_2181 = arith.constant 28 : i32
      %dma_wait3A_2182 = arith.constant 1 : i32
      %dma_wait3A_2183 = arith.constant 0 : i32
      %dma_wait3A_2184 = arith.constant 0 : i32
      %dma_wait3A_2185 = arith.constant 0 : i32
      %dma_wait3A_2186 = tpu.memref_slice %arg7[%dma_wait3A_2181, %dma_wait3A_2183, %dma_wait3A_2184, %dma_wait3A_2185] : memref<32x2x8x128xf32, #tpu.memory_space<vmem>> -> memref<1x2x8x128xf32, #tpu.memory_space<vmem>>
      %dma_wait3A_2187 = tpu.memref_squeeze %dma_wait3A_2186 : memref<1x2x8x128xf32, #tpu.memory_space<vmem>> -> memref<2x8x128xf32, #tpu.memory_space<vmem>>
      %dma_wait3A_2188 = arith.constant 0 : i32
      %dma_wait3A_2189 = arith.constant 0 : i32
      %dma_wait3A_2190 = arith.constant 0 : i32
      %dma_wait3A_2191 = tpu.memref_slice %arg3[%dma_wait3A_2188, %dma_wait3A_2189, %dma_wait3A_2190] : memref<2x8x1000000xf32, #tpu.memory_space<hbm>> -> memref<2x8x128xf32, #tpu.memory_space<hbm>>
      %dma_wait3A_2192 = tpu.memref_slice %arg9[%dma_wait3A_2182] : memref<2x!tpu.dma_semaphore, #tpu.memory_space<semaphore_mem>> -> memref<1x!tpu.dma_semaphore, #tpu.memory_space<semaphore_mem>>
      %dma_wait3A_2193 = tpu.memref_squeeze %dma_wait3A_2192 : memref<1x!tpu.dma_semaphore, #tpu.memory_space<semaphore_mem>> -> memref<!tpu.dma_semaphore, #tpu.memory_space<semaphore_mem>>
      %dma_wait3A_2194 = arith.constant 0 : i32
      %dma_wait3A_2195 = arith.constant 0 : i32
      %dma_wait3A_2196 = arith.constant 0 : i32
      %dma_wait3A_2197 = tpu.memref_slice %arg7[%dma_wait3A_2181, %dma_wait3A_2194, %dma_wait3A_2195, %dma_wait3A_2196] : memref<32x2x8x128xf32, #tpu.memory_space<vmem>> -> memref<1x2x8x128xf32, #tpu.memory_space<vmem>>
      %dma_wait3A_2198 = tpu.memref_squeeze %dma_wait3A_2197 : memref<1x2x8x128xf32, #tpu.memory_space<vmem>> -> memref<2x8x128xf32, #tpu.memory_space<vmem>>
      %dma_wait3A_2199 = arith.constant 0 : i32
      %dma_wait3A_2200 = arith.constant 0 : i32
      %dma_wait3A_2201 = arith.constant 0 : i32
      %dma_wait3A_2202 = tpu.memref_slice %arg3[%dma_wait3A_2199, %dma_wait3A_2200, %dma_wait3A_2201] : memref<2x8x1000000xf32, #tpu.memory_space<hbm>> -> memref<2x8x128xf32, #tpu.memory_space<hbm>>
      tpu.wait_dma2 semaphore(%dma_wait3A_2193 : memref<!tpu.dma_semaphore, #tpu.memory_space<semaphore_mem>>) src(%dma_wait3A_2202 : memref<2x8x128xf32, #tpu.memory_space<hbm>>) dst(%dma_wait3A_2198 : memref<2x8x128xf32, #tpu.memory_space<vmem>>)
      %dma_wait3A_2203 = arith.constant 29 : i32
      %dma_wait3A_2204 = arith.constant 1 : i32
      %dma_wait3A_2205 = arith.constant 0 : i32
      %dma_wait3A_2206 = arith.constant 0 : i32
      %dma_wait3A_2207 = arith.constant 0 : i32
      %dma_wait3A_2208 = tpu.memref_slice %arg7[%dma_wait3A_2203, %dma_wait3A_2205, %dma_wait3A_2206, %dma_wait3A_2207] : memref<32x2x8x128xf32, #tpu.memory_space<vmem>> -> memref<1x2x8x128xf32, #tpu.memory_space<vmem>>
      %dma_wait3A_2209 = tpu.memref_squeeze %dma_wait3A_2208 : memref<1x2x8x128xf32, #tpu.memory_space<vmem>> -> memref<2x8x128xf32, #tpu.memory_space<vmem>>
      %dma_wait3A_2210 = arith.constant 0 : i32
      %dma_wait3A_2211 = arith.constant 0 : i32
      %dma_wait3A_2212 = arith.constant 0 : i32
      %dma_wait3A_2213 = tpu.memref_slice %arg3[%dma_wait3A_2210, %dma_wait3A_2211, %dma_wait3A_2212] : memref<2x8x1000000xf32, #tpu.memory_space<hbm>> -> memref<2x8x128xf32, #tpu.memory_space<hbm>>
      %dma_wait3A_2214 = tpu.memref_slice %arg9[%dma_wait3A_2204] : memref<2x!tpu.dma_semaphore, #tpu.memory_space<semaphore_mem>> -> memref<1x!tpu.dma_semaphore, #tpu.memory_space<semaphore_mem>>
      %dma_wait3A_2215 = tpu.memref_squeeze %dma_wait3A_2214 : memref<1x!tpu.dma_semaphore, #tpu.memory_space<semaphore_mem>> -> memref<!tpu.dma_semaphore, #tpu.memory_space<semaphore_mem>>
      %dma_wait3A_2216 = arith.constant 0 : i32
      %dma_wait3A_2217 = arith.constant 0 : i32
      %dma_wait3A_2218 = arith.constant 0 : i32
      %dma_wait3A_2219 = tpu.memref_slice %arg7[%dma_wait3A_2203, %dma_wait3A_2216, %dma_wait3A_2217, %dma_wait3A_2218] : memref<32x2x8x128xf32, #tpu.memory_space<vmem>> -> memref<1x2x8x128xf32, #tpu.memory_space<vmem>>
      %dma_wait3A_2220 = tpu.memref_squeeze %dma_wait3A_2219 : memref<1x2x8x128xf32, #tpu.memory_space<vmem>> -> memref<2x8x128xf32, #tpu.memory_space<vmem>>
      %dma_wait3A_2221 = arith.constant 0 : i32
      %dma_wait3A_2222 = arith.constant 0 : i32
      %dma_wait3A_2223 = arith.constant 0 : i32
      %dma_wait3A_2224 = tpu.memref_slice %arg3[%dma_wait3A_2221, %dma_wait3A_2222, %dma_wait3A_2223] : memref<2x8x1000000xf32, #tpu.memory_space<hbm>> -> memref<2x8x128xf32, #tpu.memory_space<hbm>>
      tpu.wait_dma2 semaphore(%dma_wait3A_2215 : memref<!tpu.dma_semaphore, #tpu.memory_space<semaphore_mem>>) src(%dma_wait3A_2224 : memref<2x8x128xf32, #tpu.memory_space<hbm>>) dst(%dma_wait3A_2220 : memref<2x8x128xf32, #tpu.memory_space<vmem>>)
      %dma_wait3A_2225 = arith.constant 30 : i32
      %dma_wait3A_2226 = arith.constant 1 : i32
      %dma_wait3A_2227 = arith.constant 0 : i32
      %dma_wait3A_2228 = arith.constant 0 : i32
      %dma_wait3A_2229 = arith.constant 0 : i32
      %dma_wait3A_2230 = tpu.memref_slice %arg7[%dma_wait3A_2225, %dma_wait3A_2227, %dma_wait3A_2228, %dma_wait3A_2229] : memref<32x2x8x128xf32, #tpu.memory_space<vmem>> -> memref<1x2x8x128xf32, #tpu.memory_space<vmem>>
      %dma_wait3A_2231 = tpu.memref_squeeze %dma_wait3A_2230 : memref<1x2x8x128xf32, #tpu.memory_space<vmem>> -> memref<2x8x128xf32, #tpu.memory_space<vmem>>
      %dma_wait3A_2232 = arith.constant 0 : i32
      %dma_wait3A_2233 = arith.constant 0 : i32
      %dma_wait3A_2234 = arith.constant 0 : i32
      %dma_wait3A_2235 = tpu.memref_slice %arg3[%dma_wait3A_2232, %dma_wait3A_2233, %dma_wait3A_2234] : memref<2x8x1000000xf32, #tpu.memory_space<hbm>> -> memref<2x8x128xf32, #tpu.memory_space<hbm>>
      %dma_wait3A_2236 = tpu.memref_slice %arg9[%dma_wait3A_2226] : memref<2x!tpu.dma_semaphore, #tpu.memory_space<semaphore_mem>> -> memref<1x!tpu.dma_semaphore, #tpu.memory_space<semaphore_mem>>
      %dma_wait3A_2237 = tpu.memref_squeeze %dma_wait3A_2236 : memref<1x!tpu.dma_semaphore, #tpu.memory_space<semaphore_mem>> -> memref<!tpu.dma_semaphore, #tpu.memory_space<semaphore_mem>>
      %dma_wait3A_2238 = arith.constant 0 : i32
      %dma_wait3A_2239 = arith.constant 0 : i32
      %dma_wait3A_2240 = arith.constant 0 : i32
      %dma_wait3A_2241 = tpu.memref_slice %arg7[%dma_wait3A_2225, %dma_wait3A_2238, %dma_wait3A_2239, %dma_wait3A_2240] : memref<32x2x8x128xf32, #tpu.memory_space<vmem>> -> memref<1x2x8x128xf32, #tpu.memory_space<vmem>>
      %dma_wait3A_2242 = tpu.memref_squeeze %dma_wait3A_2241 : memref<1x2x8x128xf32, #tpu.memory_space<vmem>> -> memref<2x8x128xf32, #tpu.memory_space<vmem>>
      %dma_wait3A_2243 = arith.constant 0 : i32
      %dma_wait3A_2244 = arith.constant 0 : i32
      %dma_wait3A_2245 = arith.constant 0 : i32
      %dma_wait3A_2246 = tpu.memref_slice %arg3[%dma_wait3A_2243, %dma_wait3A_2244, %dma_wait3A_2245] : memref<2x8x1000000xf32, #tpu.memory_space<hbm>> -> memref<2x8x128xf32, #tpu.memory_space<hbm>>
      tpu.wait_dma2 semaphore(%dma_wait3A_2237 : memref<!tpu.dma_semaphore, #tpu.memory_space<semaphore_mem>>) src(%dma_wait3A_2246 : memref<2x8x128xf32, #tpu.memory_space<hbm>>) dst(%dma_wait3A_2242 : memref<2x8x128xf32, #tpu.memory_space<vmem>>)
      %dma_wait3A_2247 = arith.constant 31 : i32
      %dma_wait3A_2248 = arith.constant 1 : i32
      %dma_wait3A_2249 = arith.constant 0 : i32
      %dma_wait3A_2250 = arith.constant 0 : i32
      %dma_wait3A_2251 = arith.constant 0 : i32
      %dma_wait3A_2252 = tpu.memref_slice %arg7[%dma_wait3A_2247, %dma_wait3A_2249, %dma_wait3A_2250, %dma_wait3A_2251] : memref<32x2x8x128xf32, #tpu.memory_space<vmem>> -> memref<1x2x8x128xf32, #tpu.memory_space<vmem>>
      %dma_wait3A_2253 = tpu.memref_squeeze %dma_wait3A_2252 : memref<1x2x8x128xf32, #tpu.memory_space<vmem>> -> memref<2x8x128xf32, #tpu.memory_space<vmem>>
      %dma_wait3A_2254 = arith.constant 0 : i32
      %dma_wait3A_2255 = arith.constant 0 : i32
      %dma_wait3A_2256 = arith.constant 0 : i32
      %dma_wait3A_2257 = tpu.memref_slice %arg3[%dma_wait3A_2254, %dma_wait3A_2255, %dma_wait3A_2256] : memref<2x8x1000000xf32, #tpu.memory_space<hbm>> -> memref<2x8x128xf32, #tpu.memory_space<hbm>>
      %dma_wait3A_2258 = tpu.memref_slice %arg9[%dma_wait3A_2248] : memref<2x!tpu.dma_semaphore, #tpu.memory_space<semaphore_mem>> -> memref<1x!tpu.dma_semaphore, #tpu.memory_space<semaphore_mem>>
      %dma_wait3A_2259 = tpu.memref_squeeze %dma_wait3A_2258 : memref<1x!tpu.dma_semaphore, #tpu.memory_space<semaphore_mem>> -> memref<!tpu.dma_semaphore, #tpu.memory_space<semaphore_mem>>
      %dma_wait3A_2260 = arith.constant 0 : i32
      %dma_wait3A_2261 = arith.constant 0 : i32
      %dma_wait3A_2262 = arith.constant 0 : i32
      %dma_wait3A_2263 = tpu.memref_slice %arg7[%dma_wait3A_2247, %dma_wait3A_2260, %dma_wait3A_2261, %dma_wait3A_2262] : memref<32x2x8x128xf32, #tpu.memory_space<vmem>> -> memref<1x2x8x128xf32, #tpu.memory_space<vmem>>
      %dma_wait3A_2264 = tpu.memref_squeeze %dma_wait3A_2263 : memref<1x2x8x128xf32, #tpu.memory_space<vmem>> -> memref<2x8x128xf32, #tpu.memory_space<vmem>>
      %dma_wait3A_2265 = arith.constant 0 : i32
      %dma_wait3A_2266 = arith.constant 0 : i32
      %dma_wait3A_2267 = arith.constant 0 : i32
      %dma_wait3A_2268 = tpu.memref_slice %arg3[%dma_wait3A_2265, %dma_wait3A_2266, %dma_wait3A_2267] : memref<2x8x1000000xf32, #tpu.memory_space<hbm>> -> memref<2x8x128xf32, #tpu.memory_space<hbm>>
      tpu.wait_dma2 semaphore(%dma_wait3A_2259 : memref<!tpu.dma_semaphore, #tpu.memory_space<semaphore_mem>>) src(%dma_wait3A_2268 : memref<2x8x128xf32, #tpu.memory_space<hbm>>) dst(%dma_wait3A_2264 : memref<2x8x128xf32, #tpu.memory_space<vmem>>)
      %slice3A_2269 = vector.extract_strided_slice %and3A_1916 {offsets = [0], sizes = [1], strides = [1]} : vector<16xi32> to vector<1xi32>
      %squeeze3A_2270 = vector.extract %slice3A_2269[0] : i32 from vector<1xi32>
      %broadcast_in_dim3A_2271 = vector.broadcast %squeeze3A_2270 : i32 to vector<16xi32>
      %gather3A_2272 = arith.constant 16 : i32
      %gather3A_2273 = arith.constant 0 : i32
      %gather3A_2274 = arith.constant 0 : i32
      %gather3A_2275 = arith.constant 0 : i32
      %gather3A_2276 = tpu.memref_slice %arg7[%gather3A_2272, %gather3A_2273, %gather3A_2274, %gather3A_2275] : memref<32x2x8x128xf32, #tpu.memory_space<vmem>> -> memref<1x2x8x128xf32, #tpu.memory_space<vmem>>
      %gather3A_2277 = tpu.memref_squeeze %gather3A_2276 : memref<1x2x8x128xf32, #tpu.memory_space<vmem>> -> memref<2x8x128xf32, #tpu.memory_space<vmem>>
      %gather3A_2278 = tpu.vector_load_idx %gather3A_2277[%shift_right_arithmetic3A_4, %and3A_6, %broadcast_in_dim3A_2271] : memref<2x8x128xf32, #tpu.memory_space<vmem>>[vector<16xi32>, vector<16xi32>, vector<16xi32>], vector<16xf32>,
      %mul3A_2279 = arith.constant 16 : i32
      %mul3A_2280 = arith.muli %add3A_611, %mul3A_2279 : i32
      %add3A_2281 = arith.constant 0 : i32
      %add3A_2282 = arith.addi %mul3A_2280, %add3A_2281 : i32
      %broadcast_in_dim3A_2283 = vector.broadcast %add3A_2282 : i32 to vector<16xi32>
      tpu.vector_store_idx %arg6[%iota3A, %broadcast_in_dim3A_2283], %gather3A_2278 : memref<48x512xf32, #tpu.memory_space<vmem>>[vector<16xi32>, vector<16xi32>], vector<16xf32>,
      %slice3A_2284 = vector.extract_strided_slice %and3A_1916 {offsets = [1], sizes = [1], strides = [1]} : vector<16xi32> to vector<1xi32>
      %squeeze3A_2285 = vector.extract %slice3A_2284[0] : i32 from vector<1xi32>
      %broadcast_in_dim3A_2286 = vector.broadcast %squeeze3A_2285 : i32 to vector<16xi32>
      %gather3A_2287 = arith.constant 17 : i32
      %gather3A_2288 = arith.constant 0 : i32
      %gather3A_2289 = arith.constant 0 : i32
      %gather3A_2290 = arith.constant 0 : i32
      %gather3A_2291 = tpu.memref_slice %arg7[%gather3A_2287, %gather3A_2288, %gather3A_2289, %gather3A_2290] : memref<32x2x8x128xf32, #tpu.memory_space<vmem>> -> memref<1x2x8x128xf32, #tpu.memory_space<vmem>>
      %gather3A_2292 = tpu.memref_squeeze %gather3A_2291 : memref<1x2x8x128xf32, #tpu.memory_space<vmem>> -> memref<2x8x128xf32, #tpu.memory_space<vmem>>
      %gather3A_2293 = tpu.vector_load_idx %gather3A_2292[%shift_right_arithmetic3A_4, %and3A_6, %broadcast_in_dim3A_2286] : memref<2x8x128xf32, #tpu.memory_space<vmem>>[vector<16xi32>, vector<16xi32>, vector<16xi32>], vector<16xf32>,
      %mul3A_2294 = arith.constant 16 : i32
      %mul3A_2295 = arith.muli %add3A_611, %mul3A_2294 : i32
      %add3A_2296 = arith.constant 1 : i32
      %add3A_2297 = arith.addi %mul3A_2295, %add3A_2296 : i32
      %broadcast_in_dim3A_2298 = vector.broadcast %add3A_2297 : i32 to vector<16xi32>
      tpu.vector_store_idx %arg6[%iota3A, %broadcast_in_dim3A_2298], %gather3A_2293 : memref<48x512xf32, #tpu.memory_space<vmem>>[vector<16xi32>, vector<16xi32>], vector<16xf32>,
      %slice3A_2299 = vector.extract_strided_slice %and3A_1916 {offsets = [2], sizes = [1], strides = [1]} : vector<16xi32> to vector<1xi32>
      %squeeze3A_2300 = vector.extract %slice3A_2299[0] : i32 from vector<1xi32>
      %broadcast_in_dim3A_2301 = vector.broadcast %squeeze3A_2300 : i32 to vector<16xi32>
      %gather3A_2302 = arith.constant 18 : i32
      %gather3A_2303 = arith.constant 0 : i32
      %gather3A_2304 = arith.constant 0 : i32
      %gather3A_2305 = arith.constant 0 : i32
      %gather3A_2306 = tpu.memref_slice %arg7[%gather3A_2302, %gather3A_2303, %gather3A_2304, %gather3A_2305] : memref<32x2x8x128xf32, #tpu.memory_space<vmem>> -> memref<1x2x8x128xf32, #tpu.memory_space<vmem>>
      %gather3A_2307 = tpu.memref_squeeze %gather3A_2306 : memref<1x2x8x128xf32, #tpu.memory_space<vmem>> -> memref<2x8x128xf32, #tpu.memory_space<vmem>>
      %gather3A_2308 = tpu.vector_load_idx %gather3A_2307[%shift_right_arithmetic3A_4, %and3A_6, %broadcast_in_dim3A_2301] : memref<2x8x128xf32, #tpu.memory_space<vmem>>[vector<16xi32>, vector<16xi32>, vector<16xi32>], vector<16xf32>,
      %mul3A_2309 = arith.constant 16 : i32
      %mul3A_2310 = arith.muli %add3A_611, %mul3A_2309 : i32
      %add3A_2311 = arith.constant 2 : i32
      %add3A_2312 = arith.addi %mul3A_2310, %add3A_2311 : i32
      %broadcast_in_dim3A_2313 = vector.broadcast %add3A_2312 : i32 to vector<16xi32>
      tpu.vector_store_idx %arg6[%iota3A, %broadcast_in_dim3A_2313], %gather3A_2308 : memref<48x512xf32, #tpu.memory_space<vmem>>[vector<16xi32>, vector<16xi32>], vector<16xf32>,
      %slice3A_2314 = vector.extract_strided_slice %and3A_1916 {offsets = [3], sizes = [1], strides = [1]} : vector<16xi32> to vector<1xi32>
      %squeeze3A_2315 = vector.extract %slice3A_2314[0] : i32 from vector<1xi32>
      %broadcast_in_dim3A_2316 = vector.broadcast %squeeze3A_2315 : i32 to vector<16xi32>
      %gather3A_2317 = arith.constant 19 : i32
      %gather3A_2318 = arith.constant 0 : i32
      %gather3A_2319 = arith.constant 0 : i32
      %gather3A_2320 = arith.constant 0 : i32
      %gather3A_2321 = tpu.memref_slice %arg7[%gather3A_2317, %gather3A_2318, %gather3A_2319, %gather3A_2320] : memref<32x2x8x128xf32, #tpu.memory_space<vmem>> -> memref<1x2x8x128xf32, #tpu.memory_space<vmem>>
      %gather3A_2322 = tpu.memref_squeeze %gather3A_2321 : memref<1x2x8x128xf32, #tpu.memory_space<vmem>> -> memref<2x8x128xf32, #tpu.memory_space<vmem>>
      %gather3A_2323 = tpu.vector_load_idx %gather3A_2322[%shift_right_arithmetic3A_4, %and3A_6, %broadcast_in_dim3A_2316] : memref<2x8x128xf32, #tpu.memory_space<vmem>>[vector<16xi32>, vector<16xi32>, vector<16xi32>], vector<16xf32>,
      %mul3A_2324 = arith.constant 16 : i32
      %mul3A_2325 = arith.muli %add3A_611, %mul3A_2324 : i32
      %add3A_2326 = arith.constant 3 : i32
      %add3A_2327 = arith.addi %mul3A_2325, %add3A_2326 : i32
      %broadcast_in_dim3A_2328 = vector.broadcast %add3A_2327 : i32 to vector<16xi32>
      tpu.vector_store_idx %arg6[%iota3A, %broadcast_in_dim3A_2328], %gather3A_2323 : memref<48x512xf32, #tpu.memory_space<vmem>>[vector<16xi32>, vector<16xi32>], vector<16xf32>,
      %slice3A_2329 = vector.extract_strided_slice %and3A_1916 {offsets = [4], sizes = [1], strides = [1]} : vector<16xi32> to vector<1xi32>
      %squeeze3A_2330 = vector.extract %slice3A_2329[0] : i32 from vector<1xi32>
      %broadcast_in_dim3A_2331 = vector.broadcast %squeeze3A_2330 : i32 to vector<16xi32>
      %gather3A_2332 = arith.constant 20 : i32
      %gather3A_2333 = arith.constant 0 : i32
      %gather3A_2334 = arith.constant 0 : i32
      %gather3A_2335 = arith.constant 0 : i32
      %gather3A_2336 = tpu.memref_slice %arg7[%gather3A_2332, %gather3A_2333, %gather3A_2334, %gather3A_2335] : memref<32x2x8x128xf32, #tpu.memory_space<vmem>> -> memref<1x2x8x128xf32, #tpu.memory_space<vmem>>
      %gather3A_2337 = tpu.memref_squeeze %gather3A_2336 : memref<1x2x8x128xf32, #tpu.memory_space<vmem>> -> memref<2x8x128xf32, #tpu.memory_space<vmem>>
      %gather3A_2338 = tpu.vector_load_idx %gather3A_2337[%shift_right_arithmetic3A_4, %and3A_6, %broadcast_in_dim3A_2331] : memref<2x8x128xf32, #tpu.memory_space<vmem>>[vector<16xi32>, vector<16xi32>, vector<16xi32>], vector<16xf32>,
      %mul3A_2339 = arith.constant 16 : i32
      %mul3A_2340 = arith.muli %add3A_611, %mul3A_2339 : i32
      %add3A_2341 = arith.constant 4 : i32
      %add3A_2342 = arith.addi %mul3A_2340, %add3A_2341 : i32
      %broadcast_in_dim3A_2343 = vector.broadcast %add3A_2342 : i32 to vector<16xi32>
      tpu.vector_store_idx %arg6[%iota3A, %broadcast_in_dim3A_2343], %gather3A_2338 : memref<48x512xf32, #tpu.memory_space<vmem>>[vector<16xi32>, vector<16xi32>], vector<16xf32>,
      %slice3A_2344 = vector.extract_strided_slice %and3A_1916 {offsets = [5], sizes = [1], strides = [1]} : vector<16xi32> to vector<1xi32>
      %squeeze3A_2345 = vector.extract %slice3A_2344[0] : i32 from vector<1xi32>
      %broadcast_in_dim3A_2346 = vector.broadcast %squeeze3A_2345 : i32 to vector<16xi32>
      %gather3A_2347 = arith.constant 21 : i32
      %gather3A_2348 = arith.constant 0 : i32
      %gather3A_2349 = arith.constant 0 : i32
      %gather3A_2350 = arith.constant 0 : i32
      %gather3A_2351 = tpu.memref_slice %arg7[%gather3A_2347, %gather3A_2348, %gather3A_2349, %gather3A_2350] : memref<32x2x8x128xf32, #tpu.memory_space<vmem>> -> memref<1x2x8x128xf32, #tpu.memory_space<vmem>>
      %gather3A_2352 = tpu.memref_squeeze %gather3A_2351 : memref<1x2x8x128xf32, #tpu.memory_space<vmem>> -> memref<2x8x128xf32, #tpu.memory_space<vmem>>
      %gather3A_2353 = tpu.vector_load_idx %gather3A_2352[%shift_right_arithmetic3A_4, %and3A_6, %broadcast_in_dim3A_2346] : memref<2x8x128xf32, #tpu.memory_space<vmem>>[vector<16xi32>, vector<16xi32>, vector<16xi32>], vector<16xf32>,
      %mul3A_2354 = arith.constant 16 : i32
      %mul3A_2355 = arith.muli %add3A_611, %mul3A_2354 : i32
      %add3A_2356 = arith.constant 5 : i32
      %add3A_2357 = arith.addi %mul3A_2355, %add3A_2356 : i32
      %broadcast_in_dim3A_2358 = vector.broadcast %add3A_2357 : i32 to vector<16xi32>
      tpu.vector_store_idx %arg6[%iota3A, %broadcast_in_dim3A_2358], %gather3A_2353 : memref<48x512xf32, #tpu.memory_space<vmem>>[vector<16xi32>, vector<16xi32>], vector<16xf32>,
      %slice3A_2359 = vector.extract_strided_slice %and3A_1916 {offsets = [6], sizes = [1], strides = [1]} : vector<16xi32> to vector<1xi32>
      %squeeze3A_2360 = vector.extract %slice3A_2359[0] : i32 from vector<1xi32>
      %broadcast_in_dim3A_2361 = vector.broadcast %squeeze3A_2360 : i32 to vector<16xi32>
      %gather3A_2362 = arith.constant 22 : i32
      %gather3A_2363 = arith.constant 0 : i32
      %gather3A_2364 = arith.constant 0 : i32
      %gather3A_2365 = arith.constant 0 : i32
      %gather3A_2366 = tpu.memref_slice %arg7[%gather3A_2362, %gather3A_2363, %gather3A_2364, %gather3A_2365] : memref<32x2x8x128xf32, #tpu.memory_space<vmem>> -> memref<1x2x8x128xf32, #tpu.memory_space<vmem>>
      %gather3A_2367 = tpu.memref_squeeze %gather3A_2366 : memref<1x2x8x128xf32, #tpu.memory_space<vmem>> -> memref<2x8x128xf32, #tpu.memory_space<vmem>>
      %gather3A_2368 = tpu.vector_load_idx %gather3A_2367[%shift_right_arithmetic3A_4, %and3A_6, %broadcast_in_dim3A_2361] : memref<2x8x128xf32, #tpu.memory_space<vmem>>[vector<16xi32>, vector<16xi32>, vector<16xi32>], vector<16xf32>,
      %mul3A_2369 = arith.constant 16 : i32
      %mul3A_2370 = arith.muli %add3A_611, %mul3A_2369 : i32
      %add3A_2371 = arith.constant 6 : i32
      %add3A_2372 = arith.addi %mul3A_2370, %add3A_2371 : i32
      %broadcast_in_dim3A_2373 = vector.broadcast %add3A_2372 : i32 to vector<16xi32>
      tpu.vector_store_idx %arg6[%iota3A, %broadcast_in_dim3A_2373], %gather3A_2368 : memref<48x512xf32, #tpu.memory_space<vmem>>[vector<16xi32>, vector<16xi32>], vector<16xf32>,
      %slice3A_2374 = vector.extract_strided_slice %and3A_1916 {offsets = [7], sizes = [1], strides = [1]} : vector<16xi32> to vector<1xi32>
      %squeeze3A_2375 = vector.extract %slice3A_2374[0] : i32 from vector<1xi32>
      %broadcast_in_dim3A_2376 = vector.broadcast %squeeze3A_2375 : i32 to vector<16xi32>
      %gather3A_2377 = arith.constant 23 : i32
      %gather3A_2378 = arith.constant 0 : i32
      %gather3A_2379 = arith.constant 0 : i32
      %gather3A_2380 = arith.constant 0 : i32
      %gather3A_2381 = tpu.memref_slice %arg7[%gather3A_2377, %gather3A_2378, %gather3A_2379, %gather3A_2380] : memref<32x2x8x128xf32, #tpu.memory_space<vmem>> -> memref<1x2x8x128xf32, #tpu.memory_space<vmem>>
      %gather3A_2382 = tpu.memref_squeeze %gather3A_2381 : memref<1x2x8x128xf32, #tpu.memory_space<vmem>> -> memref<2x8x128xf32, #tpu.memory_space<vmem>>
      %gather3A_2383 = tpu.vector_load_idx %gather3A_2382[%shift_right_arithmetic3A_4, %and3A_6, %broadcast_in_dim3A_2376] : memref<2x8x128xf32, #tpu.memory_space<vmem>>[vector<16xi32>, vector<16xi32>, vector<16xi32>], vector<16xf32>,
      %mul3A_2384 = arith.constant 16 : i32
      %mul3A_2385 = arith.muli %add3A_611, %mul3A_2384 : i32
      %add3A_2386 = arith.constant 7 : i32
      %add3A_2387 = arith.addi %mul3A_2385, %add3A_2386 : i32
      %broadcast_in_dim3A_2388 = vector.broadcast %add3A_2387 : i32 to vector<16xi32>
      tpu.vector_store_idx %arg6[%iota3A, %broadcast_in_dim3A_2388], %gather3A_2383 : memref<48x512xf32, #tpu.memory_space<vmem>>[vector<16xi32>, vector<16xi32>], vector<16xf32>,
      %slice3A_2389 = vector.extract_strided_slice %and3A_1916 {offsets = [8], sizes = [1], strides = [1]} : vector<16xi32> to vector<1xi32>
      %squeeze3A_2390 = vector.extract %slice3A_2389[0] : i32 from vector<1xi32>
      %broadcast_in_dim3A_2391 = vector.broadcast %squeeze3A_2390 : i32 to vector<16xi32>
      %gather3A_2392 = arith.constant 24 : i32
      %gather3A_2393 = arith.constant 0 : i32
      %gather3A_2394 = arith.constant 0 : i32
      %gather3A_2395 = arith.constant 0 : i32
      %gather3A_2396 = tpu.memref_slice %arg7[%gather3A_2392, %gather3A_2393, %gather3A_2394, %gather3A_2395] : memref<32x2x8x128xf32, #tpu.memory_space<vmem>> -> memref<1x2x8x128xf32, #tpu.memory_space<vmem>>
      %gather3A_2397 = tpu.memref_squeeze %gather3A_2396 : memref<1x2x8x128xf32, #tpu.memory_space<vmem>> -> memref<2x8x128xf32, #tpu.memory_space<vmem>>
      %gather3A_2398 = tpu.vector_load_idx %gather3A_2397[%shift_right_arithmetic3A_4, %and3A_6, %broadcast_in_dim3A_2391] : memref<2x8x128xf32, #tpu.memory_space<vmem>>[vector<16xi32>, vector<16xi32>, vector<16xi32>], vector<16xf32>,
      %mul3A_2399 = arith.constant 16 : i32
      %mul3A_2400 = arith.muli %add3A_611, %mul3A_2399 : i32
      %add3A_2401 = arith.constant 8 : i32
      %add3A_2402 = arith.addi %mul3A_2400, %add3A_2401 : i32
      %broadcast_in_dim3A_2403 = vector.broadcast %add3A_2402 : i32 to vector<16xi32>
      tpu.vector_store_idx %arg6[%iota3A, %broadcast_in_dim3A_2403], %gather3A_2398 : memref<48x512xf32, #tpu.memory_space<vmem>>[vector<16xi32>, vector<16xi32>], vector<16xf32>,
      %slice3A_2404 = vector.extract_strided_slice %and3A_1916 {offsets = [9], sizes = [1], strides = [1]} : vector<16xi32> to vector<1xi32>
      %squeeze3A_2405 = vector.extract %slice3A_2404[0] : i32 from vector<1xi32>
      %broadcast_in_dim3A_2406 = vector.broadcast %squeeze3A_2405 : i32 to vector<16xi32>
      %gather3A_2407 = arith.constant 25 : i32
      %gather3A_2408 = arith.constant 0 : i32
      %gather3A_2409 = arith.constant 0 : i32
      %gather3A_2410 = arith.constant 0 : i32
      %gather3A_2411 = tpu.memref_slice %arg7[%gather3A_2407, %gather3A_2408, %gather3A_2409, %gather3A_2410] : memref<32x2x8x128xf32, #tpu.memory_space<vmem>> -> memref<1x2x8x128xf32, #tpu.memory_space<vmem>>
      %gather3A_2412 = tpu.memref_squeeze %gather3A_2411 : memref<1x2x8x128xf32, #tpu.memory_space<vmem>> -> memref<2x8x128xf32, #tpu.memory_space<vmem>>
      %gather3A_2413 = tpu.vector_load_idx %gather3A_2412[%shift_right_arithmetic3A_4, %and3A_6, %broadcast_in_dim3A_2406] : memref<2x8x128xf32, #tpu.memory_space<vmem>>[vector<16xi32>, vector<16xi32>, vector<16xi32>], vector<16xf32>,
      %mul3A_2414 = arith.constant 16 : i32
      %mul3A_2415 = arith.muli %add3A_611, %mul3A_2414 : i32
      %add3A_2416 = arith.constant 9 : i32
      %add3A_2417 = arith.addi %mul3A_2415, %add3A_2416 : i32
      %broadcast_in_dim3A_2418 = vector.broadcast %add3A_2417 : i32 to vector<16xi32>
      tpu.vector_store_idx %arg6[%iota3A, %broadcast_in_dim3A_2418], %gather3A_2413 : memref<48x512xf32, #tpu.memory_space<vmem>>[vector<16xi32>, vector<16xi32>], vector<16xf32>,
      %slice3A_2419 = vector.extract_strided_slice %and3A_1916 {offsets = [10], sizes = [1], strides = [1]} : vector<16xi32> to vector<1xi32>
      %squeeze3A_2420 = vector.extract %slice3A_2419[0] : i32 from vector<1xi32>
      %broadcast_in_dim3A_2421 = vector.broadcast %squeeze3A_2420 : i32 to vector<16xi32>
      %gather3A_2422 = arith.constant 26 : i32
      %gather3A_2423 = arith.constant 0 : i32
      %gather3A_2424 = arith.constant 0 : i32
      %gather3A_2425 = arith.constant 0 : i32
      %gather3A_2426 = tpu.memref_slice %arg7[%gather3A_2422, %gather3A_2423, %gather3A_2424, %gather3A_2425] : memref<32x2x8x128xf32, #tpu.memory_space<vmem>> -> memref<1x2x8x128xf32, #tpu.memory_space<vmem>>
      %gather3A_2427 = tpu.memref_squeeze %gather3A_2426 : memref<1x2x8x128xf32, #tpu.memory_space<vmem>> -> memref<2x8x128xf32, #tpu.memory_space<vmem>>
      %gather3A_2428 = tpu.vector_load_idx %gather3A_2427[%shift_right_arithmetic3A_4, %and3A_6, %broadcast_in_dim3A_2421] : memref<2x8x128xf32, #tpu.memory_space<vmem>>[vector<16xi32>, vector<16xi32>, vector<16xi32>], vector<16xf32>,
      %mul3A_2429 = arith.constant 16 : i32
      %mul3A_2430 = arith.muli %add3A_611, %mul3A_2429 : i32
      %add3A_2431 = arith.constant 10 : i32
      %add3A_2432 = arith.addi %mul3A_2430, %add3A_2431 : i32
      %broadcast_in_dim3A_2433 = vector.broadcast %add3A_2432 : i32 to vector<16xi32>
      tpu.vector_store_idx %arg6[%iota3A, %broadcast_in_dim3A_2433], %gather3A_2428 : memref<48x512xf32, #tpu.memory_space<vmem>>[vector<16xi32>, vector<16xi32>], vector<16xf32>,
      %slice3A_2434 = vector.extract_strided_slice %and3A_1916 {offsets = [11], sizes = [1], strides = [1]} : vector<16xi32> to vector<1xi32>
      %squeeze3A_2435 = vector.extract %slice3A_2434[0] : i32 from vector<1xi32>
      %broadcast_in_dim3A_2436 = vector.broadcast %squeeze3A_2435 : i32 to vector<16xi32>
      %gather3A_2437 = arith.constant 27 : i32
      %gather3A_2438 = arith.constant 0 : i32
      %gather3A_2439 = arith.constant 0 : i32
      %gather3A_2440 = arith.constant 0 : i32
      %gather3A_2441 = tpu.memref_slice %arg7[%gather3A_2437, %gather3A_2438, %gather3A_2439, %gather3A_2440] : memref<32x2x8x128xf32, #tpu.memory_space<vmem>> -> memref<1x2x8x128xf32, #tpu.memory_space<vmem>>
      %gather3A_2442 = tpu.memref_squeeze %gather3A_2441 : memref<1x2x8x128xf32, #tpu.memory_space<vmem>> -> memref<2x8x128xf32, #tpu.memory_space<vmem>>
      %gather3A_2443 = tpu.vector_load_idx %gather3A_2442[%shift_right_arithmetic3A_4, %and3A_6, %broadcast_in_dim3A_2436] : memref<2x8x128xf32, #tpu.memory_space<vmem>>[vector<16xi32>, vector<16xi32>, vector<16xi32>], vector<16xf32>,
      %mul3A_2444 = arith.constant 16 : i32
      %mul3A_2445 = arith.muli %add3A_611, %mul3A_2444 : i32
      %add3A_2446 = arith.constant 11 : i32
      %add3A_2447 = arith.addi %mul3A_2445, %add3A_2446 : i32
      %broadcast_in_dim3A_2448 = vector.broadcast %add3A_2447 : i32 to vector<16xi32>
      tpu.vector_store_idx %arg6[%iota3A, %broadcast_in_dim3A_2448], %gather3A_2443 : memref<48x512xf32, #tpu.memory_space<vmem>>[vector<16xi32>, vector<16xi32>], vector<16xf32>,
      %slice3A_2449 = vector.extract_strided_slice %and3A_1916 {offsets = [12], sizes = [1], strides = [1]} : vector<16xi32> to vector<1xi32>
      %squeeze3A_2450 = vector.extract %slice3A_2449[0] : i32 from vector<1xi32>
      %broadcast_in_dim3A_2451 = vector.broadcast %squeeze3A_2450 : i32 to vector<16xi32>
      %gather3A_2452 = arith.constant 28 : i32
      %gather3A_2453 = arith.constant 0 : i32
      %gather3A_2454 = arith.constant 0 : i32
      %gather3A_2455 = arith.constant 0 : i32
      %gather3A_2456 = tpu.memref_slice %arg7[%gather3A_2452, %gather3A_2453, %gather3A_2454, %gather3A_2455] : memref<32x2x8x128xf32, #tpu.memory_space<vmem>> -> memref<1x2x8x128xf32, #tpu.memory_space<vmem>>
      %gather3A_2457 = tpu.memref_squeeze %gather3A_2456 : memref<1x2x8x128xf32, #tpu.memory_space<vmem>> -> memref<2x8x128xf32, #tpu.memory_space<vmem>>
      %gather3A_2458 = tpu.vector_load_idx %gather3A_2457[%shift_right_arithmetic3A_4, %and3A_6, %broadcast_in_dim3A_2451] : memref<2x8x128xf32, #tpu.memory_space<vmem>>[vector<16xi32>, vector<16xi32>, vector<16xi32>], vector<16xf32>,
      %mul3A_2459 = arith.constant 16 : i32
      %mul3A_2460 = arith.muli %add3A_611, %mul3A_2459 : i32
      %add3A_2461 = arith.constant 12 : i32
      %add3A_2462 = arith.addi %mul3A_2460, %add3A_2461 : i32
      %broadcast_in_dim3A_2463 = vector.broadcast %add3A_2462 : i32 to vector<16xi32>
      tpu.vector_store_idx %arg6[%iota3A, %broadcast_in_dim3A_2463], %gather3A_2458 : memref<48x512xf32, #tpu.memory_space<vmem>>[vector<16xi32>, vector<16xi32>], vector<16xf32>,
      %slice3A_2464 = vector.extract_strided_slice %and3A_1916 {offsets = [13], sizes = [1], strides = [1]} : vector<16xi32> to vector<1xi32>
      %squeeze3A_2465 = vector.extract %slice3A_2464[0] : i32 from vector<1xi32>
      %broadcast_in_dim3A_2466 = vector.broadcast %squeeze3A_2465 : i32 to vector<16xi32>
      %gather3A_2467 = arith.constant 29 : i32
      %gather3A_2468 = arith.constant 0 : i32
      %gather3A_2469 = arith.constant 0 : i32
      %gather3A_2470 = arith.constant 0 : i32
      %gather3A_2471 = tpu.memref_slice %arg7[%gather3A_2467, %gather3A_2468, %gather3A_2469, %gather3A_2470] : memref<32x2x8x128xf32, #tpu.memory_space<vmem>> -> memref<1x2x8x128xf32, #tpu.memory_space<vmem>>
      %gather3A_2472 = tpu.memref_squeeze %gather3A_2471 : memref<1x2x8x128xf32, #tpu.memory_space<vmem>> -> memref<2x8x128xf32, #tpu.memory_space<vmem>>
      %gather3A_2473 = tpu.vector_load_idx %gather3A_2472[%shift_right_arithmetic3A_4, %and3A_6, %broadcast_in_dim3A_2466] : memref<2x8x128xf32, #tpu.memory_space<vmem>>[vector<16xi32>, vector<16xi32>, vector<16xi32>], vector<16xf32>,
      %mul3A_2474 = arith.constant 16 : i32
      %mul3A_2475 = arith.muli %add3A_611, %mul3A_2474 : i32
      %add3A_2476 = arith.constant 13 : i32
      %add3A_2477 = arith.addi %mul3A_2475, %add3A_2476 : i32
      %broadcast_in_dim3A_2478 = vector.broadcast %add3A_2477 : i32 to vector<16xi32>
      tpu.vector_store_idx %arg6[%iota3A, %broadcast_in_dim3A_2478], %gather3A_2473 : memref<48x512xf32, #tpu.memory_space<vmem>>[vector<16xi32>, vector<16xi32>], vector<16xf32>,
      %slice3A_2479 = vector.extract_strided_slice %and3A_1916 {offsets = [14], sizes = [1], strides = [1]} : vector<16xi32> to vector<1xi32>
      %squeeze3A_2480 = vector.extract %slice3A_2479[0] : i32 from vector<1xi32>
      %broadcast_in_dim3A_2481 = vector.broadcast %squeeze3A_2480 : i32 to vector<16xi32>
      %gather3A_2482 = arith.constant 30 : i32
      %gather3A_2483 = arith.constant 0 : i32
      %gather3A_2484 = arith.constant 0 : i32
      %gather3A_2485 = arith.constant 0 : i32
      %gather3A_2486 = tpu.memref_slice %arg7[%gather3A_2482, %gather3A_2483, %gather3A_2484, %gather3A_2485] : memref<32x2x8x128xf32, #tpu.memory_space<vmem>> -> memref<1x2x8x128xf32, #tpu.memory_space<vmem>>
      %gather3A_2487 = tpu.memref_squeeze %gather3A_2486 : memref<1x2x8x128xf32, #tpu.memory_space<vmem>> -> memref<2x8x128xf32, #tpu.memory_space<vmem>>
      %gather3A_2488 = tpu.vector_load_idx %gather3A_2487[%shift_right_arithmetic3A_4, %and3A_6, %broadcast_in_dim3A_2481] : memref<2x8x128xf32, #tpu.memory_space<vmem>>[vector<16xi32>, vector<16xi32>, vector<16xi32>], vector<16xf32>,
      %mul3A_2489 = arith.constant 16 : i32
      %mul3A_2490 = arith.muli %add3A_611, %mul3A_2489 : i32
      %add3A_2491 = arith.constant 14 : i32
      %add3A_2492 = arith.addi %mul3A_2490, %add3A_2491 : i32
      %broadcast_in_dim3A_2493 = vector.broadcast %add3A_2492 : i32 to vector<16xi32>
      tpu.vector_store_idx %arg6[%iota3A, %broadcast_in_dim3A_2493], %gather3A_2488 : memref<48x512xf32, #tpu.memory_space<vmem>>[vector<16xi32>, vector<16xi32>], vector<16xf32>,
      %slice3A_2494 = vector.extract_strided_slice %and3A_1916 {offsets = [15], sizes = [1], strides = [1]} : vector<16xi32> to vector<1xi32>
      %squeeze3A_2495 = vector.extract %slice3A_2494[0] : i32 from vector<1xi32>
      %broadcast_in_dim3A_2496 = vector.broadcast %squeeze3A_2495 : i32 to vector<16xi32>
      %gather3A_2497 = arith.constant 31 : i32
      %gather3A_2498 = arith.constant 0 : i32
      %gather3A_2499 = arith.constant 0 : i32
      %gather3A_2500 = arith.constant 0 : i32
      %gather3A_2501 = tpu.memref_slice %arg7[%gather3A_2497, %gather3A_2498, %gather3A_2499, %gather3A_2500] : memref<32x2x8x128xf32, #tpu.memory_space<vmem>> -> memref<1x2x8x128xf32, #tpu.memory_space<vmem>>
      %gather3A_2502 = tpu.memref_squeeze %gather3A_2501 : memref<1x2x8x128xf32, #tpu.memory_space<vmem>> -> memref<2x8x128xf32, #tpu.memory_space<vmem>>
      %gather3A_2503 = tpu.vector_load_idx %gather3A_2502[%shift_right_arithmetic3A_4, %and3A_6, %broadcast_in_dim3A_2496] : memref<2x8x128xf32, #tpu.memory_space<vmem>>[vector<16xi32>, vector<16xi32>, vector<16xi32>], vector<16xf32>,
      %mul3A_2504 = arith.constant 16 : i32
      %mul3A_2505 = arith.muli %add3A_611, %mul3A_2504 : i32
      %add3A_2506 = arith.constant 15 : i32
      %add3A_2507 = arith.addi %mul3A_2505, %add3A_2506 : i32
      %broadcast_in_dim3A_2508 = vector.broadcast %add3A_2507 : i32 to vector<16xi32>
      tpu.vector_store_idx %arg6[%iota3A, %broadcast_in_dim3A_2508], %gather3A_2503 : memref<48x512xf32, #tpu.memory_space<vmem>>[vector<16xi32>, vector<16xi32>], vector<16xf32>,
      %add3A_2509 = arith.constant 1 : i32
      %add3A_2510 = arith.addi %add3A_611, %add3A_2509 : i32
      %get3A_2511 = arith.index_cast %add3A_2510 : i32 to index
      %get3A_2512 = arith.constant 0 : index
      %get3A_2513 = tpu.vector_load %arg5[%get3A_2511, %get3A_2512] {strides = array<i32>} : memref<33x512xf32, #tpu.memory_space<vmem>>, vector<16xf32>,
      %add3A_2514 = arith.constant 16 : i32
      %add3A_2515 = arith.addi %add3A_2510, %add3A_2514 : i32
      %sub3A_2516 = arith.constant 1 : i32
      %sub3A_2517 = arith.subi %add3A_2515, %sub3A_2516 : i32
      %swap3A_2518 = arith.index_cast %sub3A_2517 : i32 to index
      %swap3A_2519 = arith.constant 0 : index
      %swap3A_2520 = tpu.vector_load %arg6[%swap3A_2518, %swap3A_2519] {strides = array<i32>} : memref<48x512xf32, #tpu.memory_space<vmem>>, vector<16xf32>,
      tpu.vector_store %arg6[%swap3A_2518, %swap3A_2519], %get3A_2513 {strides = array<i32>} : memref<48x512xf32, #tpu.memory_space<vmem>>, vector<16xf32>,
      %get3A_2521 = arith.index_cast %add3A_2510 : i32 to index
      %get3A_2522 = arith.constant 16 : index
      %get3A_2523 = tpu.vector_load %arg5[%get3A_2521, %get3A_2522] {strides = array<i32>} : memref<33x512xf32, #tpu.memory_space<vmem>>, vector<16xf32>,
      %add3A_2524 = arith.constant 16 : i32
      %add3A_2525 = arith.addi %add3A_2510, %add3A_2524 : i32
      %sub3A_2526 = arith.constant 1 : i32
      %sub3A_2527 = arith.subi %add3A_2525, %sub3A_2526 : i32
      %swap3A_2528 = arith.index_cast %sub3A_2527 : i32 to index
      %swap3A_2529 = arith.constant 16 : index
      %swap3A_2530 = tpu.vector_load %arg6[%swap3A_2528, %swap3A_2529] {strides = array<i32>} : memref<48x512xf32, #tpu.memory_space<vmem>>, vector<16xf32>,
      tpu.vector_store %arg6[%swap3A_2528, %swap3A_2529], %get3A_2523 {strides = array<i32>} : memref<48x512xf32, #tpu.memory_space<vmem>>, vector<16xf32>,
      %get3A_2531 = arith.index_cast %add3A_2510 : i32 to index
      %get3A_2532 = arith.constant 32 : index
      %get3A_2533 = tpu.vector_load %arg5[%get3A_2531, %get3A_2532] {strides = array<i32>} : memref<33x512xf32, #tpu.memory_space<vmem>>, vector<16xf32>,
      %add3A_2534 = arith.constant 16 : i32
      %add3A_2535 = arith.addi %add3A_2510, %add3A_2534 : i32
      %sub3A_2536 = arith.constant 1 : i32
      %sub3A_2537 = arith.subi %add3A_2535, %sub3A_2536 : i32
      %swap3A_2538 = arith.index_cast %sub3A_2537 : i32 to index
      %swap3A_2539 = arith.constant 32 : index
      %swap3A_2540 = tpu.vector_load %arg6[%swap3A_2538, %swap3A_2539] {strides = array<i32>} : memref<48x512xf32, #tpu.memory_space<vmem>>, vector<16xf32>,
      tpu.vector_store %arg6[%swap3A_2538, %swap3A_2539], %get3A_2533 {strides = array<i32>} : memref<48x512xf32, #tpu.memory_space<vmem>>, vector<16xf32>,
      %get3A_2541 = arith.index_cast %add3A_2510 : i32 to index
      %get3A_2542 = arith.constant 48 : index
      %get3A_2543 = tpu.vector_load %arg5[%get3A_2541, %get3A_2542] {strides = array<i32>} : memref<33x512xf32, #tpu.memory_space<vmem>>, vector<16xf32>,
      %add3A_2544 = arith.constant 16 : i32
      %add3A_2545 = arith.addi %add3A_2510, %add3A_2544 : i32
      %sub3A_2546 = arith.constant 1 : i32
      %sub3A_2547 = arith.subi %add3A_2545, %sub3A_2546 : i32
      %swap3A_2548 = arith.index_cast %sub3A_2547 : i32 to index
      %swap3A_2549 = arith.constant 48 : index
      %swap3A_2550 = tpu.vector_load %arg6[%swap3A_2548, %swap3A_2549] {strides = array<i32>} : memref<48x512xf32, #tpu.memory_space<vmem>>, vector<16xf32>,
      tpu.vector_store %arg6[%swap3A_2548, %swap3A_2549], %get3A_2543 {strides = array<i32>} : memref<48x512xf32, #tpu.memory_space<vmem>>, vector<16xf32>,
      %get3A_2551 = arith.index_cast %add3A_2510 : i32 to index
      %get3A_2552 = arith.constant 64 : index
      %get3A_2553 = tpu.vector_load %arg5[%get3A_2551, %get3A_2552] {strides = array<i32>} : memref<33x512xf32, #tpu.memory_space<vmem>>, vector<16xf32>,
      %add3A_2554 = arith.constant 16 : i32
      %add3A_2555 = arith.addi %add3A_2510, %add3A_2554 : i32
      %sub3A_2556 = arith.constant 1 : i32
      %sub3A_2557 = arith.subi %add3A_2555, %sub3A_2556 : i32
      %swap3A_2558 = arith.index_cast %sub3A_2557 : i32 to index
      %swap3A_2559 = arith.constant 64 : index
      %swap3A_2560 = tpu.vector_load %arg6[%swap3A_2558, %swap3A_2559] {strides = array<i32>} : memref<48x512xf32, #tpu.memory_space<vmem>>, vector<16xf32>,
      tpu.vector_store %arg6[%swap3A_2558, %swap3A_2559], %get3A_2553 {strides = array<i32>} : memref<48x512xf32, #tpu.memory_space<vmem>>, vector<16xf32>,
      %get3A_2561 = arith.index_cast %add3A_2510 : i32 to index
      %get3A_2562 = arith.constant 80 : index
      %get3A_2563 = tpu.vector_load %arg5[%get3A_2561, %get3A_2562] {strides = array<i32>} : memref<33x512xf32, #tpu.memory_space<vmem>>, vector<16xf32>,
      %add3A_2564 = arith.constant 16 : i32
      %add3A_2565 = arith.addi %add3A_2510, %add3A_2564 : i32
      %sub3A_2566 = arith.constant 1 : i32
      %sub3A_2567 = arith.subi %add3A_2565, %sub3A_2566 : i32
      %swap3A_2568 = arith.index_cast %sub3A_2567 : i32 to index
      %swap3A_2569 = arith.constant 80 : index
      %swap3A_2570 = tpu.vector_load %arg6[%swap3A_2568, %swap3A_2569] {strides = array<i32>} : memref<48x512xf32, #tpu.memory_space<vmem>>, vector<16xf32>,
      tpu.vector_store %arg6[%swap3A_2568, %swap3A_2569], %get3A_2563 {strides = array<i32>} : memref<48x512xf32, #tpu.memory_space<vmem>>, vector<16xf32>,
      %get3A_2571 = arith.index_cast %add3A_2510 : i32 to index
      %get3A_2572 = arith.constant 96 : index
      %get3A_2573 = tpu.vector_load %arg5[%get3A_2571, %get3A_2572] {strides = array<i32>} : memref<33x512xf32, #tpu.memory_space<vmem>>, vector<16xf32>,
      %add3A_2574 = arith.constant 16 : i32
      %add3A_2575 = arith.addi %add3A_2510, %add3A_2574 : i32
      %sub3A_2576 = arith.constant 1 : i32
      %sub3A_2577 = arith.subi %add3A_2575, %sub3A_2576 : i32
      %swap3A_2578 = arith.index_cast %sub3A_2577 : i32 to index
      %swap3A_2579 = arith.constant 96 : index
      %swap3A_2580 = tpu.vector_load %arg6[%swap3A_2578, %swap3A_2579] {strides = array<i32>} : memref<48x512xf32, #tpu.memory_space<vmem>>, vector<16xf32>,
      tpu.vector_store %arg6[%swap3A_2578, %swap3A_2579], %get3A_2573 {strides = array<i32>} : memref<48x512xf32, #tpu.memory_space<vmem>>, vector<16xf32>,
      %get3A_2581 = arith.index_cast %add3A_2510 : i32 to index
      %get3A_2582 = arith.constant 112 : index
      %get3A_2583 = tpu.vector_load %arg5[%get3A_2581, %get3A_2582] {strides = array<i32>} : memref<33x512xf32, #tpu.memory_space<vmem>>, vector<16xf32>,
      %add3A_2584 = arith.constant 16 : i32
      %add3A_2585 = arith.addi %add3A_2510, %add3A_2584 : i32
      %sub3A_2586 = arith.constant 1 : i32
      %sub3A_2587 = arith.subi %add3A_2585, %sub3A_2586 : i32
      %swap3A_2588 = arith.index_cast %sub3A_2587 : i32 to index
      %swap3A_2589 = arith.constant 112 : index
      %swap3A_2590 = tpu.vector_load %arg6[%swap3A_2588, %swap3A_2589] {strides = array<i32>} : memref<48x512xf32, #tpu.memory_space<vmem>>, vector<16xf32>,
      tpu.vector_store %arg6[%swap3A_2588, %swap3A_2589], %get3A_2583 {strides = array<i32>} : memref<48x512xf32, #tpu.memory_space<vmem>>, vector<16xf32>,
      %get3A_2591 = arith.index_cast %add3A_2510 : i32 to index
      %get3A_2592 = arith.constant 128 : index
      %get3A_2593 = tpu.vector_load %arg5[%get3A_2591, %get3A_2592] {strides = array<i32>} : memref<33x512xf32, #tpu.memory_space<vmem>>, vector<16xf32>,
      %add3A_2594 = arith.constant 16 : i32
      %add3A_2595 = arith.addi %add3A_2510, %add3A_2594 : i32
      %sub3A_2596 = arith.constant 1 : i32
      %sub3A_2597 = arith.subi %add3A_2595, %sub3A_2596 : i32
      %swap3A_2598 = arith.index_cast %sub3A_2597 : i32 to index
      %swap3A_2599 = arith.constant 128 : index
      %swap3A_2600 = tpu.vector_load %arg6[%swap3A_2598, %swap3A_2599] {strides = array<i32>} : memref<48x512xf32, #tpu.memory_space<vmem>>, vector<16xf32>,
      tpu.vector_store %arg6[%swap3A_2598, %swap3A_2599], %get3A_2593 {strides = array<i32>} : memref<48x512xf32, #tpu.memory_space<vmem>>, vector<16xf32>,
      %get3A_2601 = arith.index_cast %add3A_2510 : i32 to index
      %get3A_2602 = arith.constant 144 : index
      %get3A_2603 = tpu.vector_load %arg5[%get3A_2601, %get3A_2602] {strides = array<i32>} : memref<33x512xf32, #tpu.memory_space<vmem>>, vector<16xf32>,
      %add3A_2604 = arith.constant 16 : i32
      %add3A_2605 = arith.addi %add3A_2510, %add3A_2604 : i32
      %sub3A_2606 = arith.constant 1 : i32
      %sub3A_2607 = arith.subi %add3A_2605, %sub3A_2606 : i32
      %swap3A_2608 = arith.index_cast %sub3A_2607 : i32 to index
      %swap3A_2609 = arith.constant 144 : index
      %swap3A_2610 = tpu.vector_load %arg6[%swap3A_2608, %swap3A_2609] {strides = array<i32>} : memref<48x512xf32, #tpu.memory_space<vmem>>, vector<16xf32>,
      tpu.vector_store %arg6[%swap3A_2608, %swap3A_2609], %get3A_2603 {strides = array<i32>} : memref<48x512xf32, #tpu.memory_space<vmem>>, vector<16xf32>,
      %get3A_2611 = arith.index_cast %add3A_2510 : i32 to index
      %get3A_2612 = arith.constant 160 : index
      %get3A_2613 = tpu.vector_load %arg5[%get3A_2611, %get3A_2612] {strides = array<i32>} : memref<33x512xf32, #tpu.memory_space<vmem>>, vector<16xf32>,
      %add3A_2614 = arith.constant 16 : i32
      %add3A_2615 = arith.addi %add3A_2510, %add3A_2614 : i32
      %sub3A_2616 = arith.constant 1 : i32
      %sub3A_2617 = arith.subi %add3A_2615, %sub3A_2616 : i32
      %swap3A_2618 = arith.index_cast %sub3A_2617 : i32 to index
      %swap3A_2619 = arith.constant 160 : index
      %swap3A_2620 = tpu.vector_load %arg6[%swap3A_2618, %swap3A_2619] {strides = array<i32>} : memref<48x512xf32, #tpu.memory_space<vmem>>, vector<16xf32>,
      tpu.vector_store %arg6[%swap3A_2618, %swap3A_2619], %get3A_2613 {strides = array<i32>} : memref<48x512xf32, #tpu.memory_space<vmem>>, vector<16xf32>,
      %get3A_2621 = arith.index_cast %add3A_2510 : i32 to index
      %get3A_2622 = arith.constant 176 : index
      %get3A_2623 = tpu.vector_load %arg5[%get3A_2621, %get3A_2622] {strides = array<i32>} : memref<33x512xf32, #tpu.memory_space<vmem>>, vector<16xf32>,
      %add3A_2624 = arith.constant 16 : i32
      %add3A_2625 = arith.addi %add3A_2510, %add3A_2624 : i32
      %sub3A_2626 = arith.constant 1 : i32
      %sub3A_2627 = arith.subi %add3A_2625, %sub3A_2626 : i32
      %swap3A_2628 = arith.index_cast %sub3A_2627 : i32 to index
      %swap3A_2629 = arith.constant 176 : index
      %swap3A_2630 = tpu.vector_load %arg6[%swap3A_2628, %swap3A_2629] {strides = array<i32>} : memref<48x512xf32, #tpu.memory_space<vmem>>, vector<16xf32>,
      tpu.vector_store %arg6[%swap3A_2628, %swap3A_2629], %get3A_2623 {strides = array<i32>} : memref<48x512xf32, #tpu.memory_space<vmem>>, vector<16xf32>,
      %get3A_2631 = arith.index_cast %add3A_2510 : i32 to index
      %get3A_2632 = arith.constant 192 : index
      %get3A_2633 = tpu.vector_load %arg5[%get3A_2631, %get3A_2632] {strides = array<i32>} : memref<33x512xf32, #tpu.memory_space<vmem>>, vector<16xf32>,
      %add3A_2634 = arith.constant 16 : i32
      %add3A_2635 = arith.addi %add3A_2510, %add3A_2634 : i32
      %sub3A_2636 = arith.constant 1 : i32
      %sub3A_2637 = arith.subi %add3A_2635, %sub3A_2636 : i32
      %swap3A_2638 = arith.index_cast %sub3A_2637 : i32 to index
      %swap3A_2639 = arith.constant 192 : index
      %swap3A_2640 = tpu.vector_load %arg6[%swap3A_2638, %swap3A_2639] {strides = array<i32>} : memref<48x512xf32, #tpu.memory_space<vmem>>, vector<16xf32>,
      tpu.vector_store %arg6[%swap3A_2638, %swap3A_2639], %get3A_2633 {strides = array<i32>} : memref<48x512xf32, #tpu.memory_space<vmem>>, vector<16xf32>,
      %get3A_2641 = arith.index_cast %add3A_2510 : i32 to index
      %get3A_2642 = arith.constant 208 : index
      %get3A_2643 = tpu.vector_load %arg5[%get3A_2641, %get3A_2642] {strides = array<i32>} : memref<33x512xf32, #tpu.memory_space<vmem>>, vector<16xf32>,
      %add3A_2644 = arith.constant 16 : i32
      %add3A_2645 = arith.addi %add3A_2510, %add3A_2644 : i32
      %sub3A_2646 = arith.constant 1 : i32
      %sub3A_2647 = arith.subi %add3A_2645, %sub3A_2646 : i32
      %swap3A_2648 = arith.index_cast %sub3A_2647 : i32 to index
      %swap3A_2649 = arith.constant 208 : index
      %swap3A_2650 = tpu.vector_load %arg6[%swap3A_2648, %swap3A_2649] {strides = array<i32>} : memref<48x512xf32, #tpu.memory_space<vmem>>, vector<16xf32>,
      tpu.vector_store %arg6[%swap3A_2648, %swap3A_2649], %get3A_2643 {strides = array<i32>} : memref<48x512xf32, #tpu.memory_space<vmem>>, vector<16xf32>,
      %get3A_2651 = arith.index_cast %add3A_2510 : i32 to index
      %get3A_2652 = arith.constant 224 : index
      %get3A_2653 = tpu.vector_load %arg5[%get3A_2651, %get3A_2652] {strides = array<i32>} : memref<33x512xf32, #tpu.memory_space<vmem>>, vector<16xf32>,
      %add3A_2654 = arith.constant 16 : i32
      %add3A_2655 = arith.addi %add3A_2510, %add3A_2654 : i32
      %sub3A_2656 = arith.constant 1 : i32
      %sub3A_2657 = arith.subi %add3A_2655, %sub3A_2656 : i32
      %swap3A_2658 = arith.index_cast %sub3A_2657 : i32 to index
      %swap3A_2659 = arith.constant 224 : index
      %swap3A_2660 = tpu.vector_load %arg6[%swap3A_2658, %swap3A_2659] {strides = array<i32>} : memref<48x512xf32, #tpu.memory_space<vmem>>, vector<16xf32>,
      tpu.vector_store %arg6[%swap3A_2658, %swap3A_2659], %get3A_2653 {strides = array<i32>} : memref<48x512xf32, #tpu.memory_space<vmem>>, vector<16xf32>,
      %get3A_2661 = arith.index_cast %add3A_2510 : i32 to index
      %get3A_2662 = arith.constant 240 : index
      %get3A_2663 = tpu.vector_load %arg5[%get3A_2661, %get3A_2662] {strides = array<i32>} : memref<33x512xf32, #tpu.memory_space<vmem>>, vector<16xf32>,
      %add3A_2664 = arith.constant 16 : i32
      %add3A_2665 = arith.addi %add3A_2510, %add3A_2664 : i32
      %sub3A_2666 = arith.constant 1 : i32
      %sub3A_2667 = arith.subi %add3A_2665, %sub3A_2666 : i32
      %swap3A_2668 = arith.index_cast %sub3A_2667 : i32 to index
      %swap3A_2669 = arith.constant 240 : index
      %swap3A_2670 = tpu.vector_load %arg6[%swap3A_2668, %swap3A_2669] {strides = array<i32>} : memref<48x512xf32, #tpu.memory_space<vmem>>, vector<16xf32>,
      tpu.vector_store %arg6[%swap3A_2668, %swap3A_2669], %get3A_2663 {strides = array<i32>} : memref<48x512xf32, #tpu.memory_space<vmem>>, vector<16xf32>,
      %get3A_2671 = arith.index_cast %add3A_2510 : i32 to index
      %get3A_2672 = arith.constant 256 : index
      %get3A_2673 = tpu.vector_load %arg5[%get3A_2671, %get3A_2672] {strides = array<i32>} : memref<33x512xf32, #tpu.memory_space<vmem>>, vector<16xf32>,
      %add3A_2674 = arith.constant 16 : i32
      %add3A_2675 = arith.addi %add3A_2510, %add3A_2674 : i32
      %sub3A_2676 = arith.constant 1 : i32
      %sub3A_2677 = arith.subi %add3A_2675, %sub3A_2676 : i32
      %swap3A_2678 = arith.index_cast %sub3A_2677 : i32 to index
      %swap3A_2679 = arith.constant 256 : index
      %swap3A_2680 = tpu.vector_load %arg6[%swap3A_2678, %swap3A_2679] {strides = array<i32>} : memref<48x512xf32, #tpu.memory_space<vmem>>, vector<16xf32>,
      tpu.vector_store %arg6[%swap3A_2678, %swap3A_2679], %get3A_2673 {strides = array<i32>} : memref<48x512xf32, #tpu.memory_space<vmem>>, vector<16xf32>,
      %get3A_2681 = arith.index_cast %add3A_2510 : i32 to index
      %get3A_2682 = arith.constant 272 : index
      %get3A_2683 = tpu.vector_load %arg5[%get3A_2681, %get3A_2682] {strides = array<i32>} : memref<33x512xf32, #tpu.memory_space<vmem>>, vector<16xf32>,
      %add3A_2684 = arith.constant 16 : i32
      %add3A_2685 = arith.addi %add3A_2510, %add3A_2684 : i32
      %sub3A_2686 = arith.constant 1 : i32
      %sub3A_2687 = arith.subi %add3A_2685, %sub3A_2686 : i32
      %swap3A_2688 = arith.index_cast %sub3A_2687 : i32 to index
      %swap3A_2689 = arith.constant 272 : index
      %swap3A_2690 = tpu.vector_load %arg6[%swap3A_2688, %swap3A_2689] {strides = array<i32>} : memref<48x512xf32, #tpu.memory_space<vmem>>, vector<16xf32>,
      tpu.vector_store %arg6[%swap3A_2688, %swap3A_2689], %get3A_2683 {strides = array<i32>} : memref<48x512xf32, #tpu.memory_space<vmem>>, vector<16xf32>,
      %get3A_2691 = arith.index_cast %add3A_2510 : i32 to index
      %get3A_2692 = arith.constant 288 : index
      %get3A_2693 = tpu.vector_load %arg5[%get3A_2691, %get3A_2692] {strides = array<i32>} : memref<33x512xf32, #tpu.memory_space<vmem>>, vector<16xf32>,
      %add3A_2694 = arith.constant 16 : i32
      %add3A_2695 = arith.addi %add3A_2510, %add3A_2694 : i32
      %sub3A_2696 = arith.constant 1 : i32
      %sub3A_2697 = arith.subi %add3A_2695, %sub3A_2696 : i32
      %swap3A_2698 = arith.index_cast %sub3A_2697 : i32 to index
      %swap3A_2699 = arith.constant 288 : index
      %swap3A_2700 = tpu.vector_load %arg6[%swap3A_2698, %swap3A_2699] {strides = array<i32>} : memref<48x512xf32, #tpu.memory_space<vmem>>, vector<16xf32>,
      tpu.vector_store %arg6[%swap3A_2698, %swap3A_2699], %get3A_2693 {strides = array<i32>} : memref<48x512xf32, #tpu.memory_space<vmem>>, vector<16xf32>,
      %get3A_2701 = arith.index_cast %add3A_2510 : i32 to index
      %get3A_2702 = arith.constant 304 : index
      %get3A_2703 = tpu.vector_load %arg5[%get3A_2701, %get3A_2702] {strides = array<i32>} : memref<33x512xf32, #tpu.memory_space<vmem>>, vector<16xf32>,
      %add3A_2704 = arith.constant 16 : i32
      %add3A_2705 = arith.addi %add3A_2510, %add3A_2704 : i32
      %sub3A_2706 = arith.constant 1 : i32
      %sub3A_2707 = arith.subi %add3A_2705, %sub3A_2706 : i32
      %swap3A_2708 = arith.index_cast %sub3A_2707 : i32 to index
      %swap3A_2709 = arith.constant 304 : index
      %swap3A_2710 = tpu.vector_load %arg6[%swap3A_2708, %swap3A_2709] {strides = array<i32>} : memref<48x512xf32, #tpu.memory_space<vmem>>, vector<16xf32>,
      tpu.vector_store %arg6[%swap3A_2708, %swap3A_2709], %get3A_2703 {strides = array<i32>} : memref<48x512xf32, #tpu.memory_space<vmem>>, vector<16xf32>,
      %get3A_2711 = arith.index_cast %add3A_2510 : i32 to index
      %get3A_2712 = arith.constant 320 : index
      %get3A_2713 = tpu.vector_load %arg5[%get3A_2711, %get3A_2712] {strides = array<i32>} : memref<33x512xf32, #tpu.memory_space<vmem>>, vector<16xf32>,
      %add3A_2714 = arith.constant 16 : i32
      %add3A_2715 = arith.addi %add3A_2510, %add3A_2714 : i32
      %sub3A_2716 = arith.constant 1 : i32
      %sub3A_2717 = arith.subi %add3A_2715, %sub3A_2716 : i32
      %swap3A_2718 = arith.index_cast %sub3A_2717 : i32 to index
      %swap3A_2719 = arith.constant 320 : index
      %swap3A_2720 = tpu.vector_load %arg6[%swap3A_2718, %swap3A_2719] {strides = array<i32>} : memref<48x512xf32, #tpu.memory_space<vmem>>, vector<16xf32>,
      tpu.vector_store %arg6[%swap3A_2718, %swap3A_2719], %get3A_2713 {strides = array<i32>} : memref<48x512xf32, #tpu.memory_space<vmem>>, vector<16xf32>,
      %get3A_2721 = arith.index_cast %add3A_2510 : i32 to index
      %get3A_2722 = arith.constant 336 : index
      %get3A_2723 = tpu.vector_load %arg5[%get3A_2721, %get3A_2722] {strides = array<i32>} : memref<33x512xf32, #tpu.memory_space<vmem>>, vector<16xf32>,
      %add3A_2724 = arith.constant 16 : i32
      %add3A_2725 = arith.addi %add3A_2510, %add3A_2724 : i32
      %sub3A_2726 = arith.constant 1 : i32
      %sub3A_2727 = arith.subi %add3A_2725, %sub3A_2726 : i32
      %swap3A_2728 = arith.index_cast %sub3A_2727 : i32 to index
      %swap3A_2729 = arith.constant 336 : index
      %swap3A_2730 = tpu.vector_load %arg6[%swap3A_2728, %swap3A_2729] {strides = array<i32>} : memref<48x512xf32, #tpu.memory_space<vmem>>, vector<16xf32>,
      tpu.vector_store %arg6[%swap3A_2728, %swap3A_2729], %get3A_2723 {strides = array<i32>} : memref<48x512xf32, #tpu.memory_space<vmem>>, vector<16xf32>,
      %get3A_2731 = arith.index_cast %add3A_2510 : i32 to index
      %get3A_2732 = arith.constant 352 : index
      %get3A_2733 = tpu.vector_load %arg5[%get3A_2731, %get3A_2732] {strides = array<i32>} : memref<33x512xf32, #tpu.memory_space<vmem>>, vector<16xf32>,
      %add3A_2734 = arith.constant 16 : i32
      %add3A_2735 = arith.addi %add3A_2510, %add3A_2734 : i32
      %sub3A_2736 = arith.constant 1 : i32
      %sub3A_2737 = arith.subi %add3A_2735, %sub3A_2736 : i32
      %swap3A_2738 = arith.index_cast %sub3A_2737 : i32 to index
      %swap3A_2739 = arith.constant 352 : index
      %swap3A_2740 = tpu.vector_load %arg6[%swap3A_2738, %swap3A_2739] {strides = array<i32>} : memref<48x512xf32, #tpu.memory_space<vmem>>, vector<16xf32>,
      tpu.vector_store %arg6[%swap3A_2738, %swap3A_2739], %get3A_2733 {strides = array<i32>} : memref<48x512xf32, #tpu.memory_space<vmem>>, vector<16xf32>,
      %get3A_2741 = arith.index_cast %add3A_2510 : i32 to index
      %get3A_2742 = arith.constant 368 : index
      %get3A_2743 = tpu.vector_load %arg5[%get3A_2741, %get3A_2742] {strides = array<i32>} : memref<33x512xf32, #tpu.memory_space<vmem>>, vector<16xf32>,
      %add3A_2744 = arith.constant 16 : i32
      %add3A_2745 = arith.addi %add3A_2510, %add3A_2744 : i32
      %sub3A_2746 = arith.constant 1 : i32
      %sub3A_2747 = arith.subi %add3A_2745, %sub3A_2746 : i32
      %swap3A_2748 = arith.index_cast %sub3A_2747 : i32 to index
      %swap3A_2749 = arith.constant 368 : index
      %swap3A_2750 = tpu.vector_load %arg6[%swap3A_2748, %swap3A_2749] {strides = array<i32>} : memref<48x512xf32, #tpu.memory_space<vmem>>, vector<16xf32>,
      tpu.vector_store %arg6[%swap3A_2748, %swap3A_2749], %get3A_2743 {strides = array<i32>} : memref<48x512xf32, #tpu.memory_space<vmem>>, vector<16xf32>,
      %get3A_2751 = arith.index_cast %add3A_2510 : i32 to index
      %get3A_2752 = arith.constant 384 : index
      %get3A_2753 = tpu.vector_load %arg5[%get3A_2751, %get3A_2752] {strides = array<i32>} : memref<33x512xf32, #tpu.memory_space<vmem>>, vector<16xf32>,
      %add3A_2754 = arith.constant 16 : i32
      %add3A_2755 = arith.addi %add3A_2510, %add3A_2754 : i32
      %sub3A_2756 = arith.constant 1 : i32
      %sub3A_2757 = arith.subi %add3A_2755, %sub3A_2756 : i32
      %swap3A_2758 = arith.index_cast %sub3A_2757 : i32 to index
      %swap3A_2759 = arith.constant 384 : index
      %swap3A_2760 = tpu.vector_load %arg6[%swap3A_2758, %swap3A_2759] {strides = array<i32>} : memref<48x512xf32, #tpu.memory_space<vmem>>, vector<16xf32>,
      tpu.vector_store %arg6[%swap3A_2758, %swap3A_2759], %get3A_2753 {strides = array<i32>} : memref<48x512xf32, #tpu.memory_space<vmem>>, vector<16xf32>,
      %get3A_2761 = arith.index_cast %add3A_2510 : i32 to index
      %get3A_2762 = arith.constant 400 : index
      %get3A_2763 = tpu.vector_load %arg5[%get3A_2761, %get3A_2762] {strides = array<i32>} : memref<33x512xf32, #tpu.memory_space<vmem>>, vector<16xf32>,
      %add3A_2764 = arith.constant 16 : i32
      %add3A_2765 = arith.addi %add3A_2510, %add3A_2764 : i32
      %sub3A_2766 = arith.constant 1 : i32
      %sub3A_2767 = arith.subi %add3A_2765, %sub3A_2766 : i32
      %swap3A_2768 = arith.index_cast %sub3A_2767 : i32 to index
      %swap3A_2769 = arith.constant 400 : index
      %swap3A_2770 = tpu.vector_load %arg6[%swap3A_2768, %swap3A_2769] {strides = array<i32>} : memref<48x512xf32, #tpu.memory_space<vmem>>, vector<16xf32>,
      tpu.vector_store %arg6[%swap3A_2768, %swap3A_2769], %get3A_2763 {strides = array<i32>} : memref<48x512xf32, #tpu.memory_space<vmem>>, vector<16xf32>,
      %get3A_2771 = arith.index_cast %add3A_2510 : i32 to index
      %get3A_2772 = arith.constant 416 : index
      %get3A_2773 = tpu.vector_load %arg5[%get3A_2771, %get3A_2772] {strides = array<i32>} : memref<33x512xf32, #tpu.memory_space<vmem>>, vector<16xf32>,
      %add3A_2774 = arith.constant 16 : i32
      %add3A_2775 = arith.addi %add3A_2510, %add3A_2774 : i32
      %sub3A_2776 = arith.constant 1 : i32
      %sub3A_2777 = arith.subi %add3A_2775, %sub3A_2776 : i32
      %swap3A_2778 = arith.index_cast %sub3A_2777 : i32 to index
      %swap3A_2779 = arith.constant 416 : index
      %swap3A_2780 = tpu.vector_load %arg6[%swap3A_2778, %swap3A_2779] {strides = array<i32>} : memref<48x512xf32, #tpu.memory_space<vmem>>, vector<16xf32>,
      tpu.vector_store %arg6[%swap3A_2778, %swap3A_2779], %get3A_2773 {strides = array<i32>} : memref<48x512xf32, #tpu.memory_space<vmem>>, vector<16xf32>,
      %get3A_2781 = arith.index_cast %add3A_2510 : i32 to index
      %get3A_2782 = arith.constant 432 : index
      %get3A_2783 = tpu.vector_load %arg5[%get3A_2781, %get3A_2782] {strides = array<i32>} : memref<33x512xf32, #tpu.memory_space<vmem>>, vector<16xf32>,
      %add3A_2784 = arith.constant 16 : i32
      %add3A_2785 = arith.addi %add3A_2510, %add3A_2784 : i32
      %sub3A_2786 = arith.constant 1 : i32
      %sub3A_2787 = arith.subi %add3A_2785, %sub3A_2786 : i32
      %swap3A_2788 = arith.index_cast %sub3A_2787 : i32 to index
      %swap3A_2789 = arith.constant 432 : index
      %swap3A_2790 = tpu.vector_load %arg6[%swap3A_2788, %swap3A_2789] {strides = array<i32>} : memref<48x512xf32, #tpu.memory_space<vmem>>, vector<16xf32>,
      tpu.vector_store %arg6[%swap3A_2788, %swap3A_2789], %get3A_2783 {strides = array<i32>} : memref<48x512xf32, #tpu.memory_space<vmem>>, vector<16xf32>,
      %get3A_2791 = arith.index_cast %add3A_2510 : i32 to index
      %get3A_2792 = arith.constant 448 : index
      %get3A_2793 = tpu.vector_load %arg5[%get3A_2791, %get3A_2792] {strides = array<i32>} : memref<33x512xf32, #tpu.memory_space<vmem>>, vector<16xf32>,
      %add3A_2794 = arith.constant 16 : i32
      %add3A_2795 = arith.addi %add3A_2510, %add3A_2794 : i32
      %sub3A_2796 = arith.constant 1 : i32
      %sub3A_2797 = arith.subi %add3A_2795, %sub3A_2796 : i32
      %swap3A_2798 = arith.index_cast %sub3A_2797 : i32 to index
      %swap3A_2799 = arith.constant 448 : index
      %swap3A_2800 = tpu.vector_load %arg6[%swap3A_2798, %swap3A_2799] {strides = array<i32>} : memref<48x512xf32, #tpu.memory_space<vmem>>, vector<16xf32>,
      tpu.vector_store %arg6[%swap3A_2798, %swap3A_2799], %get3A_2793 {strides = array<i32>} : memref<48x512xf32, #tpu.memory_space<vmem>>, vector<16xf32>,
      %get3A_2801 = arith.index_cast %add3A_2510 : i32 to index
      %get3A_2802 = arith.constant 464 : index
      %get3A_2803 = tpu.vector_load %arg5[%get3A_2801, %get3A_2802] {strides = array<i32>} : memref<33x512xf32, #tpu.memory_space<vmem>>, vector<16xf32>,
      %add3A_2804 = arith.constant 16 : i32
      %add3A_2805 = arith.addi %add3A_2510, %add3A_2804 : i32
      %sub3A_2806 = arith.constant 1 : i32
      %sub3A_2807 = arith.subi %add3A_2805, %sub3A_2806 : i32
      %swap3A_2808 = arith.index_cast %sub3A_2807 : i32 to index
      %swap3A_2809 = arith.constant 464 : index
      %swap3A_2810 = tpu.vector_load %arg6[%swap3A_2808, %swap3A_2809] {strides = array<i32>} : memref<48x512xf32, #tpu.memory_space<vmem>>, vector<16xf32>,
      tpu.vector_store %arg6[%swap3A_2808, %swap3A_2809], %get3A_2803 {strides = array<i32>} : memref<48x512xf32, #tpu.memory_space<vmem>>, vector<16xf32>,
      %get3A_2811 = arith.index_cast %add3A_2510 : i32 to index
      %get3A_2812 = arith.constant 480 : index
      %get3A_2813 = tpu.vector_load %arg5[%get3A_2811, %get3A_2812] {strides = array<i32>} : memref<33x512xf32, #tpu.memory_space<vmem>>, vector<16xf32>,
      %add3A_2814 = arith.constant 16 : i32
      %add3A_2815 = arith.addi %add3A_2510, %add3A_2814 : i32
      %sub3A_2816 = arith.constant 1 : i32
      %sub3A_2817 = arith.subi %add3A_2815, %sub3A_2816 : i32
      %swap3A_2818 = arith.index_cast %sub3A_2817 : i32 to index
      %swap3A_2819 = arith.constant 480 : index
      %swap3A_2820 = tpu.vector_load %arg6[%swap3A_2818, %swap3A_2819] {strides = array<i32>} : memref<48x512xf32, #tpu.memory_space<vmem>>, vector<16xf32>,
      tpu.vector_store %arg6[%swap3A_2818, %swap3A_2819], %get3A_2813 {strides = array<i32>} : memref<48x512xf32, #tpu.memory_space<vmem>>, vector<16xf32>,
      %get3A_2821 = arith.index_cast %add3A_2510 : i32 to index
      %get3A_2822 = arith.constant 496 : index
      %get3A_2823 = tpu.vector_load %arg5[%get3A_2821, %get3A_2822] {strides = array<i32>} : memref<33x512xf32, #tpu.memory_space<vmem>>, vector<16xf32>,
      %add3A_2824 = arith.constant 16 : i32
      %add3A_2825 = arith.addi %add3A_2510, %add3A_2824 : i32
      %sub3A_2826 = arith.constant 1 : i32
      %sub3A_2827 = arith.subi %add3A_2825, %sub3A_2826 : i32
      %swap3A_2828 = arith.index_cast %sub3A_2827 : i32 to index
      %swap3A_2829 = arith.constant 496 : index
      %swap3A_2830 = tpu.vector_load %arg6[%swap3A_2828, %swap3A_2829] {strides = array<i32>} : memref<48x512xf32, #tpu.memory_space<vmem>>, vector<16xf32>,
      tpu.vector_store %arg6[%swap3A_2828, %swap3A_2829], %get3A_2823 {strides = array<i32>} : memref<48x512xf32, #tpu.memory_space<vmem>>, vector<16xf32>,
      %scan3A_2831 = arith.constant 0 : i32
      scf.yield %scan3A_2831 : i32
    }
    %scan3A_605 = arith.constant 16 : i32
    "tpu.region"() ({
      %run_scoped3A = tpu.sem_alloc : memref<!tpu.dma_semaphore, #tpu.memory_space<semaphore_mem>>
      %dma_start3A_606 = arith.constant 0 : i32
      %dma_start3A_607 = tpu.memref_slice %arg4[%dma_start3A_606, %mul3A_2] : memref<48x16384xf32, #tpu.memory_space<hbm>> -> memref<48x512xf32, #tpu.memory_space<hbm>>
      %dma_start3A_608 = arith.constant 0 : i32
      %dma_start3A_609 = tpu.memref_slice %arg4[%dma_start3A_608, %mul3A_2] : memref<48x16384xf32, #tpu.memory_space<hbm>> -> memref<48x512xf32, #tpu.memory_space<hbm>>
      tpu.enqueue_dma source(%arg6 : memref<48x512xf32, #tpu.memory_space<vmem>>) target(%dma_start3A_609 : memref<48x512xf32, #tpu.memory_space<hbm>>) target_semaphore(%run_scoped3A : memref<!tpu.dma_semaphore, #tpu.memory_space<semaphore_mem>>)
      %dma_wait3A = arith.constant 0 : i32
      %dma_wait3A_610 = tpu.memref_slice %arg4[%dma_wait3A, %mul3A_2] : memref<48x16384xf32, #tpu.memory_space<hbm>> -> memref<48x512xf32, #tpu.memory_space<hbm>>
      %dma_wait3A_611 = arith.constant 0 : i32
      %dma_wait3A_612 = tpu.memref_slice %arg4[%dma_wait3A_611, %mul3A_2] : memref<48x16384xf32, #tpu.memory_space<hbm>> -> memref<48x512xf32, #tpu.memory_space<hbm>>
      tpu.wait_dma2 semaphore(%run_scoped3A : memref<!tpu.dma_semaphore, #tpu.memory_space<semaphore_mem>>) src(%arg6 : memref<48x512xf32, #tpu.memory_space<vmem>>) dst(%dma_wait3A_612 : memref<48x512xf32, #tpu.memory_space<hbm>>)
      tpu.yield
    }) : () -> ()
    return
  }
}

</mosaic_0001>

<sc_bundles>
// kernel: kernel.3.cloned.1.call-start
scs
__scs_entry_jumppad:
0x0: {  	(pc) =	sbr.rel $0x88, $3  }
0x1: {  	(tag) =	ssettag $0x0;
	lr =	simm.s32 $0x1  }
0x2: {  	[smem:$0x3F9F] =	sst lr;
	_ =	strace $0xD0000000  }
0x3: {  	_ = 	snop  }
0x4: {  	_ = 	snop  }
0x5: {  	_ = 	snop  }
0x6: {  	_ = 	snop  }
0x7: {  	_ = 	snop  }
__scs_overlays_trampoline_lowered:
0x8: {  	[smem:$0x3FAE] =	sst s0  }
0x9: {  	[smem:$0x3FAF] =	sst s1  }
0xa: {  	[smem:$0x3FB0] =	sst s2  }
0xb: {  	[smem:$0x3FB1] =	sst s3  }
0xc: {  	[smem:$0x3FB2] =	sst s4  }
0xd: {  	[smem:$0x3FB3] =	sst s5  }
0xe: {  	[smem:$0x3FB4] =	sst s6  }
0xf: {  	[smem:$0x3FB5] =	sst s7  }
0x10: {  	[smem:$0x3FB6] =	sst s8  }
0x11: {  	[smem:$0x3FB7] =	sst s9;
	s0 =	simm.s32 @!p0 $0x0  }
0x12: {  	s1 =	sld [smem:$0x3F9D];
	s0 =	simm.s32 @p0 $0x1  }
0x13: {  	[smem:$0x3FB8] =	sst s0;
	s0 =	simm.s32 @!p1 $0x0  }
0x14: {  	s2 =	sld [smem:$0x3F9C];
	s0 =	simm.s32 @p1 $0x1  }
0x15: {  	[smem:$0x3FB9] =	sst s0;
	s0 =	simm.s32 @!p2 $0x0  }
0x16: {  	s3 =	sld [smem:$0x3FDB];
	s0 =	simm.s32 @p2 $0x1  }
0x17: {  	s4 =	simm.s32 $0x1BF5;
	[smem:$0x3FBB] =	sst s0  }
0x18: {  	s0 =	sld [smem:$0x3F9E];
	_ =	swait.ge [sflag:s4], $0x0  }
0x19: {  	s7 =	sld [smem:$0x3F9F]  }
0x1a: {  	s8 =	sadd.s32 $0xFFFFE003, lr  }
0x1b: {  	s9 =	sadd.s32 $0xFFFFFEF7, lr;
	s5 =	simm.s32 $0xFFFFFFFF;
	p2 =	slt.u32 s8, $0xFFFFF086  }
0x1c: {  	p1 =	slt.u32 s9, $0xF7A;
	s5 =	simm.s32 @!p2 $0x0  }
0x1d: {  	s5 =	simm.s32 @p1 $0x1;
	p0 =	seq.s32 s7, s2  }
0x1e: {  	s7 =	smul.u32 @!p0 $0xF7A, s2;
	p2 =	seq.s32 @!p0 s5, $0x0  }
0x1f: {  	s9 =	smul.u32 $0xF7A, s1;
	s8 =	simm.s32 @!p0 $0x1BF5;
	p2 =	por !p2, p0  }
0x20: {  	[sflag:s8] =	ssyncset.s32 @!p0 $0xFFFFF086;
	s6 =	sadd.s32 @!p0 s3, s7;
	s7 =	simm.s32 @!p0 $0x108  }
0x21: {  	s3 =	sadd.s32 s3, s9;
	s6 =	sadd.s32 @!p0 $0x88, s6;
	s7 =	simm.s32 @p2 $0x1082  }
0x22: {  	[simem:s7], [sflag:s8] =	dma.local @!p0 [hbm:s6], $0xF7A  }
0x23: {  	s9 =	sor.u32 $0xD0000000, s2;
	s6 =	simm.s32 $0x108;
	_ =	swait.ge @!p0 [sflag:s8], $0x0  }
0x24: {  	s3 =	sadd.s32 $0x88, s3;
	s6 =	simm.s32 @!p1 $0x1082;
	[sflag:s4] =	ssyncset.s32 $0xFFFFF086  }
0x25: {  	[simem:s6], [sflag:s4] =	dma.local [hbm:s3], $0xF7A  }
0x26: {  	[smem:$0x3F9F] =	sst s1;
	(tag) =	ssettag s2;
	_ =	strace s9  }
0x27: {  	s1 =	sld [smem:$0x3FAF]  }
0x28: {  	s2 =	sld [smem:$0x3FB0]  }
0x29: {  	s4 =	sld [smem:$0x3FB2]  }
0x2a: {  	p0 =	seq.s32 s5, $0x0;
	s5 =	sld [smem:$0x3FB3]  }
0x2b: {  	s6 =	sld [smem:$0x3FB4]  }
0x2c: {  	s7 =	sld [smem:$0x3FB5]  }
0x2d: {  	s3 =	simm.s32 $0x108;
	s8 =	sld [smem:$0x3FB6]  }
0x2e: {  	s3 =	simm.s32 @!p0 $0x1082;
	s9 =	sld [smem:$0x3FB7]  }
0x2f: {  	lr =	sadd.s32 s0, s3;
	s0 =	sld [smem:$0x3FAE]  }
0x30: {  	s3 =	sld [smem:$0x3FB1]  }
0x31: {  	[smem:$0x3FBA] =	sst s10  }
0x32: {  	s10 =	sld [smem:$0x3FB8];
	_ =	sdelay $0x3  }
0x33: {  	p0 =	seq.s32 s10, $0x1;
	s10 =	sld [smem:$0x3FBA];
	_ =	sdelay $0x3  }
0x34: {  	[smem:$0x3FBA] =	sst s10  }
0x35: {  	s10 =	sld [smem:$0x3FB9];
	_ =	sdelay $0x3  }
0x36: {  	p1 =	seq.s32 s10, $0x1;
	s10 =	sld [smem:$0x3FBA];
	_ =	sdelay $0x3  }
0x37: {  	[smem:$0x3FBA] =	sst s10  }
0x38: {  	s10 =	sld [smem:$0x3FBB]  }
0x39: {  	_ = 	snop;
	(pc) =	sbr.ind lr, $3  }
0x3a: {  	_ = 	snop  }
0x3b: {  	_ = 	snop  }
0x3c: {  	p2 =	seq.s32 s10, $0x1;
	s10 =	sld [smem:$0x3FBA]  }
0x3d: {  	_ =	shalt  }
0x3e: {  	_ =	shalt  }
0x3f: {  	_ =	shalt  }
0x40: {  	_ =	shalt  }
0x41: {  	_ =	shalt  }
0x42: {  	_ =	shalt  }
0x43: {  	_ =	shalt  }
0x44: {  	_ =	shalt  }
0x45: {  	_ =	shalt  }
0x46: {  	_ =	shalt  }
0x47: {  	_ =	shalt  }
0x48: {  	_ =	shalt  }
0x49: {  	_ =	shalt  }
0x4a: {  	_ =	shalt  }
0x4b: {  	_ =	shalt  }
0x4c: {  	_ =	shalt  }
0x4d: {  	_ =	shalt  }
0x4e: {  	_ =	shalt  }
0x4f: {  	_ =	shalt  }
0x50: {  	_ =	shalt  }
0x51: {  	_ =	shalt  }
0x52: {  	_ =	shalt  }
0x53: {  	_ =	shalt  }
0x54: {  	_ =	shalt  }
0x55: {  	_ =	shalt  }
0x56: {  	_ =	shalt  }
0x57: {  	_ =	shalt  }
0x58: {  	_ =	shalt  }
0x59: {  	_ =	shalt  }
0x5a: {  	_ =	shalt  }
0x5b: {  	_ =	shalt  }
0x5c: {  	_ =	shalt  }
0x5d: {  	_ =	shalt  }
0x5e: {  	_ =	shalt  }
0x5f: {  	_ =	shalt  }
0x60: {  	_ =	shalt  }
0x61: {  	_ =	shalt  }
0x62: {  	_ =	shalt  }
0x63: {  	_ =	shalt  }
0x64: {  	_ =	shalt  }
0x65: {  	_ =	shalt  }
0x66: {  	_ =	shalt  }
0x67: {  	_ =	shalt  }
0x68: {  	_ =	shalt  }
0x69: {  	_ =	shalt  }
0x6a: {  	_ =	shalt  }
0x6b: {  	_ =	shalt  }
0x6c: {  	_ =	shalt  }
0x6d: {  	_ =	shalt  }
0x6e: {  	_ =	shalt  }
0x6f: {  	_ =	shalt  }
0x70: {  	_ =	shalt  }
0x71: {  	_ =	shalt  }
0x72: {  	_ =	shalt  }
0x73: {  	_ =	shalt  }
0x74: {  	_ =	shalt  }
0x75: {  	_ =	shalt  }
0x76: {  	_ =	shalt  }
0x77: {  	_ =	shalt  }
0x78: {  	_ =	shalt  }
0x79: {  	_ =	shalt  }
0x7a: {  	_ =	shalt  }
0x7b: {  	_ =	shalt  }
0x7c: {  	_ =	shalt  }
0x7d: {  	_ =	shalt  }
0x7e: {  	_ =	shalt  }
0x7f: {  	_ =	shalt  }
0x80: {  	_ =	shalt  }
0x81: {  	_ =	shalt  }
0x82: {  	_ =	shalt  }
0x83: {  	_ =	shalt  }
0x84: {  	_ =	shalt  }
0x85: {  	_ =	shalt  }
0x86: {  	_ =	shalt  }
0x87: {  	_ =	shalt  }
.Lfunc_end0:
.L_simem_size_0:
called_computation_lowered:
.L_overlay_start_0:
0x88: {  	s2 =	sld [smem:$0x3FD9]  }
0x89: {  	s3 =	sld [smem:$0x3FFE];
	_ =	sdelay $0x1  }
0x8a: {  	s1 =	srdreg.scid  }
0x8b: {  	s0 =	sand.u32 $0x1, s1  }
0x8c: {  	s18 =	sshll.u32 s0, $0xA;
	s2 =	sadd.s32 s3, s2  }
0x8d: {  	s2 =	sadd.s32 s2, s18  }
0x8e: {  	[smem:$0x3FC6] =	sst s2  }
0x8f: {  	_ = 	snop  }
0x90: {  	s2 =	sld [smem:$0x3FC9]  }
0x91: {  	s19 =	sld [smem:$0x3FC8]  }
0x92: {  	s4 =	sld [smem:$0x3FD0];
	(tm) =	ssettm $0x1  }
0x93: {  	s5 =	sld [smem:$0x3FFB];
	_ =	sdelay $0x3  }
0x94: {  	_ =	strace s5  }
0x95: {  	s5 =	sld [smem:$0x3FFC];
	_ =	sdelay $0x3  }
0x96: {  	_ =	strace s5  }
0x97: {  	s5 =	sld [smem:$0x3FFD];
	_ =	sdelay $0x3  }
0x98: {  	_ =	strace s5  }
0x99: {  	_ =	strace $0x8FFFFFFF  }
0x9a: {  	s20 =	sld [smem:$0x3FDB];
	_ =	sdelay $0x1  }
0x9b: {  	s6 =	simm.s32 $_scs_section_size  }
0x9c: {  	s7 =	simm.s32 $_size__tile_overlayer_lowered;
	s8 =	simm.s32 $_tile_overlayer_lowered  }
0x9d: {  	s23 =	simm.s32 $0x1BFF;
	s22 =	sshll.u32 s8, $0x1;
	s5 =	sadd.s32 s6, s20  }
0x9e: {  	s9 =	simm.s32 $0x0;
	s21 =	sshll.u32 s7, $0x1;
	s7 =	sadd.s32 s22, s5  }
0x9f: {  	[timem:s9], [sflag:s23] =	dma.local [hbm:s7], s21  }
0xa0: {  	_ =	swait.ge [sflag:s23], s21  }
0xa1: {  	s6 =	ssub.s32 $0x0, s21;
	[sflag:s23] =	ssyncset.done $0x0  }
0xa2: {  	[sflag:s23] =	ssyncadd.s32 s6;
	_ =	sdelay $0x1  }
0xa3: {  	s24 =	simm.s32 $0x1B8B  }
0xa4: {  	_ =	swait.ge [sflag:s24], $0x1  }
0xa5: {  	[sflag:s24] =	ssyncset.done $0x0  }
0xa6: {  	s25 =	simm.s32 $0x1B8E;
	[sflag:s24] =	ssyncadd.s32 $0xFFFFFFFF  }
0xa7: {  	s26 =	simm.s32 $execute0_lowered;
	[smem:$0x3FD2] =	sst s25  }
0xa8: {  	s6 =	sshll.u32 s26, $0x1;
	_ =	strace $0x80000046;
	[dreg:$0x1] =	wrdreg $0xFFFFFFFF  }
0xa9: {  	s28 =	simm.s32 $_size_execute0_lowered;
	s5 =	sadd.s32 s5, s6;
	[dreg:$0x0] =	wrdreg $0x0  }
0xaa: {  	s6 =	sshll.u32 s28, $0x1;
	[dreg:$0x2] =	wrdreg s5  }
0xab: {  	[dreg:$0x3] =	wrdreg s6  }
0xac: {  	[dreg:$0x4] =	wrdreg $0xC0  }
0xad: {  	_ =	task [dreg:s9], $0x5FFFF  }
0xae: {  	[dreg:$0x1] =	wrdreg $0xFFFFFFFF  }
0xaf: {  	[dreg:$0x0] =	wrdreg $0x60  }
0xb0: {  	[dreg:$0x2] =	wrdreg s2  }
0xb1: {  	[dreg:$0x3] =	wrdreg s19  }
0xb2: {  	[dreg:$0x4] =	wrdreg s4  }
0xb3: {  	[dreg:$0x5] =	wrdreg $0x9  }
0xb4: {  	_ =	task.clear_ibuf [dreg:s9], $0x6FFFF;
	_ =	strace $0x90000046  }
0xb5: {  	s29 =	simm.s32 $0x9;
	_ =	strace $0x80000048  }
0xb6: {  	_ =	swait.ge [sflag:s29], $0x1  }
0xb7: {  	[sflag:s29] =	ssyncadd.s32 $0xFFFFFFFF  }
0xb8: {  	_ =	strace $0x90000048  }
0xb9: {  	_ =	sfence  }
0xba: {  	s30 =	sld [smem:$0x0];
	_ =	sdelay $0x2  }
0xbb: {  	s31 =	sshll.u32 s1, $0xD;
	s1 =	sshrl.u32 s1, $0x2  }
0xbc: {  	s3 =	sand.u32 $0x4000, s31;
	s1 =	sadd.s32 s1, s30  }
0xbd: {  	s0 =	sor.u32 s3, s0;
	s1 =	sshll.u32 s1, $0x11  }
0xbe: {  	s0 =	sor.u32 s1, s0  }
0xbf: {  	s0 =	sadd.s32 $0x8F2B, s0  }
0xc0: {  	[sflag:s0] =	ssyncadd.remote.s32 $0x1  }
0xc1: {  	_ =	sfence.sel $0xFFFF  }
0xc2: {  	[dreg:$0x0] =	wrdreg $0xFFFFFFFF;
	(pc) =	sbr.abs _section_cstart, $3  }
0xc3: {  	[dreg:$0x1] =	wrdreg $0xFFFFFFFF  }
0xc4: {  	_ =	task.clear_ibuf [dreg:s9], $0x2FFFF;
	_ =	strace $0x9FFFFFFF  }
0xc5: {  	(tm) =	ssettm $0x7FFFFFFF  }
tec
execute0_lowered:
.L_overlay_start_1:
0x0: {  	(tag) =	ssettag $0x1  }
0x1: {  	s0 =	rddreg [dreg:$0x0];
	v0 =	vimm.s32 $0x1380;
	vm0 =	vcmask $0x300  }
0x2: {  	s1 =	rddreg [dreg:$0x2];
	s3 =	simm.s32 $0x0;
	s2 =	srdreg.scid;
	vm14 =	vcmask $0x704;
	v0 =	vsel vm0, $0x0, v0  }
0x3: {  	s4 =	stileid.u32;
	s20 =	simm.s32 $0x1000;
	s21 =	simm.s32 $0x20000;
	vm15 =	vcmask $0xB08;
	v0 =	vsel vm14, $0x80, v0  }
0x4: {  	s22 =	simm.s32 $0x3;
	s10 =	simm.s32 $0x400;
	s11 =	simm.s32 $0x7A1400;
	vm4 =	vcmask $0xF0C;
	v0 =	vsel vm15, $0x100, v0  }
0x5: {  	vm5 =	vcmask $0x1310;
	s28 =	simm.s32 $0x13000;
	s30 =	simm.s32 $0x13800;
	s31 =	simm.s32 $0x14000;
	v0 =	vsel vm4, $0x180, v0  }
0x6: {  	vm6 =	vcmask $0x1714;
	s7 =	simm.s32 $0x16000;
	s8 =	simm.s32 $0x16800;
	s6 =	simm.s32 $0x18000;
	v0 =	vsel vm5, $0x200, v0  }
0x7: {  	vm7 =	vcmask $0x1B18;
	s9 =	simm.s32 $0x18800;
	s12 =	simm.s32 $0x19800;
	s13 =	simm.s32 $0x1A000;
	v0 =	vsel vm6, $0x280, v0  }
0x8: {  	vm8 =	vcmask $0x1F1C;
	s14 =	simm.s32 $0x1A800;
	s15 =	simm.s32 $0x1;
	s16 =	simm.s32 $0x5000;
	v0 =	vsel vm7, $0x300, v0  }
0x9: {  	vm9 =	vcmask $0x2320;
	s17 =	simm.s32 $0x2;
	s19 =	simm.s32 $0x0;
	s2 =	sand.u32 $0x1, s2;
	v0 =	vsel vm8, $0x380, v0  }
0xa: {  	vm10 =	vcmask $0x2724;
	[smem:$0x7FF] =	sst s3;
	s4 =	sshll.u32 s4, $0xA;
	s25 =	ssub.s32 $0x2, s2;
	v0 =	vsel vm9, $0x1000, v0  }
0xb: {  	vm11 =	vcmask $0x2B28;
	s2 =	sshll.u32 s2, $0x9;
	_ =	strace $0x80000047;
	s5 =	sshrl.u32 s25, $0x1;
	v0 =	vsel vm10, $0x1080, v0  }
.Ltmp0:
0xc: {  	vm12 =	vcmask $0x2F2C;
	s2 =	sor.u32 s2, s4;
	s4 =	simm.s32 $0x17000;
	v0 =	vsel vm11, $0x1100, v0;
	(pc) =	sbr.rel .LBB2_1-.Ltmp0, $4  }
0xd: {  	vm13 =	vcmask $0x3330;
	s3 =	ssub.s32 s25, s5;
	s0 =	sadd.s32 s0, s2;
	s26 =	sadd.s32 s1, s2;
	v0 =	vsel vm12, $0x1180, v0  }
0xe: {  	vm14 =	vcmask $0x3734;
	s2 =	simm.s32 $0x15000;
	s5 =	simm.s32 $0x17800;
	[dreg:$0x4] =	wrdreg s0;
	v0 =	vsel vm13, $0x1200, v0  }
0xf: {  	v1 =	vlaneseq.u32;
	vm15 =	vcmask $0x3B38;
	s1 =	simm.s32 $0x19000;
	[dreg:$0x5] =	wrdreg s26;
	s29 =	smax.u32 s3, $0x1;
	v2 =	vsel vm14, $0x1280, v0  }
0x10: {  	s0 =	simm.s32 $0x14800;
	s3 =	simm.s32 $0x15800;
	[dreg:$0x6] =	wrdreg s29;
	v0 =	vmul.u32 $0x80, v1;
	v1 =	vsel vm15, $0x1300, v2  }
.LBB2_5:
0x11: {  	s18 =	rddreg [dreg:$0x5]  }
0x12: {  	s20 =	simm.s32 $0x1000;
	s21 =	simm.s32 $0x20000;
	s22 =	simm.s32 $0x3  }
0x13: {  	[hbm4b:s18+s20] =	stream.strided.scatter [tilespmem:s16], [sflag:$0x3], $0x6000, s21, s20, $0x38;
	[tilespmem:$0x1B200] =	vst v63  }
0x14: {  	_ =	swait.ge [sflag:s22], $0x6000  }
0x15: {  	s19 =	rddreg [dreg:$0x7]  }
0x16: {  	s29 =	rddreg [dreg:$0x6];
	s19 =	sadd.s32 $0x1, s19  }
0x17: {  	p0 =	sne.s32 s19, s29  }
.Ltmp1:
0x18: {  	_ = 	snop;
	(pc) =	sbr.rel @!p0 .LBB2_6-.Ltmp1, $3  }
0x19: {  	_ =	sdelay $0x1  }
0x1a: {  	[sflag:s22] =	ssyncset.done $0x0  }
0x1b: {  	[sflag:s22] =	ssyncadd.s32 $0xFFFFA000  }
.LBB2_1:
0x1c: {  	[dreg:$0x7] =	wrdreg s19  }
0x1d: {  	s18 =	simm.s32 $0x0;
	s29 =	rddreg [dreg:$0x4]  }
0x1e: {  	[tilespmem:s18], [sflag:$0x3] =	stream.strided.gather [hbm4b:s29+s20], $0x5000, s21, s20, $0x38;
	[tilespmem:$0x1B200] =	vst v63  }
0x1f: {  	_ =	swait.ge [sflag:s22], $0x5000  }
0x20: {  	[sflag:s22] =	ssyncset.done $0x0  }
0x21: {  	[sflag:s22] =	ssyncadd.s32 $0xFFFFB000  }
0x22: {  	v2 =	vld [tilespmem:$0x0]  }
0x23: {  	v3 =	vld [tilespmem:$0x10]  }
0x24: {  	v4 =	vld [tilespmem:$0x20]  }
0x25: {  	v5 =	vld [tilespmem:$0x30]  }
0x26: {  	v6 =	vld [tilespmem:$0x40]  }
0x27: {  	v7 =	vld [tilespmem:$0x50];
	v2 =	vtrunc.f32 v2  }
0x28: {  	v8 =	vld [tilespmem:$0x60];
	v3 =	vtrunc.f32 v3;
	v2 =	vcvt.f32.s32 v2  }
0x29: {  	v9 =	vld [tilespmem:$0x70];
	v4 =	vtrunc.f32 v4;
	v3 =	vcvt.f32.s32 v3  }
0x2a: {  	v10 =	vld [tilespmem:$0x400];
	v5 =	vtrunc.f32 v5;
	v4 =	vcvt.f32.s32 v4;
	[tilespmem:$0x1B000] =	vst v2  }
0x2b: {  	v53 =	vld [tilespmem:$0x410];
	v52 =	vtrunc.f32 v6;
	[tilespmem:$0x1B010] =	vst v3;
	v3 =	vcvt.f32.s32 v5  }
0x2c: {  	v56 =	vld [tilespmem:$0x420];
	v55 =	vtrunc.f32 v7;
	v54 =	vcvt.f32.s32 v52;
	[tilespmem:$0x1B020] =	vst v4  }
0x2d: {  	v58 =	vld [tilespmem:$0x430];
	v57 =	vtrunc.f32 v8;
	[tilespmem:$0x1B030] =	vst v3;
	v3 =	vcvt.f32.s32 v55  }
0x2e: {  	v61 =	vld [tilespmem:$0x440];
	v60 =	vtrunc.f32 v9;
	v59 =	vcvt.f32.s32 v57;
	[tilespmem:$0x1B040] =	vst v54  }
0x2f: {  	v63 =	vld [tilespmem:$0x450];
	v62 =	vtrunc.f32 v10;
	[tilespmem:$0x1B050] =	vst v3;
	v3 =	vcvt.f32.s32 v60  }
0x30: {  	v13 =	vld [tilespmem:$0x460];
	v12 =	vtrunc.f32 v53;
	v11 =	vcvt.f32.s32 v62;
	[tilespmem:$0x1B060] =	vst v59  }
0x31: {  	v15 =	vld [tilespmem:$0x470];
	v14 =	vtrunc.f32 v56;
	[tilespmem:$0x1B070] =	vst v3;
	v3 =	vcvt.f32.s32 v12  }
0x32: {  	v18 =	vld [tilespmem:$0x800];
	v17 =	vtrunc.f32 v58;
	v16 =	vcvt.f32.s32 v14;
	[tilespmem:$0x1B080] =	vst v11  }
0x33: {  	v20 =	vld [tilespmem:$0x810];
	v19 =	vtrunc.f32 v61;
	[tilespmem:$0x1B090] =	vst v3;
	v3 =	vcvt.f32.s32 v17  }
0x34: {  	v23 =	vld [tilespmem:$0x820];
	v22 =	vtrunc.f32 v63;
	v21 =	vcvt.f32.s32 v19;
	[tilespmem:$0x1B0A0] =	vst v16  }
0x35: {  	v25 =	vld [tilespmem:$0x830];
	v24 =	vtrunc.f32 v13;
	[tilespmem:$0x1B0B0] =	vst v3;
	v3 =	vcvt.f32.s32 v22  }
0x36: {  	v28 =	vld [tilespmem:$0x840];
	v27 =	vtrunc.f32 v15;
	v26 =	vcvt.f32.s32 v24;
	[tilespmem:$0x1B0C0] =	vst v21  }
0x37: {  	v30 =	vld [tilespmem:$0x850];
	v29 =	vtrunc.f32 v18;
	[tilespmem:$0x1B0D0] =	vst v3;
	v3 =	vcvt.f32.s32 v27  }
0x38: {  	v33 =	vld [tilespmem:$0x860];
	s19 =	rddreg [dreg:$0x1];
	v32 =	vtrunc.f32 v20;
	v31 =	vcvt.f32.s32 v29;
	[tilespmem:$0x1B0E0] =	vst v26;
	v2 =	vand.u32 $0xFFFFFF80, v2  }
0x39: {  	v35 =	vld [tilespmem:$0x870];
	v34 =	vtrunc.f32 v23;
	v2 =	vadd.s32 s19, v2;
	[tilespmem:$0x1B0F0] =	vst v3;
	v3 =	vcvt.f32.s32 v32  }
0x3a: {  	v38 =	vld [tilespmem:$0xC00];
	v37 =	vtrunc.f32 v25;
	v36 =	vcvt.f32.s32 v34;
	[tilespmem:$0x1B100] =	vst v31;
	(v2sf) =	vpush v2, $0x0  }
0x3b: {  	v40 =	vld [tilespmem:$0xC10];
	v39 =	vtrunc.f32 v28;
	[tilespmem:$0x1B110] =	vst v3;
	v3 =	vcvt.f32.s32 v37  }
0x3c: {  	v48 =	vld [tilespmem:$0xC40];
	v42 =	vtrunc.f32 v30;
	v41 =	vcvt.f32.s32 v39;
	[tilespmem:$0x1B120] =	vst v36;
	(v2sf) =	vpush v2, $0x1  }
0x3d: {  	v45 =	vld [tilespmem:$0xC30];
	v44 =	vtrunc.f32 v33;
	[tilespmem:$0x1B130] =	vst v3;
	v3 =	vcvt.f32.s32 v42  }
0x3e: {  	v43 =	vld [tilespmem:$0xC20];
	v47 =	vtrunc.f32 v35;
	v46 =	vcvt.f32.s32 v44;
	[tilespmem:$0x1B140] =	vst v41;
	(v2sf) =	vpush v2, $0x2  }
0x3f: {  	v50 =	vld [tilespmem:$0xC50];
	v49 =	vtrunc.f32 v38;
	[tilespmem:$0x1B150] =	vst v3;
	v3 =	vcvt.f32.s32 v47  }
0x40: {  	v53 =	vld [tilespmem:$0xC60];
	v51 =	vcvt.f32.s32 v49;
	v52 =	vtrunc.f32 v40;
	[tilespmem:$0x1B160] =	vst v46;
	(v2sf) =	vpush v2, $0x3  }
0x41: {  	v58 =	vtrunc.f32 v48;
	v55 =	vld [tilespmem:$0xC70];
	[tilespmem:$0x1B170] =	vst v3;
	v3 =	vcvt.f32.s32 v52  }
0x42: {  	v57 =	vtrunc.f32 v45;
	[tilespmem:$0x1B180] =	vst v51;
	v59 =	vcvt.f32.s32 v58;
	(v2sf) =	vpush v2, $0x4  }
0x43: {  	v54 =	vtrunc.f32 v43;
	[tilespmem:$0x1B190] =	vst v3;
	v3 =	vcvt.f32.s32 v57  }
0x44: {  	v56 =	vcvt.f32.s32 v54;
	[tilespmem:$0x1B1C0] =	vst v59;
	v60 =	vtrunc.f32 v50;
	(v2sf) =	vpush v2, $0x5  }
0x45: {  	v61 =	vtrunc.f32 v53;
	[tilespmem:$0x1B1B0] =	vst v3;
	v3 =	vcvt.f32.s32 v60  }
0x46: {  	[tilespmem:$0x1B1A0] =	vst v56;
	v62 =	vcvt.f32.s32 v61;
	v63 =	vtrunc.f32 v55;
	(v2sf) =	vpush v2, $0x6  }
0x47: {  	[tilespmem:$0x1B1D0] =	vst v3;
	v3 =	vcvt.f32.s32 v63  }
0x48: {  	[tilespmem:$0x1B1E0] =	vst v62;
	(v2sf) =	vpush v2, $0x7  }
0x49: {  	s21 =	simm.s32 $0xB000;
	s20 =	spop (v2sf);
	[tilespmem:$0x1B1F0] =	vst v3  }
0x4a: {  	(v2sf) =	vpush v2, $0x8;
	[tilespmem:s21], [sflag:$0x1] =	stream.strided.gather [hbm4b:s20+s10], $0x800, s11, s10, $0x38;
	[tilespmem:$0x1B200] =	vst v63  }
0x4b: {  	s23 =	simm.s32 $0xB800;
	s22 =	spop (v2sf)  }
0x4c: {  	(v2sf) =	vpush v2, $0x9;
	[tilespmem:s23], [sflag:$0x1] =	stream.strided.gather [hbm4b:s22+s10], $0x800, s11, s10, $0x38;
	[tilespmem:$0x1B200] =	vst v63  }
0x4d: {  	s25 =	simm.s32 $0xC000;
	s24 =	spop (v2sf)  }
0x4e: {  	(v2sf) =	vpush v2, $0xA;
	[tilespmem:s25], [sflag:$0x1] =	stream.strided.gather [hbm4b:s24+s10], $0x800, s11, s10, $0x38;
	[tilespmem:$0x1B200] =	vst v63  }
0x4f: {  	s29 =	simm.s32 $0xC800;
	s26 =	spop (v2sf)  }
0x50: {  	(v2sf) =	vpush v2, $0xB;
	[tilespmem:s29], [sflag:$0x1] =	stream.strided.gather [hbm4b:s26+s10], $0x800, s11, s10, $0x38;
	[tilespmem:$0x1B200] =	vst v63  }
0x51: {  	s20 =	spop (v2sf);
	s21 =	simm.s32 $0xD000  }
0x52: {  	(v2sf) =	vpush v2, $0xC;
	[tilespmem:s21], [sflag:$0x1] =	stream.strided.gather [hbm4b:s20+s10], $0x800, s11, s10, $0x38;
	[tilespmem:$0x1B200] =	vst v63  }
0x53: {  	s22 =	spop (v2sf);
	s23 =	simm.s32 $0xD800  }
0x54: {  	(v2sf) =	vpush v2, $0xD;
	[tilespmem:s23], [sflag:$0x1] =	stream.strided.gather [hbm4b:s22+s10], $0x800, s11, s10, $0x38;
	[tilespmem:$0x1B200] =	vst v63  }
0x55: {  	s24 =	spop (v2sf);
	s25 =	simm.s32 $0xE000  }
0x56: {  	(v2sf) =	vpush v2, $0xE;
	[tilespmem:s25], [sflag:$0x1] =	stream.strided.gather [hbm4b:s24+s10], $0x800, s11, s10, $0x38;
	[tilespmem:$0x1B200] =	vst v63  }
0x57: {  	s26 =	spop (v2sf);
	s29 =	simm.s32 $0xE800  }
0x58: {  	(v2sf) =	vpush v2, $0xF;
	[tilespmem:s29], [sflag:$0x1] =	stream.strided.gather [hbm4b:s26+s10], $0x800, s11, s10, $0x38;
	[tilespmem:$0x1B200] =	vst v63  }
0x59: {  	s20 =	spop (v2sf);
	s21 =	simm.s32 $0xF000  }
0x5a: {  	[tilespmem:s21], [sflag:$0x1] =	stream.strided.gather [hbm4b:s20+s10], $0x800, s11, s10, $0x38;
	[tilespmem:$0x1B200] =	vst v63  }
0x5b: {  	s22 =	spop (v2sf);
	s23 =	simm.s32 $0xF800  }
0x5c: {  	[tilespmem:s23], [sflag:$0x1] =	stream.strided.gather [hbm4b:s22+s10], $0x800, s11, s10, $0x38;
	[tilespmem:$0x1B200] =	vst v63  }
0x5d: {  	s24 =	spop (v2sf);
	s25 =	simm.s32 $0x10000  }
0x5e: {  	[tilespmem:s25], [sflag:$0x1] =	stream.strided.gather [hbm4b:s24+s10], $0x800, s11, s10, $0x38;
	[tilespmem:$0x1B200] =	vst v63  }
0x5f: {  	s26 =	spop (v2sf);
	s29 =	simm.s32 $0x10800  }
0x60: {  	[tilespmem:s29], [sflag:$0x1] =	stream.strided.gather [hbm4b:s26+s10], $0x800, s11, s10, $0x38;
	[tilespmem:$0x1B200] =	vst v63  }
0x61: {  	s18 =	simm.s32 $0x1B010;
	s20 =	spop (v2sf);
	s21 =	simm.s32 $0x11000  }
0x62: {  	[tilespmem:s21], [sflag:$0x1] =	stream.strided.gather [hbm4b:s20+s10], $0x800, s11, s10, $0x38;
	[tilespmem:$0x1B200] =	vst v63  }
0x63: {  	s19 =	simm.s32 $0x1;
	s22 =	spop (v2sf);
	s23 =	simm.s32 $0x11800  }
0x64: {  	[tilespmem:s23], [sflag:$0x1] =	stream.strided.gather [hbm4b:s22+s10], $0x800, s11, s10, $0x38;
	[tilespmem:$0x1B200] =	vst v63  }
.Ltmp2:
0x65: {  	s24 =	spop (v2sf);
	s25 =	simm.s32 $0x12000;
	(pc) =	sbr.rel .LBB2_2-.Ltmp2, $4  }
0x66: {  	[tilespmem:s25], [sflag:$0x1] =	stream.strided.gather [hbm4b:s24+s10], $0x800, s11, s10, $0x38;
	[tilespmem:$0x1B200] =	vst v63  }
0x67: {  	s26 =	spop (v2sf);
	s29 =	simm.s32 $0x12800;
	s20 =	simm.s32 $0x0  }
0x68: {  	[tilespmem:s29], [sflag:$0x1] =	stream.strided.gather [hbm4b:s26+s10], $0x800, s11, s10, $0x38;
	[tilespmem:$0x1B200] =	vst v63  }
0x69: {  	s21 =	simm.s32 $0x0;
	s25 =	simm.s32 $0x0;
	s26 =	simm.s32 $0x0  }
.LBB2_4:
0x6a: {  	v2 =	vld [tilespmem:s18+$0x0];
	_ =	swait.ge [sflag:s17], $0x800  }
0x6b: {  	[sflag:s17] =	ssyncset.done $0x0  }
0x6c: {  	[sflag:s17] =	ssyncadd.s32 $0xFFFFF800  }
0x6d: {  	_ =	swait.ge [sflag:s17], $0x800  }
0x6e: {  	[sflag:s17] =	ssyncset.done $0x0  }
0x6f: {  	[sflag:s17] =	ssyncadd.s32 $0xFFFFF800  }
0x70: {  	_ =	swait.ge [sflag:s17], $0x800  }
0x71: {  	[sflag:s17] =	ssyncset.done $0x0  }
0x72: {  	[sflag:s17] =	ssyncadd.s32 $0xFFFFF800  }
0x73: {  	_ =	swait.ge [sflag:s17], $0x800  }
0x74: {  	[sflag:s17] =	ssyncset.done $0x0  }
0x75: {  	[sflag:s17] =	ssyncadd.s32 $0xFFFFF800  }
0x76: {  	_ =	swait.ge [sflag:s17], $0x800  }
0x77: {  	[sflag:s17] =	ssyncset.done $0x0  }
0x78: {  	[sflag:s17] =	ssyncadd.s32 $0xFFFFF800  }
0x79: {  	_ =	swait.ge [sflag:s17], $0x800  }
0x7a: {  	[sflag:s17] =	ssyncset.done $0x0  }
0x7b: {  	[sflag:s17] =	ssyncadd.s32 $0xFFFFF800  }
0x7c: {  	_ =	swait.ge [sflag:s17], $0x800  }
0x7d: {  	[sflag:s17] =	ssyncset.done $0x0  }
0x7e: {  	[sflag:s17] =	ssyncadd.s32 $0xFFFFF800  }
0x7f: {  	_ =	swait.ge [sflag:s17], $0x800  }
0x80: {  	[sflag:s17] =	ssyncset.done $0x0  }
0x81: {  	[sflag:s17] =	ssyncadd.s32 $0xFFFFF800  }
0x82: {  	_ =	swait.ge [sflag:s17], $0x800  }
0x83: {  	[sflag:s17] =	ssyncset.done $0x0  }
0x84: {  	[sflag:s17] =	ssyncadd.s32 $0xFFFFF800  }
0x85: {  	_ =	swait.ge [sflag:s17], $0x800  }
0x86: {  	[sflag:s17] =	ssyncset.done $0x0  }
0x87: {  	[sflag:s17] =	ssyncadd.s32 $0xFFFFF800  }
0x88: {  	_ =	swait.ge [sflag:s17], $0x800  }
0x89: {  	[sflag:s17] =	ssyncset.done $0x0  }
0x8a: {  	[sflag:s17] =	ssyncadd.s32 $0xFFFFF800  }
0x8b: {  	_ =	swait.ge [sflag:s17], $0x800  }
0x8c: {  	[sflag:s17] =	ssyncset.done $0x0  }
0x8d: {  	[sflag:s17] =	ssyncadd.s32 $0xFFFFF800  }
0x8e: {  	_ =	swait.ge [sflag:s17], $0x800  }
0x8f: {  	[sflag:s17] =	ssyncset.done $0x0  }
0x90: {  	[sflag:s17] =	ssyncadd.s32 $0xFFFFF800  }
0x91: {  	_ =	swait.ge [sflag:s17], $0x800  }
0x92: {  	v2 =	vand.u32 $0x7F, v2;
	[sflag:s17] =	ssyncset.done $0x0  }
0x93: {  	v3 =	vbroadcast v2, $0x0;
	[sflag:s17] =	ssyncadd.s32 $0xFFFFF800  }
0x94: {  	_ =	swait.ge [sflag:s17], $0x800  }
0x95: {  	s22 =	sadd.s32 $0x10, s21;
	v3 =	vor.u32 v0, v3;
	[sflag:s17] =	ssyncset.done $0x0  }
0x96: {  	v4 =	vmov s22;
	[sflag:s17] =	ssyncadd.s32 $0xFFFFF800  }
0x97: {  	v5 =	vshll.u32 v4, $0x3;
	_ =	swait.ge [sflag:s17], $0x800  }
0x98: {  	v4 =	vand.u32 $0x70, v4;
	v5 =	vand.u32 $0x7FFFFC00, v5;
	[sflag:s17] =	ssyncset.done $0x0  }
0x99: {  	v4 =	vor.u32 v4, v5;
	v22 =	vbroadcast v2, $0x1;
	[sflag:s17] =	ssyncadd.s32 $0xFFFFF800  }
0x9a: {  	v4 =	vadd.s32 v1, v4;
	v3 =	vld.idx.msk [tilespmem:v3+s28+$0x0], $0xffff  }
0x9b: {  	s23 =	sadd.s32 $0x11, s21;
	v5 =	vor.u32 v0, v22  }
0x9c: {  	v6 =	vmov s23  }
0x9d: {  	v7 =	vshll.u32 v6, $0x3  }
0x9e: {  	v6 =	vand.u32 $0x71, v6;
	v7 =	vand.u32 $0x7FFFFC00, v7  }
0x9f: {  	v23 =	vbroadcast v2, $0x2;
	[tilespmem:v4+s16+$0x0] =	vst.idx.msk $0xffff, v3;
	v3 =	vor.u32 v6, v7  }
0xa0: {  	v5 =	vld.idx.msk [tilespmem:v5+s30+$0x0], $0xffff;
	v3 =	vadd.s32 v1, v3  }
0xa1: {  	s29 =	sadd.s32 $0x12, s21;
	v4 =	vor.u32 v0, v23  }
0xa2: {  	v24 =	vmov s29  }
0xa3: {  	v25 =	vshll.u32 v24, $0x3  }
0xa4: {  	v6 =	vand.u32 $0x72, v24;
	v7 =	vand.u32 $0x7FFFFC00, v25  }
0xa5: {  	v26 =	vbroadcast v2, $0x3;
	[tilespmem:v3+s16+$0x0] =	vst.idx.msk $0xffff, v5;
	v3 =	vor.u32 v6, v7  }
0xa6: {  	v4 =	vld.idx.msk [tilespmem:v4+s31+$0x0], $0xffff;
	v3 =	vadd.s32 v1, v3  }
0xa7: {  	s23 =	sadd.s32 $0x13, s21;
	v5 =	vor.u32 v0, v26  }
0xa8: {  	v27 =	vmov s23  }
0xa9: {  	v28 =	vshll.u32 v27, $0x3  }
0xaa: {  	v6 =	vand.u32 $0x73, v27;
	v7 =	vand.u32 $0x7FFFFC00, v28  }
0xab: {  	v29 =	vbroadcast v2, $0x4;
	[tilespmem:v3+s16+$0x0] =	vst.idx.msk $0xffff, v4;
	v3 =	vor.u32 v6, v7  }
0xac: {  	v5 =	vld.idx.msk [tilespmem:v5+s0+$0x0], $0xffff;
	v3 =	vadd.s32 v1, v3  }
0xad: {  	s29 =	sadd.s32 $0x14, s21;
	v4 =	vor.u32 v0, v29  }
0xae: {  	v30 =	vmov s29  }
0xaf: {  	v31 =	vshll.u32 v30, $0x3  }
0xb0: {  	v6 =	vand.u32 $0x74, v30;
	v7 =	vand.u32 $0x7FFFFC00, v31  }
0xb1: {  	v32 =	vbroadcast v2, $0x5;
	[tilespmem:v3+s16+$0x0] =	vst.idx.msk $0xffff, v5;
	v3 =	vor.u32 v6, v7  }
0xb2: {  	v4 =	vld.idx.msk [tilespmem:v4+s2+$0x0], $0xffff;
	v3 =	vadd.s32 v1, v3  }
0xb3: {  	s23 =	sadd.s32 $0x15, s21;
	v5 =	vor.u32 v0, v32  }
0xb4: {  	v33 =	vmov s23  }
0xb5: {  	v34 =	vshll.u32 v33, $0x3  }
0xb6: {  	v6 =	vand.u32 $0x75, v33;
	v7 =	vand.u32 $0x7FFFFC00, v34  }
0xb7: {  	v35 =	vbroadcast v2, $0x6;
	[tilespmem:v3+s16+$0x0] =	vst.idx.msk $0xffff, v4;
	v3 =	vor.u32 v6, v7  }
0xb8: {  	v5 =	vld.idx.msk [tilespmem:v5+s3+$0x0], $0xffff;
	v3 =	vadd.s32 v1, v3  }
0xb9: {  	s29 =	sadd.s32 $0x16, s21;
	v4 =	vor.u32 v0, v35  }
0xba: {  	v36 =	vmov s29  }
0xbb: {  	v37 =	vshll.u32 v36, $0x3  }
0xbc: {  	v6 =	vand.u32 $0x76, v36;
	v7 =	vand.u32 $0x7FFFFC00, v37  }
0xbd: {  	v38 =	vbroadcast v2, $0x7;
	[tilespmem:v3+s16+$0x0] =	vst.idx.msk $0xffff, v5;
	v3 =	vor.u32 v6, v7  }
0xbe: {  	v4 =	vld.idx.msk [tilespmem:v4+s7+$0x0], $0xffff;
	v3 =	vadd.s32 v1, v3  }
0xbf: {  	s23 =	sadd.s32 $0x17, s21;
	v5 =	vor.u32 v0, v38  }
0xc0: {  	v39 =	vmov s23  }
0xc1: {  	v40 =	vshll.u32 v39, $0x3  }
0xc2: {  	v6 =	vand.u32 $0x77, v39;
	v7 =	vand.u32 $0x7FFFFC00, v40  }
0xc3: {  	v41 =	vbroadcast v2, $0x8;
	[tilespmem:v3+s16+$0x0] =	vst.idx.msk $0xffff, v4;
	v3 =	vor.u32 v6, v7  }
0xc4: {  	v5 =	vld.idx.msk [tilespmem:v5+s8+$0x0], $0xffff;
	v3 =	vadd.s32 v1, v3  }
0xc5: {  	s29 =	sadd.s32 $0x18, s21;
	v4 =	vor.u32 v0, v41  }
0xc6: {  	v42 =	vmov s29  }
0xc7: {  	v43 =	vshll.u32 v42, $0x3  }
0xc8: {  	v6 =	vand.u32 $0x78, v42;
	v7 =	vand.u32 $0x7FFFFC00, v43  }
0xc9: {  	v44 =	vbroadcast v2, $0x9;
	[tilespmem:v3+s16+$0x0] =	vst.idx.msk $0xffff, v5;
	v3 =	vor.u32 v6, v7  }
0xca: {  	v4 =	vld.idx.msk [tilespmem:v4+s4+$0x0], $0xffff;
	v3 =	vadd.s32 v1, v3  }
0xcb: {  	s23 =	sadd.s32 $0x19, s21;
	v5 =	vor.u32 v0, v44  }
0xcc: {  	v45 =	vmov s23  }
0xcd: {  	v46 =	vshll.u32 v45, $0x3  }
0xce: {  	v6 =	vand.u32 $0x79, v45;
	v7 =	vand.u32 $0x7FFFFC00, v46  }
0xcf: {  	v47 =	vbroadcast v2, $0xA;
	[tilespmem:v3+s16+$0x0] =	vst.idx.msk $0xffff, v4;
	v3 =	vor.u32 v6, v7  }
0xd0: {  	v5 =	vld.idx.msk [tilespmem:v5+s5+$0x0], $0xffff;
	v3 =	vadd.s32 v1, v3  }
0xd1: {  	s29 =	sadd.s32 $0x1A, s21;
	v4 =	vor.u32 v0, v47  }
0xd2: {  	v48 =	vmov s29  }
0xd3: {  	v49 =	vshll.u32 v48, $0x3  }
0xd4: {  	v6 =	vand.u32 $0x7A, v48;
	v7 =	vand.u32 $0x7FFFFC00, v49  }
0xd5: {  	v50 =	vbroadcast v2, $0xB;
	[tilespmem:v3+s16+$0x0] =	vst.idx.msk $0xffff, v5;
	v3 =	vor.u32 v6, v7  }
0xd6: {  	v4 =	vld.idx.msk [tilespmem:v4+s6+$0x0], $0xffff;
	v3 =	vadd.s32 v1, v3  }
0xd7: {  	s23 =	sadd.s32 $0x1B, s21;
	v5 =	vor.u32 v0, v50  }
0xd8: {  	v51 =	vmov s23  }
0xd9: {  	v52 =	vshll.u32 v51, $0x3  }
0xda: {  	v6 =	vand.u32 $0x7B, v51;
	v7 =	vand.u32 $0x7FFFFC00, v52  }
0xdb: {  	v53 =	vbroadcast v2, $0xC;
	[tilespmem:v3+s16+$0x0] =	vst.idx.msk $0xffff, v4;
	v3 =	vor.u32 v6, v7  }
0xdc: {  	v5 =	vld.idx.msk [tilespmem:v5+s9+$0x0], $0xffff;
	v3 =	vadd.s32 v1, v3  }
0xdd: {  	s29 =	sadd.s32 $0x1C, s21;
	v4 =	vor.u32 v0, v53  }
0xde: {  	v54 =	vmov s29  }
0xdf: {  	v55 =	vshll.u32 v54, $0x3  }
0xe0: {  	v6 =	vand.u32 $0x7C, v54;
	v7 =	vand.u32 $0x7FFFFC00, v55  }
0xe1: {  	v56 =	vbroadcast v2, $0xD;
	[tilespmem:v3+s16+$0x0] =	vst.idx.msk $0xffff, v5;
	v3 =	vor.u32 v6, v7  }
0xe2: {  	v4 =	vld.idx.msk [tilespmem:v4+s1+$0x0], $0xffff;
	v3 =	vadd.s32 v1, v3  }
0xe3: {  	s23 =	sadd.s32 $0x1D, s21;
	v5 =	vor.u32 v0, v56  }
0xe4: {  	v57 =	vmov s23  }
0xe5: {  	v58 =	vshll.u32 v57, $0x3  }
0xe6: {  	v6 =	vand.u32 $0x7D, v57;
	v7 =	vand.u32 $0x7FFFFC00, v58  }
0xe7: {  	v59 =	vbroadcast v2, $0xE;
	[tilespmem:v3+s16+$0x0] =	vst.idx.msk $0xffff, v4;
	v3 =	vor.u32 v6, v7  }
0xe8: {  	v5 =	vld.idx.msk [tilespmem:v5+s12+$0x0], $0xffff;
	v3 =	vadd.s32 v1, v3  }
0xe9: {  	s29 =	sadd.s32 $0x1E, s21;
	v4 =	vor.u32 v0, v59  }
0xea: {  	v60 =	vmov s29  }
0xeb: {  	v61 =	vshll.u32 v60, $0x3  }
0xec: {  	v6 =	vand.u32 $0x7E, v60;
	v7 =	vand.u32 $0x7FFFFC00, v61  }
0xed: {  	v2 =	vbroadcast v2, $0xF;
	[tilespmem:v3+s16+$0x0] =	vst.idx.msk $0xffff, v5;
	v3 =	vor.u32 v6, v7  }
0xee: {  	v4 =	vld.idx.msk [tilespmem:v4+s13+$0x0], $0xffff;
	v3 =	vadd.s32 v1, v3  }
0xef: {  	s23 =	sadd.s32 $0x1F, s21;
	v2 =	vor.u32 v0, v2  }
0xf0: {  	v62 =	vmov s23  }
0xf1: {  	v63 =	vshll.u32 v62, $0x3  }
0xf2: {  	v5 =	vand.u32 $0x7F, v62;
	v6 =	vand.u32 $0x7FFFFC00, v63  }
0xf3: {  	[tilespmem:v3+s16+$0x0] =	vst.idx.msk $0xffff, v4;
	v3 =	vor.u32 v5, v6  }
0xf4: {  	v2 =	vld.idx.msk [tilespmem:v2+s14+$0x0], $0xffff;
	v3 =	vadd.s32 v1, v3;
	_ =	sdelay $0x2  }
0xf5: {  	s22 =	sadd.s32 $0x400, s25;
	s23 =	sadd.s32 $0x100, s26  }
0xf6: {  	s29 =	sand.u32 $0x300, s23;
	s28 =	sand.u32 $0x7000, s22  }
0xf7: {  	s28 =	sor.u32 s29, s28;
	[tilespmem:v3+s16+$0x0] =	vst.idx.msk $0xffff, v2  }
0xf8: {  	v2 =	vld [tilespmem:s28+$0x0];
	_ =	sdelay $0x1  }
0xf9: {  	s26 =	sadd.s32 $0x880, s26;
	s29 =	sadd.s32 $0x2200, s25  }
0xfa: {  	s26 =	sand.u32 $0x380, s26;
	s29 =	sand.u32 $0x7000, s29  }
0xfb: {  	s26 =	sor.u32 s26, s29  }
0xfc: {  	[tilespmem:s26+$0x5000] =	vst v2  }
0xfd: {  	v2 =	vld [tilespmem:s28+$0x10];
	_ =	sdelay $0x4  }
0xfe: {  	[tilespmem:s26+$0x5010] =	vst v2  }
0xff: {  	v2 =	vld [tilespmem:s28+$0x20];
	_ =	sdelay $0x4  }
0x100: {  	[tilespmem:s26+$0x5020] =	vst v2  }
0x101: {  	v2 =	vld [tilespmem:s28+$0x30];
	_ =	sdelay $0x4  }
0x102: {  	[tilespmem:s26+$0x5030] =	vst v2  }
0x103: {  	v2 =	vld [tilespmem:s28+$0x40];
	_ =	sdelay $0x4  }
0x104: {  	[tilespmem:s26+$0x5040] =	vst v2  }
0x105: {  	v2 =	vld [tilespmem:s28+$0x50];
	_ =	sdelay $0x4  }
0x106: {  	[tilespmem:s26+$0x5050] =	vst v2  }
0x107: {  	v2 =	vld [tilespmem:s28+$0x60];
	_ =	sdelay $0x4  }
0x108: {  	[tilespmem:s26+$0x5060] =	vst v2  }
0x109: {  	v2 =	vld [tilespmem:s28+$0x70];
	_ =	sdelay $0x4  }
0x10a: {  	[tilespmem:s26+$0x5070] =	vst v2  }
0x10b: {  	v2 =	vld [tilespmem:s28+$0x400];
	_ =	sdelay $0x4  }
0x10c: {  	[tilespmem:s26+$0x5400] =	vst v2  }
0x10d: {  	v2 =	vld [tilespmem:s28+$0x410];
	_ =	sdelay $0x4  }
0x10e: {  	[tilespmem:s26+$0x5410] =	vst v2  }
0x10f: {  	v2 =	vld [tilespmem:s28+$0x420];
	_ =	sdelay $0x4  }
0x110: {  	[tilespmem:s26+$0x5420] =	vst v2  }
0x111: {  	v2 =	vld [tilespmem:s28+$0x430];
	_ =	sdelay $0x4  }
0x112: {  	[tilespmem:s26+$0x5430] =	vst v2  }
0x113: {  	v2 =	vld [tilespmem:s28+$0x440];
	_ =	sdelay $0x4  }
0x114: {  	[tilespmem:s26+$0x5440] =	vst v2  }
0x115: {  	v2 =	vld [tilespmem:s28+$0x450];
	_ =	sdelay $0x4  }
0x116: {  	[tilespmem:s26+$0x5450] =	vst v2  }
0x117: {  	v2 =	vld [tilespmem:s28+$0x460];
	_ =	sdelay $0x4  }
0x118: {  	[tilespmem:s26+$0x5460] =	vst v2  }
0x119: {  	v2 =	vld [tilespmem:s28+$0x470];
	_ =	sdelay $0x4  }
0x11a: {  	[tilespmem:s26+$0x5470] =	vst v2  }
0x11b: {  	v2 =	vld [tilespmem:s28+$0x800];
	_ =	sdelay $0x4  }
0x11c: {  	[tilespmem:s26+$0x5800] =	vst v2  }
0x11d: {  	v2 =	vld [tilespmem:s28+$0x810];
	_ =	sdelay $0x4  }
0x11e: {  	[tilespmem:s26+$0x5810] =	vst v2  }
0x11f: {  	v2 =	vld [tilespmem:s28+$0x820];
	_ =	sdelay $0x4  }
0x120: {  	[tilespmem:s26+$0x5820] =	vst v2  }
0x121: {  	v2 =	vld [tilespmem:s28+$0x830];
	_ =	sdelay $0x4  }
0x122: {  	[tilespmem:s26+$0x5830] =	vst v2  }
0x123: {  	v2 =	vld [tilespmem:s28+$0x840];
	_ =	sdelay $0x4  }
0x124: {  	[tilespmem:s26+$0x5840] =	vst v2  }
0x125: {  	v2 =	vld [tilespmem:s28+$0x850];
	_ =	sdelay $0x4  }
0x126: {  	[tilespmem:s26+$0x5850] =	vst v2  }
0x127: {  	v2 =	vld [tilespmem:s28+$0x860];
	_ =	sdelay $0x4  }
0x128: {  	[tilespmem:s26+$0x5860] =	vst v2  }
0x129: {  	v2 =	vld [tilespmem:s28+$0x870];
	_ =	sdelay $0x3  }
0x12a: {  	s24 =	sadd.s32 s24, s25  }
0x12b: {  	s25 =	sor.u32 $0xC00, s24;
	[tilespmem:s26+$0x5870] =	vst v2  }
0x12c: {  	v2 =	vld [tilespmem:s25+$0x0];
	_ =	sdelay $0x4  }
0x12d: {  	s29 =	sor.u32 $0xC10, s24;
	[tilespmem:s26+$0x5C00] =	vst v2  }
0x12e: {  	v2 =	vld [tilespmem:s29+$0x0];
	_ =	sdelay $0x4  }
0x12f: {  	s29 =	sor.u32 $0xC20, s24;
	[tilespmem:s26+$0x5C10] =	vst v2  }
0x130: {  	v2 =	vld [tilespmem:s29+$0x0];
	_ =	sdelay $0x4  }
0x131: {  	s29 =	sor.u32 $0xC30, s24;
	[tilespmem:s26+$0x5C20] =	vst v2  }
0x132: {  	v2 =	vld [tilespmem:s29+$0x0];
	_ =	sdelay $0x4  }
0x133: {  	s29 =	sor.u32 $0xC40, s24;
	[tilespmem:s26+$0x5C30] =	vst v2  }
0x134: {  	v2 =	vld [tilespmem:s29+$0x0];
	_ =	sdelay $0x4  }
0x135: {  	s29 =	sor.u32 $0xC50, s24;
	[tilespmem:s26+$0x5C40] =	vst v2  }
0x136: {  	v2 =	vld [tilespmem:s29+$0x0];
	_ =	sdelay $0x4  }
0x137: {  	s29 =	sor.u32 $0xC60, s24;
	[tilespmem:s26+$0x5C50] =	vst v2  }
0x138: {  	v2 =	vld [tilespmem:s29+$0x0];
	_ =	sdelay $0x4  }
0x139: {  	s21 =	sadd.s32 $0x20, s21;
	s24 =	sor.u32 $0xC70, s24;
	[tilespmem:s26+$0x5C60] =	vst v2  }
0x13a: {  	p0 =	sne.s32 s21, $0x200;
	v2 =	vld [tilespmem:s24+$0x0]  }
.Ltmp3:
0x13b: {  	_ = 	snop;
	(pc) =	sbr.rel @!p0 .LBB2_5-.Ltmp3, $3  }
0x13c: {  	_ =	sdelay $0x1  }
0x13d: {  	s20 =	sadd.s32 $0x2, s20;
	s18 =	sadd.s32 $0x20, s18;
	s19 =	sadd.s32 $0x1, s19  }
0x13e: {  	s28 =	simm.s32 $0x13000;
	s25 =	smov.u32 s22;
	[tilespmem:s26+$0x5C70] =	vst v2;
	s26 =	smov.u32 s23  }
.LBB2_2:
0x13f: {  	v2 =	vld [tilespmem:s18+$0x0];
	_ =	sdelay $0x4  }
0x140: {  	s22 =	rddreg [dreg:$0x1];
	v2 =	vand.u32 $0xFFFFFF80, v2  }
0x141: {  	v2 =	vadd.s32 s22, v2  }
0x142: {  	(v2sf) =	vpush v2, $0x0;
	_ =	sdelay $0x1  }
0x143: {  	(v2sf) =	vpush v2, $0x1;
	_ =	sdelay $0x1  }
0x144: {  	(v2sf) =	vpush v2, $0x2;
	_ =	sdelay $0x1  }
0x145: {  	(v2sf) =	vpush v2, $0x3;
	_ =	sdelay $0x1  }
0x146: {  	(v2sf) =	vpush v2, $0x4;
	_ =	sdelay $0x1  }
0x147: {  	(v2sf) =	vpush v2, $0x5;
	_ =	sdelay $0x1  }
0x148: {  	(v2sf) =	vpush v2, $0x6;
	_ =	sdelay $0x1  }
0x149: {  	(v2sf) =	vpush v2, $0x7  }
0x14a: {  	s29 =	spop (v2sf)  }
0x14b: {  	(v2sf) =	vpush v2, $0x8;
	[tilespmem:s28], [sflag:$0x2] =	stream.strided.gather [hbm4b:s29+s10], $0x800, s11, s10, $0x38;
	[tilespmem:$0x1B200] =	vst v63  }
0x14c: {  	s23 =	spop (v2sf)  }
0x14d: {  	(v2sf) =	vpush v2, $0x9;
	[tilespmem:s30], [sflag:$0x2] =	stream.strided.gather [hbm4b:s23+s10], $0x800, s11, s10, $0x38;
	[tilespmem:$0x1B200] =	vst v63  }
0x14e: {  	s24 =	spop (v2sf)  }
0x14f: {  	(v2sf) =	vpush v2, $0xA;
	[tilespmem:s31], [sflag:$0x2] =	stream.strided.gather [hbm4b:s24+s10], $0x800, s11, s10, $0x38;
	[tilespmem:$0x1B200] =	vst v63  }
0x150: {  	s29 =	spop (v2sf)  }
0x151: {  	(v2sf) =	vpush v2, $0xB;
	[tilespmem:s0], [sflag:$0x2] =	stream.strided.gather [hbm4b:s29+s10], $0x800, s11, s10, $0x38;
	[tilespmem:$0x1B200] =	vst v63  }
0x152: {  	s23 =	spop (v2sf)  }
0x153: {  	(v2sf) =	vpush v2, $0xC;
	[tilespmem:s2], [sflag:$0x2] =	stream.strided.gather [hbm4b:s23+s10], $0x800, s11, s10, $0x38;
	[tilespmem:$0x1B200] =	vst v63  }
0x154: {  	s24 =	spop (v2sf)  }
0x155: {  	(v2sf) =	vpush v2, $0xD;
	[tilespmem:s3], [sflag:$0x2] =	stream.strided.gather [hbm4b:s24+s10], $0x800, s11, s10, $0x38;
	[tilespmem:$0x1B200] =	vst v63  }
0x156: {  	s29 =	spop (v2sf)  }
0x157: {  	(v2sf) =	vpush v2, $0xE;
	[tilespmem:s7], [sflag:$0x2] =	stream.strided.gather [hbm4b:s29+s10], $0x800, s11, s10, $0x38;
	[tilespmem:$0x1B200] =	vst v63  }
0x158: {  	s23 =	spop (v2sf)  }
0x159: {  	(v2sf) =	vpush v2, $0xF;
	[tilespmem:s8], [sflag:$0x2] =	stream.strided.gather [hbm4b:s23+s10], $0x800, s11, s10, $0x38;
	[tilespmem:$0x1B200] =	vst v63  }
0x15a: {  	s24 =	spop (v2sf)  }
0x15b: {  	[tilespmem:s4], [sflag:$0x2] =	stream.strided.gather [hbm4b:s24+s10], $0x800, s11, s10, $0x38;
	[tilespmem:$0x1B200] =	vst v63  }
0x15c: {  	s29 =	spop (v2sf)  }
0x15d: {  	[tilespmem:s5], [sflag:$0x2] =	stream.strided.gather [hbm4b:s29+s10], $0x800, s11, s10, $0x38;
	[tilespmem:$0x1B200] =	vst v63  }
0x15e: {  	s23 =	spop (v2sf)  }
0x15f: {  	[tilespmem:s6], [sflag:$0x2] =	stream.strided.gather [hbm4b:s23+s10], $0x800, s11, s10, $0x38;
	[tilespmem:$0x1B200] =	vst v63  }
0x160: {  	s24 =	spop (v2sf)  }
0x161: {  	[tilespmem:s9], [sflag:$0x2] =	stream.strided.gather [hbm4b:s24+s10], $0x800, s11, s10, $0x38;
	[tilespmem:$0x1B200] =	vst v63  }
0x162: {  	s29 =	spop (v2sf)  }
0x163: {  	[tilespmem:s1], [sflag:$0x2] =	stream.strided.gather [hbm4b:s29+s10], $0x800, s11, s10, $0x38;
	[tilespmem:$0x1B200] =	vst v63  }
0x164: {  	s23 =	spop (v2sf)  }
0x165: {  	[tilespmem:s12], [sflag:$0x2] =	stream.strided.gather [hbm4b:s23+s10], $0x800, s11, s10, $0x38;
	[tilespmem:$0x1B200] =	vst v63  }
0x166: {  	s24 =	spop (v2sf)  }
0x167: {  	[tilespmem:s13], [sflag:$0x2] =	stream.strided.gather [hbm4b:s24+s10], $0x800, s11, s10, $0x38;
	[tilespmem:$0x1B200] =	vst v63  }
0x168: {  	s29 =	spop (v2sf)  }
0x169: {  	[tilespmem:s14], [sflag:$0x2] =	stream.strided.gather [hbm4b:s29+s10], $0x800, s11, s10, $0x38;
	[tilespmem:$0x1B200] =	vst v63  }
0x16a: {  	v2 =	vld [tilespmem:s18+$0xFFFFFFF0];
	_ =	swait.ge [sflag:s15], $0x800  }
0x16b: {  	[sflag:s15] =	ssyncset.done $0x0  }
0x16c: {  	[sflag:s15] =	ssyncadd.s32 $0xFFFFF800  }
0x16d: {  	_ =	swait.ge [sflag:s15], $0x800  }
0x16e: {  	[sflag:s15] =	ssyncset.done $0x0  }
0x16f: {  	[sflag:s15] =	ssyncadd.s32 $0xFFFFF800  }
0x170: {  	_ =	swait.ge [sflag:s15], $0x800  }
0x171: {  	[sflag:s15] =	ssyncset.done $0x0  }
0x172: {  	[sflag:s15] =	ssyncadd.s32 $0xFFFFF800  }
0x173: {  	_ =	swait.ge [sflag:s15], $0x800  }
0x174: {  	[sflag:s15] =	ssyncset.done $0x0  }
0x175: {  	[sflag:s15] =	ssyncadd.s32 $0xFFFFF800  }
0x176: {  	_ =	swait.ge [sflag:s15], $0x800  }
0x177: {  	[sflag:s15] =	ssyncset.done $0x0  }
0x178: {  	[sflag:s15] =	ssyncadd.s32 $0xFFFFF800  }
0x179: {  	_ =	swait.ge [sflag:s15], $0x800  }
0x17a: {  	[sflag:s15] =	ssyncset.done $0x0  }
0x17b: {  	[sflag:s15] =	ssyncadd.s32 $0xFFFFF800  }
0x17c: {  	_ =	swait.ge [sflag:s15], $0x800  }
0x17d: {  	[sflag:s15] =	ssyncset.done $0x0  }
0x17e: {  	[sflag:s15] =	ssyncadd.s32 $0xFFFFF800  }
0x17f: {  	_ =	swait.ge [sflag:s15], $0x800  }
0x180: {  	[sflag:s15] =	ssyncset.done $0x0  }
0x181: {  	[sflag:s15] =	ssyncadd.s32 $0xFFFFF800  }
0x182: {  	_ =	swait.ge [sflag:s15], $0x800  }
0x183: {  	[sflag:s15] =	ssyncset.done $0x0  }
0x184: {  	[sflag:s15] =	ssyncadd.s32 $0xFFFFF800  }
0x185: {  	_ =	swait.ge [sflag:s15], $0x800  }
0x186: {  	[sflag:s15] =	ssyncset.done $0x0  }
0x187: {  	[sflag:s15] =	ssyncadd.s32 $0xFFFFF800  }
0x188: {  	_ =	swait.ge [sflag:s15], $0x800  }
0x189: {  	[sflag:s15] =	ssyncset.done $0x0  }
0x18a: {  	[sflag:s15] =	ssyncadd.s32 $0xFFFFF800  }
0x18b: {  	_ =	swait.ge [sflag:s15], $0x800  }
0x18c: {  	[sflag:s15] =	ssyncset.done $0x0  }
0x18d: {  	[sflag:s15] =	ssyncadd.s32 $0xFFFFF800  }
0x18e: {  	_ =	swait.ge [sflag:s15], $0x800  }
0x18f: {  	[sflag:s15] =	ssyncset.done $0x0  }
0x190: {  	[sflag:s15] =	ssyncadd.s32 $0xFFFFF800  }
0x191: {  	_ =	swait.ge [sflag:s15], $0x800  }
0x192: {  	v2 =	vand.u32 $0x7F, v2;
	[sflag:s15] =	ssyncset.done $0x0  }
0x193: {  	v3 =	vbroadcast v2, $0x0;
	[sflag:s15] =	ssyncadd.s32 $0xFFFFF800  }
0x194: {  	_ =	swait.ge [sflag:s15], $0x800  }
0x195: {  	v3 =	vor.u32 v0, v3;
	[sflag:s15] =	ssyncset.done $0x0  }
0x196: {  	v4 =	vmov s21;
	[sflag:s15] =	ssyncadd.s32 $0xFFFFF800  }
0x197: {  	v5 =	vshll.u32 v4, $0x3;
	_ =	swait.ge [sflag:s15], $0x800  }
0x198: {  	v4 =	vand.u32 $0x60, v4;
	v5 =	vand.u32 $0xC00, v5;
	[sflag:s15] =	ssyncset.done $0x0  }
0x199: {  	v4 =	vor.u32 v5, v4;
	s23 =	simm.s32 $0xB000;
	v22 =	vbroadcast v2, $0x1;
	[sflag:s15] =	ssyncadd.s32 $0xFFFFF800  }
0x19a: {  	v4 =	vor.u32 v1, v4;
	v3 =	vld.idx.msk [tilespmem:v3+s23+$0x0], $0xffff  }
0x19b: {  	s24 =	sadd.s32 $0x1, s21;
	v5 =	vor.u32 v0, v22  }
0x19c: {  	v6 =	vmov s24  }
0x19d: {  	v7 =	vshll.u32 v6, $0x3  }
0x19e: {  	v6 =	vand.u32 $0x61, v6;
	v7 =	vand.u32 $0xC00, v7  }
0x19f: {  	s29 =	simm.s32 $0xB800;
	v23 =	vbroadcast v2, $0x2;
	[tilespmem:v4+s16+$0x0] =	vst.idx.msk $0xffff, v3;
	v3 =	vor.u32 v7, v6  }
0x1a0: {  	v5 =	vld.idx.msk [tilespmem:v5+s29+$0x0], $0xffff;
	v3 =	vor.u32 v1, v3  }
0x1a1: {  	s23 =	sadd.s32 $0x2, s21;
	v4 =	vor.u32 v0, v23  }
0x1a2: {  	v24 =	vmov s23  }
0x1a3: {  	v25 =	vshll.u32 v24, $0x3  }
0x1a4: {  	v6 =	vand.u32 $0x62, v24;
	v7 =	vand.u32 $0xC00, v25  }
0x1a5: {  	s24 =	simm.s32 $0xC000;
	v26 =	vbroadcast v2, $0x3;
	[tilespmem:v3+s16+$0x0] =	vst.idx.msk $0xffff, v5;
	v3 =	vor.u32 v7, v6  }
0x1a6: {  	v4 =	vld.idx.msk [tilespmem:v4+s24+$0x0], $0xffff;
	v3 =	vor.u32 v1, v3  }
0x1a7: {  	s29 =	sadd.s32 $0x3, s21;
	v5 =	vor.u32 v0, v26  }
0x1a8: {  	v27 =	vmov s29  }
0x1a9: {  	v28 =	vshll.u32 v27, $0x3  }
0x1aa: {  	v6 =	vand.u32 $0x63, v27;
	v7 =	vand.u32 $0xC00, v28  }
0x1ab: {  	v29 =	vbroadcast v2, $0x4;
	s23 =	simm.s32 $0xC800;
	[tilespmem:v3+s16+$0x0] =	vst.idx.msk $0xffff, v4;
	v3 =	vor.u32 v7, v6  }
0x1ac: {  	v5 =	vld.idx.msk [tilespmem:v5+s23+$0x0], $0xffff;
	v3 =	vor.u32 v1, v3  }
0x1ad: {  	s24 =	sadd.s32 $0x4, s21;
	v4 =	vor.u32 v0, v29  }
0x1ae: {  	v30 =	vmov s24  }
0x1af: {  	v31 =	vshll.u32 v30, $0x3  }
0x1b0: {  	v6 =	vand.u32 $0x64, v30;
	v7 =	vand.u32 $0xC00, v31  }
0x1b1: {  	v32 =	vbroadcast v2, $0x5;
	s29 =	simm.s32 $0xD000;
	[tilespmem:v3+s16+$0x0] =	vst.idx.msk $0xffff, v5;
	v3 =	vor.u32 v7, v6  }
0x1b2: {  	v4 =	vld.idx.msk [tilespmem:v4+s29+$0x0], $0xffff;
	v3 =	vor.u32 v1, v3  }
0x1b3: {  	s23 =	sadd.s32 $0x5, s21;
	v5 =	vor.u32 v0, v32  }
0x1b4: {  	v33 =	vmov s23  }
0x1b5: {  	v34 =	vshll.u32 v33, $0x3  }
0x1b6: {  	v6 =	vand.u32 $0x65, v33;
	v7 =	vand.u32 $0xC00, v34  }
0x1b7: {  	v35 =	vbroadcast v2, $0x6;
	s24 =	simm.s32 $0xD800;
	[tilespmem:v3+s16+$0x0] =	vst.idx.msk $0xffff, v4;
	v3 =	vor.u32 v7, v6  }
0x1b8: {  	v5 =	vld.idx.msk [tilespmem:v5+s24+$0x0], $0xffff;
	v3 =	vor.u32 v1, v3  }
0x1b9: {  	s29 =	sadd.s32 $0x6, s21;
	v4 =	vor.u32 v0, v35  }
0x1ba: {  	v36 =	vmov s29  }
0x1bb: {  	v37 =	vshll.u32 v36, $0x3  }
0x1bc: {  	v6 =	vand.u32 $0x66, v36;
	v7 =	vand.u32 $0xC00, v37  }
0x1bd: {  	v38 =	vbroadcast v2, $0x7;
	s23 =	simm.s32 $0xE000;
	[tilespmem:v3+s16+$0x0] =	vst.idx.msk $0xffff, v5;
	v3 =	vor.u32 v7, v6  }
0x1be: {  	v4 =	vld.idx.msk [tilespmem:v4+s23+$0x0], $0xffff;
	v3 =	vor.u32 v1, v3  }
0x1bf: {  	s24 =	sadd.s32 $0x7, s21;
	v5 =	vor.u32 v0, v38  }
0x1c0: {  	v39 =	vmov s24  }
0x1c1: {  	v40 =	vshll.u32 v39, $0x3  }
0x1c2: {  	v6 =	vand.u32 $0x67, v39;
	v7 =	vand.u32 $0xC00, v40  }
0x1c3: {  	v41 =	vbroadcast v2, $0x8;
	s29 =	simm.s32 $0xE800;
	[tilespmem:v3+s16+$0x0] =	vst.idx.msk $0xffff, v4;
	v3 =	vor.u32 v7, v6  }
0x1c4: {  	v5 =	vld.idx.msk [tilespmem:v5+s29+$0x0], $0xffff;
	v3 =	vor.u32 v1, v3  }
0x1c5: {  	s23 =	sadd.s32 $0x8, s21;
	v4 =	vor.u32 v0, v41  }
0x1c6: {  	v42 =	vmov s23  }
0x1c7: {  	v43 =	vshll.u32 v42, $0x3  }
0x1c8: {  	v6 =	vand.u32 $0x68, v42;
	v7 =	vand.u32 $0xC00, v43  }
0x1c9: {  	v44 =	vbroadcast v2, $0x9;
	s24 =	simm.s32 $0xF000;
	[tilespmem:v3+s16+$0x0] =	vst.idx.msk $0xffff, v5;
	v3 =	vor.u32 v7, v6  }
0x1ca: {  	v4 =	vld.idx.msk [tilespmem:v4+s24+$0x0], $0xffff;
	v3 =	vor.u32 v1, v3  }
0x1cb: {  	s29 =	sadd.s32 $0x9, s21;
	v5 =	vor.u32 v0, v44  }
0x1cc: {  	v45 =	vmov s29  }
0x1cd: {  	v46 =	vshll.u32 v45, $0x3  }
0x1ce: {  	v6 =	vand.u32 $0x69, v45;
	v7 =	vand.u32 $0xC00, v46  }
0x1cf: {  	v47 =	vbroadcast v2, $0xA;
	s23 =	simm.s32 $0xF800;
	[tilespmem:v3+s16+$0x0] =	vst.idx.msk $0xffff, v4;
	v3 =	vor.u32 v7, v6  }
0x1d0: {  	v5 =	vld.idx.msk [tilespmem:v5+s23+$0x0], $0xffff;
	v3 =	vor.u32 v1, v3  }
0x1d1: {  	s24 =	sadd.s32 $0xA, s21;
	v4 =	vor.u32 v0, v47  }
0x1d2: {  	v48 =	vmov s24  }
0x1d3: {  	v49 =	vshll.u32 v48, $0x3  }
0x1d4: {  	v6 =	vand.u32 $0x6A, v48;
	v7 =	vand.u32 $0xC00, v49  }
0x1d5: {  	v50 =	vbroadcast v2, $0xB;
	s29 =	simm.s32 $0x10000;
	[tilespmem:v3+s16+$0x0] =	vst.idx.msk $0xffff, v5;
	v3 =	vor.u32 v7, v6  }
0x1d6: {  	v4 =	vld.idx.msk [tilespmem:v4+s29+$0x0], $0xffff;
	v3 =	vor.u32 v1, v3  }
0x1d7: {  	s23 =	sadd.s32 $0xB, s21;
	v5 =	vor.u32 v0, v50  }
0x1d8: {  	v51 =	vmov s23  }
0x1d9: {  	v52 =	vshll.u32 v51, $0x3  }
0x1da: {  	v6 =	vand.u32 $0x6B, v51;
	v7 =	vand.u32 $0xC00, v52  }
0x1db: {  	v53 =	vbroadcast v2, $0xC;
	s24 =	simm.s32 $0x10800;
	[tilespmem:v3+s16+$0x0] =	vst.idx.msk $0xffff, v4;
	v3 =	vor.u32 v7, v6  }
0x1dc: {  	v5 =	vld.idx.msk [tilespmem:v5+s24+$0x0], $0xffff;
	v3 =	vor.u32 v1, v3  }
0x1dd: {  	s29 =	sadd.s32 $0xC, s21;
	v4 =	vor.u32 v0, v53  }
0x1de: {  	v54 =	vmov s29  }
0x1df: {  	v55 =	vshll.u32 v54, $0x3  }
0x1e0: {  	v6 =	vand.u32 $0x6C, v54;
	v7 =	vand.u32 $0xC00, v55  }
0x1e1: {  	v56 =	vbroadcast v2, $0xD;
	s23 =	simm.s32 $0x11000;
	[tilespmem:v3+s16+$0x0] =	vst.idx.msk $0xffff, v5;
	v3 =	vor.u32 v7, v6  }
0x1e2: {  	v4 =	vld.idx.msk [tilespmem:v4+s23+$0x0], $0xffff;
	v3 =	vor.u32 v1, v3  }
0x1e3: {  	s24 =	sadd.s32 $0xD, s21;
	v5 =	vor.u32 v0, v56  }
0x1e4: {  	v57 =	vmov s24  }
0x1e5: {  	v58 =	vshll.u32 v57, $0x3  }
0x1e6: {  	v6 =	vand.u32 $0x6D, v57;
	v7 =	vand.u32 $0xC00, v58  }
0x1e7: {  	v59 =	vbroadcast v2, $0xE;
	s29 =	simm.s32 $0x11800;
	[tilespmem:v3+s16+$0x0] =	vst.idx.msk $0xffff, v4;
	v3 =	vor.u32 v7, v6  }
0x1e8: {  	v5 =	vld.idx.msk [tilespmem:v5+s29+$0x0], $0xffff;
	v3 =	vor.u32 v1, v3  }
0x1e9: {  	s23 =	sadd.s32 $0xE, s21;
	v4 =	vor.u32 v0, v59  }
0x1ea: {  	v60 =	vmov s23  }
0x1eb: {  	v61 =	vshll.u32 v60, $0x3  }
0x1ec: {  	v6 =	vand.u32 $0x6E, v60;
	v7 =	vand.u32 $0xC00, v61  }
0x1ed: {  	v2 =	vbroadcast v2, $0xF;
	s24 =	simm.s32 $0x12000;
	[tilespmem:v3+s16+$0x0] =	vst.idx.msk $0xffff, v5;
	v3 =	vor.u32 v7, v6  }
0x1ee: {  	v4 =	vld.idx.msk [tilespmem:v4+s24+$0x0], $0xffff;
	v3 =	vor.u32 v1, v3  }
0x1ef: {  	v2 =	vor.u32 v0, v2;
	s29 =	sadd.s32 $0xF, s21  }
0x1f0: {  	v62 =	vmov s29  }
0x1f1: {  	v63 =	vshll.u32 v62, $0x3  }
0x1f2: {  	v5 =	vand.u32 $0x6F, v62;
	v6 =	vand.u32 $0xC00, v63  }
0x1f3: {  	s23 =	simm.s32 $0x12800;
	[tilespmem:v3+s16+$0x0] =	vst.idx.msk $0xffff, v4;
	v3 =	vor.u32 v6, v5  }
0x1f4: {  	v2 =	vld.idx.msk [tilespmem:v2+s23+$0x0], $0xffff;
	v3 =	vor.u32 v1, v3;
	_ =	sdelay $0x2  }
0x1f5: {  	s24 =	sadd.s32 $0x80, s26  }
0x1f6: {  	s22 =	sand.u32 $0x380, s24;
	s23 =	sand.u32 $0x3000, s25  }
0x1f7: {  	s24 =	sor.u32 s22, s23;
	[tilespmem:v3+s16+$0x0] =	vst.idx.msk $0xffff, v2  }
0x1f8: {  	v2 =	vld [tilespmem:s24+$0x0];
	_ =	sdelay $0x2  }
0x1f9: {  	s29 =	sand.u32 $0x300, s26  }
0x1fa: {  	s22 =	sor.u32 s29, s23  }
0x1fb: {  	[tilespmem:s22+$0x7000] =	vst v2  }
0x1fc: {  	v2 =	vld [tilespmem:s24+$0x10];
	_ =	sdelay $0x4  }
0x1fd: {  	[tilespmem:s22+$0x7010] =	vst v2  }
0x1fe: {  	v2 =	vld [tilespmem:s24+$0x20];
	_ =	sdelay $0x4  }
0x1ff: {  	[tilespmem:s22+$0x7020] =	vst v2  }
0x200: {  	v2 =	vld [tilespmem:s24+$0x30];
	_ =	sdelay $0x4  }
0x201: {  	[tilespmem:s22+$0x7030] =	vst v2  }
0x202: {  	v2 =	vld [tilespmem:s24+$0x40];
	_ =	sdelay $0x4  }
0x203: {  	[tilespmem:s22+$0x7040] =	vst v2  }
0x204: {  	v2 =	vld [tilespmem:s24+$0x50];
	_ =	sdelay $0x4  }
0x205: {  	[tilespmem:s22+$0x7050] =	vst v2  }
0x206: {  	v2 =	vld [tilespmem:s24+$0x60];
	_ =	sdelay $0x4  }
0x207: {  	[tilespmem:s22+$0x7060] =	vst v2  }
0x208: {  	v2 =	vld [tilespmem:s24+$0x70];
	_ =	sdelay $0x4  }
0x209: {  	[tilespmem:s22+$0x7070] =	vst v2  }
0x20a: {  	v2 =	vld [tilespmem:s24+$0x400];
	_ =	sdelay $0x4  }
0x20b: {  	[tilespmem:s22+$0x7400] =	vst v2  }
0x20c: {  	v2 =	vld [tilespmem:s24+$0x410];
	_ =	sdelay $0x4  }
0x20d: {  	[tilespmem:s22+$0x7410] =	vst v2  }
0x20e: {  	v2 =	vld [tilespmem:s24+$0x420];
	_ =	sdelay $0x4  }
0x20f: {  	[tilespmem:s22+$0x7420] =	vst v2  }
0x210: {  	v2 =	vld [tilespmem:s24+$0x430];
	_ =	sdelay $0x4  }
0x211: {  	[tilespmem:s22+$0x7430] =	vst v2  }
0x212: {  	v2 =	vld [tilespmem:s24+$0x440];
	_ =	sdelay $0x4  }
0x213: {  	[tilespmem:s22+$0x7440] =	vst v2  }
0x214: {  	v2 =	vld [tilespmem:s24+$0x450];
	_ =	sdelay $0x4  }
0x215: {  	[tilespmem:s22+$0x7450] =	vst v2  }
0x216: {  	v2 =	vld [tilespmem:s24+$0x460];
	_ =	sdelay $0x4  }
0x217: {  	[tilespmem:s22+$0x7460] =	vst v2  }
0x218: {  	v2 =	vld [tilespmem:s24+$0x470];
	_ =	sdelay $0x4  }
0x219: {  	[tilespmem:s22+$0x7470] =	vst v2  }
0x21a: {  	v2 =	vld [tilespmem:s24+$0x800];
	_ =	sdelay $0x4  }
0x21b: {  	[tilespmem:s22+$0x7800] =	vst v2  }
0x21c: {  	v2 =	vld [tilespmem:s24+$0x810];
	_ =	sdelay $0x4  }
0x21d: {  	[tilespmem:s22+$0x7810] =	vst v2  }
0x21e: {  	v2 =	vld [tilespmem:s24+$0x820];
	_ =	sdelay $0x4  }
0x21f: {  	[tilespmem:s22+$0x7820] =	vst v2  }
0x220: {  	v2 =	vld [tilespmem:s24+$0x830];
	_ =	sdelay $0x4  }
0x221: {  	[tilespmem:s22+$0x7830] =	vst v2  }
0x222: {  	v2 =	vld [tilespmem:s24+$0x840];
	_ =	sdelay $0x4  }
0x223: {  	[tilespmem:s22+$0x7840] =	vst v2  }
0x224: {  	v2 =	vld [tilespmem:s24+$0x850];
	_ =	sdelay $0x4  }
0x225: {  	[tilespmem:s22+$0x7850] =	vst v2  }
0x226: {  	v2 =	vld [tilespmem:s24+$0x860];
	_ =	sdelay $0x4  }
0x227: {  	[tilespmem:s22+$0x7860] =	vst v2  }
0x228: {  	v2 =	vld [tilespmem:s24+$0x870]  }
0x229: {  	s24 =	sand.u32 $0x7, s20  }
0x22a: {  	s23 =	sshll.u32 s24, $0x7  }
0x22b: {  	s23 =	sadd.s32 s25, s23  }
0x22c: {  	s23 =	sadd.s32 $0x80, s23  }
0x22d: {  	s29 =	sor.u32 $0xC00, s23;
	[tilespmem:s22+$0x7870] =	vst v2  }
0x22e: {  	v2 =	vld [tilespmem:s29+$0x0];
	_ =	sdelay $0x4  }
0x22f: {  	s29 =	sor.u32 $0xC10, s23;
	[tilespmem:s22+$0x7C00] =	vst v2  }
0x230: {  	v2 =	vld [tilespmem:s29+$0x0];
	_ =	sdelay $0x4  }
0x231: {  	s29 =	sor.u32 $0xC20, s23;
	[tilespmem:s22+$0x7C10] =	vst v2  }
0x232: {  	v2 =	vld [tilespmem:s29+$0x0];
	_ =	sdelay $0x4  }
0x233: {  	s29 =	sor.u32 $0xC30, s23;
	[tilespmem:s22+$0x7C20] =	vst v2  }
0x234: {  	v2 =	vld [tilespmem:s29+$0x0];
	_ =	sdelay $0x4  }
0x235: {  	s29 =	sor.u32 $0xC40, s23;
	[tilespmem:s22+$0x7C30] =	vst v2  }
0x236: {  	v2 =	vld [tilespmem:s29+$0x0];
	_ =	sdelay $0x4  }
0x237: {  	s29 =	sor.u32 $0xC50, s23;
	[tilespmem:s22+$0x7C40] =	vst v2  }
0x238: {  	v2 =	vld [tilespmem:s29+$0x0];
	_ =	sdelay $0x4  }
0x239: {  	s29 =	sor.u32 $0xC60, s23;
	[tilespmem:s22+$0x7C50] =	vst v2  }
0x23a: {  	v2 =	vld [tilespmem:s29+$0x0];
	_ =	sdelay $0x4  }
0x23b: {  	s23 =	sor.u32 $0xC70, s23;
	[tilespmem:s22+$0x7C60] =	vst v2  }
0x23c: {  	p0 =	seq.s32 s21, $0x1E0;
	v2 =	vld [tilespmem:s23+$0x0]  }
.Ltmp4:
0x23d: {  	_ = 	snop;
	(pc) =	sbr.rel @p0 .LBB2_4-.Ltmp4, $4  }
0x23e: {  	_ = 	snop  }
0x23f: {  	s29 =	sand.u32 $0x3, s19  }
0x240: {  	s23 =	sshll.u32 s29, $0x8  }
0x241: {  	s24 =	sor.u32 $0x400, s23;
	[tilespmem:s22+$0x7C70] =	vst v2  }
0x242: {  	v2 =	vld [tilespmem:s18+$0x10];
	_ =	sdelay $0x4  }
0x243: {  	s22 =	rddreg [dreg:$0x1];
	v2 =	vand.u32 $0xFFFFFF80, v2  }
0x244: {  	v2 =	vadd.s32 s22, v2  }
0x245: {  	(v2sf) =	vpush v2, $0x0;
	_ =	sdelay $0x1  }
0x246: {  	(v2sf) =	vpush v2, $0x1;
	_ =	sdelay $0x1  }
0x247: {  	(v2sf) =	vpush v2, $0x2;
	_ =	sdelay $0x1  }
0x248: {  	(v2sf) =	vpush v2, $0x3;
	_ =	sdelay $0x1  }
0x249: {  	(v2sf) =	vpush v2, $0x4;
	_ =	sdelay $0x1  }
0x24a: {  	(v2sf) =	vpush v2, $0x5;
	_ =	sdelay $0x1  }
0x24b: {  	(v2sf) =	vpush v2, $0x6;
	_ =	sdelay $0x1  }
0x24c: {  	(v2sf) =	vpush v2, $0x7  }
0x24d: {  	s23 =	simm.s32 $0xB000;
	s29 =	spop (v2sf)  }
0x24e: {  	(v2sf) =	vpush v2, $0x8;
	[tilespmem:s23], [sflag:$0x1] =	stream.strided.gather [hbm4b:s29+s10], $0x800, s11, s10, $0x38;
	[tilespmem:$0x1B200] =	vst v63  }
0x24f: {  	s23 =	spop (v2sf);
	s29 =	simm.s32 $0xB800  }
0x250: {  	(v2sf) =	vpush v2, $0x9;
	[tilespmem:s29], [sflag:$0x1] =	stream.strided.gather [hbm4b:s23+s10], $0x800, s11, s10, $0x38;
	[tilespmem:$0x1B200] =	vst v63  }
0x251: {  	s23 =	spop (v2sf);
	s29 =	simm.s32 $0xC000  }
0x252: {  	(v2sf) =	vpush v2, $0xA;
	[tilespmem:s29], [sflag:$0x1] =	stream.strided.gather [hbm4b:s23+s10], $0x800, s11, s10, $0x38;
	[tilespmem:$0x1B200] =	vst v63  }
0x253: {  	s23 =	spop (v2sf);
	s29 =	simm.s32 $0xC800  }
0x254: {  	(v2sf) =	vpush v2, $0xB;
	[tilespmem:s29], [sflag:$0x1] =	stream.strided.gather [hbm4b:s23+s10], $0x800, s11, s10, $0x38;
	[tilespmem:$0x1B200] =	vst v63  }
0x255: {  	s23 =	spop (v2sf);
	s29 =	simm.s32 $0xD000  }
0x256: {  	(v2sf) =	vpush v2, $0xC;
	[tilespmem:s29], [sflag:$0x1] =	stream.strided.gather [hbm4b:s23+s10], $0x800, s11, s10, $0x38;
	[tilespmem:$0x1B200] =	vst v63  }
0x257: {  	s23 =	spop (v2sf);
	s29 =	simm.s32 $0xD800  }
0x258: {  	(v2sf) =	vpush v2, $0xD;
	[tilespmem:s29], [sflag:$0x1] =	stream.strided.gather [hbm4b:s23+s10], $0x800, s11, s10, $0x38;
	[tilespmem:$0x1B200] =	vst v63  }
0x259: {  	s23 =	spop (v2sf);
	s29 =	simm.s32 $0xE000  }
0x25a: {  	[tilespmem:s29], [sflag:$0x1] =	stream.strided.gather [hbm4b:s23+s10], $0x800, s11, s10, $0x38;
	[tilespmem:$0x1B200] =	vst v63  }
0x25b: {  	(v2sf) =	vpush v2, $0xE;
	s23 =	spop (v2sf);
	s29 =	simm.s32 $0xE800  }
0x25c: {  	[tilespmem:s29], [sflag:$0x1] =	stream.strided.gather [hbm4b:s23+s10], $0x800, s11, s10, $0x38;
	[tilespmem:$0x1B200] =	vst v63  }
0x25d: {  	(v2sf) =	vpush v2, $0xF;
	s23 =	spop (v2sf);
	s29 =	simm.s32 $0xF000  }
0x25e: {  	[tilespmem:s29], [sflag:$0x1] =	stream.strided.gather [hbm4b:s23+s10], $0x800, s11, s10, $0x38;
	[tilespmem:$0x1B200] =	vst v63  }
0x25f: {  	s23 =	spop (v2sf);
	s29 =	simm.s32 $0xF800  }
0x260: {  	[tilespmem:s29], [sflag:$0x1] =	stream.strided.gather [hbm4b:s23+s10], $0x800, s11, s10, $0x38;
	[tilespmem:$0x1B200] =	vst v63  }
0x261: {  	s23 =	spop (v2sf);
	s29 =	simm.s32 $0x10000  }
0x262: {  	[tilespmem:s29], [sflag:$0x1] =	stream.strided.gather [hbm4b:s23+s10], $0x800, s11, s10, $0x38;
	[tilespmem:$0x1B200] =	vst v63  }
0x263: {  	s23 =	spop (v2sf);
	s29 =	simm.s32 $0x10800  }
0x264: {  	[tilespmem:s29], [sflag:$0x1] =	stream.strided.gather [hbm4b:s23+s10], $0x800, s11, s10, $0x38;
	[tilespmem:$0x1B200] =	vst v63  }
0x265: {  	s23 =	spop (v2sf);
	s29 =	simm.s32 $0x11000  }
0x266: {  	[tilespmem:s29], [sflag:$0x1] =	stream.strided.gather [hbm4b:s23+s10], $0x800, s11, s10, $0x38;
	[tilespmem:$0x1B200] =	vst v63  }
0x267: {  	s23 =	spop (v2sf);
	s29 =	simm.s32 $0x11800  }
0x268: {  	[tilespmem:s29], [sflag:$0x1] =	stream.strided.gather [hbm4b:s23+s10], $0x800, s11, s10, $0x38;
	[tilespmem:$0x1B200] =	vst v63  }
.Ltmp5:
0x269: {  	_ = 	snop;
	(pc) =	sbr.rel .LBB2_4-.Ltmp5, $4  }
0x26a: {  	s23 =	spop (v2sf);
	s29 =	simm.s32 $0x12000  }
0x26b: {  	[tilespmem:s29], [sflag:$0x1] =	stream.strided.gather [hbm4b:s23+s10], $0x800, s11, s10, $0x38;
	[tilespmem:$0x1B200] =	vst v63  }
0x26c: {  	s23 =	spop (v2sf);
	s29 =	simm.s32 $0x12800  }
0x26d: {  	[tilespmem:s29], [sflag:$0x1] =	stream.strided.gather [hbm4b:s23+s10], $0x800, s11, s10, $0x38;
	[tilespmem:$0x1B200] =	vst v63  }
.LBB2_6:
0x26e: {  	_ =	sfence.sel $0x180000  }
0x26f: {  	[bflag:$0x0] =	sbarrier.arrive $0xFFFF  }
0x270: {  	_ =	strace $0x90000047  }
0x271: {  	s0 =	stileid.u32;
	[bflag:$0x2] =	sbarrier.arrive $0xFFFF  }
0x272: {  	p0 =	sne.s32 s0, $0x0;
	s0 =	rddreg [dreg:$0x3]  }
0x273: {  	s0 =	sadd.s32 @!p0 $0x100000, s0  }
0x274: {  	[sflag:s0] =	ssyncadd.tile.s32 @!p0 $0x1;
	_ =	shalt  }
.Lfunc_end2:
_tile_overlayer_lowered:
.L_overlay_start_2:
0x275: {  	(tag) =	ssettag $0x2  }
0x276: {  	s0 =	rddreg [dreg:$0x0];
	s2 =	stileid.u32  }
0x277: {  	s1 =	rddreg [dreg:$0x1];
	p0 =	sne.s32 s2, $0x0  }
0x278: {  	s3 =	rddreg [dreg:$0x2];
	[bflag:$0x3] =	sbarrier.arrive $0xFFFF;
	s2 =	simm.s32 @!p0 $0x1C03  }
0x279: {  	[timem:s3], [sflag:s2] =	dma.local @!p0 [hbm:s0], s1  }
0x27a: {  	s0 =	simm.s32 @!p0 $0x3  }
0x27b: {  	_ =	swait.ge @!p0 [sflag:s0], s1  }
0x27c: {  	s1 =	ssub.s32 @!p0 $0x0, s1;
	[sflag:s0] =	ssyncset.done @!p0 $0x0  }
0x27d: {  	[sflag:s0] =	ssyncadd.s32 @!p0 s1  }
0x27e: {  	[bflag:$0x3] =	sbarrier.arrive $0xFFFF  }
0x27f: {  	_ =	shalt  }

</sc_bundles>
